<compile_context>
chip_gen: v7x
topology: tpu7x:2x2x1
jax: 0.10.2.dev20260603
libtpu: 0.0.44.dev20260713+nightly
codegen_flags: <defaults>
</compile_context>

<pallas_src>
import functools
import math

import jax
import jax.numpy as jnp
from jax import lax
from jax.experimental import pallas as pl
from jax.experimental.pallas import tpu as pltpu
from jax.experimental.pallas import tpu_sc as plsc

N = 10000
E = 160000
D_IN = 128
H1 = 400
HP = 416
HH = 208
HV = 400
HQ = 80
NQ = 5
NC = 2
NS = 16
NW = NC * NS
CH = 40
CHP = 48
EPW = E // NW
NCH_W = EPW // CH
EPS = E // NS
NCH_S = EPS // CH
RPT = N // NS
RB = 1000
CH1 = 96
NCH1 = 52
T1 = EPW - NCH1 * CH1
CH2 = 80
NCH2 = EPS // CH2
CH3 = 40
NCH3 = EPW // CH3
f32 = jnp.float32
i32 = jnp.int32



def _proj1_body(*refs):
    x_ref = refs[0]
    xb = x_ref[...]
    mm = lambda w: lax.dot_general(xb, w[...], (((1,), (0,)), ((), ())),
                                   preferred_element_type=f32)
    n_out = 2 + 2 * NQ
    wbs = refs[1:1 + 2 * n_out]
    outs = refs[1 + 2 * n_out:]
    for o in range(n_out):
        outs[o][...] = mm(wbs[2 * o]) + wbs[2 * o + 1][...]



def _b1_body(q_hbm, k_hbm, src_hbm, dst_hbm, ex_hbm, den_hbm,
             qbuf, kbuf, srcall, dstall, dotbuf, den, sem_q, sem_k):
    c = lax.axis_index("c")
    s = lax.axis_index("s")
    wid = s * NC + c
    zeros16 = jnp.zeros((16,), f32)
    base_e = wid * EPW

    pltpu.sync_copy(src_hbm.at[pl.ds(base_e, EPW)], srcall.at[pl.ds(0, EPW)])
    pltpu.sync_copy(dst_hbm.at[pl.ds(base_e, EPW)], dstall.at[pl.ds(0, EPW)])

    def zden(i, carry):
        den[pl.ds(i * 16, 16)] = zeros16
        return carry
    lax.fori_loop(0, N // 16, zden, 0)

    lanes = lax.iota(i32, 16)
    inv = f32(1.0 / math.sqrt(H1))

    def do_chunk(eoff, nedge, ngrp, gmask_lim):
        cq = pltpu.async_copy(q_hbm.at[dstall.at[pl.ds(eoff, nedge)]],
                              qbuf.at[pl.ds(0, nedge)], sem_q)
        ck = pltpu.async_copy(k_hbm.at[srcall.at[pl.ds(eoff, nedge)]],
                              kbuf.at[pl.ds(0, nedge)], sem_k)
        cq.wait()
        ck.wait()

        def edge(e, ecarry):
            acc = jnp.zeros((16,), f32)
            for t in range(HP // 16):
                acc = acc + qbuf[e, pl.ds(t * 16, 16)] * kbuf[e, pl.ds(t * 16, 16)]
            dsc = jnp.sum(acc)
            base = (e // 16) * 16
            dotv = dotbuf[pl.ds(base, 16)]
            dotbuf[pl.ds(base, 16)] = jnp.where(lanes == e - base,
                                                jnp.full((16,), dsc, f32), dotv)
            return ecarry
        lax.fori_loop(0, nedge, edge, 0, unroll=2)

        for g in range(ngrp):
            exv = jnp.exp(dotbuf[pl.ds(g * 16, 16)] * inv)
            dotbuf[pl.ds(g * 16, 16)] = exv
            m = (lanes + g * 16) < gmask_lim
            idx = dstall[pl.ds(eoff + g * 16, 16)]
            plsc.addupdate_scatter(den, [idx], exv, mask=m)
        pltpu.sync_copy(dotbuf.at[pl.ds(0, nedge)],
                        ex_hbm.at[pl.ds(base_e + eoff, nedge)])

    def chunk(j, carry):
        do_chunk(j * CH1, CH1, CH1 // 16, CH1)
        return carry
    lax.fori_loop(0, NCH1, chunk, 0)
    do_chunk(NCH1 * CH1, T1, 1, T1)

    pltpu.sync_copy(den, den_hbm.at[wid])



def _b2_body(v0_hbm, v1_hbm, v2_hbm, v3_hbm, v4_hbm, src_hbm, dst_hbm,
             ex_hbm, num0_hbm, num1_hbm, num2_hbm, num3_hbm, num4_hbm,
             vbuf, msg, srcall, dst2d, exall, zbuf, acc_spm, sem_v, sem_v2):
    vq = (v0_hbm, v1_hbm, v2_hbm, v3_hbm, v4_hbm)
    nq = (num0_hbm, num1_hbm, num2_hbm, num3_hbm, num4_hbm)
    c = lax.axis_index("c")
    s = lax.axis_index("s")
    zeros16 = jnp.zeros((16,), f32)
    base_e = s * EPS

    pltpu.sync_copy(src_hbm.at[pl.ds(base_e, EPS)], srcall.at[pl.ds(0, EPS)])
    pltpu.sync_copy(ex_hbm.at[pl.ds(base_e, EPS)], exall.at[pl.ds(0, EPS)])

    def ldst(j, carry):
        pltpu.sync_copy(dst_hbm.at[pl.ds(base_e + j * CH2, CH2)], dst2d.at[j])
        return carry
    lax.fori_loop(0, NCH2, ldst, 0)

    def zrow(i, carry):
        for t in range(HQ // 16):
            zbuf[i, pl.ds(t * 16, 16)] = zeros16
        return carry
    lax.fori_loop(0, 125, zrow, 0)

    def one_pass(v_hbm, num_hbm, sem_s):
        def chunk(j, carry):
            eoff = j * CH2
            pltpu.async_copy(v_hbm.at[srcall.at[pl.ds(eoff, CH2)]], vbuf,
                             sem_v).wait()

            @pl.when(j > 0)
            def _():
                pltpu.make_async_copy(msg, acc_spm.at[dst2d.at[j]],
                                      sem_s).wait()

            def edge(e, ecarry):
                exs = exall[pl.ds(eoff + e, 16)][0]
                for t in range(HQ // 16):
                    msg[e, pl.ds(t * 16, 16)] = vbuf[e, pl.ds(t * 16, 16)] * exs
                return ecarry
            lax.fori_loop(0, CH2, edge, 0, unroll=2)
            pltpu.async_copy(msg, acc_spm.at[dst2d.at[j]], sem_s, add=True)
            return carry
        lax.fori_loop(0, NCH2, chunk, 0)
        pltpu.make_async_copy(msg, acc_spm.at[dst2d.at[0]], sem_s).wait()

    def copy_out(num_hbm):
        pltpu.sync_copy(acc_spm.at[pl.ds(s * RPT, RPT)],
                        num_hbm.at[pl.ds(s * RPT, RPT)])

    for p in range(3):
        for i in range(5):
            pltpu.sync_copy(zbuf, acc_spm.at[pl.ds(s * RPT + i * 125, 125)])
        plsc.subcore_barrier()

        @pl.when(c == 0)
        def _():
            one_pass(vq[p], nq[p], sem_v2)
        if p < 2:
            @pl.when(c == 1)
            def _():
                one_pass(vq[3 + p], nq[3 + p], sem_v2)
        plsc.subcore_barrier()

        @pl.when(c == 0)
        def _():
            copy_out(nq[p])
        if p < 2:
            @pl.when(c == 1)
            def _():
                copy_out(nq[3 + p])
        plsc.subcore_barrier()



def _mid_body(*refs):
    nums = refs[0:NQ]
    denp = refs[NQ]
    sks = refs[NQ + 1:2 * NQ + 1]
    wqas = refs[2 * NQ + 1:3 * NQ + 1]
    wkvs = refs[3 * NQ + 1:4 * NQ + 1]
    bqa = refs[4 * NQ + 1]
    bkv = refs[4 * NQ + 2]
    qa_o = refs[4 * NQ + 3]
    kv_o = refs[4 * NQ + 4]
    d = jnp.sum(denp[...], axis=(0, 1))[:, None] + f32(1e-16)
    mm = lambda a, w: lax.dot_general(a, w[...], (((1,), (0,)), ((), ())),
                                      preferred_element_type=f32)
    qa = bqa[...] * jnp.ones((RB, 1), f32)
    kv = bkv[...] * jnp.ones((RB, 1), f32)
    for qd in range(NQ):
        h = jnp.maximum(nums[qd][...] / d + sks[qd][...], 0.0)
        qa = qa + mm(h, wqas[qd])
        kv = kv + mm(h, wkvs[qd])
    qa_o[...] = qa
    kv_o[...] = kv



def _b3_body(qa_hbm, kv_hbm, src_hbm, dst_hbm, num2_hbm, den2_hbm,
             qab, kvb, msg, srcall, dstall, dst2d, dotbuf, den, zb, spm,
             sem_a, sem_b, sem_s3):
    c = lax.axis_index("c")
    s = lax.axis_index("s")
    wid = s * NC + c
    zeros16 = jnp.zeros((16,), f32)
    base_e = wid * EPW

    pltpu.sync_copy(src_hbm.at[pl.ds(base_e, EPW)], srcall.at[pl.ds(0, EPW)])
    pltpu.sync_copy(dst_hbm.at[pl.ds(base_e, EPW)], dstall.at[pl.ds(0, EPW)])

    def ldst(j, carry):
        pltpu.sync_copy(dst_hbm.at[pl.ds(base_e + j * CH3, CH3)], dst2d.at[j])
        return carry
    lax.fori_loop(0, NCH3, ldst, 0)

    def zden(i, carry):
        den[pl.ds(i * 16, 16)] = zeros16
        return carry
    lax.fori_loop(0, N // 16, zden, 0)

    def zrow(i, carry):
        zb[i, pl.ds(0, 16)] = zeros16
        return carry
    lax.fori_loop(0, RPT, zrow, 0)
    pltpu.sync_copy(zb, spm.at[pl.ds(s * RPT, RPT)])
    plsc.subcore_barrier()

    lanes = lax.iota(i32, 16)
    half = f32(0.5)
    NG3 = (CH3 + 15) // 16

    def chunk(j, carry):
        eoff = j * CH3
        ca = pltpu.async_copy(qa_hbm.at[dstall.at[pl.ds(eoff, CH3)]], qab,
                              sem_a)
        cb = pltpu.async_copy(kv_hbm.at[srcall.at[pl.ds(eoff, CH3)]], kvb,
                              sem_b)
        ca.wait()
        cb.wait()

        @pl.when(j > 0)
        def _():
            pltpu.make_async_copy(msg, spm.at[dst2d.at[j]], sem_s3).wait()

        def edge(e, ecarry):
            a = qab[e, pl.ds(0, 16)]
            b = kvb[e, pl.ds(0, 16)]
            dsc = jnp.sum(a * b)
            base = (e // 16) * 16
            dotv = dotbuf[pl.ds(base, 16)]
            dotbuf[pl.ds(base, 16)] = jnp.where(lanes == e - base,
                                                jnp.full((16,), dsc, f32), dotv)
            return ecarry
        lax.fori_loop(0, CH3, edge, 0)

        for g in range(NG3):
            exv = jnp.exp(dotbuf[pl.ds(g * 16, 16)] * half)
            dotbuf[pl.ds(g * 16, 16)] = exv
            m = (lanes + g * 16) < CH3
            idx = dstall[pl.ds(eoff + g * 16, 16)]
            plsc.addupdate_scatter(den, [idx], exv, mask=m)

        def edge2(e, ecarry):
            exs = dotbuf[pl.ds(e, 16)][0]
            msg[e, pl.ds(0, 16)] = kvb[e, pl.ds(0, 16)] * exs
            return ecarry
        lax.fori_loop(0, CH3, edge2, 0, unroll=2)
        pltpu.async_copy(msg, spm.at[dst2d.at[j]], sem_s3, add=True)
        return carry
    lax.fori_loop(0, NCH3, chunk, 0)
    pltpu.make_async_copy(msg, spm.at[dst2d.at[0]], sem_s3).wait()
    plsc.subcore_barrier()
    pltpu.sync_copy(spm.at[pl.ds(s * RPT, RPT)],
                    num2_hbm.at[c, pl.ds(s * RPT, RPT)])
    pltpu.sync_copy(den, den2_hbm.at[wid])



def _fin_body(num2, den2, kv, selv, sels, out):
    d = jnp.sum(den2[...], axis=(0, 1))[:, None] + f32(1e-16)
    att = jnp.sum(num2[...], axis=0)
    mm = lambda a, w: lax.dot_general(a, w[...], (((1,), (0,)), ((), ())),
                                      preferred_element_type=f32)
    v = mm(att, selv)
    sk = mm(kv[...], sels)
    out[...] = jnp.maximum(v / d + sk, 0.0)



def kernel(x, edge_index, Wq1, bq1, Wk1, bk1, Wv1, bv1, Ws1, bs1,
           Wq2, bq2, Wk2, bk2, Wv2, bv2, Ws2, bs2):
    src = edge_index[0].astype(i32)
    dst = edge_index[1].astype(i32)

    padw = lambda w, hp: jnp.pad(w.astype(f32), ((0, 0), (0, hp - H1)))
    padb = lambda b, hp: jnp.pad(b.astype(f32), (0, hp - H1))[None, :]
    wq, bq = padw(Wq1, HP), padb(bq1, HP)
    wk, bk = padw(Wk1, HP), padb(bk1, HP)
    wv, bv = Wv1.astype(f32), bv1.astype(f32)[None, :]
    ws, bs = Ws1.astype(f32), bs1.astype(f32)[None, :]
    wvq = [wv[:, i * HQ:(i + 1) * HQ] for i in range(NQ)]
    bvq = [bv[:, i * HQ:(i + 1) * HQ] for i in range(NQ)]
    wsq = [ws[:, i * HQ:(i + 1) * HQ] for i in range(NQ)]
    bsq = [bs[:, i * HQ:(i + 1) * HQ] for i in range(NQ)]

    full = lambda shp: pl.BlockSpec(shp, lambda i: (0,) * len(shp))
    row = lambda shp: pl.BlockSpec(shp, lambda i: (i,) + (0,) * (len(shp) - 1))
    sds = jax.ShapeDtypeStruct

    a_ins = [x, wq, bq, wk, bk]
    a_specs = [row((RB, D_IN)), full((D_IN, HP)), full((1, HP)),
               full((D_IN, HP)), full((1, HP))]
    for i in range(NQ):
        a_ins += [wvq[i], bvq[i]]
        a_specs += [full((D_IN, HQ)), full((1, HQ))]
    for i in range(NQ):
        a_ins += [wsq[i], bsq[i]]
        a_specs += [full((D_IN, HQ)), full((1, HQ))]

    outs = pl.pallas_call(
        _proj1_body,
        grid=(N // RB,),
        in_specs=a_specs,
        out_specs=[row((RB, HP)), row((RB, HP))] + [row((RB, HQ))] * (2 * NQ),
        out_shape=[sds((N, HP), f32), sds((N, HP), f32)] +
                  [sds((N, HQ), f32)] * (2 * NQ),
    )(*a_ins)
    q1, k1 = outs[0], outs[1]
    v1q = outs[2:2 + NQ]
    s1q = outs[2 + NQ:2 + 2 * NQ]

    mesh = plsc.VectorSubcoreMesh(core_axis_name="c", subcore_axis_name="s")
    sc_params = pltpu.CompilerParams(use_tc_tiling_on_sc=False,
                                     needs_layout_passes=False)

    b1 = functools.partial(
        pl.kernel,
        out_type=[sds((E,), f32), sds((NW, N), f32)],
        mesh=mesh,
        compiler_params=sc_params,
        scratch_types=[pltpu.VMEM((CH1, HP), f32), pltpu.VMEM((CH1, HP), f32),
                       pltpu.VMEM((EPW,), i32), pltpu.VMEM((EPW + 16,), i32),
                       pltpu.VMEM((CH1,), f32),
                       pltpu.VMEM((N,), f32),
                       pltpu.SemaphoreType.DMA, pltpu.SemaphoreType.DMA],
    )(_b1_body)
    ex, denp = b1(q1, k1, src, dst)

    b2 = functools.partial(
        pl.kernel,
        out_type=[sds((N, HQ), f32)] * NQ,
        mesh=mesh,
        compiler_params=sc_params,
        scratch_types=[pltpu.VMEM((CH2, HQ), f32), pltpu.VMEM((CH2, HQ), f32),
                       pltpu.VMEM((EPS,), i32), pltpu.VMEM((NCH2, CH2), i32),
                       pltpu.VMEM((EPS + 16,), f32), pltpu.VMEM((125, HQ), f32),
                       pltpu.VMEM_SHARED((N, HQ), f32),
                       pltpu.SemaphoreType.DMA, pltpu.SemaphoreType.DMA],
    )(_b2_body)
    num1q = b2(v1q[0], v1q[1], v1q[2], v1q[3], v1q[4], src, dst, ex)

    wqa = jnp.zeros((H1, 16), f32).at[:, 0:4].set(Wq2.astype(f32))
    wkv = (jnp.zeros((H1, 16), f32)
           .at[:, 0:4].set(Wk2.astype(f32))
           .at[:, 4:8].set(Wv2.astype(f32))
           .at[:, 8:12].set(Ws2.astype(f32)))
    bqa = jnp.zeros((1, 16), f32).at[0, 0:4].set(bq2.astype(f32))
    bkv = (jnp.zeros((1, 16), f32)
           .at[0, 0:4].set(bk2.astype(f32))
           .at[0, 4:8].set(bv2.astype(f32))
           .at[0, 8:12].set(bs2.astype(f32)))

    denp3 = denp.reshape(NW, N // RB, RB).transpose(1, 0, 2)
    c_ins = list(num1q) + [denp3] + list(s1q) + \
        [wqa[i * HQ:(i + 1) * HQ] for i in range(NQ)] + \
        [wkv[i * HQ:(i + 1) * HQ] for i in range(NQ)] + [bqa, bkv]
    c_specs = [row((RB, HQ))] * NQ + \
        [pl.BlockSpec((1, NW, RB), lambda i: (i, 0, 0))] + \
        [row((RB, HQ))] * NQ + \
        [full((HQ, 16))] * (2 * NQ) + [full((1, 16))] * 2

    qa, kv = pl.pallas_call(
        _mid_body,
        grid=(N // RB,),
        in_specs=c_specs,
        out_specs=[row((RB, 16)), row((RB, 16))],
        out_shape=[sds((N, 16), f32), sds((N, 16), f32)],
    )(*c_ins)

    b3 = functools.partial(
        pl.kernel,
        out_type=[sds((NC, N, 16), f32), sds((NW, N), f32)],
        mesh=mesh,
        compiler_params=sc_params,
        scratch_types=[pltpu.VMEM((CH3, 16), f32), pltpu.VMEM((CH3, 16), f32),
                       pltpu.VMEM((CH3, 16), f32),
                       pltpu.VMEM((EPW,), i32), pltpu.VMEM((EPW + 16,), i32),
                       pltpu.VMEM((NCH3, CH3), i32),
                       pltpu.VMEM((CH3 + 16,), f32),
                       pltpu.VMEM((N,), f32), pltpu.VMEM((RPT, 16), f32),
                       pltpu.VMEM_SHARED((N, 16), f32),
                       pltpu.SemaphoreType.DMA, pltpu.SemaphoreType.DMA,
                       pltpu.SemaphoreType.DMA],
    )(_b3_body)
    num2, den2 = b3(qa, kv, src, dst)

    selv = jnp.zeros((16, 4), f32).at[4:8].set(jnp.eye(4, dtype=f32))
    sels = jnp.zeros((16, 4), f32).at[8:12].set(jnp.eye(4, dtype=f32))

    den23 = den2.reshape(NW, N // RB, RB).transpose(1, 0, 2)
    out = pl.pallas_call(
        _fin_body,
        grid=(N // RB,),
        in_specs=[pl.BlockSpec((NC, RB, 16), lambda i: (0, i, 0)),
                  pl.BlockSpec((1, NW, RB), lambda i: (i, 0, 0)),
                  row((RB, 16)), full((16, 4)), full((16, 4))],
        out_specs=row((RB, 4)),
        out_shape=sds((N, 4), f32),
    )(num2, den23, kv, selv, sels)
    return out

# --- scband reference (transcript-rebuilt; emitter-appended) ---
"""Pipeline reference for scband-l2-transformer-conv-84859963834422 (READ-ONLY COPY).

The authoritative reference and input builder live on the scoring server;
editing this copy changes nothing except your own understanding.
"""

import jax, jax.numpy as jnp
import numpy as np
import math

N = 10000
E = 160000
D_IN = 128
D_OUT = 4
H1 = 100 * D_OUT


def _tconv(x, ei, Wq, bq, Wk, bk, Wv, bv, Ws, bs):
    # PyG TransformerConv, heads=1, concat=True, root_weight=True, no edge_attr
    src, dst = ei[0], ei[1]
    n = x.shape[0]
    C = Wq.shape[1]
    q = x @ Wq + bq
    k = x @ Wk + bk
    v = x @ Wv + bv
    alpha = jnp.sum(q[dst] * k[src], axis=-1) / jnp.sqrt(jnp.float32(C))
    m = jax.lax.stop_gradient(jax.ops.segment_max(alpha, dst, num_segments=n))
    m = jnp.where(jnp.isfinite(m), m, 0.0)
    ex = jnp.exp(alpha - m[dst])
    denom = jax.ops.segment_sum(ex, dst, num_segments=n)
    a = ex / (denom[dst] + 1e-16)
    out = jax.ops.segment_sum(a[:, None] * v[src], dst, num_segments=n)
    return out + (x @ Ws + bs)


def setup_inputs(seed: int = 0) -> dict:
    key = jax.random.key(seed)
    ks = jax.random.split(key, 24)

    def lin(k, fi, fo):
        s = 1.0 / math.sqrt(fi)
        return jax.random.uniform(k, (fi, fo), minval=-s, maxval=s, dtype=jnp.float32)

    inp = {}
    inp['x'] = jax.random.normal(ks[0], (N, D_IN), dtype=jnp.float32)
    inp['edge_index'] = jax.random.randint(ks[1], (2, E), 0, N)
    inp['Wq1'] = lin(ks[2], D_IN, H1); inp['bq1'] = jnp.zeros((H1,), jnp.float32)
    inp['Wk1'] = lin(ks[3], D_IN, H1); inp['bk1'] = jnp.zeros((H1,), jnp.float32)
    inp['Wv1'] = lin(ks[4], D_IN, H1); inp['bv1'] = jnp.zeros((H1,), jnp.float32)
    inp['Ws1'] = lin(ks[5], D_IN, H1); inp['bs1'] = jnp.zeros((H1,), jnp.float32)
    inp['Wq2'] = lin(ks[6], H1, D_OUT); inp['bq2'] = jnp.zeros((D_OUT,), jnp.float32)
    inp['Wk2'] = lin(ks[7], H1, D_OUT); inp['bk2'] = jnp.zeros((D_OUT,), jnp.float32)
    inp['Wv2'] = lin(ks[8], H1, D_OUT); inp['bv2'] = jnp.zeros((D_OUT,), jnp.float32)
    inp['Ws2'] = lin(ks[9], H1, D_OUT); inp['bs2'] = jnp.zeros((D_OUT,), jnp.float32)
    return inp


def reference(x, edge_index, Wq1, bq1, Wk1, bk1, Wv1, bv1, Ws1, bs1, Wq2, bq2, Wk2, bk2, Wv2, bv2, Ws2, bs2):
    h = jax.nn.relu(_tconv(x, edge_index, Wq1, bq1, Wk1, bk1, Wv1, bv1, Ws1, bs1))
    # dropout(p=0.1) is identity in eval mode
    out = jax.nn.relu(_tconv(h, edge_index, Wq2, bq2, Wk2, bk2, Wv2, bv2, Ws2, bs2))
    return out

if __name__ == "__main__":
    import jax
    _d = setup_inputs()
    print(jax.jit(kernel)(*tuple(_d.values())))

</pallas_src>

<mosaic_0001>
#map = affine_map<(d0, d1) -> (0, 0)>
#map1 = affine_map<(d0, d1) -> (0)>
module attributes {stable_mosaic.version = 14 : i64} {
  func.func @_b2_body(%arg0: i32, %arg1: i32, %arg2: memref<10000x80xf32, #tpu.memory_space<hbm>>, %arg3: memref<10000x80xf32, #tpu.memory_space<hbm>>, %arg4: memref<10000x80xf32, #tpu.memory_space<hbm>>, %arg5: memref<10000x80xf32, #tpu.memory_space<hbm>>, %arg6: memref<10000x80xf32, #tpu.memory_space<hbm>>, %arg7: memref<160000xi32, #tpu.memory_space<hbm>>, %arg8: memref<160000xi32, #tpu.memory_space<hbm>>, %arg9: memref<160000xf32, #tpu.memory_space<hbm>>, %arg10: memref<10000x80xf32, #tpu.memory_space<hbm>>, %arg11: memref<10000x80xf32, #tpu.memory_space<hbm>>, %arg12: memref<10000x80xf32, #tpu.memory_space<hbm>>, %arg13: memref<10000x80xf32, #tpu.memory_space<hbm>>, %arg14: memref<10000x80xf32, #tpu.memory_space<hbm>>, %arg15: memref<80x80xf32, #tpu.memory_space<vmem>>, %arg16: memref<80x80xf32, #tpu.memory_space<vmem>>, %arg17: memref<10000xi32, #tpu.memory_space<vmem>>, %arg18: memref<125x80xi32, #tpu.memory_space<vmem>>, %arg19: memref<10016xf32, #tpu.memory_space<vmem>>, %arg20: memref<125x80xf32, #tpu.memory_space<vmem>>, %arg21: memref<10000x80xf32, #tpu.memory_space<vmem_shared>>, %arg22: memref<!tpu.dma_semaphore, #tpu.memory_space<semaphore_mem>>, %arg23: memref<!tpu.dma_semaphore, #tpu.memory_space<semaphore_mem>>) attributes {dimension_semantics = [#tpu.dimension_semantics<core_parallel>, #tpu.dimension_semantics<subcore_parallel>], iteration_bounds = array<i64: 2, 16>, scalar_prefetch = 0 : i64, scratch_operands = 9 : i64, tpu.core_type = #tpu.core_type<sc_vector_subcore>, window_params = [{transform_indices = #map}, {transform_indices = #map}, {transform_indices = #map}, {transform_indices = #map}, {transform_indices = #map}, {transform_indices = #map1}, {transform_indices = #map1}, {transform_indices = #map1}, {transform_indices = #map}, {transform_indices = #map}, {transform_indices = #map}, {transform_indices = #map}, {transform_indices = #map}]} {
    %broadcast_in_dim3A = arith.constant 0.000000e+00 : f32
    %broadcast_in_dim3A_0 = vector.broadcast %broadcast_in_dim3A : f32 to vector<16xf32>
    %mul3A = arith.constant 10000 : i32
    %mul3A_1 = arith.muli %arg1, %mul3A : i32
    "tpu.region"() ({
      %run_scoped3A = tpu.sem_alloc : memref<!tpu.dma_semaphore, #tpu.memory_space<semaphore_mem>>
      %dma_start3A = arith.constant 0 : i32
      %dma_start3A_127 = tpu.memref_slice %arg17[%dma_start3A] : memref<10000xi32, #tpu.memory_space<vmem>> -> memref<10000xi32, #tpu.memory_space<vmem>>
      %dma_start3A_128 = tpu.memref_slice %arg7[%mul3A_1] : memref<160000xi32, #tpu.memory_space<hbm>> -> memref<10000xi32, #tpu.memory_space<hbm>>
      %dma_start3A_129 = arith.constant 0 : i32
      %dma_start3A_130 = tpu.memref_slice %arg17[%dma_start3A_129] : memref<10000xi32, #tpu.memory_space<vmem>> -> memref<10000xi32, #tpu.memory_space<vmem>>
      %dma_start3A_131 = tpu.memref_slice %arg7[%mul3A_1] : memref<160000xi32, #tpu.memory_space<hbm>> -> memref<10000xi32, #tpu.memory_space<hbm>>
      tpu.enqueue_dma source(%dma_start3A_131 : memref<10000xi32, #tpu.memory_space<hbm>>) target(%dma_start3A_130 : memref<10000xi32, #tpu.memory_space<vmem>>) target_semaphore(%run_scoped3A : memref<!tpu.dma_semaphore, #tpu.memory_space<semaphore_mem>>)
      %dma_wait3A = arith.constant 0 : i32
      %dma_wait3A_132 = tpu.memref_slice %arg17[%dma_wait3A] : memref<10000xi32, #tpu.memory_space<vmem>> -> memref<10000xi32, #tpu.memory_space<vmem>>
      %dma_wait3A_133 = tpu.memref_slice %arg7[%mul3A_1] : memref<160000xi32, #tpu.memory_space<hbm>> -> memref<10000xi32, #tpu.memory_space<hbm>>
      %dma_wait3A_134 = arith.constant 0 : i32
      %dma_wait3A_135 = tpu.memref_slice %arg17[%dma_wait3A_134] : memref<10000xi32, #tpu.memory_space<vmem>> -> memref<10000xi32, #tpu.memory_space<vmem>>
      %dma_wait3A_136 = tpu.memref_slice %arg7[%mul3A_1] : memref<160000xi32, #tpu.memory_space<hbm>> -> memref<10000xi32, #tpu.memory_space<hbm>>
      tpu.wait_dma2 semaphore(%run_scoped3A : memref<!tpu.dma_semaphore, #tpu.memory_space<semaphore_mem>>) src(%dma_wait3A_136 : memref<10000xi32, #tpu.memory_space<hbm>>) dst(%dma_wait3A_135 : memref<10000xi32, #tpu.memory_space<vmem>>)
      tpu.yield
    }) : () -> ()
    "tpu.region"() ({
      %run_scoped3A = tpu.sem_alloc : memref<!tpu.dma_semaphore, #tpu.memory_space<semaphore_mem>>
      %dma_start3A = arith.constant 0 : i32
      %dma_start3A_127 = tpu.memref_slice %arg19[%dma_start3A] : memref<10016xf32, #tpu.memory_space<vmem>> -> memref<10000xf32, #tpu.memory_space<vmem>>
      %dma_start3A_128 = tpu.memref_slice %arg9[%mul3A_1] : memref<160000xf32, #tpu.memory_space<hbm>> -> memref<10000xf32, #tpu.memory_space<hbm>>
      %dma_start3A_129 = arith.constant 0 : i32
      %dma_start3A_130 = tpu.memref_slice %arg19[%dma_start3A_129] : memref<10016xf32, #tpu.memory_space<vmem>> -> memref<10000xf32, #tpu.memory_space<vmem>>
      %dma_start3A_131 = tpu.memref_slice %arg9[%mul3A_1] : memref<160000xf32, #tpu.memory_space<hbm>> -> memref<10000xf32, #tpu.memory_space<hbm>>
      tpu.enqueue_dma source(%dma_start3A_131 : memref<10000xf32, #tpu.memory_space<hbm>>) target(%dma_start3A_130 : memref<10000xf32, #tpu.memory_space<vmem>>) target_semaphore(%run_scoped3A : memref<!tpu.dma_semaphore, #tpu.memory_space<semaphore_mem>>)
      %dma_wait3A = arith.constant 0 : i32
      %dma_wait3A_132 = tpu.memref_slice %arg19[%dma_wait3A] : memref<10016xf32, #tpu.memory_space<vmem>> -> memref<10000xf32, #tpu.memory_space<vmem>>
      %dma_wait3A_133 = tpu.memref_slice %arg9[%mul3A_1] : memref<160000xf32, #tpu.memory_space<hbm>> -> memref<10000xf32, #tpu.memory_space<hbm>>
      %dma_wait3A_134 = arith.constant 0 : i32
      %dma_wait3A_135 = tpu.memref_slice %arg19[%dma_wait3A_134] : memref<10016xf32, #tpu.memory_space<vmem>> -> memref<10000xf32, #tpu.memory_space<vmem>>
      %dma_wait3A_136 = tpu.memref_slice %arg9[%mul3A_1] : memref<160000xf32, #tpu.memory_space<hbm>> -> memref<10000xf32, #tpu.memory_space<hbm>>
      tpu.wait_dma2 semaphore(%run_scoped3A : memref<!tpu.dma_semaphore, #tpu.memory_space<semaphore_mem>>) src(%dma_wait3A_136 : memref<10000xf32, #tpu.memory_space<hbm>>) dst(%dma_wait3A_135 : memref<10000xf32, #tpu.memory_space<vmem>>)
      tpu.yield
    }) : () -> ()
    %scan3A = arith.constant 0 : i32
    %scan3A_2 = arith.constant 0 : i32
    %scan3A_3 = arith.constant 125 : i32
    %scan3A_4 = arith.addi %scan3A_2, %scan3A_3 : i32
    %scan3A_5 = arith.constant 1 : i32
    scf.for %scan3A_127 = %scan3A_2 to %scan3A_4 step %scan3A_5  : i32 {
      %mul3A_128 = arith.constant 80 : i32
      %mul3A_129 = arith.muli %scan3A_127, %mul3A_128 : i32
      %add3A_130 = arith.addi %mul3A_1, %mul3A_129 : i32
      "tpu.region"() ({
        %run_scoped3A = tpu.sem_alloc : memref<!tpu.dma_semaphore, #tpu.memory_space<semaphore_mem>>
        %dma_start3A = arith.constant 0 : i32
        %dma_start3A_131 = tpu.memref_slice %arg18[%scan3A_127, %dma_start3A] : memref<125x80xi32, #tpu.memory_space<vmem>> -> memref<1x80xi32, #tpu.memory_space<vmem>>
        %dma_start3A_132 = tpu.memref_squeeze %dma_start3A_131 : memref<1x80xi32, #tpu.memory_space<vmem>> -> memref<80xi32, #tpu.memory_space<vmem>>
        %dma_start3A_133 = tpu.memref_slice %arg8[%add3A_130] : memref<160000xi32, #tpu.memory_space<hbm>> -> memref<80xi32, #tpu.memory_space<hbm>>
        %dma_start3A_134 = arith.constant 0 : i32
        %dma_start3A_135 = tpu.memref_slice %arg18[%scan3A_127, %dma_start3A_134] : memref<125x80xi32, #tpu.memory_space<vmem>> -> memref<1x80xi32, #tpu.memory_space<vmem>>
        %dma_start3A_136 = tpu.memref_squeeze %dma_start3A_135 : memref<1x80xi32, #tpu.memory_space<vmem>> -> memref<80xi32, #tpu.memory_space<vmem>>
        %dma_start3A_137 = tpu.memref_slice %arg8[%add3A_130] : memref<160000xi32, #tpu.memory_space<hbm>> -> memref<80xi32, #tpu.memory_space<hbm>>
        tpu.enqueue_dma source(%dma_start3A_137 : memref<80xi32, #tpu.memory_space<hbm>>) target(%dma_start3A_136 : memref<80xi32, #tpu.memory_space<vmem>>) target_semaphore(%run_scoped3A : memref<!tpu.dma_semaphore, #tpu.memory_space<semaphore_mem>>)
        %dma_wait3A = arith.constant 0 : i32
        %dma_wait3A_138 = tpu.memref_slice %arg18[%scan3A_127, %dma_wait3A] : memref<125x80xi32, #tpu.memory_space<vmem>> -> memref<1x80xi32, #tpu.memory_space<vmem>>
        %dma_wait3A_139 = tpu.memref_squeeze %dma_wait3A_138 : memref<1x80xi32, #tpu.memory_space<vmem>> -> memref<80xi32, #tpu.memory_space<vmem>>
        %dma_wait3A_140 = tpu.memref_slice %arg8[%add3A_130] : memref<160000xi32, #tpu.memory_space<hbm>> -> memref<80xi32, #tpu.memory_space<hbm>>
        %dma_wait3A_141 = arith.constant 0 : i32
        %dma_wait3A_142 = tpu.memref_slice %arg18[%scan3A_127, %dma_wait3A_141] : memref<125x80xi32, #tpu.memory_space<vmem>> -> memref<1x80xi32, #tpu.memory_space<vmem>>
        %dma_wait3A_143 = tpu.memref_squeeze %dma_wait3A_142 : memref<1x80xi32, #tpu.memory_space<vmem>> -> memref<80xi32, #tpu.memory_space<vmem>>
        %dma_wait3A_144 = tpu.memref_slice %arg8[%add3A_130] : memref<160000xi32, #tpu.memory_space<hbm>> -> memref<80xi32, #tpu.memory_space<hbm>>
        tpu.wait_dma2 semaphore(%run_scoped3A : memref<!tpu.dma_semaphore, #tpu.memory_space<semaphore_mem>>) src(%dma_wait3A_144 : memref<80xi32, #tpu.memory_space<hbm>>) dst(%dma_wait3A_143 : memref<80xi32, #tpu.memory_space<vmem>>)
        tpu.yield
      }) : () -> ()
    }
    %scan3A_6 = arith.constant 125 : i32
    %scan3A_7 = arith.constant 0 : i32
    %scan3A_8 = arith.constant 0 : i32
    %scan3A_9 = arith.constant 125 : i32
    %scan3A_10 = arith.addi %scan3A_8, %scan3A_9 : i32
    %scan3A_11 = arith.constant 1 : i32
    scf.for %scan3A_127 = %scan3A_8 to %scan3A_10 step %scan3A_11  : i32 {
      %swap3A = arith.index_cast %scan3A_127 : i32 to index
      %swap3A_128 = arith.constant 0 : index
      %swap3A_129 = tpu.vector_load %arg20[%swap3A, %swap3A_128] {strides = array<i32>} : memref<125x80xf32, #tpu.memory_space<vmem>>, vector<16xf32>,
      tpu.vector_store %arg20[%swap3A, %swap3A_128], %broadcast_in_dim3A_0 {strides = array<i32>} : memref<125x80xf32, #tpu.memory_space<vmem>>, vector<16xf32>,
      %swap3A_130 = arith.index_cast %scan3A_127 : i32 to index
      %swap3A_131 = arith.constant 16 : index
      %swap3A_132 = tpu.vector_load %arg20[%swap3A_130, %swap3A_131] {strides = array<i32>} : memref<125x80xf32, #tpu.memory_space<vmem>>, vector<16xf32>,
      tpu.vector_store %arg20[%swap3A_130, %swap3A_131], %broadcast_in_dim3A_0 {strides = array<i32>} : memref<125x80xf32, #tpu.memory_space<vmem>>, vector<16xf32>,
      %swap3A_133 = arith.index_cast %scan3A_127 : i32 to index
      %swap3A_134 = arith.constant 32 : index
      %swap3A_135 = tpu.vector_load %arg20[%swap3A_133, %swap3A_134] {strides = array<i32>} : memref<125x80xf32, #tpu.memory_space<vmem>>, vector<16xf32>,
      tpu.vector_store %arg20[%swap3A_133, %swap3A_134], %broadcast_in_dim3A_0 {strides = array<i32>} : memref<125x80xf32, #tpu.memory_space<vmem>>, vector<16xf32>,
      %swap3A_136 = arith.index_cast %scan3A_127 : i32 to index
      %swap3A_137 = arith.constant 48 : index
      %swap3A_138 = tpu.vector_load %arg20[%swap3A_136, %swap3A_137] {strides = array<i32>} : memref<125x80xf32, #tpu.memory_space<vmem>>, vector<16xf32>,
      tpu.vector_store %arg20[%swap3A_136, %swap3A_137], %broadcast_in_dim3A_0 {strides = array<i32>} : memref<125x80xf32, #tpu.memory_space<vmem>>, vector<16xf32>,
      %swap3A_139 = arith.index_cast %scan3A_127 : i32 to index
      %swap3A_140 = arith.constant 64 : index
      %swap3A_141 = tpu.vector_load %arg20[%swap3A_139, %swap3A_140] {strides = array<i32>} : memref<125x80xf32, #tpu.memory_space<vmem>>, vector<16xf32>,
      tpu.vector_store %arg20[%swap3A_139, %swap3A_140], %broadcast_in_dim3A_0 {strides = array<i32>} : memref<125x80xf32, #tpu.memory_space<vmem>>, vector<16xf32>,
    }
    %scan3A_12 = arith.constant 125 : i32
    %mul3A_13 = arith.constant 625 : i32
    %mul3A_14 = arith.muli %arg1, %mul3A_13 : i32
    %add3A = arith.constant 0 : i32
    %add3A_15 = arith.addi %mul3A_14, %add3A : i32
    "tpu.region"() ({
      %run_scoped3A = tpu.sem_alloc : memref<!tpu.dma_semaphore, #tpu.memory_space<semaphore_mem>>
      %dma_start3A = arith.constant 0 : i32
      %dma_start3A_127 = tpu.memref_slice %arg21[%add3A_15, %dma_start3A] : memref<10000x80xf32, #tpu.memory_space<vmem_shared>> -> memref<125x80xf32, #tpu.memory_space<vmem_shared>>
      %dma_start3A_128 = arith.constant 0 : i32
      %dma_start3A_129 = tpu.memref_slice %arg21[%add3A_15, %dma_start3A_128] : memref<10000x80xf32, #tpu.memory_space<vmem_shared>> -> memref<125x80xf32, #tpu.memory_space<vmem_shared>>
      tpu.enqueue_dma source(%arg20 : memref<125x80xf32, #tpu.memory_space<vmem>>) target(%dma_start3A_129 : memref<125x80xf32, #tpu.memory_space<vmem_shared>>) target_semaphore(%run_scoped3A : memref<!tpu.dma_semaphore, #tpu.memory_space<semaphore_mem>>)
      %dma_wait3A = arith.constant 0 : i32
      %dma_wait3A_130 = tpu.memref_slice %arg21[%add3A_15, %dma_wait3A] : memref<10000x80xf32, #tpu.memory_space<vmem_shared>> -> memref<125x80xf32, #tpu.memory_space<vmem_shared>>
      %dma_wait3A_131 = arith.constant 0 : i32
      %dma_wait3A_132 = tpu.memref_slice %arg21[%add3A_15, %dma_wait3A_131] : memref<10000x80xf32, #tpu.memory_space<vmem_shared>> -> memref<125x80xf32, #tpu.memory_space<vmem_shared>>
      tpu.wait_dma2 semaphore(%run_scoped3A : memref<!tpu.dma_semaphore, #tpu.memory_space<semaphore_mem>>) src(%arg20 : memref<125x80xf32, #tpu.memory_space<vmem>>) dst(%dma_wait3A_132 : memref<125x80xf32, #tpu.memory_space<vmem_shared>>)
      tpu.yield
    }) : () -> ()
    %mul3A_16 = arith.constant 625 : i32
    %mul3A_17 = arith.muli %arg1, %mul3A_16 : i32
    %add3A_18 = arith.constant 125 : i32
    %add3A_19 = arith.addi %mul3A_17, %add3A_18 : i32
    "tpu.region"() ({
      %run_scoped3A = tpu.sem_alloc : memref<!tpu.dma_semaphore, #tpu.memory_space<semaphore_mem>>
      %dma_start3A = arith.constant 0 : i32
      %dma_start3A_127 = tpu.memref_slice %arg21[%add3A_19, %dma_start3A] : memref<10000x80xf32, #tpu.memory_space<vmem_shared>> -> memref<125x80xf32, #tpu.memory_space<vmem_shared>>
      %dma_start3A_128 = arith.constant 0 : i32
      %dma_start3A_129 = tpu.memref_slice %arg21[%add3A_19, %dma_start3A_128] : memref<10000x80xf32, #tpu.memory_space<vmem_shared>> -> memref<125x80xf32, #tpu.memory_space<vmem_shared>>
      tpu.enqueue_dma source(%arg20 : memref<125x80xf32, #tpu.memory_space<vmem>>) target(%dma_start3A_129 : memref<125x80xf32, #tpu.memory_space<vmem_shared>>) target_semaphore(%run_scoped3A : memref<!tpu.dma_semaphore, #tpu.memory_space<semaphore_mem>>)
      %dma_wait3A = arith.constant 0 : i32
      %dma_wait3A_130 = tpu.memref_slice %arg21[%add3A_19, %dma_wait3A] : memref<10000x80xf32, #tpu.memory_space<vmem_shared>> -> memref<125x80xf32, #tpu.memory_space<vmem_shared>>
      %dma_wait3A_131 = arith.constant 0 : i32
      %dma_wait3A_132 = tpu.memref_slice %arg21[%add3A_19, %dma_wait3A_131] : memref<10000x80xf32, #tpu.memory_space<vmem_shared>> -> memref<125x80xf32, #tpu.memory_space<vmem_shared>>
      tpu.wait_dma2 semaphore(%run_scoped3A : memref<!tpu.dma_semaphore, #tpu.memory_space<semaphore_mem>>) src(%arg20 : memref<125x80xf32, #tpu.memory_space<vmem>>) dst(%dma_wait3A_132 : memref<125x80xf32, #tpu.memory_space<vmem_shared>>)
      tpu.yield
    }) : () -> ()
    %mul3A_20 = arith.constant 625 : i32
    %mul3A_21 = arith.muli %arg1, %mul3A_20 : i32
    %add3A_22 = arith.constant 250 : i32
    %add3A_23 = arith.addi %mul3A_21, %add3A_22 : i32
    "tpu.region"() ({
      %run_scoped3A = tpu.sem_alloc : memref<!tpu.dma_semaphore, #tpu.memory_space<semaphore_mem>>
      %dma_start3A = arith.constant 0 : i32
      %dma_start3A_127 = tpu.memref_slice %arg21[%add3A_23, %dma_start3A] : memref<10000x80xf32, #tpu.memory_space<vmem_shared>> -> memref<125x80xf32, #tpu.memory_space<vmem_shared>>
      %dma_start3A_128 = arith.constant 0 : i32
      %dma_start3A_129 = tpu.memref_slice %arg21[%add3A_23, %dma_start3A_128] : memref<10000x80xf32, #tpu.memory_space<vmem_shared>> -> memref<125x80xf32, #tpu.memory_space<vmem_shared>>
      tpu.enqueue_dma source(%arg20 : memref<125x80xf32, #tpu.memory_space<vmem>>) target(%dma_start3A_129 : memref<125x80xf32, #tpu.memory_space<vmem_shared>>) target_semaphore(%run_scoped3A : memref<!tpu.dma_semaphore, #tpu.memory_space<semaphore_mem>>)
      %dma_wait3A = arith.constant 0 : i32
      %dma_wait3A_130 = tpu.memref_slice %arg21[%add3A_23, %dma_wait3A] : memref<10000x80xf32, #tpu.memory_space<vmem_shared>> -> memref<125x80xf32, #tpu.memory_space<vmem_shared>>
      %dma_wait3A_131 = arith.constant 0 : i32
      %dma_wait3A_132 = tpu.memref_slice %arg21[%add3A_23, %dma_wait3A_131] : memref<10000x80xf32, #tpu.memory_space<vmem_shared>> -> memref<125x80xf32, #tpu.memory_space<vmem_shared>>
      tpu.wait_dma2 semaphore(%run_scoped3A : memref<!tpu.dma_semaphore, #tpu.memory_space<semaphore_mem>>) src(%arg20 : memref<125x80xf32, #tpu.memory_space<vmem>>) dst(%dma_wait3A_132 : memref<125x80xf32, #tpu.memory_space<vmem_shared>>)
      tpu.yield
    }) : () -> ()
    %mul3A_24 = arith.constant 625 : i32
    %mul3A_25 = arith.muli %arg1, %mul3A_24 : i32
    %add3A_26 = arith.constant 375 : i32
    %add3A_27 = arith.addi %mul3A_25, %add3A_26 : i32
    "tpu.region"() ({
      %run_scoped3A = tpu.sem_alloc : memref<!tpu.dma_semaphore, #tpu.memory_space<semaphore_mem>>
      %dma_start3A = arith.constant 0 : i32
      %dma_start3A_127 = tpu.memref_slice %arg21[%add3A_27, %dma_start3A] : memref<10000x80xf32, #tpu.memory_space<vmem_shared>> -> memref<125x80xf32, #tpu.memory_space<vmem_shared>>
      %dma_start3A_128 = arith.constant 0 : i32
      %dma_start3A_129 = tpu.memref_slice %arg21[%add3A_27, %dma_start3A_128] : memref<10000x80xf32, #tpu.memory_space<vmem_shared>> -> memref<125x80xf32, #tpu.memory_space<vmem_shared>>
      tpu.enqueue_dma source(%arg20 : memref<125x80xf32, #tpu.memory_space<vmem>>) target(%dma_start3A_129 : memref<125x80xf32, #tpu.memory_space<vmem_shared>>) target_semaphore(%run_scoped3A : memref<!tpu.dma_semaphore, #tpu.memory_space<semaphore_mem>>)
      %dma_wait3A = arith.constant 0 : i32
      %dma_wait3A_130 = tpu.memref_slice %arg21[%add3A_27, %dma_wait3A] : memref<10000x80xf32, #tpu.memory_space<vmem_shared>> -> memref<125x80xf32, #tpu.memory_space<vmem_shared>>
      %dma_wait3A_131 = arith.constant 0 : i32
      %dma_wait3A_132 = tpu.memref_slice %arg21[%add3A_27, %dma_wait3A_131] : memref<10000x80xf32, #tpu.memory_space<vmem_shared>> -> memref<125x80xf32, #tpu.memory_space<vmem_shared>>
      tpu.wait_dma2 semaphore(%run_scoped3A : memref<!tpu.dma_semaphore, #tpu.memory_space<semaphore_mem>>) src(%arg20 : memref<125x80xf32, #tpu.memory_space<vmem>>) dst(%dma_wait3A_132 : memref<125x80xf32, #tpu.memory_space<vmem_shared>>)
      tpu.yield
    }) : () -> ()
    %mul3A_28 = arith.constant 625 : i32
    %mul3A_29 = arith.muli %arg1, %mul3A_28 : i32
    %add3A_30 = arith.constant 500 : i32
    %add3A_31 = arith.addi %mul3A_29, %add3A_30 : i32
    "tpu.region"() ({
      %run_scoped3A = tpu.sem_alloc : memref<!tpu.dma_semaphore, #tpu.memory_space<semaphore_mem>>
      %dma_start3A = arith.constant 0 : i32
      %dma_start3A_127 = tpu.memref_slice %arg21[%add3A_31, %dma_start3A] : memref<10000x80xf32, #tpu.memory_space<vmem_shared>> -> memref<125x80xf32, #tpu.memory_space<vmem_shared>>
      %dma_start3A_128 = arith.constant 0 : i32
      %dma_start3A_129 = tpu.memref_slice %arg21[%add3A_31, %dma_start3A_128] : memref<10000x80xf32, #tpu.memory_space<vmem_shared>> -> memref<125x80xf32, #tpu.memory_space<vmem_shared>>
      tpu.enqueue_dma source(%arg20 : memref<125x80xf32, #tpu.memory_space<vmem>>) target(%dma_start3A_129 : memref<125x80xf32, #tpu.memory_space<vmem_shared>>) target_semaphore(%run_scoped3A : memref<!tpu.dma_semaphore, #tpu.memory_space<semaphore_mem>>)
      %dma_wait3A = arith.constant 0 : i32
      %dma_wait3A_130 = tpu.memref_slice %arg21[%add3A_31, %dma_wait3A] : memref<10000x80xf32, #tpu.memory_space<vmem_shared>> -> memref<125x80xf32, #tpu.memory_space<vmem_shared>>
      %dma_wait3A_131 = arith.constant 0 : i32
      %dma_wait3A_132 = tpu.memref_slice %arg21[%add3A_31, %dma_wait3A_131] : memref<10000x80xf32, #tpu.memory_space<vmem_shared>> -> memref<125x80xf32, #tpu.memory_space<vmem_shared>>
      tpu.wait_dma2 semaphore(%run_scoped3A : memref<!tpu.dma_semaphore, #tpu.memory_space<semaphore_mem>>) src(%arg20 : memref<125x80xf32, #tpu.memory_space<vmem>>) dst(%dma_wait3A_132 : memref<125x80xf32, #tpu.memory_space<vmem_shared>>)
      tpu.yield
    }) : () -> ()
    %barrier3A = arith.constant 0 : index
    tpu.barrier barrier_id(%barrier3A)
    %eq3A = arith.constant 0 : i32
    %eq3A_32 = arith.cmpi eq, %arg0, %eq3A : i32
    %convert_element_type3A = arith.extui %eq3A_32 : i1 to i32
    %cond3A = arith.constant 0 : i32
    %cond3A_33 = arith.cmpi ne, %convert_element_type3A, %cond3A : i32
    scf.if %cond3A_33 {
      %scan3A_127 = arith.constant 0 : i32
      %scan3A_128 = arith.constant 0 : i32
      %scan3A_129 = arith.constant 125 : i32
      %scan3A_130 = arith.addi %scan3A_128, %scan3A_129 : i32
      %scan3A_131 = arith.constant 1 : i32
      scf.for %scan3A_139 = %scan3A_128 to %scan3A_130 step %scan3A_131  : i32 {
        %mul3A_140 = arith.constant 80 : i32
        %mul3A_141 = arith.muli %scan3A_139, %mul3A_140 : i32
        %dma_start3A = tpu.memref_slice %arg17[%mul3A_141] : memref<10000xi32, #tpu.memory_space<vmem>> -> memref<80xi32, #tpu.memory_space<vmem>>
        %dma_start3A_142 = arith.constant 0 : i32
        %dma_start3A_143 = arith.constant 0 : i32
        %dma_start3A_144 = tpu.memref_slice %arg2[%dma_start3A_142, %dma_start3A_143] : memref<10000x80xf32, #tpu.memory_space<hbm>> -> memref<10000x80xf32, #tpu.memory_space<hbm>>
        tpu.enqueue_indirect_dma source(%dma_start3A_144 : memref<10000x80xf32, #tpu.memory_space<hbm>>) target(%arg15 : memref<80x80xf32, #tpu.memory_space<vmem>>) offsets(%dma_start3A : memref<80xi32, #tpu.memory_space<vmem>>) semaphore(%arg22 : memref<!tpu.dma_semaphore, #tpu.memory_space<semaphore_mem>>)
        %dma_wait3A_145 = tpu.memref_slice %arg17[%mul3A_141] : memref<10000xi32, #tpu.memory_space<vmem>> -> memref<80xi32, #tpu.memory_space<vmem>>
        %dma_wait3A_146 = arith.constant 0 : i32
        %dma_wait3A_147 = arith.constant 0 : i32
        %dma_wait3A_148 = tpu.memref_slice %arg2[%dma_wait3A_146, %dma_wait3A_147] : memref<10000x80xf32, #tpu.memory_space<hbm>> -> memref<10000x80xf32, #tpu.memory_space<hbm>>
        tpu.wait_indirect_dma semaphore(%arg22 : memref<!tpu.dma_semaphore, #tpu.memory_space<semaphore_mem>>) src(%dma_wait3A_148 : memref<10000x80xf32, #tpu.memory_space<hbm>>) dst(%arg15 : memref<80x80xf32, #tpu.memory_space<vmem>>)
        %gt3A = arith.constant 0 : i32
        %gt3A_149 = arith.cmpi sgt, %scan3A_139, %gt3A : i32
        %convert_element_type3A_150 = arith.extui %gt3A_149 : i1 to i32
        %cond3A_151 = arith.constant 0 : i32
        %cond3A_152 = arith.cmpi ne, %convert_element_type3A_150, %cond3A_151 : i32
        scf.if %cond3A_152 {
          %dma_wait3A_165 = arith.constant 0 : i32
          %dma_wait3A_166 = tpu.memref_slice %arg18[%scan3A_139, %dma_wait3A_165] : memref<125x80xi32, #tpu.memory_space<vmem>> -> memref<1x80xi32, #tpu.memory_space<vmem>>
          %dma_wait3A_167 = tpu.memref_squeeze %dma_wait3A_166 : memref<1x80xi32, #tpu.memory_space<vmem>> -> memref<80xi32, #tpu.memory_space<vmem>>
          %dma_wait3A_168 = arith.constant 0 : i32
          %dma_wait3A_169 = arith.constant 0 : i32
          %dma_wait3A_170 = tpu.memref_slice %arg21[%dma_wait3A_168, %dma_wait3A_169] : memref<10000x80xf32, #tpu.memory_space<vmem_shared>> -> memref<10000x80xf32, #tpu.memory_space<vmem_shared>>
          tpu.wait_indirect_dma semaphore(%arg23 : memref<!tpu.dma_semaphore, #tpu.memory_space<semaphore_mem>>) src(%arg16 : memref<80x80xf32, #tpu.memory_space<vmem>>) dst(%dma_wait3A_170 : memref<10000x80xf32, #tpu.memory_space<vmem_shared>>)
        } else {
        }
        %scan3A_153 = arith.constant 0 : i32
        %scan3A_154 = arith.constant 0 : i32
        %scan3A_155 = arith.constant 80 : i32
        %scan3A_156 = arith.addi %scan3A_154, %scan3A_155 : i32
        %scan3A_157 = arith.constant 2 : i32
        scf.for %scan3A_165 = %scan3A_154 to %scan3A_156 step %scan3A_157  : i32 {
          %add3A_166 = arith.addi %mul3A_141, %scan3A_165 : i32
          %get3A = arith.index_cast %add3A_166 : i32 to index
          %get3A_167 = tpu.vector_load %arg19[%get3A] {strides = array<i32>} : memref<10016xf32, #tpu.memory_space<vmem>>, vector<16xf32>,
          %slice3A = vector.extract_strided_slice %get3A_167 {offsets = [0], sizes = [1], strides = [1]} : vector<16xf32> to vector<1xf32>
          %squeeze3A = vector.extract %slice3A[0] : f32 from vector<1xf32>
          %get3A_168 = arith.index_cast %scan3A_165 : i32 to index
          %get3A_169 = arith.constant 0 : index
          %get3A_170 = tpu.vector_load %arg15[%get3A_168, %get3A_169] {strides = array<i32>} : memref<80x80xf32, #tpu.memory_space<vmem>>, vector<16xf32>,
          %mul3A_171 = vector.broadcast %squeeze3A : f32 to vector<16xf32>
          %mul3A_172 = arith.mulf %get3A_170, %mul3A_171 : vector<16xf32>
          %swap3A = arith.index_cast %scan3A_165 : i32 to index
          %swap3A_173 = arith.constant 0 : index
          %swap3A_174 = tpu.vector_load %arg16[%swap3A, %swap3A_173] {strides = array<i32>} : memref<80x80xf32, #tpu.memory_space<vmem>>, vector<16xf32>,
          tpu.vector_store %arg16[%swap3A, %swap3A_173], %mul3A_172 {strides = array<i32>} : memref<80x80xf32, #tpu.memory_space<vmem>>, vector<16xf32>,
          %get3A_175 = arith.index_cast %scan3A_165 : i32 to index
          %get3A_176 = arith.constant 16 : index
          %get3A_177 = tpu.vector_load %arg15[%get3A_175, %get3A_176] {strides = array<i32>} : memref<80x80xf32, #tpu.memory_space<vmem>>, vector<16xf32>,
          %mul3A_178 = vector.broadcast %squeeze3A : f32 to vector<16xf32>
          %mul3A_179 = arith.mulf %get3A_177, %mul3A_178 : vector<16xf32>
          %swap3A_180 = arith.index_cast %scan3A_165 : i32 to index
          %swap3A_181 = arith.constant 16 : index
          %swap3A_182 = tpu.vector_load %arg16[%swap3A_180, %swap3A_181] {strides = array<i32>} : memref<80x80xf32, #tpu.memory_space<vmem>>, vector<16xf32>,
          tpu.vector_store %arg16[%swap3A_180, %swap3A_181], %mul3A_179 {strides = array<i32>} : memref<80x80xf32, #tpu.memory_space<vmem>>, vector<16xf32>,
          %get3A_183 = arith.index_cast %scan3A_165 : i32 to index
          %get3A_184 = arith.constant 32 : index
          %get3A_185 = tpu.vector_load %arg15[%get3A_183, %get3A_184] {strides = array<i32>} : memref<80x80xf32, #tpu.memory_space<vmem>>, vector<16xf32>,
          %mul3A_186 = vector.broadcast %squeeze3A : f32 to vector<16xf32>
          %mul3A_187 = arith.mulf %get3A_185, %mul3A_186 : vector<16xf32>
          %swap3A_188 = arith.index_cast %scan3A_165 : i32 to index
          %swap3A_189 = arith.constant 32 : index
          %swap3A_190 = tpu.vector_load %arg16[%swap3A_188, %swap3A_189] {strides = array<i32>} : memref<80x80xf32, #tpu.memory_space<vmem>>, vector<16xf32>,
          tpu.vector_store %arg16[%swap3A_188, %swap3A_189], %mul3A_187 {strides = array<i32>} : memref<80x80xf32, #tpu.memory_space<vmem>>, vector<16xf32>,
          %get3A_191 = arith.index_cast %scan3A_165 : i32 to index
          %get3A_192 = arith.constant 48 : index
          %get3A_193 = tpu.vector_load %arg15[%get3A_191, %get3A_192] {strides = array<i32>} : memref<80x80xf32, #tpu.memory_space<vmem>>, vector<16xf32>,
          %mul3A_194 = vector.broadcast %squeeze3A : f32 to vector<16xf32>
          %mul3A_195 = arith.mulf %get3A_193, %mul3A_194 : vector<16xf32>
          %swap3A_196 = arith.index_cast %scan3A_165 : i32 to index
          %swap3A_197 = arith.constant 48 : index
          %swap3A_198 = tpu.vector_load %arg16[%swap3A_196, %swap3A_197] {strides = array<i32>} : memref<80x80xf32, #tpu.memory_space<vmem>>, vector<16xf32>,
          tpu.vector_store %arg16[%swap3A_196, %swap3A_197], %mul3A_195 {strides = array<i32>} : memref<80x80xf32, #tpu.memory_space<vmem>>, vector<16xf32>,
          %get3A_199 = arith.index_cast %scan3A_165 : i32 to index
          %get3A_200 = arith.constant 64 : index
          %get3A_201 = tpu.vector_load %arg15[%get3A_199, %get3A_200] {strides = array<i32>} : memref<80x80xf32, #tpu.memory_space<vmem>>, vector<16xf32>,
          %mul3A_202 = vector.broadcast %squeeze3A : f32 to vector<16xf32>
          %mul3A_203 = arith.mulf %get3A_201, %mul3A_202 : vector<16xf32>
          %swap3A_204 = arith.index_cast %scan3A_165 : i32 to index
          %swap3A_205 = arith.constant 64 : index
          %swap3A_206 = tpu.vector_load %arg16[%swap3A_204, %swap3A_205] {strides = array<i32>} : memref<80x80xf32, #tpu.memory_space<vmem>>, vector<16xf32>,
          tpu.vector_store %arg16[%swap3A_204, %swap3A_205], %mul3A_203 {strides = array<i32>} : memref<80x80xf32, #tpu.memory_space<vmem>>, vector<16xf32>,
          %scan3A_207 = arith.constant 1 : i32
          %scan3A_208 = arith.addi %scan3A_165, %scan3A_207 : i32
          %add3A_209 = arith.addi %mul3A_141, %scan3A_208 : i32
          %get3A_210 = arith.index_cast %add3A_209 : i32 to index
          %get3A_211 = tpu.vector_load %arg19[%get3A_210] {strides = array<i32>} : memref<10016xf32, #tpu.memory_space<vmem>>, vector<16xf32>,
          %slice3A_212 = vector.extract_strided_slice %get3A_211 {offsets = [0], sizes = [1], strides = [1]} : vector<16xf32> to vector<1xf32>
          %squeeze3A_213 = vector.extract %slice3A_212[0] : f32 from vector<1xf32>
          %get3A_214 = arith.index_cast %scan3A_208 : i32 to index
          %get3A_215 = arith.constant 0 : index
          %get3A_216 = tpu.vector_load %arg15[%get3A_214, %get3A_215] {strides = array<i32>} : memref<80x80xf32, #tpu.memory_space<vmem>>, vector<16xf32>,
          %mul3A_217 = vector.broadcast %squeeze3A_213 : f32 to vector<16xf32>
          %mul3A_218 = arith.mulf %get3A_216, %mul3A_217 : vector<16xf32>
          %swap3A_219 = arith.index_cast %scan3A_208 : i32 to index
          %swap3A_220 = arith.constant 0 : index
          %swap3A_221 = tpu.vector_load %arg16[%swap3A_219, %swap3A_220] {strides = array<i32>} : memref<80x80xf32, #tpu.memory_space<vmem>>, vector<16xf32>,
          tpu.vector_store %arg16[%swap3A_219, %swap3A_220], %mul3A_218 {strides = array<i32>} : memref<80x80xf32, #tpu.memory_space<vmem>>, vector<16xf32>,
          %get3A_222 = arith.index_cast %scan3A_208 : i32 to index
          %get3A_223 = arith.constant 16 : index
          %get3A_224 = tpu.vector_load %arg15[%get3A_222, %get3A_223] {strides = array<i32>} : memref<80x80xf32, #tpu.memory_space<vmem>>, vector<16xf32>,
          %mul3A_225 = vector.broadcast %squeeze3A_213 : f32 to vector<16xf32>
          %mul3A_226 = arith.mulf %get3A_224, %mul3A_225 : vector<16xf32>
          %swap3A_227 = arith.index_cast %scan3A_208 : i32 to index
          %swap3A_228 = arith.constant 16 : index
          %swap3A_229 = tpu.vector_load %arg16[%swap3A_227, %swap3A_228] {strides = array<i32>} : memref<80x80xf32, #tpu.memory_space<vmem>>, vector<16xf32>,
          tpu.vector_store %arg16[%swap3A_227, %swap3A_228], %mul3A_226 {strides = array<i32>} : memref<80x80xf32, #tpu.memory_space<vmem>>, vector<16xf32>,
          %get3A_230 = arith.index_cast %scan3A_208 : i32 to index
          %get3A_231 = arith.constant 32 : index
          %get3A_232 = tpu.vector_load %arg15[%get3A_230, %get3A_231] {strides = array<i32>} : memref<80x80xf32, #tpu.memory_space<vmem>>, vector<16xf32>,
          %mul3A_233 = vector.broadcast %squeeze3A_213 : f32 to vector<16xf32>
          %mul3A_234 = arith.mulf %get3A_232, %mul3A_233 : vector<16xf32>
          %swap3A_235 = arith.index_cast %scan3A_208 : i32 to index
          %swap3A_236 = arith.constant 32 : index
          %swap3A_237 = tpu.vector_load %arg16[%swap3A_235, %swap3A_236] {strides = array<i32>} : memref<80x80xf32, #tpu.memory_space<vmem>>, vector<16xf32>,
          tpu.vector_store %arg16[%swap3A_235, %swap3A_236], %mul3A_234 {strides = array<i32>} : memref<80x80xf32, #tpu.memory_space<vmem>>, vector<16xf32>,
          %get3A_238 = arith.index_cast %scan3A_208 : i32 to index
          %get3A_239 = arith.constant 48 : index
          %get3A_240 = tpu.vector_load %arg15[%get3A_238, %get3A_239] {strides = array<i32>} : memref<80x80xf32, #tpu.memory_space<vmem>>, vector<16xf32>,
          %mul3A_241 = vector.broadcast %squeeze3A_213 : f32 to vector<16xf32>
          %mul3A_242 = arith.mulf %get3A_240, %mul3A_241 : vector<16xf32>
          %swap3A_243 = arith.index_cast %scan3A_208 : i32 to index
          %swap3A_244 = arith.constant 48 : index
          %swap3A_245 = tpu.vector_load %arg16[%swap3A_243, %swap3A_244] {strides = array<i32>} : memref<80x80xf32, #tpu.memory_space<vmem>>, vector<16xf32>,
          tpu.vector_store %arg16[%swap3A_243, %swap3A_244], %mul3A_242 {strides = array<i32>} : memref<80x80xf32, #tpu.memory_space<vmem>>, vector<16xf32>,
          %get3A_246 = arith.index_cast %scan3A_208 : i32 to index
          %get3A_247 = arith.constant 64 : index
          %get3A_248 = tpu.vector_load %arg15[%get3A_246, %get3A_247] {strides = array<i32>} : memref<80x80xf32, #tpu.memory_space<vmem>>, vector<16xf32>,
          %mul3A_249 = vector.broadcast %squeeze3A_213 : f32 to vector<16xf32>
          %mul3A_250 = arith.mulf %get3A_248, %mul3A_249 : vector<16xf32>
          %swap3A_251 = arith.index_cast %scan3A_208 : i32 to index
          %swap3A_252 = arith.constant 64 : index
          %swap3A_253 = tpu.vector_load %arg16[%swap3A_251, %swap3A_252] {strides = array<i32>} : memref<80x80xf32, #tpu.memory_space<vmem>>, vector<16xf32>,
          tpu.vector_store %arg16[%swap3A_251, %swap3A_252], %mul3A_250 {strides = array<i32>} : memref<80x80xf32, #tpu.memory_space<vmem>>, vector<16xf32>,
        }
        %scan3A_158 = arith.constant 80 : i32
        %dma_start3A_159 = arith.constant 0 : i32
        %dma_start3A_160 = tpu.memref_slice %arg18[%scan3A_139, %dma_start3A_159] : memref<125x80xi32, #tpu.memory_space<vmem>> -> memref<1x80xi32, #tpu.memory_space<vmem>>
        %dma_start3A_161 = tpu.memref_squeeze %dma_start3A_160 : memref<1x80xi32, #tpu.memory_space<vmem>> -> memref<80xi32, #tpu.memory_space<vmem>>
        %dma_start3A_162 = arith.constant 0 : i32
        %dma_start3A_163 = arith.constant 0 : i32
        %dma_start3A_164 = tpu.memref_slice %arg21[%dma_start3A_162, %dma_start3A_163] : memref<10000x80xf32, #tpu.memory_space<vmem_shared>> -> memref<10000x80xf32, #tpu.memory_space<vmem_shared>>
        tpu.enqueue_indirect_dma source(%arg16 : memref<80x80xf32, #tpu.memory_space<vmem>>) target(%dma_start3A_164 : memref<10000x80xf32, #tpu.memory_space<vmem_shared>>) offsets(%dma_start3A_161 : memref<80xi32, #tpu.memory_space<vmem>>) semaphore(%arg23 : memref<!tpu.dma_semaphore, #tpu.memory_space<semaphore_mem>>) {add = true}
      }
      %scan3A_132 = arith.constant 125 : i32
      %dma_wait3A = arith.constant 0 : i32
      %dma_wait3A_133 = arith.constant 0 : i32
      %dma_wait3A_134 = tpu.memref_slice %arg18[%dma_wait3A, %dma_wait3A_133] : memref<125x80xi32, #tpu.memory_space<vmem>> -> memref<1x80xi32, #tpu.memory_space<vmem>>
      %dma_wait3A_135 = tpu.memref_squeeze %dma_wait3A_134 : memref<1x80xi32, #tpu.memory_space<vmem>> -> memref<80xi32, #tpu.memory_space<vmem>>
      %dma_wait3A_136 = arith.constant 0 : i32
      %dma_wait3A_137 = arith.constant 0 : i32
      %dma_wait3A_138 = tpu.memref_slice %arg21[%dma_wait3A_136, %dma_wait3A_137] : memref<10000x80xf32, #tpu.memory_space<vmem_shared>> -> memref<10000x80xf32, #tpu.memory_space<vmem_shared>>
      tpu.wait_indirect_dma semaphore(%arg23 : memref<!tpu.dma_semaphore, #tpu.memory_space<semaphore_mem>>) src(%arg16 : memref<80x80xf32, #tpu.memory_space<vmem>>) dst(%dma_wait3A_138 : memref<10000x80xf32, #tpu.memory_space<vmem_shared>>)
    } else {
    }
    %eq3A_34 = arith.constant 1 : i32
    %eq3A_35 = arith.cmpi eq, %arg0, %eq3A_34 : i32
    %convert_element_type3A_36 = arith.extui %eq3A_35 : i1 to i32
    %cond3A_37 = arith.constant 0 : i32
    %cond3A_38 = arith.cmpi ne, %convert_element_type3A_36, %cond3A_37 : i32
    scf.if %cond3A_38 {
      %scan3A_127 = arith.constant 0 : i32
      %scan3A_128 = arith.constant 0 : i32
      %scan3A_129 = arith.constant 125 : i32
      %scan3A_130 = arith.addi %scan3A_128, %scan3A_129 : i32
      %scan3A_131 = arith.constant 1 : i32
      scf.for %scan3A_139 = %scan3A_128 to %scan3A_130 step %scan3A_131  : i32 {
        %mul3A_140 = arith.constant 80 : i32
        %mul3A_141 = arith.muli %scan3A_139, %mul3A_140 : i32
        %dma_start3A = tpu.memref_slice %arg17[%mul3A_141] : memref<10000xi32, #tpu.memory_space<vmem>> -> memref<80xi32, #tpu.memory_space<vmem>>
        %dma_start3A_142 = arith.constant 0 : i32
        %dma_start3A_143 = arith.constant 0 : i32
        %dma_start3A_144 = tpu.memref_slice %arg5[%dma_start3A_142, %dma_start3A_143] : memref<10000x80xf32, #tpu.memory_space<hbm>> -> memref<10000x80xf32, #tpu.memory_space<hbm>>
        tpu.enqueue_indirect_dma source(%dma_start3A_144 : memref<10000x80xf32, #tpu.memory_space<hbm>>) target(%arg15 : memref<80x80xf32, #tpu.memory_space<vmem>>) offsets(%dma_start3A : memref<80xi32, #tpu.memory_space<vmem>>) semaphore(%arg22 : memref<!tpu.dma_semaphore, #tpu.memory_space<semaphore_mem>>)
        %dma_wait3A_145 = tpu.memref_slice %arg17[%mul3A_141] : memref<10000xi32, #tpu.memory_space<vmem>> -> memref<80xi32, #tpu.memory_space<vmem>>
        %dma_wait3A_146 = arith.constant 0 : i32
        %dma_wait3A_147 = arith.constant 0 : i32
        %dma_wait3A_148 = tpu.memref_slice %arg5[%dma_wait3A_146, %dma_wait3A_147] : memref<10000x80xf32, #tpu.memory_space<hbm>> -> memref<10000x80xf32, #tpu.memory_space<hbm>>
        tpu.wait_indirect_dma semaphore(%arg22 : memref<!tpu.dma_semaphore, #tpu.memory_space<semaphore_mem>>) src(%dma_wait3A_148 : memref<10000x80xf32, #tpu.memory_space<hbm>>) dst(%arg15 : memref<80x80xf32, #tpu.memory_space<vmem>>)
        %gt3A = arith.constant 0 : i32
        %gt3A_149 = arith.cmpi sgt, %scan3A_139, %gt3A : i32
        %convert_element_type3A_150 = arith.extui %gt3A_149 : i1 to i32
        %cond3A_151 = arith.constant 0 : i32
        %cond3A_152 = arith.cmpi ne, %convert_element_type3A_150, %cond3A_151 : i32
        scf.if %cond3A_152 {
          %dma_wait3A_165 = arith.constant 0 : i32
          %dma_wait3A_166 = tpu.memref_slice %arg18[%scan3A_139, %dma_wait3A_165] : memref<125x80xi32, #tpu.memory_space<vmem>> -> memref<1x80xi32, #tpu.memory_space<vmem>>
          %dma_wait3A_167 = tpu.memref_squeeze %dma_wait3A_166 : memref<1x80xi32, #tpu.memory_space<vmem>> -> memref<80xi32, #tpu.memory_space<vmem>>
          %dma_wait3A_168 = arith.constant 0 : i32
          %dma_wait3A_169 = arith.constant 0 : i32
          %dma_wait3A_170 = tpu.memref_slice %arg21[%dma_wait3A_168, %dma_wait3A_169] : memref<10000x80xf32, #tpu.memory_space<vmem_shared>> -> memref<10000x80xf32, #tpu.memory_space<vmem_shared>>
          tpu.wait_indirect_dma semaphore(%arg23 : memref<!tpu.dma_semaphore, #tpu.memory_space<semaphore_mem>>) src(%arg16 : memref<80x80xf32, #tpu.memory_space<vmem>>) dst(%dma_wait3A_170 : memref<10000x80xf32, #tpu.memory_space<vmem_shared>>)
        } else {
        }
        %scan3A_153 = arith.constant 0 : i32
        %scan3A_154 = arith.constant 0 : i32
        %scan3A_155 = arith.constant 80 : i32
        %scan3A_156 = arith.addi %scan3A_154, %scan3A_155 : i32
        %scan3A_157 = arith.constant 2 : i32
        scf.for %scan3A_165 = %scan3A_154 to %scan3A_156 step %scan3A_157  : i32 {
          %add3A_166 = arith.addi %mul3A_141, %scan3A_165 : i32
          %get3A = arith.index_cast %add3A_166 : i32 to index
          %get3A_167 = tpu.vector_load %arg19[%get3A] {strides = array<i32>} : memref<10016xf32, #tpu.memory_space<vmem>>, vector<16xf32>,
          %slice3A = vector.extract_strided_slice %get3A_167 {offsets = [0], sizes = [1], strides = [1]} : vector<16xf32> to vector<1xf32>
          %squeeze3A = vector.extract %slice3A[0] : f32 from vector<1xf32>
          %get3A_168 = arith.index_cast %scan3A_165 : i32 to index
          %get3A_169 = arith.constant 0 : index
          %get3A_170 = tpu.vector_load %arg15[%get3A_168, %get3A_169] {strides = array<i32>} : memref<80x80xf32, #tpu.memory_space<vmem>>, vector<16xf32>,
          %mul3A_171 = vector.broadcast %squeeze3A : f32 to vector<16xf32>
          %mul3A_172 = arith.mulf %get3A_170, %mul3A_171 : vector<16xf32>
          %swap3A = arith.index_cast %scan3A_165 : i32 to index
          %swap3A_173 = arith.constant 0 : index
          %swap3A_174 = tpu.vector_load %arg16[%swap3A, %swap3A_173] {strides = array<i32>} : memref<80x80xf32, #tpu.memory_space<vmem>>, vector<16xf32>,
          tpu.vector_store %arg16[%swap3A, %swap3A_173], %mul3A_172 {strides = array<i32>} : memref<80x80xf32, #tpu.memory_space<vmem>>, vector<16xf32>,
          %get3A_175 = arith.index_cast %scan3A_165 : i32 to index
          %get3A_176 = arith.constant 16 : index
          %get3A_177 = tpu.vector_load %arg15[%get3A_175, %get3A_176] {strides = array<i32>} : memref<80x80xf32, #tpu.memory_space<vmem>>, vector<16xf32>,
          %mul3A_178 = vector.broadcast %squeeze3A : f32 to vector<16xf32>
          %mul3A_179 = arith.mulf %get3A_177, %mul3A_178 : vector<16xf32>
          %swap3A_180 = arith.index_cast %scan3A_165 : i32 to index
          %swap3A_181 = arith.constant 16 : index
          %swap3A_182 = tpu.vector_load %arg16[%swap3A_180, %swap3A_181] {strides = array<i32>} : memref<80x80xf32, #tpu.memory_space<vmem>>, vector<16xf32>,
          tpu.vector_store %arg16[%swap3A_180, %swap3A_181], %mul3A_179 {strides = array<i32>} : memref<80x80xf32, #tpu.memory_space<vmem>>, vector<16xf32>,
          %get3A_183 = arith.index_cast %scan3A_165 : i32 to index
          %get3A_184 = arith.constant 32 : index
          %get3A_185 = tpu.vector_load %arg15[%get3A_183, %get3A_184] {strides = array<i32>} : memref<80x80xf32, #tpu.memory_space<vmem>>, vector<16xf32>,
          %mul3A_186 = vector.broadcast %squeeze3A : f32 to vector<16xf32>
          %mul3A_187 = arith.mulf %get3A_185, %mul3A_186 : vector<16xf32>
          %swap3A_188 = arith.index_cast %scan3A_165 : i32 to index
          %swap3A_189 = arith.constant 32 : index
          %swap3A_190 = tpu.vector_load %arg16[%swap3A_188, %swap3A_189] {strides = array<i32>} : memref<80x80xf32, #tpu.memory_space<vmem>>, vector<16xf32>,
          tpu.vector_store %arg16[%swap3A_188, %swap3A_189], %mul3A_187 {strides = array<i32>} : memref<80x80xf32, #tpu.memory_space<vmem>>, vector<16xf32>,
          %get3A_191 = arith.index_cast %scan3A_165 : i32 to index
          %get3A_192 = arith.constant 48 : index
          %get3A_193 = tpu.vector_load %arg15[%get3A_191, %get3A_192] {strides = array<i32>} : memref<80x80xf32, #tpu.memory_space<vmem>>, vector<16xf32>,
          %mul3A_194 = vector.broadcast %squeeze3A : f32 to vector<16xf32>
          %mul3A_195 = arith.mulf %get3A_193, %mul3A_194 : vector<16xf32>
          %swap3A_196 = arith.index_cast %scan3A_165 : i32 to index
          %swap3A_197 = arith.constant 48 : index
          %swap3A_198 = tpu.vector_load %arg16[%swap3A_196, %swap3A_197] {strides = array<i32>} : memref<80x80xf32, #tpu.memory_space<vmem>>, vector<16xf32>,
          tpu.vector_store %arg16[%swap3A_196, %swap3A_197], %mul3A_195 {strides = array<i32>} : memref<80x80xf32, #tpu.memory_space<vmem>>, vector<16xf32>,
          %get3A_199 = arith.index_cast %scan3A_165 : i32 to index
          %get3A_200 = arith.constant 64 : index
          %get3A_201 = tpu.vector_load %arg15[%get3A_199, %get3A_200] {strides = array<i32>} : memref<80x80xf32, #tpu.memory_space<vmem>>, vector<16xf32>,
          %mul3A_202 = vector.broadcast %squeeze3A : f32 to vector<16xf32>
          %mul3A_203 = arith.mulf %get3A_201, %mul3A_202 : vector<16xf32>
          %swap3A_204 = arith.index_cast %scan3A_165 : i32 to index
          %swap3A_205 = arith.constant 64 : index
          %swap3A_206 = tpu.vector_load %arg16[%swap3A_204, %swap3A_205] {strides = array<i32>} : memref<80x80xf32, #tpu.memory_space<vmem>>, vector<16xf32>,
          tpu.vector_store %arg16[%swap3A_204, %swap3A_205], %mul3A_203 {strides = array<i32>} : memref<80x80xf32, #tpu.memory_space<vmem>>, vector<16xf32>,
          %scan3A_207 = arith.constant 1 : i32
          %scan3A_208 = arith.addi %scan3A_165, %scan3A_207 : i32
          %add3A_209 = arith.addi %mul3A_141, %scan3A_208 : i32
          %get3A_210 = arith.index_cast %add3A_209 : i32 to index
          %get3A_211 = tpu.vector_load %arg19[%get3A_210] {strides = array<i32>} : memref<10016xf32, #tpu.memory_space<vmem>>, vector<16xf32>,
          %slice3A_212 = vector.extract_strided_slice %get3A_211 {offsets = [0], sizes = [1], strides = [1]} : vector<16xf32> to vector<1xf32>
          %squeeze3A_213 = vector.extract %slice3A_212[0] : f32 from vector<1xf32>
          %get3A_214 = arith.index_cast %scan3A_208 : i32 to index
          %get3A_215 = arith.constant 0 : index
          %get3A_216 = tpu.vector_load %arg15[%get3A_214, %get3A_215] {strides = array<i32>} : memref<80x80xf32, #tpu.memory_space<vmem>>, vector<16xf32>,
          %mul3A_217 = vector.broadcast %squeeze3A_213 : f32 to vector<16xf32>
          %mul3A_218 = arith.mulf %get3A_216, %mul3A_217 : vector<16xf32>
          %swap3A_219 = arith.index_cast %scan3A_208 : i32 to index
          %swap3A_220 = arith.constant 0 : index
          %swap3A_221 = tpu.vector_load %arg16[%swap3A_219, %swap3A_220] {strides = array<i32>} : memref<80x80xf32, #tpu.memory_space<vmem>>, vector<16xf32>,
          tpu.vector_store %arg16[%swap3A_219, %swap3A_220], %mul3A_218 {strides = array<i32>} : memref<80x80xf32, #tpu.memory_space<vmem>>, vector<16xf32>,
          %get3A_222 = arith.index_cast %scan3A_208 : i32 to index
          %get3A_223 = arith.constant 16 : index
          %get3A_224 = tpu.vector_load %arg15[%get3A_222, %get3A_223] {strides = array<i32>} : memref<80x80xf32, #tpu.memory_space<vmem>>, vector<16xf32>,
          %mul3A_225 = vector.broadcast %squeeze3A_213 : f32 to vector<16xf32>
          %mul3A_226 = arith.mulf %get3A_224, %mul3A_225 : vector<16xf32>
          %swap3A_227 = arith.index_cast %scan3A_208 : i32 to index
          %swap3A_228 = arith.constant 16 : index
          %swap3A_229 = tpu.vector_load %arg16[%swap3A_227, %swap3A_228] {strides = array<i32>} : memref<80x80xf32, #tpu.memory_space<vmem>>, vector<16xf32>,
          tpu.vector_store %arg16[%swap3A_227, %swap3A_228], %mul3A_226 {strides = array<i32>} : memref<80x80xf32, #tpu.memory_space<vmem>>, vector<16xf32>,
          %get3A_230 = arith.index_cast %scan3A_208 : i32 to index
          %get3A_231 = arith.constant 32 : index
          %get3A_232 = tpu.vector_load %arg15[%get3A_230, %get3A_231] {strides = array<i32>} : memref<80x80xf32, #tpu.memory_space<vmem>>, vector<16xf32>,
          %mul3A_233 = vector.broadcast %squeeze3A_213 : f32 to vector<16xf32>
          %mul3A_234 = arith.mulf %get3A_232, %mul3A_233 : vector<16xf32>
          %swap3A_235 = arith.index_cast %scan3A_208 : i32 to index
          %swap3A_236 = arith.constant 32 : index
          %swap3A_237 = tpu.vector_load %arg16[%swap3A_235, %swap3A_236] {strides = array<i32>} : memref<80x80xf32, #tpu.memory_space<vmem>>, vector<16xf32>,
          tpu.vector_store %arg16[%swap3A_235, %swap3A_236], %mul3A_234 {strides = array<i32>} : memref<80x80xf32, #tpu.memory_space<vmem>>, vector<16xf32>,
          %get3A_238 = arith.index_cast %scan3A_208 : i32 to index
          %get3A_239 = arith.constant 48 : index
          %get3A_240 = tpu.vector_load %arg15[%get3A_238, %get3A_239] {strides = array<i32>} : memref<80x80xf32, #tpu.memory_space<vmem>>, vector<16xf32>,
          %mul3A_241 = vector.broadcast %squeeze3A_213 : f32 to vector<16xf32>
          %mul3A_242 = arith.mulf %get3A_240, %mul3A_241 : vector<16xf32>
          %swap3A_243 = arith.index_cast %scan3A_208 : i32 to index
          %swap3A_244 = arith.constant 48 : index
          %swap3A_245 = tpu.vector_load %arg16[%swap3A_243, %swap3A_244] {strides = array<i32>} : memref<80x80xf32, #tpu.memory_space<vmem>>, vector<16xf32>,
          tpu.vector_store %arg16[%swap3A_243, %swap3A_244], %mul3A_242 {strides = array<i32>} : memref<80x80xf32, #tpu.memory_space<vmem>>, vector<16xf32>,
          %get3A_246 = arith.index_cast %scan3A_208 : i32 to index
          %get3A_247 = arith.constant 64 : index
          %get3A_248 = tpu.vector_load %arg15[%get3A_246, %get3A_247] {strides = array<i32>} : memref<80x80xf32, #tpu.memory_space<vmem>>, vector<16xf32>,
          %mul3A_249 = vector.broadcast %squeeze3A_213 : f32 to vector<16xf32>
          %mul3A_250 = arith.mulf %get3A_248, %mul3A_249 : vector<16xf32>
          %swap3A_251 = arith.index_cast %scan3A_208 : i32 to index
          %swap3A_252 = arith.constant 64 : index
          %swap3A_253 = tpu.vector_load %arg16[%swap3A_251, %swap3A_252] {strides = array<i32>} : memref<80x80xf32, #tpu.memory_space<vmem>>, vector<16xf32>,
          tpu.vector_store %arg16[%swap3A_251, %swap3A_252], %mul3A_250 {strides = array<i32>} : memref<80x80xf32, #tpu.memory_space<vmem>>, vector<16xf32>,
        }
        %scan3A_158 = arith.constant 80 : i32
        %dma_start3A_159 = arith.constant 0 : i32
        %dma_start3A_160 = tpu.memref_slice %arg18[%scan3A_139, %dma_start3A_159] : memref<125x80xi32, #tpu.memory_space<vmem>> -> memref<1x80xi32, #tpu.memory_space<vmem>>
        %dma_start3A_161 = tpu.memref_squeeze %dma_start3A_160 : memref<1x80xi32, #tpu.memory_space<vmem>> -> memref<80xi32, #tpu.memory_space<vmem>>
        %dma_start3A_162 = arith.constant 0 : i32
        %dma_start3A_163 = arith.constant 0 : i32
        %dma_start3A_164 = tpu.memref_slice %arg21[%dma_start3A_162, %dma_start3A_163] : memref<10000x80xf32, #tpu.memory_space<vmem_shared>> -> memref<10000x80xf32, #tpu.memory_space<vmem_shared>>
        tpu.enqueue_indirect_dma source(%arg16 : memref<80x80xf32, #tpu.memory_space<vmem>>) target(%dma_start3A_164 : memref<10000x80xf32, #tpu.memory_space<vmem_shared>>) offsets(%dma_start3A_161 : memref<80xi32, #tpu.memory_space<vmem>>) semaphore(%arg23 : memref<!tpu.dma_semaphore, #tpu.memory_space<semaphore_mem>>) {add = true}
      }
      %scan3A_132 = arith.constant 125 : i32
      %dma_wait3A = arith.constant 0 : i32
      %dma_wait3A_133 = arith.constant 0 : i32
      %dma_wait3A_134 = tpu.memref_slice %arg18[%dma_wait3A, %dma_wait3A_133] : memref<125x80xi32, #tpu.memory_space<vmem>> -> memref<1x80xi32, #tpu.memory_space<vmem>>
      %dma_wait3A_135 = tpu.memref_squeeze %dma_wait3A_134 : memref<1x80xi32, #tpu.memory_space<vmem>> -> memref<80xi32, #tpu.memory_space<vmem>>
      %dma_wait3A_136 = arith.constant 0 : i32
      %dma_wait3A_137 = arith.constant 0 : i32
      %dma_wait3A_138 = tpu.memref_slice %arg21[%dma_wait3A_136, %dma_wait3A_137] : memref<10000x80xf32, #tpu.memory_space<vmem_shared>> -> memref<10000x80xf32, #tpu.memory_space<vmem_shared>>
      tpu.wait_indirect_dma semaphore(%arg23 : memref<!tpu.dma_semaphore, #tpu.memory_space<semaphore_mem>>) src(%arg16 : memref<80x80xf32, #tpu.memory_space<vmem>>) dst(%dma_wait3A_138 : memref<10000x80xf32, #tpu.memory_space<vmem_shared>>)
    } else {
    }
    %barrier3A_39 = arith.constant 0 : index
    tpu.barrier barrier_id(%barrier3A_39)
    %eq3A_40 = arith.constant 0 : i32
    %eq3A_41 = arith.cmpi eq, %arg0, %eq3A_40 : i32
    %convert_element_type3A_42 = arith.extui %eq3A_41 : i1 to i32
    %cond3A_43 = arith.constant 0 : i32
    %cond3A_44 = arith.cmpi ne, %convert_element_type3A_42, %cond3A_43 : i32
    scf.if %cond3A_44 {
      %mul3A_127 = arith.constant 625 : i32
      %mul3A_128 = arith.muli %arg1, %mul3A_127 : i32
      %mul3A_129 = arith.constant 625 : i32
      %mul3A_130 = arith.muli %arg1, %mul3A_129 : i32
      "tpu.region"() ({
        %run_scoped3A = tpu.sem_alloc : memref<!tpu.dma_semaphore, #tpu.memory_space<semaphore_mem>>
        %dma_start3A = arith.constant 0 : i32
        %dma_start3A_131 = tpu.memref_slice %arg10[%mul3A_130, %dma_start3A] : memref<10000x80xf32, #tpu.memory_space<hbm>> -> memref<625x80xf32, #tpu.memory_space<hbm>>
        %dma_start3A_132 = arith.constant 0 : i32
        %dma_start3A_133 = tpu.memref_slice %arg21[%mul3A_128, %dma_start3A_132] : memref<10000x80xf32, #tpu.memory_space<vmem_shared>> -> memref<625x80xf32, #tpu.memory_space<vmem_shared>>
        tpu.enqueue_dma source(%dma_start3A_133 : memref<625x80xf32, #tpu.memory_space<vmem_shared>>) target(%dma_start3A_131 : memref<625x80xf32, #tpu.memory_space<hbm>>) target_semaphore(%run_scoped3A : memref<!tpu.dma_semaphore, #tpu.memory_space<semaphore_mem>>)
        %dma_wait3A = arith.constant 0 : i32
        %dma_wait3A_134 = tpu.memref_slice %arg10[%mul3A_130, %dma_wait3A] : memref<10000x80xf32, #tpu.memory_space<hbm>> -> memref<625x80xf32, #tpu.memory_space<hbm>>
        %dma_wait3A_135 = arith.constant 0 : i32
        %dma_wait3A_136 = tpu.memref_slice %arg21[%mul3A_128, %dma_wait3A_135] : memref<10000x80xf32, #tpu.memory_space<vmem_shared>> -> memref<625x80xf32, #tpu.memory_space<vmem_shared>>
        tpu.wait_dma2 semaphore(%run_scoped3A : memref<!tpu.dma_semaphore, #tpu.memory_space<semaphore_mem>>) src(%dma_wait3A_136 : memref<625x80xf32, #tpu.memory_space<vmem_shared>>) dst(%dma_wait3A_134 : memref<625x80xf32, #tpu.memory_space<hbm>>)
        tpu.yield
      }) : () -> ()
    } else {
    }
    %eq3A_45 = arith.constant 1 : i32
    %eq3A_46 = arith.cmpi eq, %arg0, %eq3A_45 : i32
    %convert_element_type3A_47 = arith.extui %eq3A_46 : i1 to i32
    %cond3A_48 = arith.constant 0 : i32
    %cond3A_49 = arith.cmpi ne, %convert_element_type3A_47, %cond3A_48 : i32
    scf.if %cond3A_49 {
      %mul3A_127 = arith.constant 625 : i32
      %mul3A_128 = arith.muli %arg1, %mul3A_127 : i32
      %mul3A_129 = arith.constant 625 : i32
      %mul3A_130 = arith.muli %arg1, %mul3A_129 : i32
      "tpu.region"() ({
        %run_scoped3A = tpu.sem_alloc : memref<!tpu.dma_semaphore, #tpu.memory_space<semaphore_mem>>
        %dma_start3A = arith.constant 0 : i32
        %dma_start3A_131 = tpu.memref_slice %arg13[%mul3A_130, %dma_start3A] : memref<10000x80xf32, #tpu.memory_space<hbm>> -> memref<625x80xf32, #tpu.memory_space<hbm>>
        %dma_start3A_132 = arith.constant 0 : i32
        %dma_start3A_133 = tpu.memref_slice %arg21[%mul3A_128, %dma_start3A_132] : memref<10000x80xf32, #tpu.memory_space<vmem_shared>> -> memref<625x80xf32, #tpu.memory_space<vmem_shared>>
        tpu.enqueue_dma source(%dma_start3A_133 : memref<625x80xf32, #tpu.memory_space<vmem_shared>>) target(%dma_start3A_131 : memref<625x80xf32, #tpu.memory_space<hbm>>) target_semaphore(%run_scoped3A : memref<!tpu.dma_semaphore, #tpu.memory_space<semaphore_mem>>)
        %dma_wait3A = arith.constant 0 : i32
        %dma_wait3A_134 = tpu.memref_slice %arg13[%mul3A_130, %dma_wait3A] : memref<10000x80xf32, #tpu.memory_space<hbm>> -> memref<625x80xf32, #tpu.memory_space<hbm>>
        %dma_wait3A_135 = arith.constant 0 : i32
        %dma_wait3A_136 = tpu.memref_slice %arg21[%mul3A_128, %dma_wait3A_135] : memref<10000x80xf32, #tpu.memory_space<vmem_shared>> -> memref<625x80xf32, #tpu.memory_space<vmem_shared>>
        tpu.wait_dma2 semaphore(%run_scoped3A : memref<!tpu.dma_semaphore, #tpu.memory_space<semaphore_mem>>) src(%dma_wait3A_136 : memref<625x80xf32, #tpu.memory_space<vmem_shared>>) dst(%dma_wait3A_134 : memref<625x80xf32, #tpu.memory_space<hbm>>)
        tpu.yield
      }) : () -> ()
    } else {
    }
    %barrier3A_50 = arith.constant 0 : index
    tpu.barrier barrier_id(%barrier3A_50)
    %mul3A_51 = arith.constant 625 : i32
    %mul3A_52 = arith.muli %arg1, %mul3A_51 : i32
    %add3A_53 = arith.constant 0 : i32
    %add3A_54 = arith.addi %mul3A_52, %add3A_53 : i32
    "tpu.region"() ({
      %run_scoped3A = tpu.sem_alloc : memref<!tpu.dma_semaphore, #tpu.memory_space<semaphore_mem>>
      %dma_start3A = arith.constant 0 : i32
      %dma_start3A_127 = tpu.memref_slice %arg21[%add3A_54, %dma_start3A] : memref<10000x80xf32, #tpu.memory_space<vmem_shared>> -> memref<125x80xf32, #tpu.memory_space<vmem_shared>>
      %dma_start3A_128 = arith.constant 0 : i32
      %dma_start3A_129 = tpu.memref_slice %arg21[%add3A_54, %dma_start3A_128] : memref<10000x80xf32, #tpu.memory_space<vmem_shared>> -> memref<125x80xf32, #tpu.memory_space<vmem_shared>>
      tpu.enqueue_dma source(%arg20 : memref<125x80xf32, #tpu.memory_space<vmem>>) target(%dma_start3A_129 : memref<125x80xf32, #tpu.memory_space<vmem_shared>>) target_semaphore(%run_scoped3A : memref<!tpu.dma_semaphore, #tpu.memory_space<semaphore_mem>>)
      %dma_wait3A = arith.constant 0 : i32
      %dma_wait3A_130 = tpu.memref_slice %arg21[%add3A_54, %dma_wait3A] : memref<10000x80xf32, #tpu.memory_space<vmem_shared>> -> memref<125x80xf32, #tpu.memory_space<vmem_shared>>
      %dma_wait3A_131 = arith.constant 0 : i32
      %dma_wait3A_132 = tpu.memref_slice %arg21[%add3A_54, %dma_wait3A_131] : memref<10000x80xf32, #tpu.memory_space<vmem_shared>> -> memref<125x80xf32, #tpu.memory_space<vmem_shared>>
      tpu.wait_dma2 semaphore(%run_scoped3A : memref<!tpu.dma_semaphore, #tpu.memory_space<semaphore_mem>>) src(%arg20 : memref<125x80xf32, #tpu.memory_space<vmem>>) dst(%dma_wait3A_132 : memref<125x80xf32, #tpu.memory_space<vmem_shared>>)
      tpu.yield
    }) : () -> ()
    %mul3A_55 = arith.constant 625 : i32
    %mul3A_56 = arith.muli %arg1, %mul3A_55 : i32
    %add3A_57 = arith.constant 125 : i32
    %add3A_58 = arith.addi %mul3A_56, %add3A_57 : i32
    "tpu.region"() ({
      %run_scoped3A = tpu.sem_alloc : memref<!tpu.dma_semaphore, #tpu.memory_space<semaphore_mem>>
      %dma_start3A = arith.constant 0 : i32
      %dma_start3A_127 = tpu.memref_slice %arg21[%add3A_58, %dma_start3A] : memref<10000x80xf32, #tpu.memory_space<vmem_shared>> -> memref<125x80xf32, #tpu.memory_space<vmem_shared>>
      %dma_start3A_128 = arith.constant 0 : i32
      %dma_start3A_129 = tpu.memref_slice %arg21[%add3A_58, %dma_start3A_128] : memref<10000x80xf32, #tpu.memory_space<vmem_shared>> -> memref<125x80xf32, #tpu.memory_space<vmem_shared>>
      tpu.enqueue_dma source(%arg20 : memref<125x80xf32, #tpu.memory_space<vmem>>) target(%dma_start3A_129 : memref<125x80xf32, #tpu.memory_space<vmem_shared>>) target_semaphore(%run_scoped3A : memref<!tpu.dma_semaphore, #tpu.memory_space<semaphore_mem>>)
      %dma_wait3A = arith.constant 0 : i32
      %dma_wait3A_130 = tpu.memref_slice %arg21[%add3A_58, %dma_wait3A] : memref<10000x80xf32, #tpu.memory_space<vmem_shared>> -> memref<125x80xf32, #tpu.memory_space<vmem_shared>>
      %dma_wait3A_131 = arith.constant 0 : i32
      %dma_wait3A_132 = tpu.memref_slice %arg21[%add3A_58, %dma_wait3A_131] : memref<10000x80xf32, #tpu.memory_space<vmem_shared>> -> memref<125x80xf32, #tpu.memory_space<vmem_shared>>
      tpu.wait_dma2 semaphore(%run_scoped3A : memref<!tpu.dma_semaphore, #tpu.memory_space<semaphore_mem>>) src(%arg20 : memref<125x80xf32, #tpu.memory_space<vmem>>) dst(%dma_wait3A_132 : memref<125x80xf32, #tpu.memory_space<vmem_shared>>)
      tpu.yield
    }) : () -> ()
    %mul3A_59 = arith.constant 625 : i32
    %mul3A_60 = arith.muli %arg1, %mul3A_59 : i32
    %add3A_61 = arith.constant 250 : i32
    %add3A_62 = arith.addi %mul3A_60, %add3A_61 : i32
    "tpu.region"() ({
      %run_scoped3A = tpu.sem_alloc : memref<!tpu.dma_semaphore, #tpu.memory_space<semaphore_mem>>
      %dma_start3A = arith.constant 0 : i32
      %dma_start3A_127 = tpu.memref_slice %arg21[%add3A_62, %dma_start3A] : memref<10000x80xf32, #tpu.memory_space<vmem_shared>> -> memref<125x80xf32, #tpu.memory_space<vmem_shared>>
      %dma_start3A_128 = arith.constant 0 : i32
      %dma_start3A_129 = tpu.memref_slice %arg21[%add3A_62, %dma_start3A_128] : memref<10000x80xf32, #tpu.memory_space<vmem_shared>> -> memref<125x80xf32, #tpu.memory_space<vmem_shared>>
      tpu.enqueue_dma source(%arg20 : memref<125x80xf32, #tpu.memory_space<vmem>>) target(%dma_start3A_129 : memref<125x80xf32, #tpu.memory_space<vmem_shared>>) target_semaphore(%run_scoped3A : memref<!tpu.dma_semaphore, #tpu.memory_space<semaphore_mem>>)
      %dma_wait3A = arith.constant 0 : i32
      %dma_wait3A_130 = tpu.memref_slice %arg21[%add3A_62, %dma_wait3A] : memref<10000x80xf32, #tpu.memory_space<vmem_shared>> -> memref<125x80xf32, #tpu.memory_space<vmem_shared>>
      %dma_wait3A_131 = arith.constant 0 : i32
      %dma_wait3A_132 = tpu.memref_slice %arg21[%add3A_62, %dma_wait3A_131] : memref<10000x80xf32, #tpu.memory_space<vmem_shared>> -> memref<125x80xf32, #tpu.memory_space<vmem_shared>>
      tpu.wait_dma2 semaphore(%run_scoped3A : memref<!tpu.dma_semaphore, #tpu.memory_space<semaphore_mem>>) src(%arg20 : memref<125x80xf32, #tpu.memory_space<vmem>>) dst(%dma_wait3A_132 : memref<125x80xf32, #tpu.memory_space<vmem_shared>>)
      tpu.yield
    }) : () -> ()
    %mul3A_63 = arith.constant 625 : i32
    %mul3A_64 = arith.muli %arg1, %mul3A_63 : i32
    %add3A_65 = arith.constant 375 : i32
    %add3A_66 = arith.addi %mul3A_64, %add3A_65 : i32
    "tpu.region"() ({
      %run_scoped3A = tpu.sem_alloc : memref<!tpu.dma_semaphore, #tpu.memory_space<semaphore_mem>>
      %dma_start3A = arith.constant 0 : i32
      %dma_start3A_127 = tpu.memref_slice %arg21[%add3A_66, %dma_start3A] : memref<10000x80xf32, #tpu.memory_space<vmem_shared>> -> memref<125x80xf32, #tpu.memory_space<vmem_shared>>
      %dma_start3A_128 = arith.constant 0 : i32
      %dma_start3A_129 = tpu.memref_slice %arg21[%add3A_66, %dma_start3A_128] : memref<10000x80xf32, #tpu.memory_space<vmem_shared>> -> memref<125x80xf32, #tpu.memory_space<vmem_shared>>
      tpu.enqueue_dma source(%arg20 : memref<125x80xf32, #tpu.memory_space<vmem>>) target(%dma_start3A_129 : memref<125x80xf32, #tpu.memory_space<vmem_shared>>) target_semaphore(%run_scoped3A : memref<!tpu.dma_semaphore, #tpu.memory_space<semaphore_mem>>)
      %dma_wait3A = arith.constant 0 : i32
      %dma_wait3A_130 = tpu.memref_slice %arg21[%add3A_66, %dma_wait3A] : memref<10000x80xf32, #tpu.memory_space<vmem_shared>> -> memref<125x80xf32, #tpu.memory_space<vmem_shared>>
      %dma_wait3A_131 = arith.constant 0 : i32
      %dma_wait3A_132 = tpu.memref_slice %arg21[%add3A_66, %dma_wait3A_131] : memref<10000x80xf32, #tpu.memory_space<vmem_shared>> -> memref<125x80xf32, #tpu.memory_space<vmem_shared>>
      tpu.wait_dma2 semaphore(%run_scoped3A : memref<!tpu.dma_semaphore, #tpu.memory_space<semaphore_mem>>) src(%arg20 : memref<125x80xf32, #tpu.memory_space<vmem>>) dst(%dma_wait3A_132 : memref<125x80xf32, #tpu.memory_space<vmem_shared>>)
      tpu.yield
    }) : () -> ()
    %mul3A_67 = arith.constant 625 : i32
    %mul3A_68 = arith.muli %arg1, %mul3A_67 : i32
    %add3A_69 = arith.constant 500 : i32
    %add3A_70 = arith.addi %mul3A_68, %add3A_69 : i32
    "tpu.region"() ({
      %run_scoped3A = tpu.sem_alloc : memref<!tpu.dma_semaphore, #tpu.memory_space<semaphore_mem>>
      %dma_start3A = arith.constant 0 : i32
      %dma_start3A_127 = tpu.memref_slice %arg21[%add3A_70, %dma_start3A] : memref<10000x80xf32, #tpu.memory_space<vmem_shared>> -> memref<125x80xf32, #tpu.memory_space<vmem_shared>>
      %dma_start3A_128 = arith.constant 0 : i32
      %dma_start3A_129 = tpu.memref_slice %arg21[%add3A_70, %dma_start3A_128] : memref<10000x80xf32, #tpu.memory_space<vmem_shared>> -> memref<125x80xf32, #tpu.memory_space<vmem_shared>>
      tpu.enqueue_dma source(%arg20 : memref<125x80xf32, #tpu.memory_space<vmem>>) target(%dma_start3A_129 : memref<125x80xf32, #tpu.memory_space<vmem_shared>>) target_semaphore(%run_scoped3A : memref<!tpu.dma_semaphore, #tpu.memory_space<semaphore_mem>>)
      %dma_wait3A = arith.constant 0 : i32
      %dma_wait3A_130 = tpu.memref_slice %arg21[%add3A_70, %dma_wait3A] : memref<10000x80xf32, #tpu.memory_space<vmem_shared>> -> memref<125x80xf32, #tpu.memory_space<vmem_shared>>
      %dma_wait3A_131 = arith.constant 0 : i32
      %dma_wait3A_132 = tpu.memref_slice %arg21[%add3A_70, %dma_wait3A_131] : memref<10000x80xf32, #tpu.memory_space<vmem_shared>> -> memref<125x80xf32, #tpu.memory_space<vmem_shared>>
      tpu.wait_dma2 semaphore(%run_scoped3A : memref<!tpu.dma_semaphore, #tpu.memory_space<semaphore_mem>>) src(%arg20 : memref<125x80xf32, #tpu.memory_space<vmem>>) dst(%dma_wait3A_132 : memref<125x80xf32, #tpu.memory_space<vmem_shared>>)
      tpu.yield
    }) : () -> ()
    %barrier3A_71 = arith.constant 0 : index
    tpu.barrier barrier_id(%barrier3A_71)
    %eq3A_72 = arith.constant 0 : i32
    %eq3A_73 = arith.cmpi eq, %arg0, %eq3A_72 : i32
    %convert_element_type3A_74 = arith.extui %eq3A_73 : i1 to i32
    %cond3A_75 = arith.constant 0 : i32
    %cond3A_76 = arith.cmpi ne, %convert_element_type3A_74, %cond3A_75 : i32
    scf.if %cond3A_76 {
      %scan3A_127 = arith.constant 0 : i32
      %scan3A_128 = arith.constant 0 : i32
      %scan3A_129 = arith.constant 125 : i32
      %scan3A_130 = arith.addi %scan3A_128, %scan3A_129 : i32
      %scan3A_131 = arith.constant 1 : i32
      scf.for %scan3A_139 = %scan3A_128 to %scan3A_130 step %scan3A_131  : i32 {
        %mul3A_140 = arith.constant 80 : i32
        %mul3A_141 = arith.muli %scan3A_139, %mul3A_140 : i32
        %dma_start3A = tpu.memref_slice %arg17[%mul3A_141] : memref<10000xi32, #tpu.memory_space<vmem>> -> memref<80xi32, #tpu.memory_space<vmem>>
        %dma_start3A_142 = arith.constant 0 : i32
        %dma_start3A_143 = arith.constant 0 : i32
        %dma_start3A_144 = tpu.memref_slice %arg3[%dma_start3A_142, %dma_start3A_143] : memref<10000x80xf32, #tpu.memory_space<hbm>> -> memref<10000x80xf32, #tpu.memory_space<hbm>>
        tpu.enqueue_indirect_dma source(%dma_start3A_144 : memref<10000x80xf32, #tpu.memory_space<hbm>>) target(%arg15 : memref<80x80xf32, #tpu.memory_space<vmem>>) offsets(%dma_start3A : memref<80xi32, #tpu.memory_space<vmem>>) semaphore(%arg22 : memref<!tpu.dma_semaphore, #tpu.memory_space<semaphore_mem>>)
        %dma_wait3A_145 = tpu.memref_slice %arg17[%mul3A_141] : memref<10000xi32, #tpu.memory_space<vmem>> -> memref<80xi32, #tpu.memory_space<vmem>>
        %dma_wait3A_146 = arith.constant 0 : i32
        %dma_wait3A_147 = arith.constant 0 : i32
        %dma_wait3A_148 = tpu.memref_slice %arg3[%dma_wait3A_146, %dma_wait3A_147] : memref<10000x80xf32, #tpu.memory_space<hbm>> -> memref<10000x80xf32, #tpu.memory_space<hbm>>
        tpu.wait_indirect_dma semaphore(%arg22 : memref<!tpu.dma_semaphore, #tpu.memory_space<semaphore_mem>>) src(%dma_wait3A_148 : memref<10000x80xf32, #tpu.memory_space<hbm>>) dst(%arg15 : memref<80x80xf32, #tpu.memory_space<vmem>>)
        %gt3A = arith.constant 0 : i32
        %gt3A_149 = arith.cmpi sgt, %scan3A_139, %gt3A : i32
        %convert_element_type3A_150 = arith.extui %gt3A_149 : i1 to i32
        %cond3A_151 = arith.constant 0 : i32
        %cond3A_152 = arith.cmpi ne, %convert_element_type3A_150, %cond3A_151 : i32
        scf.if %cond3A_152 {
          %dma_wait3A_165 = arith.constant 0 : i32
          %dma_wait3A_166 = tpu.memref_slice %arg18[%scan3A_139, %dma_wait3A_165] : memref<125x80xi32, #tpu.memory_space<vmem>> -> memref<1x80xi32, #tpu.memory_space<vmem>>
          %dma_wait3A_167 = tpu.memref_squeeze %dma_wait3A_166 : memref<1x80xi32, #tpu.memory_space<vmem>> -> memref<80xi32, #tpu.memory_space<vmem>>
          %dma_wait3A_168 = arith.constant 0 : i32
          %dma_wait3A_169 = arith.constant 0 : i32
          %dma_wait3A_170 = tpu.memref_slice %arg21[%dma_wait3A_168, %dma_wait3A_169] : memref<10000x80xf32, #tpu.memory_space<vmem_shared>> -> memref<10000x80xf32, #tpu.memory_space<vmem_shared>>
          tpu.wait_indirect_dma semaphore(%arg23 : memref<!tpu.dma_semaphore, #tpu.memory_space<semaphore_mem>>) src(%arg16 : memref<80x80xf32, #tpu.memory_space<vmem>>) dst(%dma_wait3A_170 : memref<10000x80xf32, #tpu.memory_space<vmem_shared>>)
        } else {
        }
        %scan3A_153 = arith.constant 0 : i32
        %scan3A_154 = arith.constant 0 : i32
        %scan3A_155 = arith.constant 80 : i32
        %scan3A_156 = arith.addi %scan3A_154, %scan3A_155 : i32
        %scan3A_157 = arith.constant 2 : i32
        scf.for %scan3A_165 = %scan3A_154 to %scan3A_156 step %scan3A_157  : i32 {
          %add3A_166 = arith.addi %mul3A_141, %scan3A_165 : i32
          %get3A = arith.index_cast %add3A_166 : i32 to index
          %get3A_167 = tpu.vector_load %arg19[%get3A] {strides = array<i32>} : memref<10016xf32, #tpu.memory_space<vmem>>, vector<16xf32>,
          %slice3A = vector.extract_strided_slice %get3A_167 {offsets = [0], sizes = [1], strides = [1]} : vector<16xf32> to vector<1xf32>
          %squeeze3A = vector.extract %slice3A[0] : f32 from vector<1xf32>
          %get3A_168 = arith.index_cast %scan3A_165 : i32 to index
          %get3A_169 = arith.constant 0 : index
          %get3A_170 = tpu.vector_load %arg15[%get3A_168, %get3A_169] {strides = array<i32>} : memref<80x80xf32, #tpu.memory_space<vmem>>, vector<16xf32>,
          %mul3A_171 = vector.broadcast %squeeze3A : f32 to vector<16xf32>
          %mul3A_172 = arith.mulf %get3A_170, %mul3A_171 : vector<16xf32>
          %swap3A = arith.index_cast %scan3A_165 : i32 to index
          %swap3A_173 = arith.constant 0 : index
          %swap3A_174 = tpu.vector_load %arg16[%swap3A, %swap3A_173] {strides = array<i32>} : memref<80x80xf32, #tpu.memory_space<vmem>>, vector<16xf32>,
          tpu.vector_store %arg16[%swap3A, %swap3A_173], %mul3A_172 {strides = array<i32>} : memref<80x80xf32, #tpu.memory_space<vmem>>, vector<16xf32>,
          %get3A_175 = arith.index_cast %scan3A_165 : i32 to index
          %get3A_176 = arith.constant 16 : index
          %get3A_177 = tpu.vector_load %arg15[%get3A_175, %get3A_176] {strides = array<i32>} : memref<80x80xf32, #tpu.memory_space<vmem>>, vector<16xf32>,
          %mul3A_178 = vector.broadcast %squeeze3A : f32 to vector<16xf32>
          %mul3A_179 = arith.mulf %get3A_177, %mul3A_178 : vector<16xf32>
          %swap3A_180 = arith.index_cast %scan3A_165 : i32 to index
          %swap3A_181 = arith.constant 16 : index
          %swap3A_182 = tpu.vector_load %arg16[%swap3A_180, %swap3A_181] {strides = array<i32>} : memref<80x80xf32, #tpu.memory_space<vmem>>, vector<16xf32>,
          tpu.vector_store %arg16[%swap3A_180, %swap3A_181], %mul3A_179 {strides = array<i32>} : memref<80x80xf32, #tpu.memory_space<vmem>>, vector<16xf32>,
          %get3A_183 = arith.index_cast %scan3A_165 : i32 to index
          %get3A_184 = arith.constant 32 : index
          %get3A_185 = tpu.vector_load %arg15[%get3A_183, %get3A_184] {strides = array<i32>} : memref<80x80xf32, #tpu.memory_space<vmem>>, vector<16xf32>,
          %mul3A_186 = vector.broadcast %squeeze3A : f32 to vector<16xf32>
          %mul3A_187 = arith.mulf %get3A_185, %mul3A_186 : vector<16xf32>
          %swap3A_188 = arith.index_cast %scan3A_165 : i32 to index
          %swap3A_189 = arith.constant 32 : index
          %swap3A_190 = tpu.vector_load %arg16[%swap3A_188, %swap3A_189] {strides = array<i32>} : memref<80x80xf32, #tpu.memory_space<vmem>>, vector<16xf32>,
          tpu.vector_store %arg16[%swap3A_188, %swap3A_189], %mul3A_187 {strides = array<i32>} : memref<80x80xf32, #tpu.memory_space<vmem>>, vector<16xf32>,
          %get3A_191 = arith.index_cast %scan3A_165 : i32 to index
          %get3A_192 = arith.constant 48 : index
          %get3A_193 = tpu.vector_load %arg15[%get3A_191, %get3A_192] {strides = array<i32>} : memref<80x80xf32, #tpu.memory_space<vmem>>, vector<16xf32>,
          %mul3A_194 = vector.broadcast %squeeze3A : f32 to vector<16xf32>
          %mul3A_195 = arith.mulf %get3A_193, %mul3A_194 : vector<16xf32>
          %swap3A_196 = arith.index_cast %scan3A_165 : i32 to index
          %swap3A_197 = arith.constant 48 : index
          %swap3A_198 = tpu.vector_load %arg16[%swap3A_196, %swap3A_197] {strides = array<i32>} : memref<80x80xf32, #tpu.memory_space<vmem>>, vector<16xf32>,
          tpu.vector_store %arg16[%swap3A_196, %swap3A_197], %mul3A_195 {strides = array<i32>} : memref<80x80xf32, #tpu.memory_space<vmem>>, vector<16xf32>,
          %get3A_199 = arith.index_cast %scan3A_165 : i32 to index
          %get3A_200 = arith.constant 64 : index
          %get3A_201 = tpu.vector_load %arg15[%get3A_199, %get3A_200] {strides = array<i32>} : memref<80x80xf32, #tpu.memory_space<vmem>>, vector<16xf32>,
          %mul3A_202 = vector.broadcast %squeeze3A : f32 to vector<16xf32>
          %mul3A_203 = arith.mulf %get3A_201, %mul3A_202 : vector<16xf32>
          %swap3A_204 = arith.index_cast %scan3A_165 : i32 to index
          %swap3A_205 = arith.constant 64 : index
          %swap3A_206 = tpu.vector_load %arg16[%swap3A_204, %swap3A_205] {strides = array<i32>} : memref<80x80xf32, #tpu.memory_space<vmem>>, vector<16xf32>,
          tpu.vector_store %arg16[%swap3A_204, %swap3A_205], %mul3A_203 {strides = array<i32>} : memref<80x80xf32, #tpu.memory_space<vmem>>, vector<16xf32>,
          %scan3A_207 = arith.constant 1 : i32
          %scan3A_208 = arith.addi %scan3A_165, %scan3A_207 : i32
          %add3A_209 = arith.addi %mul3A_141, %scan3A_208 : i32
          %get3A_210 = arith.index_cast %add3A_209 : i32 to index
          %get3A_211 = tpu.vector_load %arg19[%get3A_210] {strides = array<i32>} : memref<10016xf32, #tpu.memory_space<vmem>>, vector<16xf32>,
          %slice3A_212 = vector.extract_strided_slice %get3A_211 {offsets = [0], sizes = [1], strides = [1]} : vector<16xf32> to vector<1xf32>
          %squeeze3A_213 = vector.extract %slice3A_212[0] : f32 from vector<1xf32>
          %get3A_214 = arith.index_cast %scan3A_208 : i32 to index
          %get3A_215 = arith.constant 0 : index
          %get3A_216 = tpu.vector_load %arg15[%get3A_214, %get3A_215] {strides = array<i32>} : memref<80x80xf32, #tpu.memory_space<vmem>>, vector<16xf32>,
          %mul3A_217 = vector.broadcast %squeeze3A_213 : f32 to vector<16xf32>
          %mul3A_218 = arith.mulf %get3A_216, %mul3A_217 : vector<16xf32>
          %swap3A_219 = arith.index_cast %scan3A_208 : i32 to index
          %swap3A_220 = arith.constant 0 : index
          %swap3A_221 = tpu.vector_load %arg16[%swap3A_219, %swap3A_220] {strides = array<i32>} : memref<80x80xf32, #tpu.memory_space<vmem>>, vector<16xf32>,
          tpu.vector_store %arg16[%swap3A_219, %swap3A_220], %mul3A_218 {strides = array<i32>} : memref<80x80xf32, #tpu.memory_space<vmem>>, vector<16xf32>,
          %get3A_222 = arith.index_cast %scan3A_208 : i32 to index
          %get3A_223 = arith.constant 16 : index
          %get3A_224 = tpu.vector_load %arg15[%get3A_222, %get3A_223] {strides = array<i32>} : memref<80x80xf32, #tpu.memory_space<vmem>>, vector<16xf32>,
          %mul3A_225 = vector.broadcast %squeeze3A_213 : f32 to vector<16xf32>
          %mul3A_226 = arith.mulf %get3A_224, %mul3A_225 : vector<16xf32>
          %swap3A_227 = arith.index_cast %scan3A_208 : i32 to index
          %swap3A_228 = arith.constant 16 : index
          %swap3A_229 = tpu.vector_load %arg16[%swap3A_227, %swap3A_228] {strides = array<i32>} : memref<80x80xf32, #tpu.memory_space<vmem>>, vector<16xf32>,
          tpu.vector_store %arg16[%swap3A_227, %swap3A_228], %mul3A_226 {strides = array<i32>} : memref<80x80xf32, #tpu.memory_space<vmem>>, vector<16xf32>,
          %get3A_230 = arith.index_cast %scan3A_208 : i32 to index
          %get3A_231 = arith.constant 32 : index
          %get3A_232 = tpu.vector_load %arg15[%get3A_230, %get3A_231] {strides = array<i32>} : memref<80x80xf32, #tpu.memory_space<vmem>>, vector<16xf32>,
          %mul3A_233 = vector.broadcast %squeeze3A_213 : f32 to vector<16xf32>
          %mul3A_234 = arith.mulf %get3A_232, %mul3A_233 : vector<16xf32>
          %swap3A_235 = arith.index_cast %scan3A_208 : i32 to index
          %swap3A_236 = arith.constant 32 : index
          %swap3A_237 = tpu.vector_load %arg16[%swap3A_235, %swap3A_236] {strides = array<i32>} : memref<80x80xf32, #tpu.memory_space<vmem>>, vector<16xf32>,
          tpu.vector_store %arg16[%swap3A_235, %swap3A_236], %mul3A_234 {strides = array<i32>} : memref<80x80xf32, #tpu.memory_space<vmem>>, vector<16xf32>,
          %get3A_238 = arith.index_cast %scan3A_208 : i32 to index
          %get3A_239 = arith.constant 48 : index
          %get3A_240 = tpu.vector_load %arg15[%get3A_238, %get3A_239] {strides = array<i32>} : memref<80x80xf32, #tpu.memory_space<vmem>>, vector<16xf32>,
          %mul3A_241 = vector.broadcast %squeeze3A_213 : f32 to vector<16xf32>
          %mul3A_242 = arith.mulf %get3A_240, %mul3A_241 : vector<16xf32>
          %swap3A_243 = arith.index_cast %scan3A_208 : i32 to index
          %swap3A_244 = arith.constant 48 : index
          %swap3A_245 = tpu.vector_load %arg16[%swap3A_243, %swap3A_244] {strides = array<i32>} : memref<80x80xf32, #tpu.memory_space<vmem>>, vector<16xf32>,
          tpu.vector_store %arg16[%swap3A_243, %swap3A_244], %mul3A_242 {strides = array<i32>} : memref<80x80xf32, #tpu.memory_space<vmem>>, vector<16xf32>,
          %get3A_246 = arith.index_cast %scan3A_208 : i32 to index
          %get3A_247 = arith.constant 64 : index
          %get3A_248 = tpu.vector_load %arg15[%get3A_246, %get3A_247] {strides = array<i32>} : memref<80x80xf32, #tpu.memory_space<vmem>>, vector<16xf32>,
          %mul3A_249 = vector.broadcast %squeeze3A_213 : f32 to vector<16xf32>
          %mul3A_250 = arith.mulf %get3A_248, %mul3A_249 : vector<16xf32>
          %swap3A_251 = arith.index_cast %scan3A_208 : i32 to index
          %swap3A_252 = arith.constant 64 : index
          %swap3A_253 = tpu.vector_load %arg16[%swap3A_251, %swap3A_252] {strides = array<i32>} : memref<80x80xf32, #tpu.memory_space<vmem>>, vector<16xf32>,
          tpu.vector_store %arg16[%swap3A_251, %swap3A_252], %mul3A_250 {strides = array<i32>} : memref<80x80xf32, #tpu.memory_space<vmem>>, vector<16xf32>,
        }
        %scan3A_158 = arith.constant 80 : i32
        %dma_start3A_159 = arith.constant 0 : i32
        %dma_start3A_160 = tpu.memref_slice %arg18[%scan3A_139, %dma_start3A_159] : memref<125x80xi32, #tpu.memory_space<vmem>> -> memref<1x80xi32, #tpu.memory_space<vmem>>
        %dma_start3A_161 = tpu.memref_squeeze %dma_start3A_160 : memref<1x80xi32, #tpu.memory_space<vmem>> -> memref<80xi32, #tpu.memory_space<vmem>>
        %dma_start3A_162 = arith.constant 0 : i32
        %dma_start3A_163 = arith.constant 0 : i32
        %dma_start3A_164 = tpu.memref_slice %arg21[%dma_start3A_162, %dma_start3A_163] : memref<10000x80xf32, #tpu.memory_space<vmem_shared>> -> memref<10000x80xf32, #tpu.memory_space<vmem_shared>>
        tpu.enqueue_indirect_dma source(%arg16 : memref<80x80xf32, #tpu.memory_space<vmem>>) target(%dma_start3A_164 : memref<10000x80xf32, #tpu.memory_space<vmem_shared>>) offsets(%dma_start3A_161 : memref<80xi32, #tpu.memory_space<vmem>>) semaphore(%arg23 : memref<!tpu.dma_semaphore, #tpu.memory_space<semaphore_mem>>) {add = true}
      }
      %scan3A_132 = arith.constant 125 : i32
      %dma_wait3A = arith.constant 0 : i32
      %dma_wait3A_133 = arith.constant 0 : i32
      %dma_wait3A_134 = tpu.memref_slice %arg18[%dma_wait3A, %dma_wait3A_133] : memref<125x80xi32, #tpu.memory_space<vmem>> -> memref<1x80xi32, #tpu.memory_space<vmem>>
      %dma_wait3A_135 = tpu.memref_squeeze %dma_wait3A_134 : memref<1x80xi32, #tpu.memory_space<vmem>> -> memref<80xi32, #tpu.memory_space<vmem>>
      %dma_wait3A_136 = arith.constant 0 : i32
      %dma_wait3A_137 = arith.constant 0 : i32
      %dma_wait3A_138 = tpu.memref_slice %arg21[%dma_wait3A_136, %dma_wait3A_137] : memref<10000x80xf32, #tpu.memory_space<vmem_shared>> -> memref<10000x80xf32, #tpu.memory_space<vmem_shared>>
      tpu.wait_indirect_dma semaphore(%arg23 : memref<!tpu.dma_semaphore, #tpu.memory_space<semaphore_mem>>) src(%arg16 : memref<80x80xf32, #tpu.memory_space<vmem>>) dst(%dma_wait3A_138 : memref<10000x80xf32, #tpu.memory_space<vmem_shared>>)
    } else {
    }
    %eq3A_77 = arith.constant 1 : i32
    %eq3A_78 = arith.cmpi eq, %arg0, %eq3A_77 : i32
    %convert_element_type3A_79 = arith.extui %eq3A_78 : i1 to i32
    %cond3A_80 = arith.constant 0 : i32
    %cond3A_81 = arith.cmpi ne, %convert_element_type3A_79, %cond3A_80 : i32
    scf.if %cond3A_81 {
      %scan3A_127 = arith.constant 0 : i32
      %scan3A_128 = arith.constant 0 : i32
      %scan3A_129 = arith.constant 125 : i32
      %scan3A_130 = arith.addi %scan3A_128, %scan3A_129 : i32
      %scan3A_131 = arith.constant 1 : i32
      scf.for %scan3A_139 = %scan3A_128 to %scan3A_130 step %scan3A_131  : i32 {
        %mul3A_140 = arith.constant 80 : i32
        %mul3A_141 = arith.muli %scan3A_139, %mul3A_140 : i32
        %dma_start3A = tpu.memref_slice %arg17[%mul3A_141] : memref<10000xi32, #tpu.memory_space<vmem>> -> memref<80xi32, #tpu.memory_space<vmem>>
        %dma_start3A_142 = arith.constant 0 : i32
        %dma_start3A_143 = arith.constant 0 : i32
        %dma_start3A_144 = tpu.memref_slice %arg6[%dma_start3A_142, %dma_start3A_143] : memref<10000x80xf32, #tpu.memory_space<hbm>> -> memref<10000x80xf32, #tpu.memory_space<hbm>>
        tpu.enqueue_indirect_dma source(%dma_start3A_144 : memref<10000x80xf32, #tpu.memory_space<hbm>>) target(%arg15 : memref<80x80xf32, #tpu.memory_space<vmem>>) offsets(%dma_start3A : memref<80xi32, #tpu.memory_space<vmem>>) semaphore(%arg22 : memref<!tpu.dma_semaphore, #tpu.memory_space<semaphore_mem>>)
        %dma_wait3A_145 = tpu.memref_slice %arg17[%mul3A_141] : memref<10000xi32, #tpu.memory_space<vmem>> -> memref<80xi32, #tpu.memory_space<vmem>>
        %dma_wait3A_146 = arith.constant 0 : i32
        %dma_wait3A_147 = arith.constant 0 : i32
        %dma_wait3A_148 = tpu.memref_slice %arg6[%dma_wait3A_146, %dma_wait3A_147] : memref<10000x80xf32, #tpu.memory_space<hbm>> -> memref<10000x80xf32, #tpu.memory_space<hbm>>
        tpu.wait_indirect_dma semaphore(%arg22 : memref<!tpu.dma_semaphore, #tpu.memory_space<semaphore_mem>>) src(%dma_wait3A_148 : memref<10000x80xf32, #tpu.memory_space<hbm>>) dst(%arg15 : memref<80x80xf32, #tpu.memory_space<vmem>>)
        %gt3A = arith.constant 0 : i32
        %gt3A_149 = arith.cmpi sgt, %scan3A_139, %gt3A : i32
        %convert_element_type3A_150 = arith.extui %gt3A_149 : i1 to i32
        %cond3A_151 = arith.constant 0 : i32
        %cond3A_152 = arith.cmpi ne, %convert_element_type3A_150, %cond3A_151 : i32
        scf.if %cond3A_152 {
          %dma_wait3A_165 = arith.constant 0 : i32
          %dma_wait3A_166 = tpu.memref_slice %arg18[%scan3A_139, %dma_wait3A_165] : memref<125x80xi32, #tpu.memory_space<vmem>> -> memref<1x80xi32, #tpu.memory_space<vmem>>
          %dma_wait3A_167 = tpu.memref_squeeze %dma_wait3A_166 : memref<1x80xi32, #tpu.memory_space<vmem>> -> memref<80xi32, #tpu.memory_space<vmem>>
          %dma_wait3A_168 = arith.constant 0 : i32
          %dma_wait3A_169 = arith.constant 0 : i32
          %dma_wait3A_170 = tpu.memref_slice %arg21[%dma_wait3A_168, %dma_wait3A_169] : memref<10000x80xf32, #tpu.memory_space<vmem_shared>> -> memref<10000x80xf32, #tpu.memory_space<vmem_shared>>
          tpu.wait_indirect_dma semaphore(%arg23 : memref<!tpu.dma_semaphore, #tpu.memory_space<semaphore_mem>>) src(%arg16 : memref<80x80xf32, #tpu.memory_space<vmem>>) dst(%dma_wait3A_170 : memref<10000x80xf32, #tpu.memory_space<vmem_shared>>)
        } else {
        }
        %scan3A_153 = arith.constant 0 : i32
        %scan3A_154 = arith.constant 0 : i32
        %scan3A_155 = arith.constant 80 : i32
        %scan3A_156 = arith.addi %scan3A_154, %scan3A_155 : i32
        %scan3A_157 = arith.constant 2 : i32
        scf.for %scan3A_165 = %scan3A_154 to %scan3A_156 step %scan3A_157  : i32 {
          %add3A_166 = arith.addi %mul3A_141, %scan3A_165 : i32
          %get3A = arith.index_cast %add3A_166 : i32 to index
          %get3A_167 = tpu.vector_load %arg19[%get3A] {strides = array<i32>} : memref<10016xf32, #tpu.memory_space<vmem>>, vector<16xf32>,
          %slice3A = vector.extract_strided_slice %get3A_167 {offsets = [0], sizes = [1], strides = [1]} : vector<16xf32> to vector<1xf32>
          %squeeze3A = vector.extract %slice3A[0] : f32 from vector<1xf32>
          %get3A_168 = arith.index_cast %scan3A_165 : i32 to index
          %get3A_169 = arith.constant 0 : index
          %get3A_170 = tpu.vector_load %arg15[%get3A_168, %get3A_169] {strides = array<i32>} : memref<80x80xf32, #tpu.memory_space<vmem>>, vector<16xf32>,
          %mul3A_171 = vector.broadcast %squeeze3A : f32 to vector<16xf32>
          %mul3A_172 = arith.mulf %get3A_170, %mul3A_171 : vector<16xf32>
          %swap3A = arith.index_cast %scan3A_165 : i32 to index
          %swap3A_173 = arith.constant 0 : index
          %swap3A_174 = tpu.vector_load %arg16[%swap3A, %swap3A_173] {strides = array<i32>} : memref<80x80xf32, #tpu.memory_space<vmem>>, vector<16xf32>,
          tpu.vector_store %arg16[%swap3A, %swap3A_173], %mul3A_172 {strides = array<i32>} : memref<80x80xf32, #tpu.memory_space<vmem>>, vector<16xf32>,
          %get3A_175 = arith.index_cast %scan3A_165 : i32 to index
          %get3A_176 = arith.constant 16 : index
          %get3A_177 = tpu.vector_load %arg15[%get3A_175, %get3A_176] {strides = array<i32>} : memref<80x80xf32, #tpu.memory_space<vmem>>, vector<16xf32>,
          %mul3A_178 = vector.broadcast %squeeze3A : f32 to vector<16xf32>
          %mul3A_179 = arith.mulf %get3A_177, %mul3A_178 : vector<16xf32>
          %swap3A_180 = arith.index_cast %scan3A_165 : i32 to index
          %swap3A_181 = arith.constant 16 : index
          %swap3A_182 = tpu.vector_load %arg16[%swap3A_180, %swap3A_181] {strides = array<i32>} : memref<80x80xf32, #tpu.memory_space<vmem>>, vector<16xf32>,
          tpu.vector_store %arg16[%swap3A_180, %swap3A_181], %mul3A_179 {strides = array<i32>} : memref<80x80xf32, #tpu.memory_space<vmem>>, vector<16xf32>,
          %get3A_183 = arith.index_cast %scan3A_165 : i32 to index
          %get3A_184 = arith.constant 32 : index
          %get3A_185 = tpu.vector_load %arg15[%get3A_183, %get3A_184] {strides = array<i32>} : memref<80x80xf32, #tpu.memory_space<vmem>>, vector<16xf32>,
          %mul3A_186 = vector.broadcast %squeeze3A : f32 to vector<16xf32>
          %mul3A_187 = arith.mulf %get3A_185, %mul3A_186 : vector<16xf32>
          %swap3A_188 = arith.index_cast %scan3A_165 : i32 to index
          %swap3A_189 = arith.constant 32 : index
          %swap3A_190 = tpu.vector_load %arg16[%swap3A_188, %swap3A_189] {strides = array<i32>} : memref<80x80xf32, #tpu.memory_space<vmem>>, vector<16xf32>,
          tpu.vector_store %arg16[%swap3A_188, %swap3A_189], %mul3A_187 {strides = array<i32>} : memref<80x80xf32, #tpu.memory_space<vmem>>, vector<16xf32>,
          %get3A_191 = arith.index_cast %scan3A_165 : i32 to index
          %get3A_192 = arith.constant 48 : index
          %get3A_193 = tpu.vector_load %arg15[%get3A_191, %get3A_192] {strides = array<i32>} : memref<80x80xf32, #tpu.memory_space<vmem>>, vector<16xf32>,
          %mul3A_194 = vector.broadcast %squeeze3A : f32 to vector<16xf32>
          %mul3A_195 = arith.mulf %get3A_193, %mul3A_194 : vector<16xf32>
          %swap3A_196 = arith.index_cast %scan3A_165 : i32 to index
          %swap3A_197 = arith.constant 48 : index
          %swap3A_198 = tpu.vector_load %arg16[%swap3A_196, %swap3A_197] {strides = array<i32>} : memref<80x80xf32, #tpu.memory_space<vmem>>, vector<16xf32>,
          tpu.vector_store %arg16[%swap3A_196, %swap3A_197], %mul3A_195 {strides = array<i32>} : memref<80x80xf32, #tpu.memory_space<vmem>>, vector<16xf32>,
          %get3A_199 = arith.index_cast %scan3A_165 : i32 to index
          %get3A_200 = arith.constant 64 : index
          %get3A_201 = tpu.vector_load %arg15[%get3A_199, %get3A_200] {strides = array<i32>} : memref<80x80xf32, #tpu.memory_space<vmem>>, vector<16xf32>,
          %mul3A_202 = vector.broadcast %squeeze3A : f32 to vector<16xf32>
          %mul3A_203 = arith.mulf %get3A_201, %mul3A_202 : vector<16xf32>
          %swap3A_204 = arith.index_cast %scan3A_165 : i32 to index
          %swap3A_205 = arith.constant 64 : index
          %swap3A_206 = tpu.vector_load %arg16[%swap3A_204, %swap3A_205] {strides = array<i32>} : memref<80x80xf32, #tpu.memory_space<vmem>>, vector<16xf32>,
          tpu.vector_store %arg16[%swap3A_204, %swap3A_205], %mul3A_203 {strides = array<i32>} : memref<80x80xf32, #tpu.memory_space<vmem>>, vector<16xf32>,
          %scan3A_207 = arith.constant 1 : i32
          %scan3A_208 = arith.addi %scan3A_165, %scan3A_207 : i32
          %add3A_209 = arith.addi %mul3A_141, %scan3A_208 : i32
          %get3A_210 = arith.index_cast %add3A_209 : i32 to index
          %get3A_211 = tpu.vector_load %arg19[%get3A_210] {strides = array<i32>} : memref<10016xf32, #tpu.memory_space<vmem>>, vector<16xf32>,
          %slice3A_212 = vector.extract_strided_slice %get3A_211 {offsets = [0], sizes = [1], strides = [1]} : vector<16xf32> to vector<1xf32>
          %squeeze3A_213 = vector.extract %slice3A_212[0] : f32 from vector<1xf32>
          %get3A_214 = arith.index_cast %scan3A_208 : i32 to index
          %get3A_215 = arith.constant 0 : index
          %get3A_216 = tpu.vector_load %arg15[%get3A_214, %get3A_215] {strides = array<i32>} : memref<80x80xf32, #tpu.memory_space<vmem>>, vector<16xf32>,
          %mul3A_217 = vector.broadcast %squeeze3A_213 : f32 to vector<16xf32>
          %mul3A_218 = arith.mulf %get3A_216, %mul3A_217 : vector<16xf32>
          %swap3A_219 = arith.index_cast %scan3A_208 : i32 to index
          %swap3A_220 = arith.constant 0 : index
          %swap3A_221 = tpu.vector_load %arg16[%swap3A_219, %swap3A_220] {strides = array<i32>} : memref<80x80xf32, #tpu.memory_space<vmem>>, vector<16xf32>,
          tpu.vector_store %arg16[%swap3A_219, %swap3A_220], %mul3A_218 {strides = array<i32>} : memref<80x80xf32, #tpu.memory_space<vmem>>, vector<16xf32>,
          %get3A_222 = arith.index_cast %scan3A_208 : i32 to index
          %get3A_223 = arith.constant 16 : index
          %get3A_224 = tpu.vector_load %arg15[%get3A_222, %get3A_223] {strides = array<i32>} : memref<80x80xf32, #tpu.memory_space<vmem>>, vector<16xf32>,
          %mul3A_225 = vector.broadcast %squeeze3A_213 : f32 to vector<16xf32>
          %mul3A_226 = arith.mulf %get3A_224, %mul3A_225 : vector<16xf32>
          %swap3A_227 = arith.index_cast %scan3A_208 : i32 to index
          %swap3A_228 = arith.constant 16 : index
          %swap3A_229 = tpu.vector_load %arg16[%swap3A_227, %swap3A_228] {strides = array<i32>} : memref<80x80xf32, #tpu.memory_space<vmem>>, vector<16xf32>,
          tpu.vector_store %arg16[%swap3A_227, %swap3A_228], %mul3A_226 {strides = array<i32>} : memref<80x80xf32, #tpu.memory_space<vmem>>, vector<16xf32>,
          %get3A_230 = arith.index_cast %scan3A_208 : i32 to index
          %get3A_231 = arith.constant 32 : index
          %get3A_232 = tpu.vector_load %arg15[%get3A_230, %get3A_231] {strides = array<i32>} : memref<80x80xf32, #tpu.memory_space<vmem>>, vector<16xf32>,
          %mul3A_233 = vector.broadcast %squeeze3A_213 : f32 to vector<16xf32>
          %mul3A_234 = arith.mulf %get3A_232, %mul3A_233 : vector<16xf32>
          %swap3A_235 = arith.index_cast %scan3A_208 : i32 to index
          %swap3A_236 = arith.constant 32 : index
          %swap3A_237 = tpu.vector_load %arg16[%swap3A_235, %swap3A_236] {strides = array<i32>} : memref<80x80xf32, #tpu.memory_space<vmem>>, vector<16xf32>,
          tpu.vector_store %arg16[%swap3A_235, %swap3A_236], %mul3A_234 {strides = array<i32>} : memref<80x80xf32, #tpu.memory_space<vmem>>, vector<16xf32>,
          %get3A_238 = arith.index_cast %scan3A_208 : i32 to index
          %get3A_239 = arith.constant 48 : index
          %get3A_240 = tpu.vector_load %arg15[%get3A_238, %get3A_239] {strides = array<i32>} : memref<80x80xf32, #tpu.memory_space<vmem>>, vector<16xf32>,
          %mul3A_241 = vector.broadcast %squeeze3A_213 : f32 to vector<16xf32>
          %mul3A_242 = arith.mulf %get3A_240, %mul3A_241 : vector<16xf32>
          %swap3A_243 = arith.index_cast %scan3A_208 : i32 to index
          %swap3A_244 = arith.constant 48 : index
          %swap3A_245 = tpu.vector_load %arg16[%swap3A_243, %swap3A_244] {strides = array<i32>} : memref<80x80xf32, #tpu.memory_space<vmem>>, vector<16xf32>,
          tpu.vector_store %arg16[%swap3A_243, %swap3A_244], %mul3A_242 {strides = array<i32>} : memref<80x80xf32, #tpu.memory_space<vmem>>, vector<16xf32>,
          %get3A_246 = arith.index_cast %scan3A_208 : i32 to index
          %get3A_247 = arith.constant 64 : index
          %get3A_248 = tpu.vector_load %arg15[%get3A_246, %get3A_247] {strides = array<i32>} : memref<80x80xf32, #tpu.memory_space<vmem>>, vector<16xf32>,
          %mul3A_249 = vector.broadcast %squeeze3A_213 : f32 to vector<16xf32>
          %mul3A_250 = arith.mulf %get3A_248, %mul3A_249 : vector<16xf32>
          %swap3A_251 = arith.index_cast %scan3A_208 : i32 to index
          %swap3A_252 = arith.constant 64 : index
          %swap3A_253 = tpu.vector_load %arg16[%swap3A_251, %swap3A_252] {strides = array<i32>} : memref<80x80xf32, #tpu.memory_space<vmem>>, vector<16xf32>,
          tpu.vector_store %arg16[%swap3A_251, %swap3A_252], %mul3A_250 {strides = array<i32>} : memref<80x80xf32, #tpu.memory_space<vmem>>, vector<16xf32>,
        }
        %scan3A_158 = arith.constant 80 : i32
        %dma_start3A_159 = arith.constant 0 : i32
        %dma_start3A_160 = tpu.memref_slice %arg18[%scan3A_139, %dma_start3A_159] : memref<125x80xi32, #tpu.memory_space<vmem>> -> memref<1x80xi32, #tpu.memory_space<vmem>>
        %dma_start3A_161 = tpu.memref_squeeze %dma_start3A_160 : memref<1x80xi32, #tpu.memory_space<vmem>> -> memref<80xi32, #tpu.memory_space<vmem>>
        %dma_start3A_162 = arith.constant 0 : i32
        %dma_start3A_163 = arith.constant 0 : i32
        %dma_start3A_164 = tpu.memref_slice %arg21[%dma_start3A_162, %dma_start3A_163] : memref<10000x80xf32, #tpu.memory_space<vmem_shared>> -> memref<10000x80xf32, #tpu.memory_space<vmem_shared>>
        tpu.enqueue_indirect_dma source(%arg16 : memref<80x80xf32, #tpu.memory_space<vmem>>) target(%dma_start3A_164 : memref<10000x80xf32, #tpu.memory_space<vmem_shared>>) offsets(%dma_start3A_161 : memref<80xi32, #tpu.memory_space<vmem>>) semaphore(%arg23 : memref<!tpu.dma_semaphore, #tpu.memory_space<semaphore_mem>>) {add = true}
      }
      %scan3A_132 = arith.constant 125 : i32
      %dma_wait3A = arith.constant 0 : i32
      %dma_wait3A_133 = arith.constant 0 : i32
      %dma_wait3A_134 = tpu.memref_slice %arg18[%dma_wait3A, %dma_wait3A_133] : memref<125x80xi32, #tpu.memory_space<vmem>> -> memref<1x80xi32, #tpu.memory_space<vmem>>
      %dma_wait3A_135 = tpu.memref_squeeze %dma_wait3A_134 : memref<1x80xi32, #tpu.memory_space<vmem>> -> memref<80xi32, #tpu.memory_space<vmem>>
      %dma_wait3A_136 = arith.constant 0 : i32
      %dma_wait3A_137 = arith.constant 0 : i32
      %dma_wait3A_138 = tpu.memref_slice %arg21[%dma_wait3A_136, %dma_wait3A_137] : memref<10000x80xf32, #tpu.memory_space<vmem_shared>> -> memref<10000x80xf32, #tpu.memory_space<vmem_shared>>
      tpu.wait_indirect_dma semaphore(%arg23 : memref<!tpu.dma_semaphore, #tpu.memory_space<semaphore_mem>>) src(%arg16 : memref<80x80xf32, #tpu.memory_space<vmem>>) dst(%dma_wait3A_138 : memref<10000x80xf32, #tpu.memory_space<vmem_shared>>)
    } else {
    }
    %barrier3A_82 = arith.constant 0 : index
    tpu.barrier barrier_id(%barrier3A_82)
    %eq3A_83 = arith.constant 0 : i32
    %eq3A_84 = arith.cmpi eq, %arg0, %eq3A_83 : i32
    %convert_element_type3A_85 = arith.extui %eq3A_84 : i1 to i32
    %cond3A_86 = arith.constant 0 : i32
    %cond3A_87 = arith.cmpi ne, %convert_element_type3A_85, %cond3A_86 : i32
    scf.if %cond3A_87 {
      %mul3A_127 = arith.constant 625 : i32
      %mul3A_128 = arith.muli %arg1, %mul3A_127 : i32
      %mul3A_129 = arith.constant 625 : i32
      %mul3A_130 = arith.muli %arg1, %mul3A_129 : i32
      "tpu.region"() ({
        %run_scoped3A = tpu.sem_alloc : memref<!tpu.dma_semaphore, #tpu.memory_space<semaphore_mem>>
        %dma_start3A = arith.constant 0 : i32
        %dma_start3A_131 = tpu.memref_slice %arg11[%mul3A_130, %dma_start3A] : memref<10000x80xf32, #tpu.memory_space<hbm>> -> memref<625x80xf32, #tpu.memory_space<hbm>>
        %dma_start3A_132 = arith.constant 0 : i32
        %dma_start3A_133 = tpu.memref_slice %arg21[%mul3A_128, %dma_start3A_132] : memref<10000x80xf32, #tpu.memory_space<vmem_shared>> -> memref<625x80xf32, #tpu.memory_space<vmem_shared>>
        tpu.enqueue_dma source(%dma_start3A_133 : memref<625x80xf32, #tpu.memory_space<vmem_shared>>) target(%dma_start3A_131 : memref<625x80xf32, #tpu.memory_space<hbm>>) target_semaphore(%run_scoped3A : memref<!tpu.dma_semaphore, #tpu.memory_space<semaphore_mem>>)
        %dma_wait3A = arith.constant 0 : i32
        %dma_wait3A_134 = tpu.memref_slice %arg11[%mul3A_130, %dma_wait3A] : memref<10000x80xf32, #tpu.memory_space<hbm>> -> memref<625x80xf32, #tpu.memory_space<hbm>>
        %dma_wait3A_135 = arith.constant 0 : i32
        %dma_wait3A_136 = tpu.memref_slice %arg21[%mul3A_128, %dma_wait3A_135] : memref<10000x80xf32, #tpu.memory_space<vmem_shared>> -> memref<625x80xf32, #tpu.memory_space<vmem_shared>>
        tpu.wait_dma2 semaphore(%run_scoped3A : memref<!tpu.dma_semaphore, #tpu.memory_space<semaphore_mem>>) src(%dma_wait3A_136 : memref<625x80xf32, #tpu.memory_space<vmem_shared>>) dst(%dma_wait3A_134 : memref<625x80xf32, #tpu.memory_space<hbm>>)
        tpu.yield
      }) : () -> ()
    } else {
    }
    %eq3A_88 = arith.constant 1 : i32
    %eq3A_89 = arith.cmpi eq, %arg0, %eq3A_88 : i32
    %convert_element_type3A_90 = arith.extui %eq3A_89 : i1 to i32
    %cond3A_91 = arith.constant 0 : i32
    %cond3A_92 = arith.cmpi ne, %convert_element_type3A_90, %cond3A_91 : i32
    scf.if %cond3A_92 {
      %mul3A_127 = arith.constant 625 : i32
      %mul3A_128 = arith.muli %arg1, %mul3A_127 : i32
      %mul3A_129 = arith.constant 625 : i32
      %mul3A_130 = arith.muli %arg1, %mul3A_129 : i32
      "tpu.region"() ({
        %run_scoped3A = tpu.sem_alloc : memref<!tpu.dma_semaphore, #tpu.memory_space<semaphore_mem>>
        %dma_start3A = arith.constant 0 : i32
        %dma_start3A_131 = tpu.memref_slice %arg14[%mul3A_130, %dma_start3A] : memref<10000x80xf32, #tpu.memory_space<hbm>> -> memref<625x80xf32, #tpu.memory_space<hbm>>
        %dma_start3A_132 = arith.constant 0 : i32
        %dma_start3A_133 = tpu.memref_slice %arg21[%mul3A_128, %dma_start3A_132] : memref<10000x80xf32, #tpu.memory_space<vmem_shared>> -> memref<625x80xf32, #tpu.memory_space<vmem_shared>>
        tpu.enqueue_dma source(%dma_start3A_133 : memref<625x80xf32, #tpu.memory_space<vmem_shared>>) target(%dma_start3A_131 : memref<625x80xf32, #tpu.memory_space<hbm>>) target_semaphore(%run_scoped3A : memref<!tpu.dma_semaphore, #tpu.memory_space<semaphore_mem>>)
        %dma_wait3A = arith.constant 0 : i32
        %dma_wait3A_134 = tpu.memref_slice %arg14[%mul3A_130, %dma_wait3A] : memref<10000x80xf32, #tpu.memory_space<hbm>> -> memref<625x80xf32, #tpu.memory_space<hbm>>
        %dma_wait3A_135 = arith.constant 0 : i32
        %dma_wait3A_136 = tpu.memref_slice %arg21[%mul3A_128, %dma_wait3A_135] : memref<10000x80xf32, #tpu.memory_space<vmem_shared>> -> memref<625x80xf32, #tpu.memory_space<vmem_shared>>
        tpu.wait_dma2 semaphore(%run_scoped3A : memref<!tpu.dma_semaphore, #tpu.memory_space<semaphore_mem>>) src(%dma_wait3A_136 : memref<625x80xf32, #tpu.memory_space<vmem_shared>>) dst(%dma_wait3A_134 : memref<625x80xf32, #tpu.memory_space<hbm>>)
        tpu.yield
      }) : () -> ()
    } else {
    }
    %barrier3A_93 = arith.constant 0 : index
    tpu.barrier barrier_id(%barrier3A_93)
    %mul3A_94 = arith.constant 625 : i32
    %mul3A_95 = arith.muli %arg1, %mul3A_94 : i32
    %add3A_96 = arith.constant 0 : i32
    %add3A_97 = arith.addi %mul3A_95, %add3A_96 : i32
    "tpu.region"() ({
      %run_scoped3A = tpu.sem_alloc : memref<!tpu.dma_semaphore, #tpu.memory_space<semaphore_mem>>
      %dma_start3A = arith.constant 0 : i32
      %dma_start3A_127 = tpu.memref_slice %arg21[%add3A_97, %dma_start3A] : memref<10000x80xf32, #tpu.memory_space<vmem_shared>> -> memref<125x80xf32, #tpu.memory_space<vmem_shared>>
      %dma_start3A_128 = arith.constant 0 : i32
      %dma_start3A_129 = tpu.memref_slice %arg21[%add3A_97, %dma_start3A_128] : memref<10000x80xf32, #tpu.memory_space<vmem_shared>> -> memref<125x80xf32, #tpu.memory_space<vmem_shared>>
      tpu.enqueue_dma source(%arg20 : memref<125x80xf32, #tpu.memory_space<vmem>>) target(%dma_start3A_129 : memref<125x80xf32, #tpu.memory_space<vmem_shared>>) target_semaphore(%run_scoped3A : memref<!tpu.dma_semaphore, #tpu.memory_space<semaphore_mem>>)
      %dma_wait3A = arith.constant 0 : i32
      %dma_wait3A_130 = tpu.memref_slice %arg21[%add3A_97, %dma_wait3A] : memref<10000x80xf32, #tpu.memory_space<vmem_shared>> -> memref<125x80xf32, #tpu.memory_space<vmem_shared>>
      %dma_wait3A_131 = arith.constant 0 : i32
      %dma_wait3A_132 = tpu.memref_slice %arg21[%add3A_97, %dma_wait3A_131] : memref<10000x80xf32, #tpu.memory_space<vmem_shared>> -> memref<125x80xf32, #tpu.memory_space<vmem_shared>>
      tpu.wait_dma2 semaphore(%run_scoped3A : memref<!tpu.dma_semaphore, #tpu.memory_space<semaphore_mem>>) src(%arg20 : memref<125x80xf32, #tpu.memory_space<vmem>>) dst(%dma_wait3A_132 : memref<125x80xf32, #tpu.memory_space<vmem_shared>>)
      tpu.yield
    }) : () -> ()
    %mul3A_98 = arith.constant 625 : i32
    %mul3A_99 = arith.muli %arg1, %mul3A_98 : i32
    %add3A_100 = arith.constant 125 : i32
    %add3A_101 = arith.addi %mul3A_99, %add3A_100 : i32
    "tpu.region"() ({
      %run_scoped3A = tpu.sem_alloc : memref<!tpu.dma_semaphore, #tpu.memory_space<semaphore_mem>>
      %dma_start3A = arith.constant 0 : i32
      %dma_start3A_127 = tpu.memref_slice %arg21[%add3A_101, %dma_start3A] : memref<10000x80xf32, #tpu.memory_space<vmem_shared>> -> memref<125x80xf32, #tpu.memory_space<vmem_shared>>
      %dma_start3A_128 = arith.constant 0 : i32
      %dma_start3A_129 = tpu.memref_slice %arg21[%add3A_101, %dma_start3A_128] : memref<10000x80xf32, #tpu.memory_space<vmem_shared>> -> memref<125x80xf32, #tpu.memory_space<vmem_shared>>
      tpu.enqueue_dma source(%arg20 : memref<125x80xf32, #tpu.memory_space<vmem>>) target(%dma_start3A_129 : memref<125x80xf32, #tpu.memory_space<vmem_shared>>) target_semaphore(%run_scoped3A : memref<!tpu.dma_semaphore, #tpu.memory_space<semaphore_mem>>)
      %dma_wait3A = arith.constant 0 : i32
      %dma_wait3A_130 = tpu.memref_slice %arg21[%add3A_101, %dma_wait3A] : memref<10000x80xf32, #tpu.memory_space<vmem_shared>> -> memref<125x80xf32, #tpu.memory_space<vmem_shared>>
      %dma_wait3A_131 = arith.constant 0 : i32
      %dma_wait3A_132 = tpu.memref_slice %arg21[%add3A_101, %dma_wait3A_131] : memref<10000x80xf32, #tpu.memory_space<vmem_shared>> -> memref<125x80xf32, #tpu.memory_space<vmem_shared>>
      tpu.wait_dma2 semaphore(%run_scoped3A : memref<!tpu.dma_semaphore, #tpu.memory_space<semaphore_mem>>) src(%arg20 : memref<125x80xf32, #tpu.memory_space<vmem>>) dst(%dma_wait3A_132 : memref<125x80xf32, #tpu.memory_space<vmem_shared>>)
      tpu.yield
    }) : () -> ()
    %mul3A_102 = arith.constant 625 : i32
    %mul3A_103 = arith.muli %arg1, %mul3A_102 : i32
    %add3A_104 = arith.constant 250 : i32
    %add3A_105 = arith.addi %mul3A_103, %add3A_104 : i32
    "tpu.region"() ({
      %run_scoped3A = tpu.sem_alloc : memref<!tpu.dma_semaphore, #tpu.memory_space<semaphore_mem>>
      %dma_start3A = arith.constant 0 : i32
      %dma_start3A_127 = tpu.memref_slice %arg21[%add3A_105, %dma_start3A] : memref<10000x80xf32, #tpu.memory_space<vmem_shared>> -> memref<125x80xf32, #tpu.memory_space<vmem_shared>>
      %dma_start3A_128 = arith.constant 0 : i32
      %dma_start3A_129 = tpu.memref_slice %arg21[%add3A_105, %dma_start3A_128] : memref<10000x80xf32, #tpu.memory_space<vmem_shared>> -> memref<125x80xf32, #tpu.memory_space<vmem_shared>>
      tpu.enqueue_dma source(%arg20 : memref<125x80xf32, #tpu.memory_space<vmem>>) target(%dma_start3A_129 : memref<125x80xf32, #tpu.memory_space<vmem_shared>>) target_semaphore(%run_scoped3A : memref<!tpu.dma_semaphore, #tpu.memory_space<semaphore_mem>>)
      %dma_wait3A = arith.constant 0 : i32
      %dma_wait3A_130 = tpu.memref_slice %arg21[%add3A_105, %dma_wait3A] : memref<10000x80xf32, #tpu.memory_space<vmem_shared>> -> memref<125x80xf32, #tpu.memory_space<vmem_shared>>
      %dma_wait3A_131 = arith.constant 0 : i32
      %dma_wait3A_132 = tpu.memref_slice %arg21[%add3A_105, %dma_wait3A_131] : memref<10000x80xf32, #tpu.memory_space<vmem_shared>> -> memref<125x80xf32, #tpu.memory_space<vmem_shared>>
      tpu.wait_dma2 semaphore(%run_scoped3A : memref<!tpu.dma_semaphore, #tpu.memory_space<semaphore_mem>>) src(%arg20 : memref<125x80xf32, #tpu.memory_space<vmem>>) dst(%dma_wait3A_132 : memref<125x80xf32, #tpu.memory_space<vmem_shared>>)
      tpu.yield
    }) : () -> ()
    %mul3A_106 = arith.constant 625 : i32
    %mul3A_107 = arith.muli %arg1, %mul3A_106 : i32
    %add3A_108 = arith.constant 375 : i32
    %add3A_109 = arith.addi %mul3A_107, %add3A_108 : i32
    "tpu.region"() ({
      %run_scoped3A = tpu.sem_alloc : memref<!tpu.dma_semaphore, #tpu.memory_space<semaphore_mem>>
      %dma_start3A = arith.constant 0 : i32
      %dma_start3A_127 = tpu.memref_slice %arg21[%add3A_109, %dma_start3A] : memref<10000x80xf32, #tpu.memory_space<vmem_shared>> -> memref<125x80xf32, #tpu.memory_space<vmem_shared>>
      %dma_start3A_128 = arith.constant 0 : i32
      %dma_start3A_129 = tpu.memref_slice %arg21[%add3A_109, %dma_start3A_128] : memref<10000x80xf32, #tpu.memory_space<vmem_shared>> -> memref<125x80xf32, #tpu.memory_space<vmem_shared>>
      tpu.enqueue_dma source(%arg20 : memref<125x80xf32, #tpu.memory_space<vmem>>) target(%dma_start3A_129 : memref<125x80xf32, #tpu.memory_space<vmem_shared>>) target_semaphore(%run_scoped3A : memref<!tpu.dma_semaphore, #tpu.memory_space<semaphore_mem>>)
      %dma_wait3A = arith.constant 0 : i32
      %dma_wait3A_130 = tpu.memref_slice %arg21[%add3A_109, %dma_wait3A] : memref<10000x80xf32, #tpu.memory_space<vmem_shared>> -> memref<125x80xf32, #tpu.memory_space<vmem_shared>>
      %dma_wait3A_131 = arith.constant 0 : i32
      %dma_wait3A_132 = tpu.memref_slice %arg21[%add3A_109, %dma_wait3A_131] : memref<10000x80xf32, #tpu.memory_space<vmem_shared>> -> memref<125x80xf32, #tpu.memory_space<vmem_shared>>
      tpu.wait_dma2 semaphore(%run_scoped3A : memref<!tpu.dma_semaphore, #tpu.memory_space<semaphore_mem>>) src(%arg20 : memref<125x80xf32, #tpu.memory_space<vmem>>) dst(%dma_wait3A_132 : memref<125x80xf32, #tpu.memory_space<vmem_shared>>)
      tpu.yield
    }) : () -> ()
    %mul3A_110 = arith.constant 625 : i32
    %mul3A_111 = arith.muli %arg1, %mul3A_110 : i32
    %add3A_112 = arith.constant 500 : i32
    %add3A_113 = arith.addi %mul3A_111, %add3A_112 : i32
    "tpu.region"() ({
      %run_scoped3A = tpu.sem_alloc : memref<!tpu.dma_semaphore, #tpu.memory_space<semaphore_mem>>
      %dma_start3A = arith.constant 0 : i32
      %dma_start3A_127 = tpu.memref_slice %arg21[%add3A_113, %dma_start3A] : memref<10000x80xf32, #tpu.memory_space<vmem_shared>> -> memref<125x80xf32, #tpu.memory_space<vmem_shared>>
      %dma_start3A_128 = arith.constant 0 : i32
      %dma_start3A_129 = tpu.memref_slice %arg21[%add3A_113, %dma_start3A_128] : memref<10000x80xf32, #tpu.memory_space<vmem_shared>> -> memref<125x80xf32, #tpu.memory_space<vmem_shared>>
      tpu.enqueue_dma source(%arg20 : memref<125x80xf32, #tpu.memory_space<vmem>>) target(%dma_start3A_129 : memref<125x80xf32, #tpu.memory_space<vmem_shared>>) target_semaphore(%run_scoped3A : memref<!tpu.dma_semaphore, #tpu.memory_space<semaphore_mem>>)
      %dma_wait3A = arith.constant 0 : i32
      %dma_wait3A_130 = tpu.memref_slice %arg21[%add3A_113, %dma_wait3A] : memref<10000x80xf32, #tpu.memory_space<vmem_shared>> -> memref<125x80xf32, #tpu.memory_space<vmem_shared>>
      %dma_wait3A_131 = arith.constant 0 : i32
      %dma_wait3A_132 = tpu.memref_slice %arg21[%add3A_113, %dma_wait3A_131] : memref<10000x80xf32, #tpu.memory_space<vmem_shared>> -> memref<125x80xf32, #tpu.memory_space<vmem_shared>>
      tpu.wait_dma2 semaphore(%run_scoped3A : memref<!tpu.dma_semaphore, #tpu.memory_space<semaphore_mem>>) src(%arg20 : memref<125x80xf32, #tpu.memory_space<vmem>>) dst(%dma_wait3A_132 : memref<125x80xf32, #tpu.memory_space<vmem_shared>>)
      tpu.yield
    }) : () -> ()
    %barrier3A_114 = arith.constant 0 : index
    tpu.barrier barrier_id(%barrier3A_114)
    %eq3A_115 = arith.constant 0 : i32
    %eq3A_116 = arith.cmpi eq, %arg0, %eq3A_115 : i32
    %convert_element_type3A_117 = arith.extui %eq3A_116 : i1 to i32
    %cond3A_118 = arith.constant 0 : i32
    %cond3A_119 = arith.cmpi ne, %convert_element_type3A_117, %cond3A_118 : i32
    scf.if %cond3A_119 {
      %scan3A_127 = arith.constant 0 : i32
      %scan3A_128 = arith.constant 0 : i32
      %scan3A_129 = arith.constant 125 : i32
      %scan3A_130 = arith.addi %scan3A_128, %scan3A_129 : i32
      %scan3A_131 = arith.constant 1 : i32
      scf.for %scan3A_139 = %scan3A_128 to %scan3A_130 step %scan3A_131  : i32 {
        %mul3A_140 = arith.constant 80 : i32
        %mul3A_141 = arith.muli %scan3A_139, %mul3A_140 : i32
        %dma_start3A = tpu.memref_slice %arg17[%mul3A_141] : memref<10000xi32, #tpu.memory_space<vmem>> -> memref<80xi32, #tpu.memory_space<vmem>>
        %dma_start3A_142 = arith.constant 0 : i32
        %dma_start3A_143 = arith.constant 0 : i32
        %dma_start3A_144 = tpu.memref_slice %arg4[%dma_start3A_142, %dma_start3A_143] : memref<10000x80xf32, #tpu.memory_space<hbm>> -> memref<10000x80xf32, #tpu.memory_space<hbm>>
        tpu.enqueue_indirect_dma source(%dma_start3A_144 : memref<10000x80xf32, #tpu.memory_space<hbm>>) target(%arg15 : memref<80x80xf32, #tpu.memory_space<vmem>>) offsets(%dma_start3A : memref<80xi32, #tpu.memory_space<vmem>>) semaphore(%arg22 : memref<!tpu.dma_semaphore, #tpu.memory_space<semaphore_mem>>)
        %dma_wait3A_145 = tpu.memref_slice %arg17[%mul3A_141] : memref<10000xi32, #tpu.memory_space<vmem>> -> memref<80xi32, #tpu.memory_space<vmem>>
        %dma_wait3A_146 = arith.constant 0 : i32
        %dma_wait3A_147 = arith.constant 0 : i32
        %dma_wait3A_148 = tpu.memref_slice %arg4[%dma_wait3A_146, %dma_wait3A_147] : memref<10000x80xf32, #tpu.memory_space<hbm>> -> memref<10000x80xf32, #tpu.memory_space<hbm>>
        tpu.wait_indirect_dma semaphore(%arg22 : memref<!tpu.dma_semaphore, #tpu.memory_space<semaphore_mem>>) src(%dma_wait3A_148 : memref<10000x80xf32, #tpu.memory_space<hbm>>) dst(%arg15 : memref<80x80xf32, #tpu.memory_space<vmem>>)
        %gt3A = arith.constant 0 : i32
        %gt3A_149 = arith.cmpi sgt, %scan3A_139, %gt3A : i32
        %convert_element_type3A_150 = arith.extui %gt3A_149 : i1 to i32
        %cond3A_151 = arith.constant 0 : i32
        %cond3A_152 = arith.cmpi ne, %convert_element_type3A_150, %cond3A_151 : i32
        scf.if %cond3A_152 {
          %dma_wait3A_165 = arith.constant 0 : i32
          %dma_wait3A_166 = tpu.memref_slice %arg18[%scan3A_139, %dma_wait3A_165] : memref<125x80xi32, #tpu.memory_space<vmem>> -> memref<1x80xi32, #tpu.memory_space<vmem>>
          %dma_wait3A_167 = tpu.memref_squeeze %dma_wait3A_166 : memref<1x80xi32, #tpu.memory_space<vmem>> -> memref<80xi32, #tpu.memory_space<vmem>>
          %dma_wait3A_168 = arith.constant 0 : i32
          %dma_wait3A_169 = arith.constant 0 : i32
          %dma_wait3A_170 = tpu.memref_slice %arg21[%dma_wait3A_168, %dma_wait3A_169] : memref<10000x80xf32, #tpu.memory_space<vmem_shared>> -> memref<10000x80xf32, #tpu.memory_space<vmem_shared>>
          tpu.wait_indirect_dma semaphore(%arg23 : memref<!tpu.dma_semaphore, #tpu.memory_space<semaphore_mem>>) src(%arg16 : memref<80x80xf32, #tpu.memory_space<vmem>>) dst(%dma_wait3A_170 : memref<10000x80xf32, #tpu.memory_space<vmem_shared>>)
        } else {
        }
        %scan3A_153 = arith.constant 0 : i32
        %scan3A_154 = arith.constant 0 : i32
        %scan3A_155 = arith.constant 80 : i32
        %scan3A_156 = arith.addi %scan3A_154, %scan3A_155 : i32
        %scan3A_157 = arith.constant 2 : i32
        scf.for %scan3A_165 = %scan3A_154 to %scan3A_156 step %scan3A_157  : i32 {
          %add3A_166 = arith.addi %mul3A_141, %scan3A_165 : i32
          %get3A = arith.index_cast %add3A_166 : i32 to index
          %get3A_167 = tpu.vector_load %arg19[%get3A] {strides = array<i32>} : memref<10016xf32, #tpu.memory_space<vmem>>, vector<16xf32>,
          %slice3A = vector.extract_strided_slice %get3A_167 {offsets = [0], sizes = [1], strides = [1]} : vector<16xf32> to vector<1xf32>
          %squeeze3A = vector.extract %slice3A[0] : f32 from vector<1xf32>
          %get3A_168 = arith.index_cast %scan3A_165 : i32 to index
          %get3A_169 = arith.constant 0 : index
          %get3A_170 = tpu.vector_load %arg15[%get3A_168, %get3A_169] {strides = array<i32>} : memref<80x80xf32, #tpu.memory_space<vmem>>, vector<16xf32>,
          %mul3A_171 = vector.broadcast %squeeze3A : f32 to vector<16xf32>
          %mul3A_172 = arith.mulf %get3A_170, %mul3A_171 : vector<16xf32>
          %swap3A = arith.index_cast %scan3A_165 : i32 to index
          %swap3A_173 = arith.constant 0 : index
          %swap3A_174 = tpu.vector_load %arg16[%swap3A, %swap3A_173] {strides = array<i32>} : memref<80x80xf32, #tpu.memory_space<vmem>>, vector<16xf32>,
          tpu.vector_store %arg16[%swap3A, %swap3A_173], %mul3A_172 {strides = array<i32>} : memref<80x80xf32, #tpu.memory_space<vmem>>, vector<16xf32>,
          %get3A_175 = arith.index_cast %scan3A_165 : i32 to index
          %get3A_176 = arith.constant 16 : index
          %get3A_177 = tpu.vector_load %arg15[%get3A_175, %get3A_176] {strides = array<i32>} : memref<80x80xf32, #tpu.memory_space<vmem>>, vector<16xf32>,
          %mul3A_178 = vector.broadcast %squeeze3A : f32 to vector<16xf32>
          %mul3A_179 = arith.mulf %get3A_177, %mul3A_178 : vector<16xf32>
          %swap3A_180 = arith.index_cast %scan3A_165 : i32 to index
          %swap3A_181 = arith.constant 16 : index
          %swap3A_182 = tpu.vector_load %arg16[%swap3A_180, %swap3A_181] {strides = array<i32>} : memref<80x80xf32, #tpu.memory_space<vmem>>, vector<16xf32>,
          tpu.vector_store %arg16[%swap3A_180, %swap3A_181], %mul3A_179 {strides = array<i32>} : memref<80x80xf32, #tpu.memory_space<vmem>>, vector<16xf32>,
          %get3A_183 = arith.index_cast %scan3A_165 : i32 to index
          %get3A_184 = arith.constant 32 : index
          %get3A_185 = tpu.vector_load %arg15[%get3A_183, %get3A_184] {strides = array<i32>} : memref<80x80xf32, #tpu.memory_space<vmem>>, vector<16xf32>,
          %mul3A_186 = vector.broadcast %squeeze3A : f32 to vector<16xf32>
          %mul3A_187 = arith.mulf %get3A_185, %mul3A_186 : vector<16xf32>
          %swap3A_188 = arith.index_cast %scan3A_165 : i32 to index
          %swap3A_189 = arith.constant 32 : index
          %swap3A_190 = tpu.vector_load %arg16[%swap3A_188, %swap3A_189] {strides = array<i32>} : memref<80x80xf32, #tpu.memory_space<vmem>>, vector<16xf32>,
          tpu.vector_store %arg16[%swap3A_188, %swap3A_189], %mul3A_187 {strides = array<i32>} : memref<80x80xf32, #tpu.memory_space<vmem>>, vector<16xf32>,
          %get3A_191 = arith.index_cast %scan3A_165 : i32 to index
          %get3A_192 = arith.constant 48 : index
          %get3A_193 = tpu.vector_load %arg15[%get3A_191, %get3A_192] {strides = array<i32>} : memref<80x80xf32, #tpu.memory_space<vmem>>, vector<16xf32>,
          %mul3A_194 = vector.broadcast %squeeze3A : f32 to vector<16xf32>
          %mul3A_195 = arith.mulf %get3A_193, %mul3A_194 : vector<16xf32>
          %swap3A_196 = arith.index_cast %scan3A_165 : i32 to index
          %swap3A_197 = arith.constant 48 : index
          %swap3A_198 = tpu.vector_load %arg16[%swap3A_196, %swap3A_197] {strides = array<i32>} : memref<80x80xf32, #tpu.memory_space<vmem>>, vector<16xf32>,
          tpu.vector_store %arg16[%swap3A_196, %swap3A_197], %mul3A_195 {strides = array<i32>} : memref<80x80xf32, #tpu.memory_space<vmem>>, vector<16xf32>,
          %get3A_199 = arith.index_cast %scan3A_165 : i32 to index
          %get3A_200 = arith.constant 64 : index
          %get3A_201 = tpu.vector_load %arg15[%get3A_199, %get3A_200] {strides = array<i32>} : memref<80x80xf32, #tpu.memory_space<vmem>>, vector<16xf32>,
          %mul3A_202 = vector.broadcast %squeeze3A : f32 to vector<16xf32>
          %mul3A_203 = arith.mulf %get3A_201, %mul3A_202 : vector<16xf32>
          %swap3A_204 = arith.index_cast %scan3A_165 : i32 to index
          %swap3A_205 = arith.constant 64 : index
          %swap3A_206 = tpu.vector_load %arg16[%swap3A_204, %swap3A_205] {strides = array<i32>} : memref<80x80xf32, #tpu.memory_space<vmem>>, vector<16xf32>,
          tpu.vector_store %arg16[%swap3A_204, %swap3A_205], %mul3A_203 {strides = array<i32>} : memref<80x80xf32, #tpu.memory_space<vmem>>, vector<16xf32>,
          %scan3A_207 = arith.constant 1 : i32
          %scan3A_208 = arith.addi %scan3A_165, %scan3A_207 : i32
          %add3A_209 = arith.addi %mul3A_141, %scan3A_208 : i32
          %get3A_210 = arith.index_cast %add3A_209 : i32 to index
          %get3A_211 = tpu.vector_load %arg19[%get3A_210] {strides = array<i32>} : memref<10016xf32, #tpu.memory_space<vmem>>, vector<16xf32>,
          %slice3A_212 = vector.extract_strided_slice %get3A_211 {offsets = [0], sizes = [1], strides = [1]} : vector<16xf32> to vector<1xf32>
          %squeeze3A_213 = vector.extract %slice3A_212[0] : f32 from vector<1xf32>
          %get3A_214 = arith.index_cast %scan3A_208 : i32 to index
          %get3A_215 = arith.constant 0 : index
          %get3A_216 = tpu.vector_load %arg15[%get3A_214, %get3A_215] {strides = array<i32>} : memref<80x80xf32, #tpu.memory_space<vmem>>, vector<16xf32>,
          %mul3A_217 = vector.broadcast %squeeze3A_213 : f32 to vector<16xf32>
          %mul3A_218 = arith.mulf %get3A_216, %mul3A_217 : vector<16xf32>
          %swap3A_219 = arith.index_cast %scan3A_208 : i32 to index
          %swap3A_220 = arith.constant 0 : index
          %swap3A_221 = tpu.vector_load %arg16[%swap3A_219, %swap3A_220] {strides = array<i32>} : memref<80x80xf32, #tpu.memory_space<vmem>>, vector<16xf32>,
          tpu.vector_store %arg16[%swap3A_219, %swap3A_220], %mul3A_218 {strides = array<i32>} : memref<80x80xf32, #tpu.memory_space<vmem>>, vector<16xf32>,
          %get3A_222 = arith.index_cast %scan3A_208 : i32 to index
          %get3A_223 = arith.constant 16 : index
          %get3A_224 = tpu.vector_load %arg15[%get3A_222, %get3A_223] {strides = array<i32>} : memref<80x80xf32, #tpu.memory_space<vmem>>, vector<16xf32>,
          %mul3A_225 = vector.broadcast %squeeze3A_213 : f32 to vector<16xf32>
          %mul3A_226 = arith.mulf %get3A_224, %mul3A_225 : vector<16xf32>
          %swap3A_227 = arith.index_cast %scan3A_208 : i32 to index
          %swap3A_228 = arith.constant 16 : index
          %swap3A_229 = tpu.vector_load %arg16[%swap3A_227, %swap3A_228] {strides = array<i32>} : memref<80x80xf32, #tpu.memory_space<vmem>>, vector<16xf32>,
          tpu.vector_store %arg16[%swap3A_227, %swap3A_228], %mul3A_226 {strides = array<i32>} : memref<80x80xf32, #tpu.memory_space<vmem>>, vector<16xf32>,
          %get3A_230 = arith.index_cast %scan3A_208 : i32 to index
          %get3A_231 = arith.constant 32 : index
          %get3A_232 = tpu.vector_load %arg15[%get3A_230, %get3A_231] {strides = array<i32>} : memref<80x80xf32, #tpu.memory_space<vmem>>, vector<16xf32>,
          %mul3A_233 = vector.broadcast %squeeze3A_213 : f32 to vector<16xf32>
          %mul3A_234 = arith.mulf %get3A_232, %mul3A_233 : vector<16xf32>
          %swap3A_235 = arith.index_cast %scan3A_208 : i32 to index
          %swap3A_236 = arith.constant 32 : index
          %swap3A_237 = tpu.vector_load %arg16[%swap3A_235, %swap3A_236] {strides = array<i32>} : memref<80x80xf32, #tpu.memory_space<vmem>>, vector<16xf32>,
          tpu.vector_store %arg16[%swap3A_235, %swap3A_236], %mul3A_234 {strides = array<i32>} : memref<80x80xf32, #tpu.memory_space<vmem>>, vector<16xf32>,
          %get3A_238 = arith.index_cast %scan3A_208 : i32 to index
          %get3A_239 = arith.constant 48 : index
          %get3A_240 = tpu.vector_load %arg15[%get3A_238, %get3A_239] {strides = array<i32>} : memref<80x80xf32, #tpu.memory_space<vmem>>, vector<16xf32>,
          %mul3A_241 = vector.broadcast %squeeze3A_213 : f32 to vector<16xf32>
          %mul3A_242 = arith.mulf %get3A_240, %mul3A_241 : vector<16xf32>
          %swap3A_243 = arith.index_cast %scan3A_208 : i32 to index
          %swap3A_244 = arith.constant 48 : index
          %swap3A_245 = tpu.vector_load %arg16[%swap3A_243, %swap3A_244] {strides = array<i32>} : memref<80x80xf32, #tpu.memory_space<vmem>>, vector<16xf32>,
          tpu.vector_store %arg16[%swap3A_243, %swap3A_244], %mul3A_242 {strides = array<i32>} : memref<80x80xf32, #tpu.memory_space<vmem>>, vector<16xf32>,
          %get3A_246 = arith.index_cast %scan3A_208 : i32 to index
          %get3A_247 = arith.constant 64 : index
          %get3A_248 = tpu.vector_load %arg15[%get3A_246, %get3A_247] {strides = array<i32>} : memref<80x80xf32, #tpu.memory_space<vmem>>, vector<16xf32>,
          %mul3A_249 = vector.broadcast %squeeze3A_213 : f32 to vector<16xf32>
          %mul3A_250 = arith.mulf %get3A_248, %mul3A_249 : vector<16xf32>
          %swap3A_251 = arith.index_cast %scan3A_208 : i32 to index
          %swap3A_252 = arith.constant 64 : index
          %swap3A_253 = tpu.vector_load %arg16[%swap3A_251, %swap3A_252] {strides = array<i32>} : memref<80x80xf32, #tpu.memory_space<vmem>>, vector<16xf32>,
          tpu.vector_store %arg16[%swap3A_251, %swap3A_252], %mul3A_250 {strides = array<i32>} : memref<80x80xf32, #tpu.memory_space<vmem>>, vector<16xf32>,
        }
        %scan3A_158 = arith.constant 80 : i32
        %dma_start3A_159 = arith.constant 0 : i32
        %dma_start3A_160 = tpu.memref_slice %arg18[%scan3A_139, %dma_start3A_159] : memref<125x80xi32, #tpu.memory_space<vmem>> -> memref<1x80xi32, #tpu.memory_space<vmem>>
        %dma_start3A_161 = tpu.memref_squeeze %dma_start3A_160 : memref<1x80xi32, #tpu.memory_space<vmem>> -> memref<80xi32, #tpu.memory_space<vmem>>
        %dma_start3A_162 = arith.constant 0 : i32
        %dma_start3A_163 = arith.constant 0 : i32
        %dma_start3A_164 = tpu.memref_slice %arg21[%dma_start3A_162, %dma_start3A_163] : memref<10000x80xf32, #tpu.memory_space<vmem_shared>> -> memref<10000x80xf32, #tpu.memory_space<vmem_shared>>
        tpu.enqueue_indirect_dma source(%arg16 : memref<80x80xf32, #tpu.memory_space<vmem>>) target(%dma_start3A_164 : memref<10000x80xf32, #tpu.memory_space<vmem_shared>>) offsets(%dma_start3A_161 : memref<80xi32, #tpu.memory_space<vmem>>) semaphore(%arg23 : memref<!tpu.dma_semaphore, #tpu.memory_space<semaphore_mem>>) {add = true}
      }
      %scan3A_132 = arith.constant 125 : i32
      %dma_wait3A = arith.constant 0 : i32
      %dma_wait3A_133 = arith.constant 0 : i32
      %dma_wait3A_134 = tpu.memref_slice %arg18[%dma_wait3A, %dma_wait3A_133] : memref<125x80xi32, #tpu.memory_space<vmem>> -> memref<1x80xi32, #tpu.memory_space<vmem>>
      %dma_wait3A_135 = tpu.memref_squeeze %dma_wait3A_134 : memref<1x80xi32, #tpu.memory_space<vmem>> -> memref<80xi32, #tpu.memory_space<vmem>>
      %dma_wait3A_136 = arith.constant 0 : i32
      %dma_wait3A_137 = arith.constant 0 : i32
      %dma_wait3A_138 = tpu.memref_slice %arg21[%dma_wait3A_136, %dma_wait3A_137] : memref<10000x80xf32, #tpu.memory_space<vmem_shared>> -> memref<10000x80xf32, #tpu.memory_space<vmem_shared>>
      tpu.wait_indirect_dma semaphore(%arg23 : memref<!tpu.dma_semaphore, #tpu.memory_space<semaphore_mem>>) src(%arg16 : memref<80x80xf32, #tpu.memory_space<vmem>>) dst(%dma_wait3A_138 : memref<10000x80xf32, #tpu.memory_space<vmem_shared>>)
    } else {
    }
    %barrier3A_120 = arith.constant 0 : index
    tpu.barrier barrier_id(%barrier3A_120)
    %eq3A_121 = arith.constant 0 : i32
    %eq3A_122 = arith.cmpi eq, %arg0, %eq3A_121 : i32
    %convert_element_type3A_123 = arith.extui %eq3A_122 : i1 to i32
    %cond3A_124 = arith.constant 0 : i32
    %cond3A_125 = arith.cmpi ne, %convert_element_type3A_123, %cond3A_124 : i32
    scf.if %cond3A_125 {
      %mul3A_127 = arith.constant 625 : i32
      %mul3A_128 = arith.muli %arg1, %mul3A_127 : i32
      %mul3A_129 = arith.constant 625 : i32
      %mul3A_130 = arith.muli %arg1, %mul3A_129 : i32
      "tpu.region"() ({
        %run_scoped3A = tpu.sem_alloc : memref<!tpu.dma_semaphore, #tpu.memory_space<semaphore_mem>>
        %dma_start3A = arith.constant 0 : i32
        %dma_start3A_131 = tpu.memref_slice %arg12[%mul3A_130, %dma_start3A] : memref<10000x80xf32, #tpu.memory_space<hbm>> -> memref<625x80xf32, #tpu.memory_space<hbm>>
        %dma_start3A_132 = arith.constant 0 : i32
        %dma_start3A_133 = tpu.memref_slice %arg21[%mul3A_128, %dma_start3A_132] : memref<10000x80xf32, #tpu.memory_space<vmem_shared>> -> memref<625x80xf32, #tpu.memory_space<vmem_shared>>
        tpu.enqueue_dma source(%dma_start3A_133 : memref<625x80xf32, #tpu.memory_space<vmem_shared>>) target(%dma_start3A_131 : memref<625x80xf32, #tpu.memory_space<hbm>>) target_semaphore(%run_scoped3A : memref<!tpu.dma_semaphore, #tpu.memory_space<semaphore_mem>>)
        %dma_wait3A = arith.constant 0 : i32
        %dma_wait3A_134 = tpu.memref_slice %arg12[%mul3A_130, %dma_wait3A] : memref<10000x80xf32, #tpu.memory_space<hbm>> -> memref<625x80xf32, #tpu.memory_space<hbm>>
        %dma_wait3A_135 = arith.constant 0 : i32
        %dma_wait3A_136 = tpu.memref_slice %arg21[%mul3A_128, %dma_wait3A_135] : memref<10000x80xf32, #tpu.memory_space<vmem_shared>> -> memref<625x80xf32, #tpu.memory_space<vmem_shared>>
        tpu.wait_dma2 semaphore(%run_scoped3A : memref<!tpu.dma_semaphore, #tpu.memory_space<semaphore_mem>>) src(%dma_wait3A_136 : memref<625x80xf32, #tpu.memory_space<vmem_shared>>) dst(%dma_wait3A_134 : memref<625x80xf32, #tpu.memory_space<hbm>>)
        tpu.yield
      }) : () -> ()
    } else {
    }
    %barrier3A_126 = arith.constant 0 : index
    tpu.barrier barrier_id(%barrier3A_126)
    return
  }
}

#map = affine_map<(d0, d1) -> (0, 0)>
#map1 = affine_map<(d0, d1) -> (0)>
#map2 = affine_map<(d0, d1) -> (0, 0, 0)>
module attributes {stable_mosaic.version = 14 : i64} {
  func.func @_b3_body(%arg0: i32, %arg1: i32, %arg2: memref<10000x16xf32, #tpu.memory_space<hbm>>, %arg3: memref<10000x16xf32, #tpu.memory_space<hbm>>, %arg4: memref<160000xi32, #tpu.memory_space<hbm>>, %arg5: memref<160000xi32, #tpu.memory_space<hbm>>, %arg6: memref<2x10000x16xf32, #tpu.memory_space<hbm>>, %arg7: memref<32x10000xf32, #tpu.memory_space<hbm>>, %arg8: memref<40x16xf32, #tpu.memory_space<vmem>>, %arg9: memref<40x16xf32, #tpu.memory_space<vmem>>, %arg10: memref<40x16xf32, #tpu.memory_space<vmem>>, %arg11: memref<5000xi32, #tpu.memory_space<vmem>>, %arg12: memref<5016xi32, #tpu.memory_space<vmem>>, %arg13: memref<125x40xi32, #tpu.memory_space<vmem>>, %arg14: memref<56xf32, #tpu.memory_space<vmem>>, %arg15: memref<10000xf32, #tpu.memory_space<vmem>>, %arg16: memref<625x16xf32, #tpu.memory_space<vmem>>, %arg17: memref<10000x16xf32, #tpu.memory_space<vmem_shared>>, %arg18: memref<!tpu.dma_semaphore, #tpu.memory_space<semaphore_mem>>, %arg19: memref<!tpu.dma_semaphore, #tpu.memory_space<semaphore_mem>>, %arg20: memref<!tpu.dma_semaphore, #tpu.memory_space<semaphore_mem>>) attributes {dimension_semantics = [#tpu.dimension_semantics<core_parallel>, #tpu.dimension_semantics<subcore_parallel>], iteration_bounds = array<i64: 2, 16>, scalar_prefetch = 0 : i64, scratch_operands = 13 : i64, tpu.core_type = #tpu.core_type<sc_vector_subcore>, window_params = [{transform_indices = #map}, {transform_indices = #map}, {transform_indices = #map1}, {transform_indices = #map1}, {transform_indices = #map2}, {transform_indices = #map}]} {
    %mul3A = arith.constant 2 : i32
    %mul3A_0 = arith.muli %arg1, %mul3A : i32
    %add3A = arith.addi %mul3A_0, %arg0 : i32
    %broadcast_in_dim3A = arith.constant 0.000000e+00 : f32
    %broadcast_in_dim3A_1 = vector.broadcast %broadcast_in_dim3A : f32 to vector<16xf32>
    %mul3A_2 = arith.constant 5000 : i32
    %mul3A_3 = arith.muli %add3A, %mul3A_2 : i32
    "tpu.region"() ({
      %run_scoped3A = tpu.sem_alloc : memref<!tpu.dma_semaphore, #tpu.memory_space<semaphore_mem>>
      %dma_start3A = arith.constant 0 : i32
      %dma_start3A_41 = tpu.memref_slice %arg11[%dma_start3A] : memref<5000xi32, #tpu.memory_space<vmem>> -> memref<5000xi32, #tpu.memory_space<vmem>>
      %dma_start3A_42 = tpu.memref_slice %arg4[%mul3A_3] : memref<160000xi32, #tpu.memory_space<hbm>> -> memref<5000xi32, #tpu.memory_space<hbm>>
      %dma_start3A_43 = arith.constant 0 : i32
      %dma_start3A_44 = tpu.memref_slice %arg11[%dma_start3A_43] : memref<5000xi32, #tpu.memory_space<vmem>> -> memref<5000xi32, #tpu.memory_space<vmem>>
      %dma_start3A_45 = tpu.memref_slice %arg4[%mul3A_3] : memref<160000xi32, #tpu.memory_space<hbm>> -> memref<5000xi32, #tpu.memory_space<hbm>>
      tpu.enqueue_dma source(%dma_start3A_45 : memref<5000xi32, #tpu.memory_space<hbm>>) target(%dma_start3A_44 : memref<5000xi32, #tpu.memory_space<vmem>>) target_semaphore(%run_scoped3A : memref<!tpu.dma_semaphore, #tpu.memory_space<semaphore_mem>>)
      %dma_wait3A_46 = arith.constant 0 : i32
      %dma_wait3A_47 = tpu.memref_slice %arg11[%dma_wait3A_46] : memref<5000xi32, #tpu.memory_space<vmem>> -> memref<5000xi32, #tpu.memory_space<vmem>>
      %dma_wait3A_48 = tpu.memref_slice %arg4[%mul3A_3] : memref<160000xi32, #tpu.memory_space<hbm>> -> memref<5000xi32, #tpu.memory_space<hbm>>
      %dma_wait3A_49 = arith.constant 0 : i32
      %dma_wait3A_50 = tpu.memref_slice %arg11[%dma_wait3A_49] : memref<5000xi32, #tpu.memory_space<vmem>> -> memref<5000xi32, #tpu.memory_space<vmem>>
      %dma_wait3A_51 = tpu.memref_slice %arg4[%mul3A_3] : memref<160000xi32, #tpu.memory_space<hbm>> -> memref<5000xi32, #tpu.memory_space<hbm>>
      tpu.wait_dma2 semaphore(%run_scoped3A : memref<!tpu.dma_semaphore, #tpu.memory_space<semaphore_mem>>) src(%dma_wait3A_51 : memref<5000xi32, #tpu.memory_space<hbm>>) dst(%dma_wait3A_50 : memref<5000xi32, #tpu.memory_space<vmem>>)
      tpu.yield
    }) : () -> ()
    "tpu.region"() ({
      %run_scoped3A = tpu.sem_alloc : memref<!tpu.dma_semaphore, #tpu.memory_space<semaphore_mem>>
      %dma_start3A = arith.constant 0 : i32
      %dma_start3A_41 = tpu.memref_slice %arg12[%dma_start3A] : memref<5016xi32, #tpu.memory_space<vmem>> -> memref<5000xi32, #tpu.memory_space<vmem>>
      %dma_start3A_42 = tpu.memref_slice %arg5[%mul3A_3] : memref<160000xi32, #tpu.memory_space<hbm>> -> memref<5000xi32, #tpu.memory_space<hbm>>
      %dma_start3A_43 = arith.constant 0 : i32
      %dma_start3A_44 = tpu.memref_slice %arg12[%dma_start3A_43] : memref<5016xi32, #tpu.memory_space<vmem>> -> memref<5000xi32, #tpu.memory_space<vmem>>
      %dma_start3A_45 = tpu.memref_slice %arg5[%mul3A_3] : memref<160000xi32, #tpu.memory_space<hbm>> -> memref<5000xi32, #tpu.memory_space<hbm>>
      tpu.enqueue_dma source(%dma_start3A_45 : memref<5000xi32, #tpu.memory_space<hbm>>) target(%dma_start3A_44 : memref<5000xi32, #tpu.memory_space<vmem>>) target_semaphore(%run_scoped3A : memref<!tpu.dma_semaphore, #tpu.memory_space<semaphore_mem>>)
      %dma_wait3A_46 = arith.constant 0 : i32
      %dma_wait3A_47 = tpu.memref_slice %arg12[%dma_wait3A_46] : memref<5016xi32, #tpu.memory_space<vmem>> -> memref<5000xi32, #tpu.memory_space<vmem>>
      %dma_wait3A_48 = tpu.memref_slice %arg5[%mul3A_3] : memref<160000xi32, #tpu.memory_space<hbm>> -> memref<5000xi32, #tpu.memory_space<hbm>>
      %dma_wait3A_49 = arith.constant 0 : i32
      %dma_wait3A_50 = tpu.memref_slice %arg12[%dma_wait3A_49] : memref<5016xi32, #tpu.memory_space<vmem>> -> memref<5000xi32, #tpu.memory_space<vmem>>
      %dma_wait3A_51 = tpu.memref_slice %arg5[%mul3A_3] : memref<160000xi32, #tpu.memory_space<hbm>> -> memref<5000xi32, #tpu.memory_space<hbm>>
      tpu.wait_dma2 semaphore(%run_scoped3A : memref<!tpu.dma_semaphore, #tpu.memory_space<semaphore_mem>>) src(%dma_wait3A_51 : memref<5000xi32, #tpu.memory_space<hbm>>) dst(%dma_wait3A_50 : memref<5000xi32, #tpu.memory_space<vmem>>)
      tpu.yield
    }) : () -> ()
    %scan3A = arith.constant 0 : i32
    %scan3A_4 = arith.constant 0 : i32
    %scan3A_5 = arith.constant 125 : i32
    %scan3A_6 = arith.addi %scan3A_4, %scan3A_5 : i32
    %scan3A_7 = arith.constant 1 : i32
    scf.for %scan3A_41 = %scan3A_4 to %scan3A_6 step %scan3A_7  : i32 {
      %mul3A_42 = arith.constant 40 : i32
      %mul3A_43 = arith.muli %scan3A_41, %mul3A_42 : i32
      %add3A_44 = arith.addi %mul3A_3, %mul3A_43 : i32
      "tpu.region"() ({
        %run_scoped3A = tpu.sem_alloc : memref<!tpu.dma_semaphore, #tpu.memory_space<semaphore_mem>>
        %dma_start3A = arith.constant 0 : i32
        %dma_start3A_45 = tpu.memref_slice %arg13[%scan3A_41, %dma_start3A] : memref<125x40xi32, #tpu.memory_space<vmem>> -> memref<1x40xi32, #tpu.memory_space<vmem>>
        %dma_start3A_46 = tpu.memref_squeeze %dma_start3A_45 : memref<1x40xi32, #tpu.memory_space<vmem>> -> memref<40xi32, #tpu.memory_space<vmem>>
        %dma_start3A_47 = tpu.memref_slice %arg5[%add3A_44] : memref<160000xi32, #tpu.memory_space<hbm>> -> memref<40xi32, #tpu.memory_space<hbm>>
        %dma_start3A_48 = arith.constant 0 : i32
        %dma_start3A_49 = tpu.memref_slice %arg13[%scan3A_41, %dma_start3A_48] : memref<125x40xi32, #tpu.memory_space<vmem>> -> memref<1x40xi32, #tpu.memory_space<vmem>>
        %dma_start3A_50 = tpu.memref_squeeze %dma_start3A_49 : memref<1x40xi32, #tpu.memory_space<vmem>> -> memref<40xi32, #tpu.memory_space<vmem>>
        %dma_start3A_51 = tpu.memref_slice %arg5[%add3A_44] : memref<160000xi32, #tpu.memory_space<hbm>> -> memref<40xi32, #tpu.memory_space<hbm>>
        tpu.enqueue_dma source(%dma_start3A_51 : memref<40xi32, #tpu.memory_space<hbm>>) target(%dma_start3A_50 : memref<40xi32, #tpu.memory_space<vmem>>) target_semaphore(%run_scoped3A : memref<!tpu.dma_semaphore, #tpu.memory_space<semaphore_mem>>)
        %dma_wait3A_52 = arith.constant 0 : i32
        %dma_wait3A_53 = tpu.memref_slice %arg13[%scan3A_41, %dma_wait3A_52] : memref<125x40xi32, #tpu.memory_space<vmem>> -> memref<1x40xi32, #tpu.memory_space<vmem>>
        %dma_wait3A_54 = tpu.memref_squeeze %dma_wait3A_53 : memref<1x40xi32, #tpu.memory_space<vmem>> -> memref<40xi32, #tpu.memory_space<vmem>>
        %dma_wait3A_55 = tpu.memref_slice %arg5[%add3A_44] : memref<160000xi32, #tpu.memory_space<hbm>> -> memref<40xi32, #tpu.memory_space<hbm>>
        %dma_wait3A_56 = arith.constant 0 : i32
        %dma_wait3A_57 = tpu.memref_slice %arg13[%scan3A_41, %dma_wait3A_56] : memref<125x40xi32, #tpu.memory_space<vmem>> -> memref<1x40xi32, #tpu.memory_space<vmem>>
        %dma_wait3A_58 = tpu.memref_squeeze %dma_wait3A_57 : memref<1x40xi32, #tpu.memory_space<vmem>> -> memref<40xi32, #tpu.memory_space<vmem>>
        %dma_wait3A_59 = tpu.memref_slice %arg5[%add3A_44] : memref<160000xi32, #tpu.memory_space<hbm>> -> memref<40xi32, #tpu.memory_space<hbm>>
        tpu.wait_dma2 semaphore(%run_scoped3A : memref<!tpu.dma_semaphore, #tpu.memory_space<semaphore_mem>>) src(%dma_wait3A_59 : memref<40xi32, #tpu.memory_space<hbm>>) dst(%dma_wait3A_58 : memref<40xi32, #tpu.memory_space<vmem>>)
        tpu.yield
      }) : () -> ()
    }
    %scan3A_8 = arith.constant 125 : i32
    %scan3A_9 = arith.constant 0 : i32
    %scan3A_10 = arith.constant 0 : i32
    %scan3A_11 = arith.constant 625 : i32
    %scan3A_12 = arith.addi %scan3A_10, %scan3A_11 : i32
    %scan3A_13 = arith.constant 1 : i32
    scf.for %scan3A_41 = %scan3A_10 to %scan3A_12 step %scan3A_13  : i32 {
      %mul3A_42 = arith.constant 16 : i32
      %mul3A_43 = arith.muli %scan3A_41, %mul3A_42 : i32
      %swap3A = arith.index_cast %mul3A_43 : i32 to index
      %swap3A_44 = tpu.vector_load %arg15[%swap3A] {strides = array<i32>} : memref<10000xf32, #tpu.memory_space<vmem>>, vector<16xf32>,
      tpu.vector_store %arg15[%swap3A], %broadcast_in_dim3A_1 {strides = array<i32>} : memref<10000xf32, #tpu.memory_space<vmem>>, vector<16xf32>,
    }
    %scan3A_14 = arith.constant 625 : i32
    %scan3A_15 = arith.constant 0 : i32
    %scan3A_16 = arith.constant 0 : i32
    %scan3A_17 = arith.constant 625 : i32
    %scan3A_18 = arith.addi %scan3A_16, %scan3A_17 : i32
    %scan3A_19 = arith.constant 1 : i32
    scf.for %scan3A_41 = %scan3A_16 to %scan3A_18 step %scan3A_19  : i32 {
      %swap3A = arith.index_cast %scan3A_41 : i32 to index
      %swap3A_42 = arith.constant 0 : index
      %swap3A_43 = tpu.vector_load %arg16[%swap3A, %swap3A_42] {strides = array<i32>} : memref<625x16xf32, #tpu.memory_space<vmem>>, vector<16xf32>,
      tpu.vector_store %arg16[%swap3A, %swap3A_42], %broadcast_in_dim3A_1 {strides = array<i32>} : memref<625x16xf32, #tpu.memory_space<vmem>>, vector<16xf32>,
    }
    %scan3A_20 = arith.constant 625 : i32
    %mul3A_21 = arith.constant 625 : i32
    %mul3A_22 = arith.muli %arg1, %mul3A_21 : i32
    "tpu.region"() ({
      %run_scoped3A = tpu.sem_alloc : memref<!tpu.dma_semaphore, #tpu.memory_space<semaphore_mem>>
      %dma_start3A = arith.constant 0 : i32
      %dma_start3A_41 = tpu.memref_slice %arg17[%mul3A_22, %dma_start3A] : memref<10000x16xf32, #tpu.memory_space<vmem_shared>> -> memref<625x16xf32, #tpu.memory_space<vmem_shared>>
      %dma_start3A_42 = arith.constant 0 : i32
      %dma_start3A_43 = tpu.memref_slice %arg17[%mul3A_22, %dma_start3A_42] : memref<10000x16xf32, #tpu.memory_space<vmem_shared>> -> memref<625x16xf32, #tpu.memory_space<vmem_shared>>
      tpu.enqueue_dma source(%arg16 : memref<625x16xf32, #tpu.memory_space<vmem>>) target(%dma_start3A_43 : memref<625x16xf32, #tpu.memory_space<vmem_shared>>) target_semaphore(%run_scoped3A : memref<!tpu.dma_semaphore, #tpu.memory_space<semaphore_mem>>)
      %dma_wait3A_44 = arith.constant 0 : i32
      %dma_wait3A_45 = tpu.memref_slice %arg17[%mul3A_22, %dma_wait3A_44] : memref<10000x16xf32, #tpu.memory_space<vmem_shared>> -> memref<625x16xf32, #tpu.memory_space<vmem_shared>>
      %dma_wait3A_46 = arith.constant 0 : i32
      %dma_wait3A_47 = tpu.memref_slice %arg17[%mul3A_22, %dma_wait3A_46] : memref<10000x16xf32, #tpu.memory_space<vmem_shared>> -> memref<625x16xf32, #tpu.memory_space<vmem_shared>>
      tpu.wait_dma2 semaphore(%run_scoped3A : memref<!tpu.dma_semaphore, #tpu.memory_space<semaphore_mem>>) src(%arg16 : memref<625x16xf32, #tpu.memory_space<vmem>>) dst(%dma_wait3A_47 : memref<625x16xf32, #tpu.memory_space<vmem_shared>>)
      tpu.yield
    }) : () -> ()
    %barrier3A = arith.constant 0 : index
    tpu.barrier barrier_id(%barrier3A)
    %iota3A = tpu.iota {dimensions = array<i32: 0>} : vector<16xi32>
    %scan3A_23 = arith.constant 0 : i32
    %scan3A_24 = arith.constant 5.000000e-01 : f32
    %scan3A_25 = arith.constant 0 : i32
    %scan3A_26 = arith.constant 125 : i32
    %scan3A_27 = arith.addi %scan3A_25, %scan3A_26 : i32
    %scan3A_28 = arith.constant 1 : i32
    scf.for %scan3A_41 = %scan3A_25 to %scan3A_27 step %scan3A_28  : i32 {
      %mul3A_42 = arith.constant 40 : i32
      %mul3A_43 = arith.muli %scan3A_41, %mul3A_42 : i32
      %dma_start3A = tpu.memref_slice %arg12[%mul3A_43] : memref<5016xi32, #tpu.memory_space<vmem>> -> memref<40xi32, #tpu.memory_space<vmem>>
      %dma_start3A_44 = arith.constant 0 : i32
      %dma_start3A_45 = arith.constant 0 : i32
      %dma_start3A_46 = tpu.memref_slice %arg2[%dma_start3A_44, %dma_start3A_45] : memref<10000x16xf32, #tpu.memory_space<hbm>> -> memref<10000x16xf32, #tpu.memory_space<hbm>>
      tpu.enqueue_indirect_dma source(%dma_start3A_46 : memref<10000x16xf32, #tpu.memory_space<hbm>>) target(%arg8 : memref<40x16xf32, #tpu.memory_space<vmem>>) offsets(%dma_start3A : memref<40xi32, #tpu.memory_space<vmem>>) semaphore(%arg18 : memref<!tpu.dma_semaphore, #tpu.memory_space<semaphore_mem>>)
      %dma_start3A_47 = tpu.memref_slice %arg11[%mul3A_43] : memref<5000xi32, #tpu.memory_space<vmem>> -> memref<40xi32, #tpu.memory_space<vmem>>
      %dma_start3A_48 = arith.constant 0 : i32
      %dma_start3A_49 = arith.constant 0 : i32
      %dma_start3A_50 = tpu.memref_slice %arg3[%dma_start3A_48, %dma_start3A_49] : memref<10000x16xf32, #tpu.memory_space<hbm>> -> memref<10000x16xf32, #tpu.memory_space<hbm>>
      tpu.enqueue_indirect_dma source(%dma_start3A_50 : memref<10000x16xf32, #tpu.memory_space<hbm>>) target(%arg9 : memref<40x16xf32, #tpu.memory_space<vmem>>) offsets(%dma_start3A_47 : memref<40xi32, #tpu.memory_space<vmem>>) semaphore(%arg19 : memref<!tpu.dma_semaphore, #tpu.memory_space<semaphore_mem>>)
      %dma_wait3A_51 = tpu.memref_slice %arg12[%mul3A_43] : memref<5016xi32, #tpu.memory_space<vmem>> -> memref<40xi32, #tpu.memory_space<vmem>>
      %dma_wait3A_52 = arith.constant 0 : i32
      %dma_wait3A_53 = arith.constant 0 : i32
      %dma_wait3A_54 = tpu.memref_slice %arg2[%dma_wait3A_52, %dma_wait3A_53] : memref<10000x16xf32, #tpu.memory_space<hbm>> -> memref<10000x16xf32, #tpu.memory_space<hbm>>
      tpu.wait_indirect_dma semaphore(%arg18 : memref<!tpu.dma_semaphore, #tpu.memory_space<semaphore_mem>>) src(%dma_wait3A_54 : memref<10000x16xf32, #tpu.memory_space<hbm>>) dst(%arg8 : memref<40x16xf32, #tpu.memory_space<vmem>>)
      %dma_wait3A_55 = tpu.memref_slice %arg11[%mul3A_43] : memref<5000xi32, #tpu.memory_space<vmem>> -> memref<40xi32, #tpu.memory_space<vmem>>
      %dma_wait3A_56 = arith.constant 0 : i32
      %dma_wait3A_57 = arith.constant 0 : i32
      %dma_wait3A_58 = tpu.memref_slice %arg3[%dma_wait3A_56, %dma_wait3A_57] : memref<10000x16xf32, #tpu.memory_space<hbm>> -> memref<10000x16xf32, #tpu.memory_space<hbm>>
      tpu.wait_indirect_dma semaphore(%arg19 : memref<!tpu.dma_semaphore, #tpu.memory_space<semaphore_mem>>) src(%dma_wait3A_58 : memref<10000x16xf32, #tpu.memory_space<hbm>>) dst(%arg9 : memref<40x16xf32, #tpu.memory_space<vmem>>)
      %gt3A = arith.constant 0 : i32
      %gt3A_59 = arith.cmpi sgt, %scan3A_41, %gt3A : i32
      %convert_element_type3A = arith.extui %gt3A_59 : i1 to i32
      %cond3A = arith.constant 0 : i32
      %cond3A_60 = arith.cmpi ne, %convert_element_type3A, %cond3A : i32
      scf.if %cond3A_60 {
        %dma_wait3A_126 = arith.constant 0 : i32
        %dma_wait3A_127 = tpu.memref_slice %arg13[%scan3A_41, %dma_wait3A_126] : memref<125x40xi32, #tpu.memory_space<vmem>> -> memref<1x40xi32, #tpu.memory_space<vmem>>
        %dma_wait3A_128 = tpu.memref_squeeze %dma_wait3A_127 : memref<1x40xi32, #tpu.memory_space<vmem>> -> memref<40xi32, #tpu.memory_space<vmem>>
        %dma_wait3A_129 = arith.constant 0 : i32
        %dma_wait3A_130 = arith.constant 0 : i32
        %dma_wait3A_131 = tpu.memref_slice %arg17[%dma_wait3A_129, %dma_wait3A_130] : memref<10000x16xf32, #tpu.memory_space<vmem_shared>> -> memref<10000x16xf32, #tpu.memory_space<vmem_shared>>
        tpu.wait_indirect_dma semaphore(%arg20 : memref<!tpu.dma_semaphore, #tpu.memory_space<semaphore_mem>>) src(%arg10 : memref<40x16xf32, #tpu.memory_space<vmem>>) dst(%dma_wait3A_131 : memref<10000x16xf32, #tpu.memory_space<vmem_shared>>)
      } else {
      }
      %scan3A_61 = arith.constant 0 : i32
      %scan3A_62 = arith.constant 0 : i32
      %scan3A_63 = arith.constant 40 : i32
      %scan3A_64 = arith.addi %scan3A_62, %scan3A_63 : i32
      %scan3A_65 = arith.constant 1 : i32
      scf.for %scan3A_126 = %scan3A_62 to %scan3A_64 step %scan3A_65  : i32 {
        %get3A_127 = arith.index_cast %scan3A_126 : i32 to index
        %get3A_128 = arith.constant 0 : index
        %get3A_129 = tpu.vector_load %arg8[%get3A_127, %get3A_128] {strides = array<i32>} : memref<40x16xf32, #tpu.memory_space<vmem>>, vector<16xf32>,
        %get3A_130 = arith.index_cast %scan3A_126 : i32 to index
        %get3A_131 = arith.constant 0 : index
        %get3A_132 = tpu.vector_load %arg9[%get3A_130, %get3A_131] {strides = array<i32>} : memref<40x16xf32, #tpu.memory_space<vmem>>, vector<16xf32>,
        %mul3A_133 = arith.mulf %get3A_129, %get3A_132 : vector<16xf32>
        %reduce_sum3A = arith.constant true
        %reduce_sum3A_134 = vector.broadcast %reduce_sum3A : i1 to vector<16xi1>
        %reduce_sum3A_135 = tpu.scan <sum>, %mul3A_133 masked %reduce_sum3A_134 : vector<16xf32>, vector<16xi1> -> vector<16xf32>
        %reduce_sum3A_136 = vector.extract %reduce_sum3A_135[15] : f32 from vector<16xf32>
        %jit3A = arith.constant 16 : i32
        %div3A = arith.divsi %scan3A_126, %jit3A : i32
        %sign3A = arith.constant 0 : i32
        %sign3A_137 = arith.cmpi sgt, %scan3A_126, %sign3A : i32
        %sign3A_138 = arith.extui %sign3A_137 : i1 to i32
        %sign3A_139 = arith.constant 0 : i32
        %sign3A_140 = arith.cmpi slt, %scan3A_126, %sign3A_139 : i32
        %sign3A_141 = arith.extui %sign3A_140 : i1 to i32
        %sign3A_142 = arith.subi %sign3A_138, %sign3A_141 : i32
        %sign3A_143 = arith.constant 0 : i32
        %sign3A_144 = arith.cmpi sgt, %jit3A, %sign3A_143 : i32
        %sign3A_145 = arith.extui %sign3A_144 : i1 to i32
        %sign3A_146 = arith.constant 0 : i32
        %sign3A_147 = arith.cmpi slt, %jit3A, %sign3A_146 : i32
        %sign3A_148 = arith.extui %sign3A_147 : i1 to i32
        %sign3A_149 = arith.subi %sign3A_145, %sign3A_148 : i32
        %ne3A = arith.cmpi ne, %sign3A_142, %sign3A_149 : i32
        %rem3A = arith.remsi %scan3A_126, %jit3A : i32
        %ne3A_150 = arith.constant 0 : i32
        %ne3A_151 = arith.cmpi ne, %rem3A, %ne3A_150 : i32
        %and3A = arith.andi %ne3A, %ne3A_151 : i1
        %sub3A = arith.constant 1 : i32
        %sub3A_152 = arith.subi %div3A, %sub3A : i32
        %select_n3A = arith.select %and3A, %sub3A_152, %div3A : i32
        %mul3A_153 = arith.constant 16 : i32
        %mul3A_154 = arith.muli %select_n3A, %mul3A_153 : i32
        %get3A_155 = arith.index_cast %mul3A_154 : i32 to index
        %get3A_156 = tpu.vector_load %arg14[%get3A_155] {strides = array<i32>} : memref<56xf32, #tpu.memory_space<vmem>>, vector<16xf32>,
        %sub3A_157 = arith.subi %scan3A_126, %mul3A_154 : i32
        %eq3A = vector.broadcast %sub3A_157 : i32 to vector<16xi32>
        %eq3A_158 = arith.cmpi eq, %iota3A, %eq3A : vector<16xi32>
        %broadcast_in_dim3A_159 = vector.broadcast %reduce_sum3A_136 : f32 to vector<16xf32>
        %select_n3A_160 = arith.select %eq3A_158, %broadcast_in_dim3A_159, %get3A_156 : vector<16xi1>, vector<16xf32>
        %swap3A_161 = arith.index_cast %mul3A_154 : i32 to index
        %swap3A_162 = tpu.vector_load %arg14[%swap3A_161] {strides = array<i32>} : memref<56xf32, #tpu.memory_space<vmem>>, vector<16xf32>,
        tpu.vector_store %arg14[%swap3A_161], %select_n3A_160 {strides = array<i32>} : memref<56xf32, #tpu.memory_space<vmem>>, vector<16xf32>,
      }
      %scan3A_66 = arith.constant 40 : i32
      %get3A = arith.constant 0 : index
      %get3A_67 = tpu.vector_load %arg14[%get3A] {strides = array<i32>} : memref<56xf32, #tpu.memory_space<vmem>>, vector<16xf32>,
      %mul3A_68 = vector.broadcast %scan3A_24 : f32 to vector<16xf32>
      %mul3A_69 = arith.mulf %get3A_67, %mul3A_68 : vector<16xf32>
      %exp3A = math.exp %mul3A_69 : vector<16xf32>
      %swap3A = arith.constant 0 : index
      %swap3A_70 = tpu.vector_load %arg14[%swap3A] {strides = array<i32>} : memref<56xf32, #tpu.memory_space<vmem>>, vector<16xf32>,
      tpu.vector_store %arg14[%swap3A], %exp3A {strides = array<i32>} : memref<56xf32, #tpu.memory_space<vmem>>, vector<16xf32>,
      %add3A_71 = arith.constant 0 : i32
      %add3A_72 = vector.broadcast %add3A_71 : i32 to vector<16xi32>
      %add3A_73 = arith.addi %iota3A, %add3A_72 : vector<16xi32>
      %lt3A = arith.constant 40 : i32
      %lt3A_74 = vector.broadcast %lt3A : i32 to vector<16xi32>
      %lt3A_75 = arith.cmpi slt, %add3A_73, %lt3A_74 : vector<16xi32>
      %add3A_76 = arith.constant 0 : i32
      %add3A_77 = arith.addi %mul3A_43, %add3A_76 : i32
      %get3A_78 = arith.index_cast %add3A_77 : i32 to index
      %get3A_79 = tpu.vector_load %arg12[%get3A_78] {strides = array<i32>} : memref<5016xi32, #tpu.memory_space<vmem>>, vector<16xi32>,
      tpu.vector_store_idx %arg15[%get3A_79], %exp3A masked %lt3A_75 {add = true} : memref<10000xf32, #tpu.memory_space<vmem>>[vector<16xi32>], vector<16xf32>, vector<16xi1>
      %get3A_80 = arith.constant 16 : index
      %get3A_81 = tpu.vector_load %arg14[%get3A_80] {strides = array<i32>} : memref<56xf32, #tpu.memory_space<vmem>>, vector<16xf32>,
      %mul3A_82 = vector.broadcast %scan3A_24 : f32 to vector<16xf32>
      %mul3A_83 = arith.mulf %get3A_81, %mul3A_82 : vector<16xf32>
      %exp3A_84 = math.exp %mul3A_83 : vector<16xf32>
      %swap3A_85 = arith.constant 16 : index
      %swap3A_86 = tpu.vector_load %arg14[%swap3A_85] {strides = array<i32>} : memref<56xf32, #tpu.memory_space<vmem>>, vector<16xf32>,
      tpu.vector_store %arg14[%swap3A_85], %exp3A_84 {strides = array<i32>} : memref<56xf32, #tpu.memory_space<vmem>>, vector<16xf32>,
      %add3A_87 = arith.constant 16 : i32
      %add3A_88 = vector.broadcast %add3A_87 : i32 to vector<16xi32>
      %add3A_89 = arith.addi %iota3A, %add3A_88 : vector<16xi32>
      %lt3A_90 = arith.constant 40 : i32
      %lt3A_91 = vector.broadcast %lt3A_90 : i32 to vector<16xi32>
      %lt3A_92 = arith.cmpi slt, %add3A_89, %lt3A_91 : vector<16xi32>
      %add3A_93 = arith.constant 16 : i32
      %add3A_94 = arith.addi %mul3A_43, %add3A_93 : i32
      %get3A_95 = arith.index_cast %add3A_94 : i32 to index
      %get3A_96 = tpu.vector_load %arg12[%get3A_95] {strides = array<i32>} : memref<5016xi32, #tpu.memory_space<vmem>>, vector<16xi32>,
      tpu.vector_store_idx %arg15[%get3A_96], %exp3A_84 masked %lt3A_92 {add = true} : memref<10000xf32, #tpu.memory_space<vmem>>[vector<16xi32>], vector<16xf32>, vector<16xi1>
      %get3A_97 = arith.constant 32 : index
      %get3A_98 = tpu.vector_load %arg14[%get3A_97] {strides = array<i32>} : memref<56xf32, #tpu.memory_space<vmem>>, vector<16xf32>,
      %mul3A_99 = vector.broadcast %scan3A_24 : f32 to vector<16xf32>
      %mul3A_100 = arith.mulf %get3A_98, %mul3A_99 : vector<16xf32>
      %exp3A_101 = math.exp %mul3A_100 : vector<16xf32>
      %swap3A_102 = arith.constant 32 : index
      %swap3A_103 = tpu.vector_load %arg14[%swap3A_102] {strides = array<i32>} : memref<56xf32, #tpu.memory_space<vmem>>, vector<16xf32>,
      tpu.vector_store %arg14[%swap3A_102], %exp3A_101 {strides = array<i32>} : memref<56xf32, #tpu.memory_space<vmem>>, vector<16xf32>,
      %add3A_104 = arith.constant 32 : i32
      %add3A_105 = vector.broadcast %add3A_104 : i32 to vector<16xi32>
      %add3A_106 = arith.addi %iota3A, %add3A_105 : vector<16xi32>
      %lt3A_107 = arith.constant 40 : i32
      %lt3A_108 = vector.broadcast %lt3A_107 : i32 to vector<16xi32>
      %lt3A_109 = arith.cmpi slt, %add3A_106, %lt3A_108 : vector<16xi32>
      %add3A_110 = arith.constant 32 : i32
      %add3A_111 = arith.addi %mul3A_43, %add3A_110 : i32
      %get3A_112 = arith.index_cast %add3A_111 : i32 to index
      %get3A_113 = tpu.vector_load %arg12[%get3A_112] {strides = array<i32>} : memref<5016xi32, #tpu.memory_space<vmem>>, vector<16xi32>,
      tpu.vector_store_idx %arg15[%get3A_113], %exp3A_101 masked %lt3A_109 {add = true} : memref<10000xf32, #tpu.memory_space<vmem>>[vector<16xi32>], vector<16xf32>, vector<16xi1>
      %scan3A_114 = arith.constant 0 : i32
      %scan3A_115 = arith.constant 0 : i32
      %scan3A_116 = arith.constant 40 : i32
      %scan3A_117 = arith.addi %scan3A_115, %scan3A_116 : i32
      %scan3A_118 = arith.constant 2 : i32
      scf.for %scan3A_126 = %scan3A_115 to %scan3A_117 step %scan3A_118  : i32 {
        %get3A_127 = arith.index_cast %scan3A_126 : i32 to index
        %get3A_128 = tpu.vector_load %arg14[%get3A_127] {strides = array<i32>} : memref<56xf32, #tpu.memory_space<vmem>>, vector<16xf32>,
        %slice3A = vector.extract_strided_slice %get3A_128 {offsets = [0], sizes = [1], strides = [1]} : vector<16xf32> to vector<1xf32>
        %squeeze3A = vector.extract %slice3A[0] : f32 from vector<1xf32>
        %get3A_129 = arith.index_cast %scan3A_126 : i32 to index
        %get3A_130 = arith.constant 0 : index
        %get3A_131 = tpu.vector_load %arg9[%get3A_129, %get3A_130] {strides = array<i32>} : memref<40x16xf32, #tpu.memory_space<vmem>>, vector<16xf32>,
        %mul3A_132 = vector.broadcast %squeeze3A : f32 to vector<16xf32>
        %mul3A_133 = arith.mulf %get3A_131, %mul3A_132 : vector<16xf32>
        %swap3A_134 = arith.index_cast %scan3A_126 : i32 to index
        %swap3A_135 = arith.constant 0 : index
        %swap3A_136 = tpu.vector_load %arg10[%swap3A_134, %swap3A_135] {strides = array<i32>} : memref<40x16xf32, #tpu.memory_space<vmem>>, vector<16xf32>,
        tpu.vector_store %arg10[%swap3A_134, %swap3A_135], %mul3A_133 {strides = array<i32>} : memref<40x16xf32, #tpu.memory_space<vmem>>, vector<16xf32>,
        %scan3A_137 = arith.constant 1 : i32
        %scan3A_138 = arith.addi %scan3A_126, %scan3A_137 : i32
        %get3A_139 = arith.index_cast %scan3A_138 : i32 to index
        %get3A_140 = tpu.vector_load %arg14[%get3A_139] {strides = array<i32>} : memref<56xf32, #tpu.memory_space<vmem>>, vector<16xf32>,
        %slice3A_141 = vector.extract_strided_slice %get3A_140 {offsets = [0], sizes = [1], strides = [1]} : vector<16xf32> to vector<1xf32>
        %squeeze3A_142 = vector.extract %slice3A_141[0] : f32 from vector<1xf32>
        %get3A_143 = arith.index_cast %scan3A_138 : i32 to index
        %get3A_144 = arith.constant 0 : index
        %get3A_145 = tpu.vector_load %arg9[%get3A_143, %get3A_144] {strides = array<i32>} : memref<40x16xf32, #tpu.memory_space<vmem>>, vector<16xf32>,
        %mul3A_146 = vector.broadcast %squeeze3A_142 : f32 to vector<16xf32>
        %mul3A_147 = arith.mulf %get3A_145, %mul3A_146 : vector<16xf32>
        %swap3A_148 = arith.index_cast %scan3A_138 : i32 to index
        %swap3A_149 = arith.constant 0 : index
        %swap3A_150 = tpu.vector_load %arg10[%swap3A_148, %swap3A_149] {strides = array<i32>} : memref<40x16xf32, #tpu.memory_space<vmem>>, vector<16xf32>,
        tpu.vector_store %arg10[%swap3A_148, %swap3A_149], %mul3A_147 {strides = array<i32>} : memref<40x16xf32, #tpu.memory_space<vmem>>, vector<16xf32>,
      }
      %scan3A_119 = arith.constant 40 : i32
      %dma_start3A_120 = arith.constant 0 : i32
      %dma_start3A_121 = tpu.memref_slice %arg13[%scan3A_41, %dma_start3A_120] : memref<125x40xi32, #tpu.memory_space<vmem>> -> memref<1x40xi32, #tpu.memory_space<vmem>>
      %dma_start3A_122 = tpu.memref_squeeze %dma_start3A_121 : memref<1x40xi32, #tpu.memory_space<vmem>> -> memref<40xi32, #tpu.memory_space<vmem>>
      %dma_start3A_123 = arith.constant 0 : i32
      %dma_start3A_124 = arith.constant 0 : i32
      %dma_start3A_125 = tpu.memref_slice %arg17[%dma_start3A_123, %dma_start3A_124] : memref<10000x16xf32, #tpu.memory_space<vmem_shared>> -> memref<10000x16xf32, #tpu.memory_space<vmem_shared>>
      tpu.enqueue_indirect_dma source(%arg10 : memref<40x16xf32, #tpu.memory_space<vmem>>) target(%dma_start3A_125 : memref<10000x16xf32, #tpu.memory_space<vmem_shared>>) offsets(%dma_start3A_122 : memref<40xi32, #tpu.memory_space<vmem>>) semaphore(%arg20 : memref<!tpu.dma_semaphore, #tpu.memory_space<semaphore_mem>>) {add = true}
    }
    %scan3A_29 = arith.constant 125 : i32
    %dma_wait3A = arith.constant 0 : i32
    %dma_wait3A_30 = arith.constant 0 : i32
    %dma_wait3A_31 = tpu.memref_slice %arg13[%dma_wait3A, %dma_wait3A_30] : memref<125x40xi32, #tpu.memory_space<vmem>> -> memref<1x40xi32, #tpu.memory_space<vmem>>
    %dma_wait3A_32 = tpu.memref_squeeze %dma_wait3A_31 : memref<1x40xi32, #tpu.memory_space<vmem>> -> memref<40xi32, #tpu.memory_space<vmem>>
    %dma_wait3A_33 = arith.constant 0 : i32
    %dma_wait3A_34 = arith.constant 0 : i32
    %dma_wait3A_35 = tpu.memref_slice %arg17[%dma_wait3A_33, %dma_wait3A_34] : memref<10000x16xf32, #tpu.memory_space<vmem_shared>> -> memref<10000x16xf32, #tpu.memory_space<vmem_shared>>
    tpu.wait_indirect_dma semaphore(%arg20 : memref<!tpu.dma_semaphore, #tpu.memory_space<semaphore_mem>>) src(%arg10 : memref<40x16xf32, #tpu.memory_space<vmem>>) dst(%dma_wait3A_35 : memref<10000x16xf32, #tpu.memory_space<vmem_shared>>)
    %barrier3A_36 = arith.constant 0 : index
    tpu.barrier barrier_id(%barrier3A_36)
    %mul3A_37 = arith.constant 625 : i32
    %mul3A_38 = arith.muli %arg1, %mul3A_37 : i32
    %mul3A_39 = arith.constant 625 : i32
    %mul3A_40 = arith.muli %arg1, %mul3A_39 : i32
    "tpu.region"() ({
      %run_scoped3A = tpu.sem_alloc : memref<!tpu.dma_semaphore, #tpu.memory_space<semaphore_mem>>
      %dma_start3A = arith.constant 0 : i32
      %dma_start3A_41 = tpu.memref_slice %arg6[%arg0, %mul3A_40, %dma_start3A] : memref<2x10000x16xf32, #tpu.memory_space<hbm>> -> memref<1x625x16xf32, #tpu.memory_space<hbm>>
      %dma_start3A_42 = tpu.memref_squeeze %dma_start3A_41 : memref<1x625x16xf32, #tpu.memory_space<hbm>> -> memref<625x16xf32, #tpu.memory_space<hbm>>
      %dma_start3A_43 = arith.constant 0 : i32
      %dma_start3A_44 = tpu.memref_slice %arg17[%mul3A_38, %dma_start3A_43] : memref<10000x16xf32, #tpu.memory_space<vmem_shared>> -> memref<625x16xf32, #tpu.memory_space<vmem_shared>>
      tpu.enqueue_dma source(%dma_start3A_44 : memref<625x16xf32, #tpu.memory_space<vmem_shared>>) target(%dma_start3A_42 : memref<625x16xf32, #tpu.memory_space<hbm>>) target_semaphore(%run_scoped3A : memref<!tpu.dma_semaphore, #tpu.memory_space<semaphore_mem>>)
      %dma_wait3A_45 = arith.constant 0 : i32
      %dma_wait3A_46 = tpu.memref_slice %arg6[%arg0, %mul3A_40, %dma_wait3A_45] : memref<2x10000x16xf32, #tpu.memory_space<hbm>> -> memref<1x625x16xf32, #tpu.memory_space<hbm>>
      %dma_wait3A_47 = tpu.memref_squeeze %dma_wait3A_46 : memref<1x625x16xf32, #tpu.memory_space<hbm>> -> memref<625x16xf32, #tpu.memory_space<hbm>>
      %dma_wait3A_48 = arith.constant 0 : i32
      %dma_wait3A_49 = tpu.memref_slice %arg17[%mul3A_38, %dma_wait3A_48] : memref<10000x16xf32, #tpu.memory_space<vmem_shared>> -> memref<625x16xf32, #tpu.memory_space<vmem_shared>>
      tpu.wait_dma2 semaphore(%run_scoped3A : memref<!tpu.dma_semaphore, #tpu.memory_space<semaphore_mem>>) src(%dma_wait3A_49 : memref<625x16xf32, #tpu.memory_space<vmem_shared>>) dst(%dma_wait3A_47 : memref<625x16xf32, #tpu.memory_space<hbm>>)
      tpu.yield
    }) : () -> ()
    "tpu.region"() ({
      %run_scoped3A = tpu.sem_alloc : memref<!tpu.dma_semaphore, #tpu.memory_space<semaphore_mem>>
      %dma_start3A = arith.constant 0 : i32
      %dma_start3A_41 = tpu.memref_slice %arg7[%add3A, %dma_start3A] : memref<32x10000xf32, #tpu.memory_space<hbm>> -> memref<1x10000xf32, #tpu.memory_space<hbm>>
      %dma_start3A_42 = tpu.memref_squeeze %dma_start3A_41 : memref<1x10000xf32, #tpu.memory_space<hbm>> -> memref<10000xf32, #tpu.memory_space<hbm>>
      %dma_start3A_43 = arith.constant 0 : i32
      %dma_start3A_44 = tpu.memref_slice %arg7[%add3A, %dma_start3A_43] : memref<32x10000xf32, #tpu.memory_space<hbm>> -> memref<1x10000xf32, #tpu.memory_space<hbm>>
      %dma_start3A_45 = tpu.memref_squeeze %dma_start3A_44 : memref<1x10000xf32, #tpu.memory_space<hbm>> -> memref<10000xf32, #tpu.memory_space<hbm>>
      tpu.enqueue_dma source(%arg15 : memref<10000xf32, #tpu.memory_space<vmem>>) target(%dma_start3A_45 : memref<10000xf32, #tpu.memory_space<hbm>>) target_semaphore(%run_scoped3A : memref<!tpu.dma_semaphore, #tpu.memory_space<semaphore_mem>>)
      %dma_wait3A_46 = arith.constant 0 : i32
      %dma_wait3A_47 = tpu.memref_slice %arg7[%add3A, %dma_wait3A_46] : memref<32x10000xf32, #tpu.memory_space<hbm>> -> memref<1x10000xf32, #tpu.memory_space<hbm>>
      %dma_wait3A_48 = tpu.memref_squeeze %dma_wait3A_47 : memref<1x10000xf32, #tpu.memory_space<hbm>> -> memref<10000xf32, #tpu.memory_space<hbm>>
      %dma_wait3A_49 = arith.constant 0 : i32
      %dma_wait3A_50 = tpu.memref_slice %arg7[%add3A, %dma_wait3A_49] : memref<32x10000xf32, #tpu.memory_space<hbm>> -> memref<1x10000xf32, #tpu.memory_space<hbm>>
      %dma_wait3A_51 = tpu.memref_squeeze %dma_wait3A_50 : memref<1x10000xf32, #tpu.memory_space<hbm>> -> memref<10000xf32, #tpu.memory_space<hbm>>
      tpu.wait_dma2 semaphore(%run_scoped3A : memref<!tpu.dma_semaphore, #tpu.memory_space<semaphore_mem>>) src(%arg15 : memref<10000xf32, #tpu.memory_space<vmem>>) dst(%dma_wait3A_51 : memref<10000xf32, #tpu.memory_space<hbm>>)
      tpu.yield
    }) : () -> ()
    return
  }
}

#map = affine_map<(d0, d1) -> (0, 0)>
#map1 = affine_map<(d0, d1) -> (0)>
module attributes {stable_mosaic.version = 14 : i64} {
  func.func @_b1_body(%arg0: i32, %arg1: i32, %arg2: memref<10000x416xf32, #tpu.memory_space<hbm>>, %arg3: memref<10000x416xf32, #tpu.memory_space<hbm>>, %arg4: memref<160000xi32, #tpu.memory_space<hbm>>, %arg5: memref<160000xi32, #tpu.memory_space<hbm>>, %arg6: memref<160000xf32, #tpu.memory_space<hbm>>, %arg7: memref<32x10000xf32, #tpu.memory_space<hbm>>, %arg8: memref<96x416xf32, #tpu.memory_space<vmem>>, %arg9: memref<96x416xf32, #tpu.memory_space<vmem>>, %arg10: memref<5000xi32, #tpu.memory_space<vmem>>, %arg11: memref<5016xi32, #tpu.memory_space<vmem>>, %arg12: memref<96xf32, #tpu.memory_space<vmem>>, %arg13: memref<10000xf32, #tpu.memory_space<vmem>>, %arg14: memref<!tpu.dma_semaphore, #tpu.memory_space<semaphore_mem>>, %arg15: memref<!tpu.dma_semaphore, #tpu.memory_space<semaphore_mem>>) attributes {dimension_semantics = [#tpu.dimension_semantics<core_parallel>, #tpu.dimension_semantics<subcore_parallel>], iteration_bounds = array<i64: 2, 16>, scalar_prefetch = 0 : i64, scratch_operands = 8 : i64, tpu.core_type = #tpu.core_type<sc_vector_subcore>, window_params = [{transform_indices = #map}, {transform_indices = #map}, {transform_indices = #map1}, {transform_indices = #map1}, {transform_indices = #map1}, {transform_indices = #map}]} {
    %mul3A = arith.constant 2 : i32
    %mul3A_0 = arith.muli %arg1, %mul3A : i32
    %add3A = arith.addi %mul3A_0, %arg0 : i32
    %broadcast_in_dim3A = arith.constant 0.000000e+00 : f32
    %broadcast_in_dim3A_1 = vector.broadcast %broadcast_in_dim3A : f32 to vector<16xf32>
    %mul3A_2 = arith.constant 5000 : i32
    %mul3A_3 = arith.muli %add3A, %mul3A_2 : i32
    "tpu.region"() ({
      %run_scoped3A = tpu.sem_alloc : memref<!tpu.dma_semaphore, #tpu.memory_space<semaphore_mem>>
      %dma_start3A_66 = arith.constant 0 : i32
      %dma_start3A_67 = tpu.memref_slice %arg10[%dma_start3A_66] : memref<5000xi32, #tpu.memory_space<vmem>> -> memref<5000xi32, #tpu.memory_space<vmem>>
      %dma_start3A_68 = tpu.memref_slice %arg4[%mul3A_3] : memref<160000xi32, #tpu.memory_space<hbm>> -> memref<5000xi32, #tpu.memory_space<hbm>>
      %dma_start3A_69 = arith.constant 0 : i32
      %dma_start3A_70 = tpu.memref_slice %arg10[%dma_start3A_69] : memref<5000xi32, #tpu.memory_space<vmem>> -> memref<5000xi32, #tpu.memory_space<vmem>>
      %dma_start3A_71 = tpu.memref_slice %arg4[%mul3A_3] : memref<160000xi32, #tpu.memory_space<hbm>> -> memref<5000xi32, #tpu.memory_space<hbm>>
      tpu.enqueue_dma source(%dma_start3A_71 : memref<5000xi32, #tpu.memory_space<hbm>>) target(%dma_start3A_70 : memref<5000xi32, #tpu.memory_space<vmem>>) target_semaphore(%run_scoped3A : memref<!tpu.dma_semaphore, #tpu.memory_space<semaphore_mem>>)
      %dma_wait3A_72 = arith.constant 0 : i32
      %dma_wait3A_73 = tpu.memref_slice %arg10[%dma_wait3A_72] : memref<5000xi32, #tpu.memory_space<vmem>> -> memref<5000xi32, #tpu.memory_space<vmem>>
      %dma_wait3A_74 = tpu.memref_slice %arg4[%mul3A_3] : memref<160000xi32, #tpu.memory_space<hbm>> -> memref<5000xi32, #tpu.memory_space<hbm>>
      %dma_wait3A_75 = arith.constant 0 : i32
      %dma_wait3A_76 = tpu.memref_slice %arg10[%dma_wait3A_75] : memref<5000xi32, #tpu.memory_space<vmem>> -> memref<5000xi32, #tpu.memory_space<vmem>>
      %dma_wait3A_77 = tpu.memref_slice %arg4[%mul3A_3] : memref<160000xi32, #tpu.memory_space<hbm>> -> memref<5000xi32, #tpu.memory_space<hbm>>
      tpu.wait_dma2 semaphore(%run_scoped3A : memref<!tpu.dma_semaphore, #tpu.memory_space<semaphore_mem>>) src(%dma_wait3A_77 : memref<5000xi32, #tpu.memory_space<hbm>>) dst(%dma_wait3A_76 : memref<5000xi32, #tpu.memory_space<vmem>>)
      tpu.yield
    }) : () -> ()
    "tpu.region"() ({
      %run_scoped3A = tpu.sem_alloc : memref<!tpu.dma_semaphore, #tpu.memory_space<semaphore_mem>>
      %dma_start3A_66 = arith.constant 0 : i32
      %dma_start3A_67 = tpu.memref_slice %arg11[%dma_start3A_66] : memref<5016xi32, #tpu.memory_space<vmem>> -> memref<5000xi32, #tpu.memory_space<vmem>>
      %dma_start3A_68 = tpu.memref_slice %arg5[%mul3A_3] : memref<160000xi32, #tpu.memory_space<hbm>> -> memref<5000xi32, #tpu.memory_space<hbm>>
      %dma_start3A_69 = arith.constant 0 : i32
      %dma_start3A_70 = tpu.memref_slice %arg11[%dma_start3A_69] : memref<5016xi32, #tpu.memory_space<vmem>> -> memref<5000xi32, #tpu.memory_space<vmem>>
      %dma_start3A_71 = tpu.memref_slice %arg5[%mul3A_3] : memref<160000xi32, #tpu.memory_space<hbm>> -> memref<5000xi32, #tpu.memory_space<hbm>>
      tpu.enqueue_dma source(%dma_start3A_71 : memref<5000xi32, #tpu.memory_space<hbm>>) target(%dma_start3A_70 : memref<5000xi32, #tpu.memory_space<vmem>>) target_semaphore(%run_scoped3A : memref<!tpu.dma_semaphore, #tpu.memory_space<semaphore_mem>>)
      %dma_wait3A_72 = arith.constant 0 : i32
      %dma_wait3A_73 = tpu.memref_slice %arg11[%dma_wait3A_72] : memref<5016xi32, #tpu.memory_space<vmem>> -> memref<5000xi32, #tpu.memory_space<vmem>>
      %dma_wait3A_74 = tpu.memref_slice %arg5[%mul3A_3] : memref<160000xi32, #tpu.memory_space<hbm>> -> memref<5000xi32, #tpu.memory_space<hbm>>
      %dma_wait3A_75 = arith.constant 0 : i32
      %dma_wait3A_76 = tpu.memref_slice %arg11[%dma_wait3A_75] : memref<5016xi32, #tpu.memory_space<vmem>> -> memref<5000xi32, #tpu.memory_space<vmem>>
      %dma_wait3A_77 = tpu.memref_slice %arg5[%mul3A_3] : memref<160000xi32, #tpu.memory_space<hbm>> -> memref<5000xi32, #tpu.memory_space<hbm>>
      tpu.wait_dma2 semaphore(%run_scoped3A : memref<!tpu.dma_semaphore, #tpu.memory_space<semaphore_mem>>) src(%dma_wait3A_77 : memref<5000xi32, #tpu.memory_space<hbm>>) dst(%dma_wait3A_76 : memref<5000xi32, #tpu.memory_space<vmem>>)
      tpu.yield
    }) : () -> ()
    %scan3A = arith.constant 0 : i32
    %scan3A_4 = arith.constant 0 : i32
    %scan3A_5 = arith.constant 625 : i32
    %scan3A_6 = arith.addi %scan3A_4, %scan3A_5 : i32
    %scan3A_7 = arith.constant 1 : i32
    scf.for %scan3A_66 = %scan3A_4 to %scan3A_6 step %scan3A_7  : i32 {
      %mul3A_67 = arith.constant 16 : i32
      %mul3A_68 = arith.muli %scan3A_66, %mul3A_67 : i32
      %swap3A_69 = arith.index_cast %mul3A_68 : i32 to index
      %swap3A_70 = tpu.vector_load %arg13[%swap3A_69] {strides = array<i32>} : memref<10000xf32, #tpu.memory_space<vmem>>, vector<16xf32>,
      tpu.vector_store %arg13[%swap3A_69], %broadcast_in_dim3A_1 {strides = array<i32>} : memref<10000xf32, #tpu.memory_space<vmem>>, vector<16xf32>,
    }
    %scan3A_8 = arith.constant 625 : i32
    %iota3A = tpu.iota {dimensions = array<i32: 0>} : vector<16xi32>
    %scan3A_9 = arith.constant 0 : i32
    %scan3A_10 = arith.constant 5.000000e-02 : f32
    %scan3A_11 = arith.constant 0 : i32
    %scan3A_12 = arith.constant 52 : i32
    %scan3A_13 = arith.addi %scan3A_11, %scan3A_12 : i32
    %scan3A_14 = arith.constant 1 : i32
    scf.for %scan3A_66 = %scan3A_11 to %scan3A_13 step %scan3A_14  : i32 {
      %mul3A_67 = arith.constant 96 : i32
      %mul3A_68 = arith.muli %scan3A_66, %mul3A_67 : i32
      %dma_start3A_69 = arith.constant 0 : i32
      %dma_start3A_70 = arith.constant 0 : i32
      %dma_start3A_71 = tpu.memref_slice %arg8[%dma_start3A_69, %dma_start3A_70] : memref<96x416xf32, #tpu.memory_space<vmem>> -> memref<96x416xf32, #tpu.memory_space<vmem>>
      %dma_start3A_72 = tpu.memref_slice %arg11[%mul3A_68] : memref<5016xi32, #tpu.memory_space<vmem>> -> memref<96xi32, #tpu.memory_space<vmem>>
      %dma_start3A_73 = arith.constant 0 : i32
      %dma_start3A_74 = arith.constant 0 : i32
      %dma_start3A_75 = tpu.memref_slice %arg2[%dma_start3A_73, %dma_start3A_74] : memref<10000x416xf32, #tpu.memory_space<hbm>> -> memref<10000x416xf32, #tpu.memory_space<hbm>>
      tpu.enqueue_indirect_dma source(%dma_start3A_75 : memref<10000x416xf32, #tpu.memory_space<hbm>>) target(%dma_start3A_71 : memref<96x416xf32, #tpu.memory_space<vmem>>) offsets(%dma_start3A_72 : memref<96xi32, #tpu.memory_space<vmem>>) semaphore(%arg14 : memref<!tpu.dma_semaphore, #tpu.memory_space<semaphore_mem>>)
      %dma_start3A_76 = arith.constant 0 : i32
      %dma_start3A_77 = arith.constant 0 : i32
      %dma_start3A_78 = tpu.memref_slice %arg9[%dma_start3A_76, %dma_start3A_77] : memref<96x416xf32, #tpu.memory_space<vmem>> -> memref<96x416xf32, #tpu.memory_space<vmem>>
      %dma_start3A_79 = tpu.memref_slice %arg10[%mul3A_68] : memref<5000xi32, #tpu.memory_space<vmem>> -> memref<96xi32, #tpu.memory_space<vmem>>
      %dma_start3A_80 = arith.constant 0 : i32
      %dma_start3A_81 = arith.constant 0 : i32
      %dma_start3A_82 = tpu.memref_slice %arg3[%dma_start3A_80, %dma_start3A_81] : memref<10000x416xf32, #tpu.memory_space<hbm>> -> memref<10000x416xf32, #tpu.memory_space<hbm>>
      tpu.enqueue_indirect_dma source(%dma_start3A_82 : memref<10000x416xf32, #tpu.memory_space<hbm>>) target(%dma_start3A_78 : memref<96x416xf32, #tpu.memory_space<vmem>>) offsets(%dma_start3A_79 : memref<96xi32, #tpu.memory_space<vmem>>) semaphore(%arg15 : memref<!tpu.dma_semaphore, #tpu.memory_space<semaphore_mem>>)
      %dma_wait3A_83 = arith.constant 0 : i32
      %dma_wait3A_84 = arith.constant 0 : i32
      %dma_wait3A_85 = tpu.memref_slice %arg8[%dma_wait3A_83, %dma_wait3A_84] : memref<96x416xf32, #tpu.memory_space<vmem>> -> memref<96x416xf32, #tpu.memory_space<vmem>>
      %dma_wait3A_86 = tpu.memref_slice %arg11[%mul3A_68] : memref<5016xi32, #tpu.memory_space<vmem>> -> memref<96xi32, #tpu.memory_space<vmem>>
      %dma_wait3A_87 = arith.constant 0 : i32
      %dma_wait3A_88 = arith.constant 0 : i32
      %dma_wait3A_89 = tpu.memref_slice %arg2[%dma_wait3A_87, %dma_wait3A_88] : memref<10000x416xf32, #tpu.memory_space<hbm>> -> memref<10000x416xf32, #tpu.memory_space<hbm>>
      tpu.wait_indirect_dma semaphore(%arg14 : memref<!tpu.dma_semaphore, #tpu.memory_space<semaphore_mem>>) src(%dma_wait3A_89 : memref<10000x416xf32, #tpu.memory_space<hbm>>) dst(%dma_wait3A_85 : memref<96x416xf32, #tpu.memory_space<vmem>>)
      %dma_wait3A_90 = arith.constant 0 : i32
      %dma_wait3A_91 = arith.constant 0 : i32
      %dma_wait3A_92 = tpu.memref_slice %arg9[%dma_wait3A_90, %dma_wait3A_91] : memref<96x416xf32, #tpu.memory_space<vmem>> -> memref<96x416xf32, #tpu.memory_space<vmem>>
      %dma_wait3A_93 = tpu.memref_slice %arg10[%mul3A_68] : memref<5000xi32, #tpu.memory_space<vmem>> -> memref<96xi32, #tpu.memory_space<vmem>>
      %dma_wait3A_94 = arith.constant 0 : i32
      %dma_wait3A_95 = arith.constant 0 : i32
      %dma_wait3A_96 = tpu.memref_slice %arg3[%dma_wait3A_94, %dma_wait3A_95] : memref<10000x416xf32, #tpu.memory_space<hbm>> -> memref<10000x416xf32, #tpu.memory_space<hbm>>
      tpu.wait_indirect_dma semaphore(%arg15 : memref<!tpu.dma_semaphore, #tpu.memory_space<semaphore_mem>>) src(%dma_wait3A_96 : memref<10000x416xf32, #tpu.memory_space<hbm>>) dst(%dma_wait3A_92 : memref<96x416xf32, #tpu.memory_space<vmem>>)
      %scan3A_97 = arith.constant 0 : i32
      %scan3A_98 = arith.constant 0 : i32
      %scan3A_99 = arith.constant 96 : i32
      %scan3A_100 = arith.addi %scan3A_98, %scan3A_99 : i32
      %scan3A_101 = arith.constant 2 : i32
      scf.for %scan3A_206 = %scan3A_98 to %scan3A_100 step %scan3A_101  : i32 {
        %broadcast_in_dim3A_207 = arith.constant 0.000000e+00 : f32
        %broadcast_in_dim3A_208 = vector.broadcast %broadcast_in_dim3A_207 : f32 to vector<16xf32>
        %get3A_209 = arith.index_cast %scan3A_206 : i32 to index
        %get3A_210 = arith.constant 0 : index
        %get3A_211 = tpu.vector_load %arg8[%get3A_209, %get3A_210] {strides = array<i32>} : memref<96x416xf32, #tpu.memory_space<vmem>>, vector<16xf32>,
        %get3A_212 = arith.index_cast %scan3A_206 : i32 to index
        %get3A_213 = arith.constant 0 : index
        %get3A_214 = tpu.vector_load %arg9[%get3A_212, %get3A_213] {strides = array<i32>} : memref<96x416xf32, #tpu.memory_space<vmem>>, vector<16xf32>,
        %mul3A_215 = arith.mulf %get3A_211, %get3A_214 : vector<16xf32>
        %add3A_216 = arith.addf %broadcast_in_dim3A_208, %mul3A_215 : vector<16xf32>
        %get3A_217 = arith.index_cast %scan3A_206 : i32 to index
        %get3A_218 = arith.constant 16 : index
        %get3A_219 = tpu.vector_load %arg8[%get3A_217, %get3A_218] {strides = array<i32>} : memref<96x416xf32, #tpu.memory_space<vmem>>, vector<16xf32>,
        %get3A_220 = arith.index_cast %scan3A_206 : i32 to index
        %get3A_221 = arith.constant 16 : index
        %get3A_222 = tpu.vector_load %arg9[%get3A_220, %get3A_221] {strides = array<i32>} : memref<96x416xf32, #tpu.memory_space<vmem>>, vector<16xf32>,
        %mul3A_223 = arith.mulf %get3A_219, %get3A_222 : vector<16xf32>
        %add3A_224 = arith.addf %add3A_216, %mul3A_223 : vector<16xf32>
        %get3A_225 = arith.index_cast %scan3A_206 : i32 to index
        %get3A_226 = arith.constant 32 : index
        %get3A_227 = tpu.vector_load %arg8[%get3A_225, %get3A_226] {strides = array<i32>} : memref<96x416xf32, #tpu.memory_space<vmem>>, vector<16xf32>,
        %get3A_228 = arith.index_cast %scan3A_206 : i32 to index
        %get3A_229 = arith.constant 32 : index
        %get3A_230 = tpu.vector_load %arg9[%get3A_228, %get3A_229] {strides = array<i32>} : memref<96x416xf32, #tpu.memory_space<vmem>>, vector<16xf32>,
        %mul3A_231 = arith.mulf %get3A_227, %get3A_230 : vector<16xf32>
        %add3A_232 = arith.addf %add3A_224, %mul3A_231 : vector<16xf32>
        %get3A_233 = arith.index_cast %scan3A_206 : i32 to index
        %get3A_234 = arith.constant 48 : index
        %get3A_235 = tpu.vector_load %arg8[%get3A_233, %get3A_234] {strides = array<i32>} : memref<96x416xf32, #tpu.memory_space<vmem>>, vector<16xf32>,
        %get3A_236 = arith.index_cast %scan3A_206 : i32 to index
        %get3A_237 = arith.constant 48 : index
        %get3A_238 = tpu.vector_load %arg9[%get3A_236, %get3A_237] {strides = array<i32>} : memref<96x416xf32, #tpu.memory_space<vmem>>, vector<16xf32>,
        %mul3A_239 = arith.mulf %get3A_235, %get3A_238 : vector<16xf32>
        %add3A_240 = arith.addf %add3A_232, %mul3A_239 : vector<16xf32>
        %get3A_241 = arith.index_cast %scan3A_206 : i32 to index
        %get3A_242 = arith.constant 64 : index
        %get3A_243 = tpu.vector_load %arg8[%get3A_241, %get3A_242] {strides = array<i32>} : memref<96x416xf32, #tpu.memory_space<vmem>>, vector<16xf32>,
        %get3A_244 = arith.index_cast %scan3A_206 : i32 to index
        %get3A_245 = arith.constant 64 : index
        %get3A_246 = tpu.vector_load %arg9[%get3A_244, %get3A_245] {strides = array<i32>} : memref<96x416xf32, #tpu.memory_space<vmem>>, vector<16xf32>,
        %mul3A_247 = arith.mulf %get3A_243, %get3A_246 : vector<16xf32>
        %add3A_248 = arith.addf %add3A_240, %mul3A_247 : vector<16xf32>
        %get3A_249 = arith.index_cast %scan3A_206 : i32 to index
        %get3A_250 = arith.constant 80 : index
        %get3A_251 = tpu.vector_load %arg8[%get3A_249, %get3A_250] {strides = array<i32>} : memref<96x416xf32, #tpu.memory_space<vmem>>, vector<16xf32>,
        %get3A_252 = arith.index_cast %scan3A_206 : i32 to index
        %get3A_253 = arith.constant 80 : index
        %get3A_254 = tpu.vector_load %arg9[%get3A_252, %get3A_253] {strides = array<i32>} : memref<96x416xf32, #tpu.memory_space<vmem>>, vector<16xf32>,
        %mul3A_255 = arith.mulf %get3A_251, %get3A_254 : vector<16xf32>
        %add3A_256 = arith.addf %add3A_248, %mul3A_255 : vector<16xf32>
        %get3A_257 = arith.index_cast %scan3A_206 : i32 to index
        %get3A_258 = arith.constant 96 : index
        %get3A_259 = tpu.vector_load %arg8[%get3A_257, %get3A_258] {strides = array<i32>} : memref<96x416xf32, #tpu.memory_space<vmem>>, vector<16xf32>,
        %get3A_260 = arith.index_cast %scan3A_206 : i32 to index
        %get3A_261 = arith.constant 96 : index
        %get3A_262 = tpu.vector_load %arg9[%get3A_260, %get3A_261] {strides = array<i32>} : memref<96x416xf32, #tpu.memory_space<vmem>>, vector<16xf32>,
        %mul3A_263 = arith.mulf %get3A_259, %get3A_262 : vector<16xf32>
        %add3A_264 = arith.addf %add3A_256, %mul3A_263 : vector<16xf32>
        %get3A_265 = arith.index_cast %scan3A_206 : i32 to index
        %get3A_266 = arith.constant 112 : index
        %get3A_267 = tpu.vector_load %arg8[%get3A_265, %get3A_266] {strides = array<i32>} : memref<96x416xf32, #tpu.memory_space<vmem>>, vector<16xf32>,
        %get3A_268 = arith.index_cast %scan3A_206 : i32 to index
        %get3A_269 = arith.constant 112 : index
        %get3A_270 = tpu.vector_load %arg9[%get3A_268, %get3A_269] {strides = array<i32>} : memref<96x416xf32, #tpu.memory_space<vmem>>, vector<16xf32>,
        %mul3A_271 = arith.mulf %get3A_267, %get3A_270 : vector<16xf32>
        %add3A_272 = arith.addf %add3A_264, %mul3A_271 : vector<16xf32>
        %get3A_273 = arith.index_cast %scan3A_206 : i32 to index
        %get3A_274 = arith.constant 128 : index
        %get3A_275 = tpu.vector_load %arg8[%get3A_273, %get3A_274] {strides = array<i32>} : memref<96x416xf32, #tpu.memory_space<vmem>>, vector<16xf32>,
        %get3A_276 = arith.index_cast %scan3A_206 : i32 to index
        %get3A_277 = arith.constant 128 : index
        %get3A_278 = tpu.vector_load %arg9[%get3A_276, %get3A_277] {strides = array<i32>} : memref<96x416xf32, #tpu.memory_space<vmem>>, vector<16xf32>,
        %mul3A_279 = arith.mulf %get3A_275, %get3A_278 : vector<16xf32>
        %add3A_280 = arith.addf %add3A_272, %mul3A_279 : vector<16xf32>
        %get3A_281 = arith.index_cast %scan3A_206 : i32 to index
        %get3A_282 = arith.constant 144 : index
        %get3A_283 = tpu.vector_load %arg8[%get3A_281, %get3A_282] {strides = array<i32>} : memref<96x416xf32, #tpu.memory_space<vmem>>, vector<16xf32>,
        %get3A_284 = arith.index_cast %scan3A_206 : i32 to index
        %get3A_285 = arith.constant 144 : index
        %get3A_286 = tpu.vector_load %arg9[%get3A_284, %get3A_285] {strides = array<i32>} : memref<96x416xf32, #tpu.memory_space<vmem>>, vector<16xf32>,
        %mul3A_287 = arith.mulf %get3A_283, %get3A_286 : vector<16xf32>
        %add3A_288 = arith.addf %add3A_280, %mul3A_287 : vector<16xf32>
        %get3A_289 = arith.index_cast %scan3A_206 : i32 to index
        %get3A_290 = arith.constant 160 : index
        %get3A_291 = tpu.vector_load %arg8[%get3A_289, %get3A_290] {strides = array<i32>} : memref<96x416xf32, #tpu.memory_space<vmem>>, vector<16xf32>,
        %get3A_292 = arith.index_cast %scan3A_206 : i32 to index
        %get3A_293 = arith.constant 160 : index
        %get3A_294 = tpu.vector_load %arg9[%get3A_292, %get3A_293] {strides = array<i32>} : memref<96x416xf32, #tpu.memory_space<vmem>>, vector<16xf32>,
        %mul3A_295 = arith.mulf %get3A_291, %get3A_294 : vector<16xf32>
        %add3A_296 = arith.addf %add3A_288, %mul3A_295 : vector<16xf32>
        %get3A_297 = arith.index_cast %scan3A_206 : i32 to index
        %get3A_298 = arith.constant 176 : index
        %get3A_299 = tpu.vector_load %arg8[%get3A_297, %get3A_298] {strides = array<i32>} : memref<96x416xf32, #tpu.memory_space<vmem>>, vector<16xf32>,
        %get3A_300 = arith.index_cast %scan3A_206 : i32 to index
        %get3A_301 = arith.constant 176 : index
        %get3A_302 = tpu.vector_load %arg9[%get3A_300, %get3A_301] {strides = array<i32>} : memref<96x416xf32, #tpu.memory_space<vmem>>, vector<16xf32>,
        %mul3A_303 = arith.mulf %get3A_299, %get3A_302 : vector<16xf32>
        %add3A_304 = arith.addf %add3A_296, %mul3A_303 : vector<16xf32>
        %get3A_305 = arith.index_cast %scan3A_206 : i32 to index
        %get3A_306 = arith.constant 192 : index
        %get3A_307 = tpu.vector_load %arg8[%get3A_305, %get3A_306] {strides = array<i32>} : memref<96x416xf32, #tpu.memory_space<vmem>>, vector<16xf32>,
        %get3A_308 = arith.index_cast %scan3A_206 : i32 to index
        %get3A_309 = arith.constant 192 : index
        %get3A_310 = tpu.vector_load %arg9[%get3A_308, %get3A_309] {strides = array<i32>} : memref<96x416xf32, #tpu.memory_space<vmem>>, vector<16xf32>,
        %mul3A_311 = arith.mulf %get3A_307, %get3A_310 : vector<16xf32>
        %add3A_312 = arith.addf %add3A_304, %mul3A_311 : vector<16xf32>
        %get3A_313 = arith.index_cast %scan3A_206 : i32 to index
        %get3A_314 = arith.constant 208 : index
        %get3A_315 = tpu.vector_load %arg8[%get3A_313, %get3A_314] {strides = array<i32>} : memref<96x416xf32, #tpu.memory_space<vmem>>, vector<16xf32>,
        %get3A_316 = arith.index_cast %scan3A_206 : i32 to index
        %get3A_317 = arith.constant 208 : index
        %get3A_318 = tpu.vector_load %arg9[%get3A_316, %get3A_317] {strides = array<i32>} : memref<96x416xf32, #tpu.memory_space<vmem>>, vector<16xf32>,
        %mul3A_319 = arith.mulf %get3A_315, %get3A_318 : vector<16xf32>
        %add3A_320 = arith.addf %add3A_312, %mul3A_319 : vector<16xf32>
        %get3A_321 = arith.index_cast %scan3A_206 : i32 to index
        %get3A_322 = arith.constant 224 : index
        %get3A_323 = tpu.vector_load %arg8[%get3A_321, %get3A_322] {strides = array<i32>} : memref<96x416xf32, #tpu.memory_space<vmem>>, vector<16xf32>,
        %get3A_324 = arith.index_cast %scan3A_206 : i32 to index
        %get3A_325 = arith.constant 224 : index
        %get3A_326 = tpu.vector_load %arg9[%get3A_324, %get3A_325] {strides = array<i32>} : memref<96x416xf32, #tpu.memory_space<vmem>>, vector<16xf32>,
        %mul3A_327 = arith.mulf %get3A_323, %get3A_326 : vector<16xf32>
        %add3A_328 = arith.addf %add3A_320, %mul3A_327 : vector<16xf32>
        %get3A_329 = arith.index_cast %scan3A_206 : i32 to index
        %get3A_330 = arith.constant 240 : index
        %get3A_331 = tpu.vector_load %arg8[%get3A_329, %get3A_330] {strides = array<i32>} : memref<96x416xf32, #tpu.memory_space<vmem>>, vector<16xf32>,
        %get3A_332 = arith.index_cast %scan3A_206 : i32 to index
        %get3A_333 = arith.constant 240 : index
        %get3A_334 = tpu.vector_load %arg9[%get3A_332, %get3A_333] {strides = array<i32>} : memref<96x416xf32, #tpu.memory_space<vmem>>, vector<16xf32>,
        %mul3A_335 = arith.mulf %get3A_331, %get3A_334 : vector<16xf32>
        %add3A_336 = arith.addf %add3A_328, %mul3A_335 : vector<16xf32>
        %get3A_337 = arith.index_cast %scan3A_206 : i32 to index
        %get3A_338 = arith.constant 256 : index
        %get3A_339 = tpu.vector_load %arg8[%get3A_337, %get3A_338] {strides = array<i32>} : memref<96x416xf32, #tpu.memory_space<vmem>>, vector<16xf32>,
        %get3A_340 = arith.index_cast %scan3A_206 : i32 to index
        %get3A_341 = arith.constant 256 : index
        %get3A_342 = tpu.vector_load %arg9[%get3A_340, %get3A_341] {strides = array<i32>} : memref<96x416xf32, #tpu.memory_space<vmem>>, vector<16xf32>,
        %mul3A_343 = arith.mulf %get3A_339, %get3A_342 : vector<16xf32>
        %add3A_344 = arith.addf %add3A_336, %mul3A_343 : vector<16xf32>
        %get3A_345 = arith.index_cast %scan3A_206 : i32 to index
        %get3A_346 = arith.constant 272 : index
        %get3A_347 = tpu.vector_load %arg8[%get3A_345, %get3A_346] {strides = array<i32>} : memref<96x416xf32, #tpu.memory_space<vmem>>, vector<16xf32>,
        %get3A_348 = arith.index_cast %scan3A_206 : i32 to index
        %get3A_349 = arith.constant 272 : index
        %get3A_350 = tpu.vector_load %arg9[%get3A_348, %get3A_349] {strides = array<i32>} : memref<96x416xf32, #tpu.memory_space<vmem>>, vector<16xf32>,
        %mul3A_351 = arith.mulf %get3A_347, %get3A_350 : vector<16xf32>
        %add3A_352 = arith.addf %add3A_344, %mul3A_351 : vector<16xf32>
        %get3A_353 = arith.index_cast %scan3A_206 : i32 to index
        %get3A_354 = arith.constant 288 : index
        %get3A_355 = tpu.vector_load %arg8[%get3A_353, %get3A_354] {strides = array<i32>} : memref<96x416xf32, #tpu.memory_space<vmem>>, vector<16xf32>,
        %get3A_356 = arith.index_cast %scan3A_206 : i32 to index
        %get3A_357 = arith.constant 288 : index
        %get3A_358 = tpu.vector_load %arg9[%get3A_356, %get3A_357] {strides = array<i32>} : memref<96x416xf32, #tpu.memory_space<vmem>>, vector<16xf32>,
        %mul3A_359 = arith.mulf %get3A_355, %get3A_358 : vector<16xf32>
        %add3A_360 = arith.addf %add3A_352, %mul3A_359 : vector<16xf32>
        %get3A_361 = arith.index_cast %scan3A_206 : i32 to index
        %get3A_362 = arith.constant 304 : index
        %get3A_363 = tpu.vector_load %arg8[%get3A_361, %get3A_362] {strides = array<i32>} : memref<96x416xf32, #tpu.memory_space<vmem>>, vector<16xf32>,
        %get3A_364 = arith.index_cast %scan3A_206 : i32 to index
        %get3A_365 = arith.constant 304 : index
        %get3A_366 = tpu.vector_load %arg9[%get3A_364, %get3A_365] {strides = array<i32>} : memref<96x416xf32, #tpu.memory_space<vmem>>, vector<16xf32>,
        %mul3A_367 = arith.mulf %get3A_363, %get3A_366 : vector<16xf32>
        %add3A_368 = arith.addf %add3A_360, %mul3A_367 : vector<16xf32>
        %get3A_369 = arith.index_cast %scan3A_206 : i32 to index
        %get3A_370 = arith.constant 320 : index
        %get3A_371 = tpu.vector_load %arg8[%get3A_369, %get3A_370] {strides = array<i32>} : memref<96x416xf32, #tpu.memory_space<vmem>>, vector<16xf32>,
        %get3A_372 = arith.index_cast %scan3A_206 : i32 to index
        %get3A_373 = arith.constant 320 : index
        %get3A_374 = tpu.vector_load %arg9[%get3A_372, %get3A_373] {strides = array<i32>} : memref<96x416xf32, #tpu.memory_space<vmem>>, vector<16xf32>,
        %mul3A_375 = arith.mulf %get3A_371, %get3A_374 : vector<16xf32>
        %add3A_376 = arith.addf %add3A_368, %mul3A_375 : vector<16xf32>
        %get3A_377 = arith.index_cast %scan3A_206 : i32 to index
        %get3A_378 = arith.constant 336 : index
        %get3A_379 = tpu.vector_load %arg8[%get3A_377, %get3A_378] {strides = array<i32>} : memref<96x416xf32, #tpu.memory_space<vmem>>, vector<16xf32>,
        %get3A_380 = arith.index_cast %scan3A_206 : i32 to index
        %get3A_381 = arith.constant 336 : index
        %get3A_382 = tpu.vector_load %arg9[%get3A_380, %get3A_381] {strides = array<i32>} : memref<96x416xf32, #tpu.memory_space<vmem>>, vector<16xf32>,
        %mul3A_383 = arith.mulf %get3A_379, %get3A_382 : vector<16xf32>
        %add3A_384 = arith.addf %add3A_376, %mul3A_383 : vector<16xf32>
        %get3A_385 = arith.index_cast %scan3A_206 : i32 to index
        %get3A_386 = arith.constant 352 : index
        %get3A_387 = tpu.vector_load %arg8[%get3A_385, %get3A_386] {strides = array<i32>} : memref<96x416xf32, #tpu.memory_space<vmem>>, vector<16xf32>,
        %get3A_388 = arith.index_cast %scan3A_206 : i32 to index
        %get3A_389 = arith.constant 352 : index
        %get3A_390 = tpu.vector_load %arg9[%get3A_388, %get3A_389] {strides = array<i32>} : memref<96x416xf32, #tpu.memory_space<vmem>>, vector<16xf32>,
        %mul3A_391 = arith.mulf %get3A_387, %get3A_390 : vector<16xf32>
        %add3A_392 = arith.addf %add3A_384, %mul3A_391 : vector<16xf32>
        %get3A_393 = arith.index_cast %scan3A_206 : i32 to index
        %get3A_394 = arith.constant 368 : index
        %get3A_395 = tpu.vector_load %arg8[%get3A_393, %get3A_394] {strides = array<i32>} : memref<96x416xf32, #tpu.memory_space<vmem>>, vector<16xf32>,
        %get3A_396 = arith.index_cast %scan3A_206 : i32 to index
        %get3A_397 = arith.constant 368 : index
        %get3A_398 = tpu.vector_load %arg9[%get3A_396, %get3A_397] {strides = array<i32>} : memref<96x416xf32, #tpu.memory_space<vmem>>, vector<16xf32>,
        %mul3A_399 = arith.mulf %get3A_395, %get3A_398 : vector<16xf32>
        %add3A_400 = arith.addf %add3A_392, %mul3A_399 : vector<16xf32>
        %get3A_401 = arith.index_cast %scan3A_206 : i32 to index
        %get3A_402 = arith.constant 384 : index
        %get3A_403 = tpu.vector_load %arg8[%get3A_401, %get3A_402] {strides = array<i32>} : memref<96x416xf32, #tpu.memory_space<vmem>>, vector<16xf32>,
        %get3A_404 = arith.index_cast %scan3A_206 : i32 to index
        %get3A_405 = arith.constant 384 : index
        %get3A_406 = tpu.vector_load %arg9[%get3A_404, %get3A_405] {strides = array<i32>} : memref<96x416xf32, #tpu.memory_space<vmem>>, vector<16xf32>,
        %mul3A_407 = arith.mulf %get3A_403, %get3A_406 : vector<16xf32>
        %add3A_408 = arith.addf %add3A_400, %mul3A_407 : vector<16xf32>
        %get3A_409 = arith.index_cast %scan3A_206 : i32 to index
        %get3A_410 = arith.constant 400 : index
        %get3A_411 = tpu.vector_load %arg8[%get3A_409, %get3A_410] {strides = array<i32>} : memref<96x416xf32, #tpu.memory_space<vmem>>, vector<16xf32>,
        %get3A_412 = arith.index_cast %scan3A_206 : i32 to index
        %get3A_413 = arith.constant 400 : index
        %get3A_414 = tpu.vector_load %arg9[%get3A_412, %get3A_413] {strides = array<i32>} : memref<96x416xf32, #tpu.memory_space<vmem>>, vector<16xf32>,
        %mul3A_415 = arith.mulf %get3A_411, %get3A_414 : vector<16xf32>
        %add3A_416 = arith.addf %add3A_408, %mul3A_415 : vector<16xf32>
        %reduce_sum3A = arith.constant true
        %reduce_sum3A_417 = vector.broadcast %reduce_sum3A : i1 to vector<16xi1>
        %reduce_sum3A_418 = tpu.scan <sum>, %add3A_416 masked %reduce_sum3A_417 : vector<16xf32>, vector<16xi1> -> vector<16xf32>
        %reduce_sum3A_419 = vector.extract %reduce_sum3A_418[15] : f32 from vector<16xf32>
        %jit3A = arith.constant 16 : i32
        %div3A = arith.divsi %scan3A_206, %jit3A : i32
        %sign3A = arith.constant 0 : i32
        %sign3A_420 = arith.cmpi sgt, %scan3A_206, %sign3A : i32
        %sign3A_421 = arith.extui %sign3A_420 : i1 to i32
        %sign3A_422 = arith.constant 0 : i32
        %sign3A_423 = arith.cmpi slt, %scan3A_206, %sign3A_422 : i32
        %sign3A_424 = arith.extui %sign3A_423 : i1 to i32
        %sign3A_425 = arith.subi %sign3A_421, %sign3A_424 : i32
        %sign3A_426 = arith.constant 0 : i32
        %sign3A_427 = arith.cmpi sgt, %jit3A, %sign3A_426 : i32
        %sign3A_428 = arith.extui %sign3A_427 : i1 to i32
        %sign3A_429 = arith.constant 0 : i32
        %sign3A_430 = arith.cmpi slt, %jit3A, %sign3A_429 : i32
        %sign3A_431 = arith.extui %sign3A_430 : i1 to i32
        %sign3A_432 = arith.subi %sign3A_428, %sign3A_431 : i32
        %ne3A = arith.cmpi ne, %sign3A_425, %sign3A_432 : i32
        %rem3A = arith.remsi %scan3A_206, %jit3A : i32
        %ne3A_433 = arith.constant 0 : i32
        %ne3A_434 = arith.cmpi ne, %rem3A, %ne3A_433 : i32
        %and3A = arith.andi %ne3A, %ne3A_434 : i1
        %sub3A = arith.constant 1 : i32
        %sub3A_435 = arith.subi %div3A, %sub3A : i32
        %select_n3A = arith.select %and3A, %sub3A_435, %div3A : i32
        %mul3A_436 = arith.constant 16 : i32
        %mul3A_437 = arith.muli %select_n3A, %mul3A_436 : i32
        %get3A_438 = arith.index_cast %mul3A_437 : i32 to index
        %get3A_439 = tpu.vector_load %arg12[%get3A_438] {strides = array<i32>} : memref<96xf32, #tpu.memory_space<vmem>>, vector<16xf32>,
        %sub3A_440 = arith.subi %scan3A_206, %mul3A_437 : i32
        %eq3A = vector.broadcast %sub3A_440 : i32 to vector<16xi32>
        %eq3A_441 = arith.cmpi eq, %iota3A, %eq3A : vector<16xi32>
        %broadcast_in_dim3A_442 = vector.broadcast %reduce_sum3A_419 : f32 to vector<16xf32>
        %select_n3A_443 = arith.select %eq3A_441, %broadcast_in_dim3A_442, %get3A_439 : vector<16xi1>, vector<16xf32>
        %swap3A_444 = arith.index_cast %mul3A_437 : i32 to index
        %swap3A_445 = tpu.vector_load %arg12[%swap3A_444] {strides = array<i32>} : memref<96xf32, #tpu.memory_space<vmem>>, vector<16xf32>,
        tpu.vector_store %arg12[%swap3A_444], %select_n3A_443 {strides = array<i32>} : memref<96xf32, #tpu.memory_space<vmem>>, vector<16xf32>,
        %scan3A_446 = arith.constant 1 : i32
        %scan3A_447 = arith.addi %scan3A_206, %scan3A_446 : i32
        %broadcast_in_dim3A_448 = arith.constant 0.000000e+00 : f32
        %broadcast_in_dim3A_449 = vector.broadcast %broadcast_in_dim3A_448 : f32 to vector<16xf32>
        %get3A_450 = arith.index_cast %scan3A_447 : i32 to index
        %get3A_451 = arith.constant 0 : index
        %get3A_452 = tpu.vector_load %arg8[%get3A_450, %get3A_451] {strides = array<i32>} : memref<96x416xf32, #tpu.memory_space<vmem>>, vector<16xf32>,
        %get3A_453 = arith.index_cast %scan3A_447 : i32 to index
        %get3A_454 = arith.constant 0 : index
        %get3A_455 = tpu.vector_load %arg9[%get3A_453, %get3A_454] {strides = array<i32>} : memref<96x416xf32, #tpu.memory_space<vmem>>, vector<16xf32>,
        %mul3A_456 = arith.mulf %get3A_452, %get3A_455 : vector<16xf32>
        %add3A_457 = arith.addf %broadcast_in_dim3A_449, %mul3A_456 : vector<16xf32>
        %get3A_458 = arith.index_cast %scan3A_447 : i32 to index
        %get3A_459 = arith.constant 16 : index
        %get3A_460 = tpu.vector_load %arg8[%get3A_458, %get3A_459] {strides = array<i32>} : memref<96x416xf32, #tpu.memory_space<vmem>>, vector<16xf32>,
        %get3A_461 = arith.index_cast %scan3A_447 : i32 to index
        %get3A_462 = arith.constant 16 : index
        %get3A_463 = tpu.vector_load %arg9[%get3A_461, %get3A_462] {strides = array<i32>} : memref<96x416xf32, #tpu.memory_space<vmem>>, vector<16xf32>,
        %mul3A_464 = arith.mulf %get3A_460, %get3A_463 : vector<16xf32>
        %add3A_465 = arith.addf %add3A_457, %mul3A_464 : vector<16xf32>
        %get3A_466 = arith.index_cast %scan3A_447 : i32 to index
        %get3A_467 = arith.constant 32 : index
        %get3A_468 = tpu.vector_load %arg8[%get3A_466, %get3A_467] {strides = array<i32>} : memref<96x416xf32, #tpu.memory_space<vmem>>, vector<16xf32>,
        %get3A_469 = arith.index_cast %scan3A_447 : i32 to index
        %get3A_470 = arith.constant 32 : index
        %get3A_471 = tpu.vector_load %arg9[%get3A_469, %get3A_470] {strides = array<i32>} : memref<96x416xf32, #tpu.memory_space<vmem>>, vector<16xf32>,
        %mul3A_472 = arith.mulf %get3A_468, %get3A_471 : vector<16xf32>
        %add3A_473 = arith.addf %add3A_465, %mul3A_472 : vector<16xf32>
        %get3A_474 = arith.index_cast %scan3A_447 : i32 to index
        %get3A_475 = arith.constant 48 : index
        %get3A_476 = tpu.vector_load %arg8[%get3A_474, %get3A_475] {strides = array<i32>} : memref<96x416xf32, #tpu.memory_space<vmem>>, vector<16xf32>,
        %get3A_477 = arith.index_cast %scan3A_447 : i32 to index
        %get3A_478 = arith.constant 48 : index
        %get3A_479 = tpu.vector_load %arg9[%get3A_477, %get3A_478] {strides = array<i32>} : memref<96x416xf32, #tpu.memory_space<vmem>>, vector<16xf32>,
        %mul3A_480 = arith.mulf %get3A_476, %get3A_479 : vector<16xf32>
        %add3A_481 = arith.addf %add3A_473, %mul3A_480 : vector<16xf32>
        %get3A_482 = arith.index_cast %scan3A_447 : i32 to index
        %get3A_483 = arith.constant 64 : index
        %get3A_484 = tpu.vector_load %arg8[%get3A_482, %get3A_483] {strides = array<i32>} : memref<96x416xf32, #tpu.memory_space<vmem>>, vector<16xf32>,
        %get3A_485 = arith.index_cast %scan3A_447 : i32 to index
        %get3A_486 = arith.constant 64 : index
        %get3A_487 = tpu.vector_load %arg9[%get3A_485, %get3A_486] {strides = array<i32>} : memref<96x416xf32, #tpu.memory_space<vmem>>, vector<16xf32>,
        %mul3A_488 = arith.mulf %get3A_484, %get3A_487 : vector<16xf32>
        %add3A_489 = arith.addf %add3A_481, %mul3A_488 : vector<16xf32>
        %get3A_490 = arith.index_cast %scan3A_447 : i32 to index
        %get3A_491 = arith.constant 80 : index
        %get3A_492 = tpu.vector_load %arg8[%get3A_490, %get3A_491] {strides = array<i32>} : memref<96x416xf32, #tpu.memory_space<vmem>>, vector<16xf32>,
        %get3A_493 = arith.index_cast %scan3A_447 : i32 to index
        %get3A_494 = arith.constant 80 : index
        %get3A_495 = tpu.vector_load %arg9[%get3A_493, %get3A_494] {strides = array<i32>} : memref<96x416xf32, #tpu.memory_space<vmem>>, vector<16xf32>,
        %mul3A_496 = arith.mulf %get3A_492, %get3A_495 : vector<16xf32>
        %add3A_497 = arith.addf %add3A_489, %mul3A_496 : vector<16xf32>
        %get3A_498 = arith.index_cast %scan3A_447 : i32 to index
        %get3A_499 = arith.constant 96 : index
        %get3A_500 = tpu.vector_load %arg8[%get3A_498, %get3A_499] {strides = array<i32>} : memref<96x416xf32, #tpu.memory_space<vmem>>, vector<16xf32>,
        %get3A_501 = arith.index_cast %scan3A_447 : i32 to index
        %get3A_502 = arith.constant 96 : index
        %get3A_503 = tpu.vector_load %arg9[%get3A_501, %get3A_502] {strides = array<i32>} : memref<96x416xf32, #tpu.memory_space<vmem>>, vector<16xf32>,
        %mul3A_504 = arith.mulf %get3A_500, %get3A_503 : vector<16xf32>
        %add3A_505 = arith.addf %add3A_497, %mul3A_504 : vector<16xf32>
        %get3A_506 = arith.index_cast %scan3A_447 : i32 to index
        %get3A_507 = arith.constant 112 : index
        %get3A_508 = tpu.vector_load %arg8[%get3A_506, %get3A_507] {strides = array<i32>} : memref<96x416xf32, #tpu.memory_space<vmem>>, vector<16xf32>,
        %get3A_509 = arith.index_cast %scan3A_447 : i32 to index
        %get3A_510 = arith.constant 112 : index
        %get3A_511 = tpu.vector_load %arg9[%get3A_509, %get3A_510] {strides = array<i32>} : memref<96x416xf32, #tpu.memory_space<vmem>>, vector<16xf32>,
        %mul3A_512 = arith.mulf %get3A_508, %get3A_511 : vector<16xf32>
        %add3A_513 = arith.addf %add3A_505, %mul3A_512 : vector<16xf32>
        %get3A_514 = arith.index_cast %scan3A_447 : i32 to index
        %get3A_515 = arith.constant 128 : index
        %get3A_516 = tpu.vector_load %arg8[%get3A_514, %get3A_515] {strides = array<i32>} : memref<96x416xf32, #tpu.memory_space<vmem>>, vector<16xf32>,
        %get3A_517 = arith.index_cast %scan3A_447 : i32 to index
        %get3A_518 = arith.constant 128 : index
        %get3A_519 = tpu.vector_load %arg9[%get3A_517, %get3A_518] {strides = array<i32>} : memref<96x416xf32, #tpu.memory_space<vmem>>, vector<16xf32>,
        %mul3A_520 = arith.mulf %get3A_516, %get3A_519 : vector<16xf32>
        %add3A_521 = arith.addf %add3A_513, %mul3A_520 : vector<16xf32>
        %get3A_522 = arith.index_cast %scan3A_447 : i32 to index
        %get3A_523 = arith.constant 144 : index
        %get3A_524 = tpu.vector_load %arg8[%get3A_522, %get3A_523] {strides = array<i32>} : memref<96x416xf32, #tpu.memory_space<vmem>>, vector<16xf32>,
        %get3A_525 = arith.index_cast %scan3A_447 : i32 to index
        %get3A_526 = arith.constant 144 : index
        %get3A_527 = tpu.vector_load %arg9[%get3A_525, %get3A_526] {strides = array<i32>} : memref<96x416xf32, #tpu.memory_space<vmem>>, vector<16xf32>,
        %mul3A_528 = arith.mulf %get3A_524, %get3A_527 : vector<16xf32>
        %add3A_529 = arith.addf %add3A_521, %mul3A_528 : vector<16xf32>
        %get3A_530 = arith.index_cast %scan3A_447 : i32 to index
        %get3A_531 = arith.constant 160 : index
        %get3A_532 = tpu.vector_load %arg8[%get3A_530, %get3A_531] {strides = array<i32>} : memref<96x416xf32, #tpu.memory_space<vmem>>, vector<16xf32>,
        %get3A_533 = arith.index_cast %scan3A_447 : i32 to index
        %get3A_534 = arith.constant 160 : index
        %get3A_535 = tpu.vector_load %arg9[%get3A_533, %get3A_534] {strides = array<i32>} : memref<96x416xf32, #tpu.memory_space<vmem>>, vector<16xf32>,
        %mul3A_536 = arith.mulf %get3A_532, %get3A_535 : vector<16xf32>
        %add3A_537 = arith.addf %add3A_529, %mul3A_536 : vector<16xf32>
        %get3A_538 = arith.index_cast %scan3A_447 : i32 to index
        %get3A_539 = arith.constant 176 : index
        %get3A_540 = tpu.vector_load %arg8[%get3A_538, %get3A_539] {strides = array<i32>} : memref<96x416xf32, #tpu.memory_space<vmem>>, vector<16xf32>,
        %get3A_541 = arith.index_cast %scan3A_447 : i32 to index
        %get3A_542 = arith.constant 176 : index
        %get3A_543 = tpu.vector_load %arg9[%get3A_541, %get3A_542] {strides = array<i32>} : memref<96x416xf32, #tpu.memory_space<vmem>>, vector<16xf32>,
        %mul3A_544 = arith.mulf %get3A_540, %get3A_543 : vector<16xf32>
        %add3A_545 = arith.addf %add3A_537, %mul3A_544 : vector<16xf32>
        %get3A_546 = arith.index_cast %scan3A_447 : i32 to index
        %get3A_547 = arith.constant 192 : index
        %get3A_548 = tpu.vector_load %arg8[%get3A_546, %get3A_547] {strides = array<i32>} : memref<96x416xf32, #tpu.memory_space<vmem>>, vector<16xf32>,
        %get3A_549 = arith.index_cast %scan3A_447 : i32 to index
        %get3A_550 = arith.constant 192 : index
        %get3A_551 = tpu.vector_load %arg9[%get3A_549, %get3A_550] {strides = array<i32>} : memref<96x416xf32, #tpu.memory_space<vmem>>, vector<16xf32>,
        %mul3A_552 = arith.mulf %get3A_548, %get3A_551 : vector<16xf32>
        %add3A_553 = arith.addf %add3A_545, %mul3A_552 : vector<16xf32>
        %get3A_554 = arith.index_cast %scan3A_447 : i32 to index
        %get3A_555 = arith.constant 208 : index
        %get3A_556 = tpu.vector_load %arg8[%get3A_554, %get3A_555] {strides = array<i32>} : memref<96x416xf32, #tpu.memory_space<vmem>>, vector<16xf32>,
        %get3A_557 = arith.index_cast %scan3A_447 : i32 to index
        %get3A_558 = arith.constant 208 : index
        %get3A_559 = tpu.vector_load %arg9[%get3A_557, %get3A_558] {strides = array<i32>} : memref<96x416xf32, #tpu.memory_space<vmem>>, vector<16xf32>,
        %mul3A_560 = arith.mulf %get3A_556, %get3A_559 : vector<16xf32>
        %add3A_561 = arith.addf %add3A_553, %mul3A_560 : vector<16xf32>
        %get3A_562 = arith.index_cast %scan3A_447 : i32 to index
        %get3A_563 = arith.constant 224 : index
        %get3A_564 = tpu.vector_load %arg8[%get3A_562, %get3A_563] {strides = array<i32>} : memref<96x416xf32, #tpu.memory_space<vmem>>, vector<16xf32>,
        %get3A_565 = arith.index_cast %scan3A_447 : i32 to index
        %get3A_566 = arith.constant 224 : index
        %get3A_567 = tpu.vector_load %arg9[%get3A_565, %get3A_566] {strides = array<i32>} : memref<96x416xf32, #tpu.memory_space<vmem>>, vector<16xf32>,
        %mul3A_568 = arith.mulf %get3A_564, %get3A_567 : vector<16xf32>
        %add3A_569 = arith.addf %add3A_561, %mul3A_568 : vector<16xf32>
        %get3A_570 = arith.index_cast %scan3A_447 : i32 to index
        %get3A_571 = arith.constant 240 : index
        %get3A_572 = tpu.vector_load %arg8[%get3A_570, %get3A_571] {strides = array<i32>} : memref<96x416xf32, #tpu.memory_space<vmem>>, vector<16xf32>,
        %get3A_573 = arith.index_cast %scan3A_447 : i32 to index
        %get3A_574 = arith.constant 240 : index
        %get3A_575 = tpu.vector_load %arg9[%get3A_573, %get3A_574] {strides = array<i32>} : memref<96x416xf32, #tpu.memory_space<vmem>>, vector<16xf32>,
        %mul3A_576 = arith.mulf %get3A_572, %get3A_575 : vector<16xf32>
        %add3A_577 = arith.addf %add3A_569, %mul3A_576 : vector<16xf32>
        %get3A_578 = arith.index_cast %scan3A_447 : i32 to index
        %get3A_579 = arith.constant 256 : index
        %get3A_580 = tpu.vector_load %arg8[%get3A_578, %get3A_579] {strides = array<i32>} : memref<96x416xf32, #tpu.memory_space<vmem>>, vector<16xf32>,
        %get3A_581 = arith.index_cast %scan3A_447 : i32 to index
        %get3A_582 = arith.constant 256 : index
        %get3A_583 = tpu.vector_load %arg9[%get3A_581, %get3A_582] {strides = array<i32>} : memref<96x416xf32, #tpu.memory_space<vmem>>, vector<16xf32>,
        %mul3A_584 = arith.mulf %get3A_580, %get3A_583 : vector<16xf32>
        %add3A_585 = arith.addf %add3A_577, %mul3A_584 : vector<16xf32>
        %get3A_586 = arith.index_cast %scan3A_447 : i32 to index
        %get3A_587 = arith.constant 272 : index
        %get3A_588 = tpu.vector_load %arg8[%get3A_586, %get3A_587] {strides = array<i32>} : memref<96x416xf32, #tpu.memory_space<vmem>>, vector<16xf32>,
        %get3A_589 = arith.index_cast %scan3A_447 : i32 to index
        %get3A_590 = arith.constant 272 : index
        %get3A_591 = tpu.vector_load %arg9[%get3A_589, %get3A_590] {strides = array<i32>} : memref<96x416xf32, #tpu.memory_space<vmem>>, vector<16xf32>,
        %mul3A_592 = arith.mulf %get3A_588, %get3A_591 : vector<16xf32>
        %add3A_593 = arith.addf %add3A_585, %mul3A_592 : vector<16xf32>
        %get3A_594 = arith.index_cast %scan3A_447 : i32 to index
        %get3A_595 = arith.constant 288 : index
        %get3A_596 = tpu.vector_load %arg8[%get3A_594, %get3A_595] {strides = array<i32>} : memref<96x416xf32, #tpu.memory_space<vmem>>, vector<16xf32>,
        %get3A_597 = arith.index_cast %scan3A_447 : i32 to index
        %get3A_598 = arith.constant 288 : index
        %get3A_599 = tpu.vector_load %arg9[%get3A_597, %get3A_598] {strides = array<i32>} : memref<96x416xf32, #tpu.memory_space<vmem>>, vector<16xf32>,
        %mul3A_600 = arith.mulf %get3A_596, %get3A_599 : vector<16xf32>
        %add3A_601 = arith.addf %add3A_593, %mul3A_600 : vector<16xf32>
        %get3A_602 = arith.index_cast %scan3A_447 : i32 to index
        %get3A_603 = arith.constant 304 : index
        %get3A_604 = tpu.vector_load %arg8[%get3A_602, %get3A_603] {strides = array<i32>} : memref<96x416xf32, #tpu.memory_space<vmem>>, vector<16xf32>,
        %get3A_605 = arith.index_cast %scan3A_447 : i32 to index
        %get3A_606 = arith.constant 304 : index
        %get3A_607 = tpu.vector_load %arg9[%get3A_605, %get3A_606] {strides = array<i32>} : memref<96x416xf32, #tpu.memory_space<vmem>>, vector<16xf32>,
        %mul3A_608 = arith.mulf %get3A_604, %get3A_607 : vector<16xf32>
        %add3A_609 = arith.addf %add3A_601, %mul3A_608 : vector<16xf32>
        %get3A_610 = arith.index_cast %scan3A_447 : i32 to index
        %get3A_611 = arith.constant 320 : index
        %get3A_612 = tpu.vector_load %arg8[%get3A_610, %get3A_611] {strides = array<i32>} : memref<96x416xf32, #tpu.memory_space<vmem>>, vector<16xf32>,
        %get3A_613 = arith.index_cast %scan3A_447 : i32 to index
        %get3A_614 = arith.constant 320 : index
        %get3A_615 = tpu.vector_load %arg9[%get3A_613, %get3A_614] {strides = array<i32>} : memref<96x416xf32, #tpu.memory_space<vmem>>, vector<16xf32>,
        %mul3A_616 = arith.mulf %get3A_612, %get3A_615 : vector<16xf32>
        %add3A_617 = arith.addf %add3A_609, %mul3A_616 : vector<16xf32>
        %get3A_618 = arith.index_cast %scan3A_447 : i32 to index
        %get3A_619 = arith.constant 336 : index
        %get3A_620 = tpu.vector_load %arg8[%get3A_618, %get3A_619] {strides = array<i32>} : memref<96x416xf32, #tpu.memory_space<vmem>>, vector<16xf32>,
        %get3A_621 = arith.index_cast %scan3A_447 : i32 to index
        %get3A_622 = arith.constant 336 : index
        %get3A_623 = tpu.vector_load %arg9[%get3A_621, %get3A_622] {strides = array<i32>} : memref<96x416xf32, #tpu.memory_space<vmem>>, vector<16xf32>,
        %mul3A_624 = arith.mulf %get3A_620, %get3A_623 : vector<16xf32>
        %add3A_625 = arith.addf %add3A_617, %mul3A_624 : vector<16xf32>
        %get3A_626 = arith.index_cast %scan3A_447 : i32 to index
        %get3A_627 = arith.constant 352 : index
        %get3A_628 = tpu.vector_load %arg8[%get3A_626, %get3A_627] {strides = array<i32>} : memref<96x416xf32, #tpu.memory_space<vmem>>, vector<16xf32>,
        %get3A_629 = arith.index_cast %scan3A_447 : i32 to index
        %get3A_630 = arith.constant 352 : index
        %get3A_631 = tpu.vector_load %arg9[%get3A_629, %get3A_630] {strides = array<i32>} : memref<96x416xf32, #tpu.memory_space<vmem>>, vector<16xf32>,
        %mul3A_632 = arith.mulf %get3A_628, %get3A_631 : vector<16xf32>
        %add3A_633 = arith.addf %add3A_625, %mul3A_632 : vector<16xf32>
        %get3A_634 = arith.index_cast %scan3A_447 : i32 to index
        %get3A_635 = arith.constant 368 : index
        %get3A_636 = tpu.vector_load %arg8[%get3A_634, %get3A_635] {strides = array<i32>} : memref<96x416xf32, #tpu.memory_space<vmem>>, vector<16xf32>,
        %get3A_637 = arith.index_cast %scan3A_447 : i32 to index
        %get3A_638 = arith.constant 368 : index
        %get3A_639 = tpu.vector_load %arg9[%get3A_637, %get3A_638] {strides = array<i32>} : memref<96x416xf32, #tpu.memory_space<vmem>>, vector<16xf32>,
        %mul3A_640 = arith.mulf %get3A_636, %get3A_639 : vector<16xf32>
        %add3A_641 = arith.addf %add3A_633, %mul3A_640 : vector<16xf32>
        %get3A_642 = arith.index_cast %scan3A_447 : i32 to index
        %get3A_643 = arith.constant 384 : index
        %get3A_644 = tpu.vector_load %arg8[%get3A_642, %get3A_643] {strides = array<i32>} : memref<96x416xf32, #tpu.memory_space<vmem>>, vector<16xf32>,
        %get3A_645 = arith.index_cast %scan3A_447 : i32 to index
        %get3A_646 = arith.constant 384 : index
        %get3A_647 = tpu.vector_load %arg9[%get3A_645, %get3A_646] {strides = array<i32>} : memref<96x416xf32, #tpu.memory_space<vmem>>, vector<16xf32>,
        %mul3A_648 = arith.mulf %get3A_644, %get3A_647 : vector<16xf32>
        %add3A_649 = arith.addf %add3A_641, %mul3A_648 : vector<16xf32>
        %get3A_650 = arith.index_cast %scan3A_447 : i32 to index
        %get3A_651 = arith.constant 400 : index
        %get3A_652 = tpu.vector_load %arg8[%get3A_650, %get3A_651] {strides = array<i32>} : memref<96x416xf32, #tpu.memory_space<vmem>>, vector<16xf32>,
        %get3A_653 = arith.index_cast %scan3A_447 : i32 to index
        %get3A_654 = arith.constant 400 : index
        %get3A_655 = tpu.vector_load %arg9[%get3A_653, %get3A_654] {strides = array<i32>} : memref<96x416xf32, #tpu.memory_space<vmem>>, vector<16xf32>,
        %mul3A_656 = arith.mulf %get3A_652, %get3A_655 : vector<16xf32>
        %add3A_657 = arith.addf %add3A_649, %mul3A_656 : vector<16xf32>
        %reduce_sum3A_658 = arith.constant true
        %reduce_sum3A_659 = vector.broadcast %reduce_sum3A_658 : i1 to vector<16xi1>
        %reduce_sum3A_660 = tpu.scan <sum>, %add3A_657 masked %reduce_sum3A_659 : vector<16xf32>, vector<16xi1> -> vector<16xf32>
        %reduce_sum3A_661 = vector.extract %reduce_sum3A_660[15] : f32 from vector<16xf32>
        %jit3A_662 = arith.constant 16 : i32
        %div3A_663 = arith.divsi %scan3A_447, %jit3A_662 : i32
        %sign3A_664 = arith.constant 0 : i32
        %sign3A_665 = arith.cmpi sgt, %scan3A_447, %sign3A_664 : i32
        %sign3A_666 = arith.extui %sign3A_665 : i1 to i32
        %sign3A_667 = arith.constant 0 : i32
        %sign3A_668 = arith.cmpi slt, %scan3A_447, %sign3A_667 : i32
        %sign3A_669 = arith.extui %sign3A_668 : i1 to i32
        %sign3A_670 = arith.subi %sign3A_666, %sign3A_669 : i32
        %sign3A_671 = arith.constant 0 : i32
        %sign3A_672 = arith.cmpi sgt, %jit3A_662, %sign3A_671 : i32
        %sign3A_673 = arith.extui %sign3A_672 : i1 to i32
        %sign3A_674 = arith.constant 0 : i32
        %sign3A_675 = arith.cmpi slt, %jit3A_662, %sign3A_674 : i32
        %sign3A_676 = arith.extui %sign3A_675 : i1 to i32
        %sign3A_677 = arith.subi %sign3A_673, %sign3A_676 : i32
        %ne3A_678 = arith.cmpi ne, %sign3A_670, %sign3A_677 : i32
        %rem3A_679 = arith.remsi %scan3A_447, %jit3A_662 : i32
        %ne3A_680 = arith.constant 0 : i32
        %ne3A_681 = arith.cmpi ne, %rem3A_679, %ne3A_680 : i32
        %and3A_682 = arith.andi %ne3A_678, %ne3A_681 : i1
        %sub3A_683 = arith.constant 1 : i32
        %sub3A_684 = arith.subi %div3A_663, %sub3A_683 : i32
        %select_n3A_685 = arith.select %and3A_682, %sub3A_684, %div3A_663 : i32
        %mul3A_686 = arith.constant 16 : i32
        %mul3A_687 = arith.muli %select_n3A_685, %mul3A_686 : i32
        %get3A_688 = arith.index_cast %mul3A_687 : i32 to index
        %get3A_689 = tpu.vector_load %arg12[%get3A_688] {strides = array<i32>} : memref<96xf32, #tpu.memory_space<vmem>>, vector<16xf32>,
        %sub3A_690 = arith.subi %scan3A_447, %mul3A_687 : i32
        %eq3A_691 = vector.broadcast %sub3A_690 : i32 to vector<16xi32>
        %eq3A_692 = arith.cmpi eq, %iota3A, %eq3A_691 : vector<16xi32>
        %broadcast_in_dim3A_693 = vector.broadcast %reduce_sum3A_661 : f32 to vector<16xf32>
        %select_n3A_694 = arith.select %eq3A_692, %broadcast_in_dim3A_693, %get3A_689 : vector<16xi1>, vector<16xf32>
        %swap3A_695 = arith.index_cast %mul3A_687 : i32 to index
        %swap3A_696 = tpu.vector_load %arg12[%swap3A_695] {strides = array<i32>} : memref<96xf32, #tpu.memory_space<vmem>>, vector<16xf32>,
        tpu.vector_store %arg12[%swap3A_695], %select_n3A_694 {strides = array<i32>} : memref<96xf32, #tpu.memory_space<vmem>>, vector<16xf32>,
      }
      %scan3A_102 = arith.constant 96 : i32
      %get3A_103 = arith.constant 0 : index
      %get3A_104 = tpu.vector_load %arg12[%get3A_103] {strides = array<i32>} : memref<96xf32, #tpu.memory_space<vmem>>, vector<16xf32>,
      %mul3A_105 = vector.broadcast %scan3A_10 : f32 to vector<16xf32>
      %mul3A_106 = arith.mulf %get3A_104, %mul3A_105 : vector<16xf32>
      %exp3A_107 = math.exp %mul3A_106 : vector<16xf32>
      %swap3A_108 = arith.constant 0 : index
      %swap3A_109 = tpu.vector_load %arg12[%swap3A_108] {strides = array<i32>} : memref<96xf32, #tpu.memory_space<vmem>>, vector<16xf32>,
      tpu.vector_store %arg12[%swap3A_108], %exp3A_107 {strides = array<i32>} : memref<96xf32, #tpu.memory_space<vmem>>, vector<16xf32>,
      %add3A_110 = arith.constant 0 : i32
      %add3A_111 = vector.broadcast %add3A_110 : i32 to vector<16xi32>
      %add3A_112 = arith.addi %iota3A, %add3A_111 : vector<16xi32>
      %lt3A_113 = arith.constant 96 : i32
      %lt3A_114 = vector.broadcast %lt3A_113 : i32 to vector<16xi32>
      %lt3A_115 = arith.cmpi slt, %add3A_112, %lt3A_114 : vector<16xi32>
      %add3A_116 = arith.constant 0 : i32
      %add3A_117 = arith.addi %mul3A_68, %add3A_116 : i32
      %get3A_118 = arith.index_cast %add3A_117 : i32 to index
      %get3A_119 = tpu.vector_load %arg11[%get3A_118] {strides = array<i32>} : memref<5016xi32, #tpu.memory_space<vmem>>, vector<16xi32>,
      tpu.vector_store_idx %arg13[%get3A_119], %exp3A_107 masked %lt3A_115 {add = true} : memref<10000xf32, #tpu.memory_space<vmem>>[vector<16xi32>], vector<16xf32>, vector<16xi1>
      %get3A_120 = arith.constant 16 : index
      %get3A_121 = tpu.vector_load %arg12[%get3A_120] {strides = array<i32>} : memref<96xf32, #tpu.memory_space<vmem>>, vector<16xf32>,
      %mul3A_122 = vector.broadcast %scan3A_10 : f32 to vector<16xf32>
      %mul3A_123 = arith.mulf %get3A_121, %mul3A_122 : vector<16xf32>
      %exp3A_124 = math.exp %mul3A_123 : vector<16xf32>
      %swap3A_125 = arith.constant 16 : index
      %swap3A_126 = tpu.vector_load %arg12[%swap3A_125] {strides = array<i32>} : memref<96xf32, #tpu.memory_space<vmem>>, vector<16xf32>,
      tpu.vector_store %arg12[%swap3A_125], %exp3A_124 {strides = array<i32>} : memref<96xf32, #tpu.memory_space<vmem>>, vector<16xf32>,
      %add3A_127 = arith.constant 16 : i32
      %add3A_128 = vector.broadcast %add3A_127 : i32 to vector<16xi32>
      %add3A_129 = arith.addi %iota3A, %add3A_128 : vector<16xi32>
      %lt3A_130 = arith.constant 96 : i32
      %lt3A_131 = vector.broadcast %lt3A_130 : i32 to vector<16xi32>
      %lt3A_132 = arith.cmpi slt, %add3A_129, %lt3A_131 : vector<16xi32>
      %add3A_133 = arith.constant 16 : i32
      %add3A_134 = arith.addi %mul3A_68, %add3A_133 : i32
      %get3A_135 = arith.index_cast %add3A_134 : i32 to index
      %get3A_136 = tpu.vector_load %arg11[%get3A_135] {strides = array<i32>} : memref<5016xi32, #tpu.memory_space<vmem>>, vector<16xi32>,
      tpu.vector_store_idx %arg13[%get3A_136], %exp3A_124 masked %lt3A_132 {add = true} : memref<10000xf32, #tpu.memory_space<vmem>>[vector<16xi32>], vector<16xf32>, vector<16xi1>
      %get3A_137 = arith.constant 32 : index
      %get3A_138 = tpu.vector_load %arg12[%get3A_137] {strides = array<i32>} : memref<96xf32, #tpu.memory_space<vmem>>, vector<16xf32>,
      %mul3A_139 = vector.broadcast %scan3A_10 : f32 to vector<16xf32>
      %mul3A_140 = arith.mulf %get3A_138, %mul3A_139 : vector<16xf32>
      %exp3A_141 = math.exp %mul3A_140 : vector<16xf32>
      %swap3A_142 = arith.constant 32 : index
      %swap3A_143 = tpu.vector_load %arg12[%swap3A_142] {strides = array<i32>} : memref<96xf32, #tpu.memory_space<vmem>>, vector<16xf32>,
      tpu.vector_store %arg12[%swap3A_142], %exp3A_141 {strides = array<i32>} : memref<96xf32, #tpu.memory_space<vmem>>, vector<16xf32>,
      %add3A_144 = arith.constant 32 : i32
      %add3A_145 = vector.broadcast %add3A_144 : i32 to vector<16xi32>
      %add3A_146 = arith.addi %iota3A, %add3A_145 : vector<16xi32>
      %lt3A_147 = arith.constant 96 : i32
      %lt3A_148 = vector.broadcast %lt3A_147 : i32 to vector<16xi32>
      %lt3A_149 = arith.cmpi slt, %add3A_146, %lt3A_148 : vector<16xi32>
      %add3A_150 = arith.constant 32 : i32
      %add3A_151 = arith.addi %mul3A_68, %add3A_150 : i32
      %get3A_152 = arith.index_cast %add3A_151 : i32 to index
      %get3A_153 = tpu.vector_load %arg11[%get3A_152] {strides = array<i32>} : memref<5016xi32, #tpu.memory_space<vmem>>, vector<16xi32>,
      tpu.vector_store_idx %arg13[%get3A_153], %exp3A_141 masked %lt3A_149 {add = true} : memref<10000xf32, #tpu.memory_space<vmem>>[vector<16xi32>], vector<16xf32>, vector<16xi1>
      %get3A_154 = arith.constant 48 : index
      %get3A_155 = tpu.vector_load %arg12[%get3A_154] {strides = array<i32>} : memref<96xf32, #tpu.memory_space<vmem>>, vector<16xf32>,
      %mul3A_156 = vector.broadcast %scan3A_10 : f32 to vector<16xf32>
      %mul3A_157 = arith.mulf %get3A_155, %mul3A_156 : vector<16xf32>
      %exp3A_158 = math.exp %mul3A_157 : vector<16xf32>
      %swap3A_159 = arith.constant 48 : index
      %swap3A_160 = tpu.vector_load %arg12[%swap3A_159] {strides = array<i32>} : memref<96xf32, #tpu.memory_space<vmem>>, vector<16xf32>,
      tpu.vector_store %arg12[%swap3A_159], %exp3A_158 {strides = array<i32>} : memref<96xf32, #tpu.memory_space<vmem>>, vector<16xf32>,
      %add3A_161 = arith.constant 48 : i32
      %add3A_162 = vector.broadcast %add3A_161 : i32 to vector<16xi32>
      %add3A_163 = arith.addi %iota3A, %add3A_162 : vector<16xi32>
      %lt3A_164 = arith.constant 96 : i32
      %lt3A_165 = vector.broadcast %lt3A_164 : i32 to vector<16xi32>
      %lt3A_166 = arith.cmpi slt, %add3A_163, %lt3A_165 : vector<16xi32>
      %add3A_167 = arith.constant 48 : i32
      %add3A_168 = arith.addi %mul3A_68, %add3A_167 : i32
      %get3A_169 = arith.index_cast %add3A_168 : i32 to index
      %get3A_170 = tpu.vector_load %arg11[%get3A_169] {strides = array<i32>} : memref<5016xi32, #tpu.memory_space<vmem>>, vector<16xi32>,
      tpu.vector_store_idx %arg13[%get3A_170], %exp3A_158 masked %lt3A_166 {add = true} : memref<10000xf32, #tpu.memory_space<vmem>>[vector<16xi32>], vector<16xf32>, vector<16xi1>
      %get3A_171 = arith.constant 64 : index
      %get3A_172 = tpu.vector_load %arg12[%get3A_171] {strides = array<i32>} : memref<96xf32, #tpu.memory_space<vmem>>, vector<16xf32>,
      %mul3A_173 = vector.broadcast %scan3A_10 : f32 to vector<16xf32>
      %mul3A_174 = arith.mulf %get3A_172, %mul3A_173 : vector<16xf32>
      %exp3A_175 = math.exp %mul3A_174 : vector<16xf32>
      %swap3A_176 = arith.constant 64 : index
      %swap3A_177 = tpu.vector_load %arg12[%swap3A_176] {strides = array<i32>} : memref<96xf32, #tpu.memory_space<vmem>>, vector<16xf32>,
      tpu.vector_store %arg12[%swap3A_176], %exp3A_175 {strides = array<i32>} : memref<96xf32, #tpu.memory_space<vmem>>, vector<16xf32>,
      %add3A_178 = arith.constant 64 : i32
      %add3A_179 = vector.broadcast %add3A_178 : i32 to vector<16xi32>
      %add3A_180 = arith.addi %iota3A, %add3A_179 : vector<16xi32>
      %lt3A_181 = arith.constant 96 : i32
      %lt3A_182 = vector.broadcast %lt3A_181 : i32 to vector<16xi32>
      %lt3A_183 = arith.cmpi slt, %add3A_180, %lt3A_182 : vector<16xi32>
      %add3A_184 = arith.constant 64 : i32
      %add3A_185 = arith.addi %mul3A_68, %add3A_184 : i32
      %get3A_186 = arith.index_cast %add3A_185 : i32 to index
      %get3A_187 = tpu.vector_load %arg11[%get3A_186] {strides = array<i32>} : memref<5016xi32, #tpu.memory_space<vmem>>, vector<16xi32>,
      tpu.vector_store_idx %arg13[%get3A_187], %exp3A_175 masked %lt3A_183 {add = true} : memref<10000xf32, #tpu.memory_space<vmem>>[vector<16xi32>], vector<16xf32>, vector<16xi1>
      %get3A_188 = arith.constant 80 : index
      %get3A_189 = tpu.vector_load %arg12[%get3A_188] {strides = array<i32>} : memref<96xf32, #tpu.memory_space<vmem>>, vector<16xf32>,
      %mul3A_190 = vector.broadcast %scan3A_10 : f32 to vector<16xf32>
      %mul3A_191 = arith.mulf %get3A_189, %mul3A_190 : vector<16xf32>
      %exp3A_192 = math.exp %mul3A_191 : vector<16xf32>
      %swap3A_193 = arith.constant 80 : index
      %swap3A_194 = tpu.vector_load %arg12[%swap3A_193] {strides = array<i32>} : memref<96xf32, #tpu.memory_space<vmem>>, vector<16xf32>,
      tpu.vector_store %arg12[%swap3A_193], %exp3A_192 {strides = array<i32>} : memref<96xf32, #tpu.memory_space<vmem>>, vector<16xf32>,
      %add3A_195 = arith.constant 80 : i32
      %add3A_196 = vector.broadcast %add3A_195 : i32 to vector<16xi32>
      %add3A_197 = arith.addi %iota3A, %add3A_196 : vector<16xi32>
      %lt3A_198 = arith.constant 96 : i32
      %lt3A_199 = vector.broadcast %lt3A_198 : i32 to vector<16xi32>
      %lt3A_200 = arith.cmpi slt, %add3A_197, %lt3A_199 : vector<16xi32>
      %add3A_201 = arith.constant 80 : i32
      %add3A_202 = arith.addi %mul3A_68, %add3A_201 : i32
      %get3A_203 = arith.index_cast %add3A_202 : i32 to index
      %get3A_204 = tpu.vector_load %arg11[%get3A_203] {strides = array<i32>} : memref<5016xi32, #tpu.memory_space<vmem>>, vector<16xi32>,
      tpu.vector_store_idx %arg13[%get3A_204], %exp3A_192 masked %lt3A_200 {add = true} : memref<10000xf32, #tpu.memory_space<vmem>>[vector<16xi32>], vector<16xf32>, vector<16xi1>
      %add3A_205 = arith.addi %mul3A_3, %mul3A_68 : i32
      "tpu.region"() ({
        %run_scoped3A = tpu.sem_alloc : memref<!tpu.dma_semaphore, #tpu.memory_space<semaphore_mem>>
        %dma_start3A_206 = arith.constant 0 : i32
        %dma_start3A_207 = tpu.memref_slice %arg12[%dma_start3A_206] : memref<96xf32, #tpu.memory_space<vmem>> -> memref<96xf32, #tpu.memory_space<vmem>>
        %dma_start3A_208 = tpu.memref_slice %arg6[%add3A_205] : memref<160000xf32, #tpu.memory_space<hbm>> -> memref<96xf32, #tpu.memory_space<hbm>>
        %dma_start3A_209 = tpu.memref_slice %arg6[%add3A_205] : memref<160000xf32, #tpu.memory_space<hbm>> -> memref<96xf32, #tpu.memory_space<hbm>>
        %dma_start3A_210 = arith.constant 0 : i32
        %dma_start3A_211 = tpu.memref_slice %arg12[%dma_start3A_210] : memref<96xf32, #tpu.memory_space<vmem>> -> memref<96xf32, #tpu.memory_space<vmem>>
        tpu.enqueue_dma source(%dma_start3A_211 : memref<96xf32, #tpu.memory_space<vmem>>) target(%dma_start3A_209 : memref<96xf32, #tpu.memory_space<hbm>>) target_semaphore(%run_scoped3A : memref<!tpu.dma_semaphore, #tpu.memory_space<semaphore_mem>>)
        %dma_wait3A_212 = arith.constant 0 : i32
        %dma_wait3A_213 = tpu.memref_slice %arg12[%dma_wait3A_212] : memref<96xf32, #tpu.memory_space<vmem>> -> memref<96xf32, #tpu.memory_space<vmem>>
        %dma_wait3A_214 = tpu.memref_slice %arg6[%add3A_205] : memref<160000xf32, #tpu.memory_space<hbm>> -> memref<96xf32, #tpu.memory_space<hbm>>
        %dma_wait3A_215 = tpu.memref_slice %arg6[%add3A_205] : memref<160000xf32, #tpu.memory_space<hbm>> -> memref<96xf32, #tpu.memory_space<hbm>>
        %dma_wait3A_216 = arith.constant 0 : i32
        %dma_wait3A_217 = tpu.memref_slice %arg12[%dma_wait3A_216] : memref<96xf32, #tpu.memory_space<vmem>> -> memref<96xf32, #tpu.memory_space<vmem>>
        tpu.wait_dma2 semaphore(%run_scoped3A : memref<!tpu.dma_semaphore, #tpu.memory_space<semaphore_mem>>) src(%dma_wait3A_217 : memref<96xf32, #tpu.memory_space<vmem>>) dst(%dma_wait3A_215 : memref<96xf32, #tpu.memory_space<hbm>>)
        tpu.yield
      }) : () -> ()
    }
    %scan3A_15 = arith.constant 52 : i32
    %dma_start3A = arith.constant 0 : i32
    %dma_start3A_16 = arith.constant 0 : i32
    %dma_start3A_17 = tpu.memref_slice %arg8[%dma_start3A, %dma_start3A_16] : memref<96x416xf32, #tpu.memory_space<vmem>> -> memref<8x416xf32, #tpu.memory_space<vmem>>
    %dma_start3A_18 = arith.constant 4992 : i32
    %dma_start3A_19 = tpu.memref_slice %arg11[%dma_start3A_18] : memref<5016xi32, #tpu.memory_space<vmem>> -> memref<8xi32, #tpu.memory_space<vmem>>
    %dma_start3A_20 = arith.constant 0 : i32
    %dma_start3A_21 = arith.constant 0 : i32
    %dma_start3A_22 = tpu.memref_slice %arg2[%dma_start3A_20, %dma_start3A_21] : memref<10000x416xf32, #tpu.memory_space<hbm>> -> memref<10000x416xf32, #tpu.memory_space<hbm>>
    tpu.enqueue_indirect_dma source(%dma_start3A_22 : memref<10000x416xf32, #tpu.memory_space<hbm>>) target(%dma_start3A_17 : memref<8x416xf32, #tpu.memory_space<vmem>>) offsets(%dma_start3A_19 : memref<8xi32, #tpu.memory_space<vmem>>) semaphore(%arg14 : memref<!tpu.dma_semaphore, #tpu.memory_space<semaphore_mem>>)
    %dma_start3A_23 = arith.constant 0 : i32
    %dma_start3A_24 = arith.constant 0 : i32
    %dma_start3A_25 = tpu.memref_slice %arg9[%dma_start3A_23, %dma_start3A_24] : memref<96x416xf32, #tpu.memory_space<vmem>> -> memref<8x416xf32, #tpu.memory_space<vmem>>
    %dma_start3A_26 = arith.constant 4992 : i32
    %dma_start3A_27 = tpu.memref_slice %arg10[%dma_start3A_26] : memref<5000xi32, #tpu.memory_space<vmem>> -> memref<8xi32, #tpu.memory_space<vmem>>
    %dma_start3A_28 = arith.constant 0 : i32
    %dma_start3A_29 = arith.constant 0 : i32
    %dma_start3A_30 = tpu.memref_slice %arg3[%dma_start3A_28, %dma_start3A_29] : memref<10000x416xf32, #tpu.memory_space<hbm>> -> memref<10000x416xf32, #tpu.memory_space<hbm>>
    tpu.enqueue_indirect_dma source(%dma_start3A_30 : memref<10000x416xf32, #tpu.memory_space<hbm>>) target(%dma_start3A_25 : memref<8x416xf32, #tpu.memory_space<vmem>>) offsets(%dma_start3A_27 : memref<8xi32, #tpu.memory_space<vmem>>) semaphore(%arg15 : memref<!tpu.dma_semaphore, #tpu.memory_space<semaphore_mem>>)
    %dma_wait3A = arith.constant 0 : i32
    %dma_wait3A_31 = arith.constant 0 : i32
    %dma_wait3A_32 = tpu.memref_slice %arg8[%dma_wait3A, %dma_wait3A_31] : memref<96x416xf32, #tpu.memory_space<vmem>> -> memref<8x416xf32, #tpu.memory_space<vmem>>
    %dma_wait3A_33 = arith.constant 4992 : i32
    %dma_wait3A_34 = tpu.memref_slice %arg11[%dma_wait3A_33] : memref<5016xi32, #tpu.memory_space<vmem>> -> memref<8xi32, #tpu.memory_space<vmem>>
    %dma_wait3A_35 = arith.constant 0 : i32
    %dma_wait3A_36 = arith.constant 0 : i32
    %dma_wait3A_37 = tpu.memref_slice %arg2[%dma_wait3A_35, %dma_wait3A_36] : memref<10000x416xf32, #tpu.memory_space<hbm>> -> memref<10000x416xf32, #tpu.memory_space<hbm>>
    tpu.wait_indirect_dma semaphore(%arg14 : memref<!tpu.dma_semaphore, #tpu.memory_space<semaphore_mem>>) src(%dma_wait3A_37 : memref<10000x416xf32, #tpu.memory_space<hbm>>) dst(%dma_wait3A_32 : memref<8x416xf32, #tpu.memory_space<vmem>>)
    %dma_wait3A_38 = arith.constant 0 : i32
    %dma_wait3A_39 = arith.constant 0 : i32
    %dma_wait3A_40 = tpu.memref_slice %arg9[%dma_wait3A_38, %dma_wait3A_39] : memref<96x416xf32, #tpu.memory_space<vmem>> -> memref<8x416xf32, #tpu.memory_space<vmem>>
    %dma_wait3A_41 = arith.constant 4992 : i32
    %dma_wait3A_42 = tpu.memref_slice %arg10[%dma_wait3A_41] : memref<5000xi32, #tpu.memory_space<vmem>> -> memref<8xi32, #tpu.memory_space<vmem>>
    %dma_wait3A_43 = arith.constant 0 : i32
    %dma_wait3A_44 = arith.constant 0 : i32
    %dma_wait3A_45 = tpu.memref_slice %arg3[%dma_wait3A_43, %dma_wait3A_44] : memref<10000x416xf32, #tpu.memory_space<hbm>> -> memref<10000x416xf32, #tpu.memory_space<hbm>>
    tpu.wait_indirect_dma semaphore(%arg15 : memref<!tpu.dma_semaphore, #tpu.memory_space<semaphore_mem>>) src(%dma_wait3A_45 : memref<10000x416xf32, #tpu.memory_space<hbm>>) dst(%dma_wait3A_40 : memref<8x416xf32, #tpu.memory_space<vmem>>)
    %scan3A_46 = arith.constant 0 : i32
    %scan3A_47 = arith.constant 0 : i32
    %scan3A_48 = arith.constant 8 : i32
    %scan3A_49 = arith.addi %scan3A_47, %scan3A_48 : i32
    %scan3A_50 = arith.constant 2 : i32
    scf.for %scan3A_66 = %scan3A_47 to %scan3A_49 step %scan3A_50  : i32 {
      %broadcast_in_dim3A_67 = arith.constant 0.000000e+00 : f32
      %broadcast_in_dim3A_68 = vector.broadcast %broadcast_in_dim3A_67 : f32 to vector<16xf32>
      %get3A_69 = arith.index_cast %scan3A_66 : i32 to index
      %get3A_70 = arith.constant 0 : index
      %get3A_71 = tpu.vector_load %arg8[%get3A_69, %get3A_70] {strides = array<i32>} : memref<96x416xf32, #tpu.memory_space<vmem>>, vector<16xf32>,
      %get3A_72 = arith.index_cast %scan3A_66 : i32 to index
      %get3A_73 = arith.constant 0 : index
      %get3A_74 = tpu.vector_load %arg9[%get3A_72, %get3A_73] {strides = array<i32>} : memref<96x416xf32, #tpu.memory_space<vmem>>, vector<16xf32>,
      %mul3A_75 = arith.mulf %get3A_71, %get3A_74 : vector<16xf32>
      %add3A_76 = arith.addf %broadcast_in_dim3A_68, %mul3A_75 : vector<16xf32>
      %get3A_77 = arith.index_cast %scan3A_66 : i32 to index
      %get3A_78 = arith.constant 16 : index
      %get3A_79 = tpu.vector_load %arg8[%get3A_77, %get3A_78] {strides = array<i32>} : memref<96x416xf32, #tpu.memory_space<vmem>>, vector<16xf32>,
      %get3A_80 = arith.index_cast %scan3A_66 : i32 to index
      %get3A_81 = arith.constant 16 : index
      %get3A_82 = tpu.vector_load %arg9[%get3A_80, %get3A_81] {strides = array<i32>} : memref<96x416xf32, #tpu.memory_space<vmem>>, vector<16xf32>,
      %mul3A_83 = arith.mulf %get3A_79, %get3A_82 : vector<16xf32>
      %add3A_84 = arith.addf %add3A_76, %mul3A_83 : vector<16xf32>
      %get3A_85 = arith.index_cast %scan3A_66 : i32 to index
      %get3A_86 = arith.constant 32 : index
      %get3A_87 = tpu.vector_load %arg8[%get3A_85, %get3A_86] {strides = array<i32>} : memref<96x416xf32, #tpu.memory_space<vmem>>, vector<16xf32>,
      %get3A_88 = arith.index_cast %scan3A_66 : i32 to index
      %get3A_89 = arith.constant 32 : index
      %get3A_90 = tpu.vector_load %arg9[%get3A_88, %get3A_89] {strides = array<i32>} : memref<96x416xf32, #tpu.memory_space<vmem>>, vector<16xf32>,
      %mul3A_91 = arith.mulf %get3A_87, %get3A_90 : vector<16xf32>
      %add3A_92 = arith.addf %add3A_84, %mul3A_91 : vector<16xf32>
      %get3A_93 = arith.index_cast %scan3A_66 : i32 to index
      %get3A_94 = arith.constant 48 : index
      %get3A_95 = tpu.vector_load %arg8[%get3A_93, %get3A_94] {strides = array<i32>} : memref<96x416xf32, #tpu.memory_space<vmem>>, vector<16xf32>,
      %get3A_96 = arith.index_cast %scan3A_66 : i32 to index
      %get3A_97 = arith.constant 48 : index
      %get3A_98 = tpu.vector_load %arg9[%get3A_96, %get3A_97] {strides = array<i32>} : memref<96x416xf32, #tpu.memory_space<vmem>>, vector<16xf32>,
      %mul3A_99 = arith.mulf %get3A_95, %get3A_98 : vector<16xf32>
      %add3A_100 = arith.addf %add3A_92, %mul3A_99 : vector<16xf32>
      %get3A_101 = arith.index_cast %scan3A_66 : i32 to index
      %get3A_102 = arith.constant 64 : index
      %get3A_103 = tpu.vector_load %arg8[%get3A_101, %get3A_102] {strides = array<i32>} : memref<96x416xf32, #tpu.memory_space<vmem>>, vector<16xf32>,
      %get3A_104 = arith.index_cast %scan3A_66 : i32 to index
      %get3A_105 = arith.constant 64 : index
      %get3A_106 = tpu.vector_load %arg9[%get3A_104, %get3A_105] {strides = array<i32>} : memref<96x416xf32, #tpu.memory_space<vmem>>, vector<16xf32>,
      %mul3A_107 = arith.mulf %get3A_103, %get3A_106 : vector<16xf32>
      %add3A_108 = arith.addf %add3A_100, %mul3A_107 : vector<16xf32>
      %get3A_109 = arith.index_cast %scan3A_66 : i32 to index
      %get3A_110 = arith.constant 80 : index
      %get3A_111 = tpu.vector_load %arg8[%get3A_109, %get3A_110] {strides = array<i32>} : memref<96x416xf32, #tpu.memory_space<vmem>>, vector<16xf32>,
      %get3A_112 = arith.index_cast %scan3A_66 : i32 to index
      %get3A_113 = arith.constant 80 : index
      %get3A_114 = tpu.vector_load %arg9[%get3A_112, %get3A_113] {strides = array<i32>} : memref<96x416xf32, #tpu.memory_space<vmem>>, vector<16xf32>,
      %mul3A_115 = arith.mulf %get3A_111, %get3A_114 : vector<16xf32>
      %add3A_116 = arith.addf %add3A_108, %mul3A_115 : vector<16xf32>
      %get3A_117 = arith.index_cast %scan3A_66 : i32 to index
      %get3A_118 = arith.constant 96 : index
      %get3A_119 = tpu.vector_load %arg8[%get3A_117, %get3A_118] {strides = array<i32>} : memref<96x416xf32, #tpu.memory_space<vmem>>, vector<16xf32>,
      %get3A_120 = arith.index_cast %scan3A_66 : i32 to index
      %get3A_121 = arith.constant 96 : index
      %get3A_122 = tpu.vector_load %arg9[%get3A_120, %get3A_121] {strides = array<i32>} : memref<96x416xf32, #tpu.memory_space<vmem>>, vector<16xf32>,
      %mul3A_123 = arith.mulf %get3A_119, %get3A_122 : vector<16xf32>
      %add3A_124 = arith.addf %add3A_116, %mul3A_123 : vector<16xf32>
      %get3A_125 = arith.index_cast %scan3A_66 : i32 to index
      %get3A_126 = arith.constant 112 : index
      %get3A_127 = tpu.vector_load %arg8[%get3A_125, %get3A_126] {strides = array<i32>} : memref<96x416xf32, #tpu.memory_space<vmem>>, vector<16xf32>,
      %get3A_128 = arith.index_cast %scan3A_66 : i32 to index
      %get3A_129 = arith.constant 112 : index
      %get3A_130 = tpu.vector_load %arg9[%get3A_128, %get3A_129] {strides = array<i32>} : memref<96x416xf32, #tpu.memory_space<vmem>>, vector<16xf32>,
      %mul3A_131 = arith.mulf %get3A_127, %get3A_130 : vector<16xf32>
      %add3A_132 = arith.addf %add3A_124, %mul3A_131 : vector<16xf32>
      %get3A_133 = arith.index_cast %scan3A_66 : i32 to index
      %get3A_134 = arith.constant 128 : index
      %get3A_135 = tpu.vector_load %arg8[%get3A_133, %get3A_134] {strides = array<i32>} : memref<96x416xf32, #tpu.memory_space<vmem>>, vector<16xf32>,
      %get3A_136 = arith.index_cast %scan3A_66 : i32 to index
      %get3A_137 = arith.constant 128 : index
      %get3A_138 = tpu.vector_load %arg9[%get3A_136, %get3A_137] {strides = array<i32>} : memref<96x416xf32, #tpu.memory_space<vmem>>, vector<16xf32>,
      %mul3A_139 = arith.mulf %get3A_135, %get3A_138 : vector<16xf32>
      %add3A_140 = arith.addf %add3A_132, %mul3A_139 : vector<16xf32>
      %get3A_141 = arith.index_cast %scan3A_66 : i32 to index
      %get3A_142 = arith.constant 144 : index
      %get3A_143 = tpu.vector_load %arg8[%get3A_141, %get3A_142] {strides = array<i32>} : memref<96x416xf32, #tpu.memory_space<vmem>>, vector<16xf32>,
      %get3A_144 = arith.index_cast %scan3A_66 : i32 to index
      %get3A_145 = arith.constant 144 : index
      %get3A_146 = tpu.vector_load %arg9[%get3A_144, %get3A_145] {strides = array<i32>} : memref<96x416xf32, #tpu.memory_space<vmem>>, vector<16xf32>,
      %mul3A_147 = arith.mulf %get3A_143, %get3A_146 : vector<16xf32>
      %add3A_148 = arith.addf %add3A_140, %mul3A_147 : vector<16xf32>
      %get3A_149 = arith.index_cast %scan3A_66 : i32 to index
      %get3A_150 = arith.constant 160 : index
      %get3A_151 = tpu.vector_load %arg8[%get3A_149, %get3A_150] {strides = array<i32>} : memref<96x416xf32, #tpu.memory_space<vmem>>, vector<16xf32>,
      %get3A_152 = arith.index_cast %scan3A_66 : i32 to index
      %get3A_153 = arith.constant 160 : index
      %get3A_154 = tpu.vector_load %arg9[%get3A_152, %get3A_153] {strides = array<i32>} : memref<96x416xf32, #tpu.memory_space<vmem>>, vector<16xf32>,
      %mul3A_155 = arith.mulf %get3A_151, %get3A_154 : vector<16xf32>
      %add3A_156 = arith.addf %add3A_148, %mul3A_155 : vector<16xf32>
      %get3A_157 = arith.index_cast %scan3A_66 : i32 to index
      %get3A_158 = arith.constant 176 : index
      %get3A_159 = tpu.vector_load %arg8[%get3A_157, %get3A_158] {strides = array<i32>} : memref<96x416xf32, #tpu.memory_space<vmem>>, vector<16xf32>,
      %get3A_160 = arith.index_cast %scan3A_66 : i32 to index
      %get3A_161 = arith.constant 176 : index
      %get3A_162 = tpu.vector_load %arg9[%get3A_160, %get3A_161] {strides = array<i32>} : memref<96x416xf32, #tpu.memory_space<vmem>>, vector<16xf32>,
      %mul3A_163 = arith.mulf %get3A_159, %get3A_162 : vector<16xf32>
      %add3A_164 = arith.addf %add3A_156, %mul3A_163 : vector<16xf32>
      %get3A_165 = arith.index_cast %scan3A_66 : i32 to index
      %get3A_166 = arith.constant 192 : index
      %get3A_167 = tpu.vector_load %arg8[%get3A_165, %get3A_166] {strides = array<i32>} : memref<96x416xf32, #tpu.memory_space<vmem>>, vector<16xf32>,
      %get3A_168 = arith.index_cast %scan3A_66 : i32 to index
      %get3A_169 = arith.constant 192 : index
      %get3A_170 = tpu.vector_load %arg9[%get3A_168, %get3A_169] {strides = array<i32>} : memref<96x416xf32, #tpu.memory_space<vmem>>, vector<16xf32>,
      %mul3A_171 = arith.mulf %get3A_167, %get3A_170 : vector<16xf32>
      %add3A_172 = arith.addf %add3A_164, %mul3A_171 : vector<16xf32>
      %get3A_173 = arith.index_cast %scan3A_66 : i32 to index
      %get3A_174 = arith.constant 208 : index
      %get3A_175 = tpu.vector_load %arg8[%get3A_173, %get3A_174] {strides = array<i32>} : memref<96x416xf32, #tpu.memory_space<vmem>>, vector<16xf32>,
      %get3A_176 = arith.index_cast %scan3A_66 : i32 to index
      %get3A_177 = arith.constant 208 : index
      %get3A_178 = tpu.vector_load %arg9[%get3A_176, %get3A_177] {strides = array<i32>} : memref<96x416xf32, #tpu.memory_space<vmem>>, vector<16xf32>,
      %mul3A_179 = arith.mulf %get3A_175, %get3A_178 : vector<16xf32>
      %add3A_180 = arith.addf %add3A_172, %mul3A_179 : vector<16xf32>
      %get3A_181 = arith.index_cast %scan3A_66 : i32 to index
      %get3A_182 = arith.constant 224 : index
      %get3A_183 = tpu.vector_load %arg8[%get3A_181, %get3A_182] {strides = array<i32>} : memref<96x416xf32, #tpu.memory_space<vmem>>, vector<16xf32>,
      %get3A_184 = arith.index_cast %scan3A_66 : i32 to index
      %get3A_185 = arith.constant 224 : index
      %get3A_186 = tpu.vector_load %arg9[%get3A_184, %get3A_185] {strides = array<i32>} : memref<96x416xf32, #tpu.memory_space<vmem>>, vector<16xf32>,
      %mul3A_187 = arith.mulf %get3A_183, %get3A_186 : vector<16xf32>
      %add3A_188 = arith.addf %add3A_180, %mul3A_187 : vector<16xf32>
      %get3A_189 = arith.index_cast %scan3A_66 : i32 to index
      %get3A_190 = arith.constant 240 : index
      %get3A_191 = tpu.vector_load %arg8[%get3A_189, %get3A_190] {strides = array<i32>} : memref<96x416xf32, #tpu.memory_space<vmem>>, vector<16xf32>,
      %get3A_192 = arith.index_cast %scan3A_66 : i32 to index
      %get3A_193 = arith.constant 240 : index
      %get3A_194 = tpu.vector_load %arg9[%get3A_192, %get3A_193] {strides = array<i32>} : memref<96x416xf32, #tpu.memory_space<vmem>>, vector<16xf32>,
      %mul3A_195 = arith.mulf %get3A_191, %get3A_194 : vector<16xf32>
      %add3A_196 = arith.addf %add3A_188, %mul3A_195 : vector<16xf32>
      %get3A_197 = arith.index_cast %scan3A_66 : i32 to index
      %get3A_198 = arith.constant 256 : index
      %get3A_199 = tpu.vector_load %arg8[%get3A_197, %get3A_198] {strides = array<i32>} : memref<96x416xf32, #tpu.memory_space<vmem>>, vector<16xf32>,
      %get3A_200 = arith.index_cast %scan3A_66 : i32 to index
      %get3A_201 = arith.constant 256 : index
      %get3A_202 = tpu.vector_load %arg9[%get3A_200, %get3A_201] {strides = array<i32>} : memref<96x416xf32, #tpu.memory_space<vmem>>, vector<16xf32>,
      %mul3A_203 = arith.mulf %get3A_199, %get3A_202 : vector<16xf32>
      %add3A_204 = arith.addf %add3A_196, %mul3A_203 : vector<16xf32>
      %get3A_205 = arith.index_cast %scan3A_66 : i32 to index
      %get3A_206 = arith.constant 272 : index
      %get3A_207 = tpu.vector_load %arg8[%get3A_205, %get3A_206] {strides = array<i32>} : memref<96x416xf32, #tpu.memory_space<vmem>>, vector<16xf32>,
      %get3A_208 = arith.index_cast %scan3A_66 : i32 to index
      %get3A_209 = arith.constant 272 : index
      %get3A_210 = tpu.vector_load %arg9[%get3A_208, %get3A_209] {strides = array<i32>} : memref<96x416xf32, #tpu.memory_space<vmem>>, vector<16xf32>,
      %mul3A_211 = arith.mulf %get3A_207, %get3A_210 : vector<16xf32>
      %add3A_212 = arith.addf %add3A_204, %mul3A_211 : vector<16xf32>
      %get3A_213 = arith.index_cast %scan3A_66 : i32 to index
      %get3A_214 = arith.constant 288 : index
      %get3A_215 = tpu.vector_load %arg8[%get3A_213, %get3A_214] {strides = array<i32>} : memref<96x416xf32, #tpu.memory_space<vmem>>, vector<16xf32>,
      %get3A_216 = arith.index_cast %scan3A_66 : i32 to index
      %get3A_217 = arith.constant 288 : index
      %get3A_218 = tpu.vector_load %arg9[%get3A_216, %get3A_217] {strides = array<i32>} : memref<96x416xf32, #tpu.memory_space<vmem>>, vector<16xf32>,
      %mul3A_219 = arith.mulf %get3A_215, %get3A_218 : vector<16xf32>
      %add3A_220 = arith.addf %add3A_212, %mul3A_219 : vector<16xf32>
      %get3A_221 = arith.index_cast %scan3A_66 : i32 to index
      %get3A_222 = arith.constant 304 : index
      %get3A_223 = tpu.vector_load %arg8[%get3A_221, %get3A_222] {strides = array<i32>} : memref<96x416xf32, #tpu.memory_space<vmem>>, vector<16xf32>,
      %get3A_224 = arith.index_cast %scan3A_66 : i32 to index
      %get3A_225 = arith.constant 304 : index
      %get3A_226 = tpu.vector_load %arg9[%get3A_224, %get3A_225] {strides = array<i32>} : memref<96x416xf32, #tpu.memory_space<vmem>>, vector<16xf32>,
      %mul3A_227 = arith.mulf %get3A_223, %get3A_226 : vector<16xf32>
      %add3A_228 = arith.addf %add3A_220, %mul3A_227 : vector<16xf32>
      %get3A_229 = arith.index_cast %scan3A_66 : i32 to index
      %get3A_230 = arith.constant 320 : index
      %get3A_231 = tpu.vector_load %arg8[%get3A_229, %get3A_230] {strides = array<i32>} : memref<96x416xf32, #tpu.memory_space<vmem>>, vector<16xf32>,
      %get3A_232 = arith.index_cast %scan3A_66 : i32 to index
      %get3A_233 = arith.constant 320 : index
      %get3A_234 = tpu.vector_load %arg9[%get3A_232, %get3A_233] {strides = array<i32>} : memref<96x416xf32, #tpu.memory_space<vmem>>, vector<16xf32>,
      %mul3A_235 = arith.mulf %get3A_231, %get3A_234 : vector<16xf32>
      %add3A_236 = arith.addf %add3A_228, %mul3A_235 : vector<16xf32>
      %get3A_237 = arith.index_cast %scan3A_66 : i32 to index
      %get3A_238 = arith.constant 336 : index
      %get3A_239 = tpu.vector_load %arg8[%get3A_237, %get3A_238] {strides = array<i32>} : memref<96x416xf32, #tpu.memory_space<vmem>>, vector<16xf32>,
      %get3A_240 = arith.index_cast %scan3A_66 : i32 to index
      %get3A_241 = arith.constant 336 : index
      %get3A_242 = tpu.vector_load %arg9[%get3A_240, %get3A_241] {strides = array<i32>} : memref<96x416xf32, #tpu.memory_space<vmem>>, vector<16xf32>,
      %mul3A_243 = arith.mulf %get3A_239, %get3A_242 : vector<16xf32>
      %add3A_244 = arith.addf %add3A_236, %mul3A_243 : vector<16xf32>
      %get3A_245 = arith.index_cast %scan3A_66 : i32 to index
      %get3A_246 = arith.constant 352 : index
      %get3A_247 = tpu.vector_load %arg8[%get3A_245, %get3A_246] {strides = array<i32>} : memref<96x416xf32, #tpu.memory_space<vmem>>, vector<16xf32>,
      %get3A_248 = arith.index_cast %scan3A_66 : i32 to index
      %get3A_249 = arith.constant 352 : index
      %get3A_250 = tpu.vector_load %arg9[%get3A_248, %get3A_249] {strides = array<i32>} : memref<96x416xf32, #tpu.memory_space<vmem>>, vector<16xf32>,
      %mul3A_251 = arith.mulf %get3A_247, %get3A_250 : vector<16xf32>
      %add3A_252 = arith.addf %add3A_244, %mul3A_251 : vector<16xf32>
      %get3A_253 = arith.index_cast %scan3A_66 : i32 to index
      %get3A_254 = arith.constant 368 : index
      %get3A_255 = tpu.vector_load %arg8[%get3A_253, %get3A_254] {strides = array<i32>} : memref<96x416xf32, #tpu.memory_space<vmem>>, vector<16xf32>,
      %get3A_256 = arith.index_cast %scan3A_66 : i32 to index
      %get3A_257 = arith.constant 368 : index
      %get3A_258 = tpu.vector_load %arg9[%get3A_256, %get3A_257] {strides = array<i32>} : memref<96x416xf32, #tpu.memory_space<vmem>>, vector<16xf32>,
      %mul3A_259 = arith.mulf %get3A_255, %get3A_258 : vector<16xf32>
      %add3A_260 = arith.addf %add3A_252, %mul3A_259 : vector<16xf32>
      %get3A_261 = arith.index_cast %scan3A_66 : i32 to index
      %get3A_262 = arith.constant 384 : index
      %get3A_263 = tpu.vector_load %arg8[%get3A_261, %get3A_262] {strides = array<i32>} : memref<96x416xf32, #tpu.memory_space<vmem>>, vector<16xf32>,
      %get3A_264 = arith.index_cast %scan3A_66 : i32 to index
      %get3A_265 = arith.constant 384 : index
      %get3A_266 = tpu.vector_load %arg9[%get3A_264, %get3A_265] {strides = array<i32>} : memref<96x416xf32, #tpu.memory_space<vmem>>, vector<16xf32>,
      %mul3A_267 = arith.mulf %get3A_263, %get3A_266 : vector<16xf32>
      %add3A_268 = arith.addf %add3A_260, %mul3A_267 : vector<16xf32>
      %get3A_269 = arith.index_cast %scan3A_66 : i32 to index
      %get3A_270 = arith.constant 400 : index
      %get3A_271 = tpu.vector_load %arg8[%get3A_269, %get3A_270] {strides = array<i32>} : memref<96x416xf32, #tpu.memory_space<vmem>>, vector<16xf32>,
      %get3A_272 = arith.index_cast %scan3A_66 : i32 to index
      %get3A_273 = arith.constant 400 : index
      %get3A_274 = tpu.vector_load %arg9[%get3A_272, %get3A_273] {strides = array<i32>} : memref<96x416xf32, #tpu.memory_space<vmem>>, vector<16xf32>,
      %mul3A_275 = arith.mulf %get3A_271, %get3A_274 : vector<16xf32>
      %add3A_276 = arith.addf %add3A_268, %mul3A_275 : vector<16xf32>
      %reduce_sum3A = arith.constant true
      %reduce_sum3A_277 = vector.broadcast %reduce_sum3A : i1 to vector<16xi1>
      %reduce_sum3A_278 = tpu.scan <sum>, %add3A_276 masked %reduce_sum3A_277 : vector<16xf32>, vector<16xi1> -> vector<16xf32>
      %reduce_sum3A_279 = vector.extract %reduce_sum3A_278[15] : f32 from vector<16xf32>
      %jit3A = arith.constant 16 : i32
      %div3A = arith.divsi %scan3A_66, %jit3A : i32
      %sign3A = arith.constant 0 : i32
      %sign3A_280 = arith.cmpi sgt, %scan3A_66, %sign3A : i32
      %sign3A_281 = arith.extui %sign3A_280 : i1 to i32
      %sign3A_282 = arith.constant 0 : i32
      %sign3A_283 = arith.cmpi slt, %scan3A_66, %sign3A_282 : i32
      %sign3A_284 = arith.extui %sign3A_283 : i1 to i32
      %sign3A_285 = arith.subi %sign3A_281, %sign3A_284 : i32
      %sign3A_286 = arith.constant 0 : i32
      %sign3A_287 = arith.cmpi sgt, %jit3A, %sign3A_286 : i32
      %sign3A_288 = arith.extui %sign3A_287 : i1 to i32
      %sign3A_289 = arith.constant 0 : i32
      %sign3A_290 = arith.cmpi slt, %jit3A, %sign3A_289 : i32
      %sign3A_291 = arith.extui %sign3A_290 : i1 to i32
      %sign3A_292 = arith.subi %sign3A_288, %sign3A_291 : i32
      %ne3A = arith.cmpi ne, %sign3A_285, %sign3A_292 : i32
      %rem3A = arith.remsi %scan3A_66, %jit3A : i32
      %ne3A_293 = arith.constant 0 : i32
      %ne3A_294 = arith.cmpi ne, %rem3A, %ne3A_293 : i32
      %and3A = arith.andi %ne3A, %ne3A_294 : i1
      %sub3A = arith.constant 1 : i32
      %sub3A_295 = arith.subi %div3A, %sub3A : i32
      %select_n3A = arith.select %and3A, %sub3A_295, %div3A : i32
      %mul3A_296 = arith.constant 16 : i32
      %mul3A_297 = arith.muli %select_n3A, %mul3A_296 : i32
      %get3A_298 = arith.index_cast %mul3A_297 : i32 to index
      %get3A_299 = tpu.vector_load %arg12[%get3A_298] {strides = array<i32>} : memref<96xf32, #tpu.memory_space<vmem>>, vector<16xf32>,
      %sub3A_300 = arith.subi %scan3A_66, %mul3A_297 : i32
      %eq3A = vector.broadcast %sub3A_300 : i32 to vector<16xi32>
      %eq3A_301 = arith.cmpi eq, %iota3A, %eq3A : vector<16xi32>
      %broadcast_in_dim3A_302 = vector.broadcast %reduce_sum3A_279 : f32 to vector<16xf32>
      %select_n3A_303 = arith.select %eq3A_301, %broadcast_in_dim3A_302, %get3A_299 : vector<16xi1>, vector<16xf32>
      %swap3A_304 = arith.index_cast %mul3A_297 : i32 to index
      %swap3A_305 = tpu.vector_load %arg12[%swap3A_304] {strides = array<i32>} : memref<96xf32, #tpu.memory_space<vmem>>, vector<16xf32>,
      tpu.vector_store %arg12[%swap3A_304], %select_n3A_303 {strides = array<i32>} : memref<96xf32, #tpu.memory_space<vmem>>, vector<16xf32>,
      %scan3A_306 = arith.constant 1 : i32
      %scan3A_307 = arith.addi %scan3A_66, %scan3A_306 : i32
      %broadcast_in_dim3A_308 = arith.constant 0.000000e+00 : f32
      %broadcast_in_dim3A_309 = vector.broadcast %broadcast_in_dim3A_308 : f32 to vector<16xf32>
      %get3A_310 = arith.index_cast %scan3A_307 : i32 to index
      %get3A_311 = arith.constant 0 : index
      %get3A_312 = tpu.vector_load %arg8[%get3A_310, %get3A_311] {strides = array<i32>} : memref<96x416xf32, #tpu.memory_space<vmem>>, vector<16xf32>,
      %get3A_313 = arith.index_cast %scan3A_307 : i32 to index
      %get3A_314 = arith.constant 0 : index
      %get3A_315 = tpu.vector_load %arg9[%get3A_313, %get3A_314] {strides = array<i32>} : memref<96x416xf32, #tpu.memory_space<vmem>>, vector<16xf32>,
      %mul3A_316 = arith.mulf %get3A_312, %get3A_315 : vector<16xf32>
      %add3A_317 = arith.addf %broadcast_in_dim3A_309, %mul3A_316 : vector<16xf32>
      %get3A_318 = arith.index_cast %scan3A_307 : i32 to index
      %get3A_319 = arith.constant 16 : index
      %get3A_320 = tpu.vector_load %arg8[%get3A_318, %get3A_319] {strides = array<i32>} : memref<96x416xf32, #tpu.memory_space<vmem>>, vector<16xf32>,
      %get3A_321 = arith.index_cast %scan3A_307 : i32 to index
      %get3A_322 = arith.constant 16 : index
      %get3A_323 = tpu.vector_load %arg9[%get3A_321, %get3A_322] {strides = array<i32>} : memref<96x416xf32, #tpu.memory_space<vmem>>, vector<16xf32>,
      %mul3A_324 = arith.mulf %get3A_320, %get3A_323 : vector<16xf32>
      %add3A_325 = arith.addf %add3A_317, %mul3A_324 : vector<16xf32>
      %get3A_326 = arith.index_cast %scan3A_307 : i32 to index
      %get3A_327 = arith.constant 32 : index
      %get3A_328 = tpu.vector_load %arg8[%get3A_326, %get3A_327] {strides = array<i32>} : memref<96x416xf32, #tpu.memory_space<vmem>>, vector<16xf32>,
      %get3A_329 = arith.index_cast %scan3A_307 : i32 to index
      %get3A_330 = arith.constant 32 : index
      %get3A_331 = tpu.vector_load %arg9[%get3A_329, %get3A_330] {strides = array<i32>} : memref<96x416xf32, #tpu.memory_space<vmem>>, vector<16xf32>,
      %mul3A_332 = arith.mulf %get3A_328, %get3A_331 : vector<16xf32>
      %add3A_333 = arith.addf %add3A_325, %mul3A_332 : vector<16xf32>
      %get3A_334 = arith.index_cast %scan3A_307 : i32 to index
      %get3A_335 = arith.constant 48 : index
      %get3A_336 = tpu.vector_load %arg8[%get3A_334, %get3A_335] {strides = array<i32>} : memref<96x416xf32, #tpu.memory_space<vmem>>, vector<16xf32>,
      %get3A_337 = arith.index_cast %scan3A_307 : i32 to index
      %get3A_338 = arith.constant 48 : index
      %get3A_339 = tpu.vector_load %arg9[%get3A_337, %get3A_338] {strides = array<i32>} : memref<96x416xf32, #tpu.memory_space<vmem>>, vector<16xf32>,
      %mul3A_340 = arith.mulf %get3A_336, %get3A_339 : vector<16xf32>
      %add3A_341 = arith.addf %add3A_333, %mul3A_340 : vector<16xf32>
      %get3A_342 = arith.index_cast %scan3A_307 : i32 to index
      %get3A_343 = arith.constant 64 : index
      %get3A_344 = tpu.vector_load %arg8[%get3A_342, %get3A_343] {strides = array<i32>} : memref<96x416xf32, #tpu.memory_space<vmem>>, vector<16xf32>,
      %get3A_345 = arith.index_cast %scan3A_307 : i32 to index
      %get3A_346 = arith.constant 64 : index
      %get3A_347 = tpu.vector_load %arg9[%get3A_345, %get3A_346] {strides = array<i32>} : memref<96x416xf32, #tpu.memory_space<vmem>>, vector<16xf32>,
      %mul3A_348 = arith.mulf %get3A_344, %get3A_347 : vector<16xf32>
      %add3A_349 = arith.addf %add3A_341, %mul3A_348 : vector<16xf32>
      %get3A_350 = arith.index_cast %scan3A_307 : i32 to index
      %get3A_351 = arith.constant 80 : index
      %get3A_352 = tpu.vector_load %arg8[%get3A_350, %get3A_351] {strides = array<i32>} : memref<96x416xf32, #tpu.memory_space<vmem>>, vector<16xf32>,
      %get3A_353 = arith.index_cast %scan3A_307 : i32 to index
      %get3A_354 = arith.constant 80 : index
      %get3A_355 = tpu.vector_load %arg9[%get3A_353, %get3A_354] {strides = array<i32>} : memref<96x416xf32, #tpu.memory_space<vmem>>, vector<16xf32>,
      %mul3A_356 = arith.mulf %get3A_352, %get3A_355 : vector<16xf32>
      %add3A_357 = arith.addf %add3A_349, %mul3A_356 : vector<16xf32>
      %get3A_358 = arith.index_cast %scan3A_307 : i32 to index
      %get3A_359 = arith.constant 96 : index
      %get3A_360 = tpu.vector_load %arg8[%get3A_358, %get3A_359] {strides = array<i32>} : memref<96x416xf32, #tpu.memory_space<vmem>>, vector<16xf32>,
      %get3A_361 = arith.index_cast %scan3A_307 : i32 to index
      %get3A_362 = arith.constant 96 : index
      %get3A_363 = tpu.vector_load %arg9[%get3A_361, %get3A_362] {strides = array<i32>} : memref<96x416xf32, #tpu.memory_space<vmem>>, vector<16xf32>,
      %mul3A_364 = arith.mulf %get3A_360, %get3A_363 : vector<16xf32>
      %add3A_365 = arith.addf %add3A_357, %mul3A_364 : vector<16xf32>
      %get3A_366 = arith.index_cast %scan3A_307 : i32 to index
      %get3A_367 = arith.constant 112 : index
      %get3A_368 = tpu.vector_load %arg8[%get3A_366, %get3A_367] {strides = array<i32>} : memref<96x416xf32, #tpu.memory_space<vmem>>, vector<16xf32>,
      %get3A_369 = arith.index_cast %scan3A_307 : i32 to index
      %get3A_370 = arith.constant 112 : index
      %get3A_371 = tpu.vector_load %arg9[%get3A_369, %get3A_370] {strides = array<i32>} : memref<96x416xf32, #tpu.memory_space<vmem>>, vector<16xf32>,
      %mul3A_372 = arith.mulf %get3A_368, %get3A_371 : vector<16xf32>
      %add3A_373 = arith.addf %add3A_365, %mul3A_372 : vector<16xf32>
      %get3A_374 = arith.index_cast %scan3A_307 : i32 to index
      %get3A_375 = arith.constant 128 : index
      %get3A_376 = tpu.vector_load %arg8[%get3A_374, %get3A_375] {strides = array<i32>} : memref<96x416xf32, #tpu.memory_space<vmem>>, vector<16xf32>,
      %get3A_377 = arith.index_cast %scan3A_307 : i32 to index
      %get3A_378 = arith.constant 128 : index
      %get3A_379 = tpu.vector_load %arg9[%get3A_377, %get3A_378] {strides = array<i32>} : memref<96x416xf32, #tpu.memory_space<vmem>>, vector<16xf32>,
      %mul3A_380 = arith.mulf %get3A_376, %get3A_379 : vector<16xf32>
      %add3A_381 = arith.addf %add3A_373, %mul3A_380 : vector<16xf32>
      %get3A_382 = arith.index_cast %scan3A_307 : i32 to index
      %get3A_383 = arith.constant 144 : index
      %get3A_384 = tpu.vector_load %arg8[%get3A_382, %get3A_383] {strides = array<i32>} : memref<96x416xf32, #tpu.memory_space<vmem>>, vector<16xf32>,
      %get3A_385 = arith.index_cast %scan3A_307 : i32 to index
      %get3A_386 = arith.constant 144 : index
      %get3A_387 = tpu.vector_load %arg9[%get3A_385, %get3A_386] {strides = array<i32>} : memref<96x416xf32, #tpu.memory_space<vmem>>, vector<16xf32>,
      %mul3A_388 = arith.mulf %get3A_384, %get3A_387 : vector<16xf32>
      %add3A_389 = arith.addf %add3A_381, %mul3A_388 : vector<16xf32>
      %get3A_390 = arith.index_cast %scan3A_307 : i32 to index
      %get3A_391 = arith.constant 160 : index
      %get3A_392 = tpu.vector_load %arg8[%get3A_390, %get3A_391] {strides = array<i32>} : memref<96x416xf32, #tpu.memory_space<vmem>>, vector<16xf32>,
      %get3A_393 = arith.index_cast %scan3A_307 : i32 to index
      %get3A_394 = arith.constant 160 : index
      %get3A_395 = tpu.vector_load %arg9[%get3A_393, %get3A_394] {strides = array<i32>} : memref<96x416xf32, #tpu.memory_space<vmem>>, vector<16xf32>,
      %mul3A_396 = arith.mulf %get3A_392, %get3A_395 : vector<16xf32>
      %add3A_397 = arith.addf %add3A_389, %mul3A_396 : vector<16xf32>
      %get3A_398 = arith.index_cast %scan3A_307 : i32 to index
      %get3A_399 = arith.constant 176 : index
      %get3A_400 = tpu.vector_load %arg8[%get3A_398, %get3A_399] {strides = array<i32>} : memref<96x416xf32, #tpu.memory_space<vmem>>, vector<16xf32>,
      %get3A_401 = arith.index_cast %scan3A_307 : i32 to index
      %get3A_402 = arith.constant 176 : index
      %get3A_403 = tpu.vector_load %arg9[%get3A_401, %get3A_402] {strides = array<i32>} : memref<96x416xf32, #tpu.memory_space<vmem>>, vector<16xf32>,
      %mul3A_404 = arith.mulf %get3A_400, %get3A_403 : vector<16xf32>
      %add3A_405 = arith.addf %add3A_397, %mul3A_404 : vector<16xf32>
      %get3A_406 = arith.index_cast %scan3A_307 : i32 to index
      %get3A_407 = arith.constant 192 : index
      %get3A_408 = tpu.vector_load %arg8[%get3A_406, %get3A_407] {strides = array<i32>} : memref<96x416xf32, #tpu.memory_space<vmem>>, vector<16xf32>,
      %get3A_409 = arith.index_cast %scan3A_307 : i32 to index
      %get3A_410 = arith.constant 192 : index
      %get3A_411 = tpu.vector_load %arg9[%get3A_409, %get3A_410] {strides = array<i32>} : memref<96x416xf32, #tpu.memory_space<vmem>>, vector<16xf32>,
      %mul3A_412 = arith.mulf %get3A_408, %get3A_411 : vector<16xf32>
      %add3A_413 = arith.addf %add3A_405, %mul3A_412 : vector<16xf32>
      %get3A_414 = arith.index_cast %scan3A_307 : i32 to index
      %get3A_415 = arith.constant 208 : index
      %get3A_416 = tpu.vector_load %arg8[%get3A_414, %get3A_415] {strides = array<i32>} : memref<96x416xf32, #tpu.memory_space<vmem>>, vector<16xf32>,
      %get3A_417 = arith.index_cast %scan3A_307 : i32 to index
      %get3A_418 = arith.constant 208 : index
      %get3A_419 = tpu.vector_load %arg9[%get3A_417, %get3A_418] {strides = array<i32>} : memref<96x416xf32, #tpu.memory_space<vmem>>, vector<16xf32>,
      %mul3A_420 = arith.mulf %get3A_416, %get3A_419 : vector<16xf32>
      %add3A_421 = arith.addf %add3A_413, %mul3A_420 : vector<16xf32>
      %get3A_422 = arith.index_cast %scan3A_307 : i32 to index
      %get3A_423 = arith.constant 224 : index
      %get3A_424 = tpu.vector_load %arg8[%get3A_422, %get3A_423] {strides = array<i32>} : memref<96x416xf32, #tpu.memory_space<vmem>>, vector<16xf32>,
      %get3A_425 = arith.index_cast %scan3A_307 : i32 to index
      %get3A_426 = arith.constant 224 : index
      %get3A_427 = tpu.vector_load %arg9[%get3A_425, %get3A_426] {strides = array<i32>} : memref<96x416xf32, #tpu.memory_space<vmem>>, vector<16xf32>,
      %mul3A_428 = arith.mulf %get3A_424, %get3A_427 : vector<16xf32>
      %add3A_429 = arith.addf %add3A_421, %mul3A_428 : vector<16xf32>
      %get3A_430 = arith.index_cast %scan3A_307 : i32 to index
      %get3A_431 = arith.constant 240 : index
      %get3A_432 = tpu.vector_load %arg8[%get3A_430, %get3A_431] {strides = array<i32>} : memref<96x416xf32, #tpu.memory_space<vmem>>, vector<16xf32>,
      %get3A_433 = arith.index_cast %scan3A_307 : i32 to index
      %get3A_434 = arith.constant 240 : index
      %get3A_435 = tpu.vector_load %arg9[%get3A_433, %get3A_434] {strides = array<i32>} : memref<96x416xf32, #tpu.memory_space<vmem>>, vector<16xf32>,
      %mul3A_436 = arith.mulf %get3A_432, %get3A_435 : vector<16xf32>
      %add3A_437 = arith.addf %add3A_429, %mul3A_436 : vector<16xf32>
      %get3A_438 = arith.index_cast %scan3A_307 : i32 to index
      %get3A_439 = arith.constant 256 : index
      %get3A_440 = tpu.vector_load %arg8[%get3A_438, %get3A_439] {strides = array<i32>} : memref<96x416xf32, #tpu.memory_space<vmem>>, vector<16xf32>,
      %get3A_441 = arith.index_cast %scan3A_307 : i32 to index
      %get3A_442 = arith.constant 256 : index
      %get3A_443 = tpu.vector_load %arg9[%get3A_441, %get3A_442] {strides = array<i32>} : memref<96x416xf32, #tpu.memory_space<vmem>>, vector<16xf32>,
      %mul3A_444 = arith.mulf %get3A_440, %get3A_443 : vector<16xf32>
      %add3A_445 = arith.addf %add3A_437, %mul3A_444 : vector<16xf32>
      %get3A_446 = arith.index_cast %scan3A_307 : i32 to index
      %get3A_447 = arith.constant 272 : index
      %get3A_448 = tpu.vector_load %arg8[%get3A_446, %get3A_447] {strides = array<i32>} : memref<96x416xf32, #tpu.memory_space<vmem>>, vector<16xf32>,
      %get3A_449 = arith.index_cast %scan3A_307 : i32 to index
      %get3A_450 = arith.constant 272 : index
      %get3A_451 = tpu.vector_load %arg9[%get3A_449, %get3A_450] {strides = array<i32>} : memref<96x416xf32, #tpu.memory_space<vmem>>, vector<16xf32>,
      %mul3A_452 = arith.mulf %get3A_448, %get3A_451 : vector<16xf32>
      %add3A_453 = arith.addf %add3A_445, %mul3A_452 : vector<16xf32>
      %get3A_454 = arith.index_cast %scan3A_307 : i32 to index
      %get3A_455 = arith.constant 288 : index
      %get3A_456 = tpu.vector_load %arg8[%get3A_454, %get3A_455] {strides = array<i32>} : memref<96x416xf32, #tpu.memory_space<vmem>>, vector<16xf32>,
      %get3A_457 = arith.index_cast %scan3A_307 : i32 to index
      %get3A_458 = arith.constant 288 : index
      %get3A_459 = tpu.vector_load %arg9[%get3A_457, %get3A_458] {strides = array<i32>} : memref<96x416xf32, #tpu.memory_space<vmem>>, vector<16xf32>,
      %mul3A_460 = arith.mulf %get3A_456, %get3A_459 : vector<16xf32>
      %add3A_461 = arith.addf %add3A_453, %mul3A_460 : vector<16xf32>
      %get3A_462 = arith.index_cast %scan3A_307 : i32 to index
      %get3A_463 = arith.constant 304 : index
      %get3A_464 = tpu.vector_load %arg8[%get3A_462, %get3A_463] {strides = array<i32>} : memref<96x416xf32, #tpu.memory_space<vmem>>, vector<16xf32>,
      %get3A_465 = arith.index_cast %scan3A_307 : i32 to index
      %get3A_466 = arith.constant 304 : index
      %get3A_467 = tpu.vector_load %arg9[%get3A_465, %get3A_466] {strides = array<i32>} : memref<96x416xf32, #tpu.memory_space<vmem>>, vector<16xf32>,
      %mul3A_468 = arith.mulf %get3A_464, %get3A_467 : vector<16xf32>
      %add3A_469 = arith.addf %add3A_461, %mul3A_468 : vector<16xf32>
      %get3A_470 = arith.index_cast %scan3A_307 : i32 to index
      %get3A_471 = arith.constant 320 : index
      %get3A_472 = tpu.vector_load %arg8[%get3A_470, %get3A_471] {strides = array<i32>} : memref<96x416xf32, #tpu.memory_space<vmem>>, vector<16xf32>,
      %get3A_473 = arith.index_cast %scan3A_307 : i32 to index
      %get3A_474 = arith.constant 320 : index
      %get3A_475 = tpu.vector_load %arg9[%get3A_473, %get3A_474] {strides = array<i32>} : memref<96x416xf32, #tpu.memory_space<vmem>>, vector<16xf32>,
      %mul3A_476 = arith.mulf %get3A_472, %get3A_475 : vector<16xf32>
      %add3A_477 = arith.addf %add3A_469, %mul3A_476 : vector<16xf32>
      %get3A_478 = arith.index_cast %scan3A_307 : i32 to index
      %get3A_479 = arith.constant 336 : index
      %get3A_480 = tpu.vector_load %arg8[%get3A_478, %get3A_479] {strides = array<i32>} : memref<96x416xf32, #tpu.memory_space<vmem>>, vector<16xf32>,
      %get3A_481 = arith.index_cast %scan3A_307 : i32 to index
      %get3A_482 = arith.constant 336 : index
      %get3A_483 = tpu.vector_load %arg9[%get3A_481, %get3A_482] {strides = array<i32>} : memref<96x416xf32, #tpu.memory_space<vmem>>, vector<16xf32>,
      %mul3A_484 = arith.mulf %get3A_480, %get3A_483 : vector<16xf32>
      %add3A_485 = arith.addf %add3A_477, %mul3A_484 : vector<16xf32>
      %get3A_486 = arith.index_cast %scan3A_307 : i32 to index
      %get3A_487 = arith.constant 352 : index
      %get3A_488 = tpu.vector_load %arg8[%get3A_486, %get3A_487] {strides = array<i32>} : memref<96x416xf32, #tpu.memory_space<vmem>>, vector<16xf32>,
      %get3A_489 = arith.index_cast %scan3A_307 : i32 to index
      %get3A_490 = arith.constant 352 : index
      %get3A_491 = tpu.vector_load %arg9[%get3A_489, %get3A_490] {strides = array<i32>} : memref<96x416xf32, #tpu.memory_space<vmem>>, vector<16xf32>,
      %mul3A_492 = arith.mulf %get3A_488, %get3A_491 : vector<16xf32>
      %add3A_493 = arith.addf %add3A_485, %mul3A_492 : vector<16xf32>
      %get3A_494 = arith.index_cast %scan3A_307 : i32 to index
      %get3A_495 = arith.constant 368 : index
      %get3A_496 = tpu.vector_load %arg8[%get3A_494, %get3A_495] {strides = array<i32>} : memref<96x416xf32, #tpu.memory_space<vmem>>, vector<16xf32>,
      %get3A_497 = arith.index_cast %scan3A_307 : i32 to index
      %get3A_498 = arith.constant 368 : index
      %get3A_499 = tpu.vector_load %arg9[%get3A_497, %get3A_498] {strides = array<i32>} : memref<96x416xf32, #tpu.memory_space<vmem>>, vector<16xf32>,
      %mul3A_500 = arith.mulf %get3A_496, %get3A_499 : vector<16xf32>
      %add3A_501 = arith.addf %add3A_493, %mul3A_500 : vector<16xf32>
      %get3A_502 = arith.index_cast %scan3A_307 : i32 to index
      %get3A_503 = arith.constant 384 : index
      %get3A_504 = tpu.vector_load %arg8[%get3A_502, %get3A_503] {strides = array<i32>} : memref<96x416xf32, #tpu.memory_space<vmem>>, vector<16xf32>,
      %get3A_505 = arith.index_cast %scan3A_307 : i32 to index
      %get3A_506 = arith.constant 384 : index
      %get3A_507 = tpu.vector_load %arg9[%get3A_505, %get3A_506] {strides = array<i32>} : memref<96x416xf32, #tpu.memory_space<vmem>>, vector<16xf32>,
      %mul3A_508 = arith.mulf %get3A_504, %get3A_507 : vector<16xf32>
      %add3A_509 = arith.addf %add3A_501, %mul3A_508 : vector<16xf32>
      %get3A_510 = arith.index_cast %scan3A_307 : i32 to index
      %get3A_511 = arith.constant 400 : index
      %get3A_512 = tpu.vector_load %arg8[%get3A_510, %get3A_511] {strides = array<i32>} : memref<96x416xf32, #tpu.memory_space<vmem>>, vector<16xf32>,
      %get3A_513 = arith.index_cast %scan3A_307 : i32 to index
      %get3A_514 = arith.constant 400 : index
      %get3A_515 = tpu.vector_load %arg9[%get3A_513, %get3A_514] {strides = array<i32>} : memref<96x416xf32, #tpu.memory_space<vmem>>, vector<16xf32>,
      %mul3A_516 = arith.mulf %get3A_512, %get3A_515 : vector<16xf32>
      %add3A_517 = arith.addf %add3A_509, %mul3A_516 : vector<16xf32>
      %reduce_sum3A_518 = arith.constant true
      %reduce_sum3A_519 = vector.broadcast %reduce_sum3A_518 : i1 to vector<16xi1>
      %reduce_sum3A_520 = tpu.scan <sum>, %add3A_517 masked %reduce_sum3A_519 : vector<16xf32>, vector<16xi1> -> vector<16xf32>
      %reduce_sum3A_521 = vector.extract %reduce_sum3A_520[15] : f32 from vector<16xf32>
      %jit3A_522 = arith.constant 16 : i32
      %div3A_523 = arith.divsi %scan3A_307, %jit3A_522 : i32
      %sign3A_524 = arith.constant 0 : i32
      %sign3A_525 = arith.cmpi sgt, %scan3A_307, %sign3A_524 : i32
      %sign3A_526 = arith.extui %sign3A_525 : i1 to i32
      %sign3A_527 = arith.constant 0 : i32
      %sign3A_528 = arith.cmpi slt, %scan3A_307, %sign3A_527 : i32
      %sign3A_529 = arith.extui %sign3A_528 : i1 to i32
      %sign3A_530 = arith.subi %sign3A_526, %sign3A_529 : i32
      %sign3A_531 = arith.constant 0 : i32
      %sign3A_532 = arith.cmpi sgt, %jit3A_522, %sign3A_531 : i32
      %sign3A_533 = arith.extui %sign3A_532 : i1 to i32
      %sign3A_534 = arith.constant 0 : i32
      %sign3A_535 = arith.cmpi slt, %jit3A_522, %sign3A_534 : i32
      %sign3A_536 = arith.extui %sign3A_535 : i1 to i32
      %sign3A_537 = arith.subi %sign3A_533, %sign3A_536 : i32
      %ne3A_538 = arith.cmpi ne, %sign3A_530, %sign3A_537 : i32
      %rem3A_539 = arith.remsi %scan3A_307, %jit3A_522 : i32
      %ne3A_540 = arith.constant 0 : i32
      %ne3A_541 = arith.cmpi ne, %rem3A_539, %ne3A_540 : i32
      %and3A_542 = arith.andi %ne3A_538, %ne3A_541 : i1
      %sub3A_543 = arith.constant 1 : i32
      %sub3A_544 = arith.subi %div3A_523, %sub3A_543 : i32
      %select_n3A_545 = arith.select %and3A_542, %sub3A_544, %div3A_523 : i32
      %mul3A_546 = arith.constant 16 : i32
      %mul3A_547 = arith.muli %select_n3A_545, %mul3A_546 : i32
      %get3A_548 = arith.index_cast %mul3A_547 : i32 to index
      %get3A_549 = tpu.vector_load %arg12[%get3A_548] {strides = array<i32>} : memref<96xf32, #tpu.memory_space<vmem>>, vector<16xf32>,
      %sub3A_550 = arith.subi %scan3A_307, %mul3A_547 : i32
      %eq3A_551 = vector.broadcast %sub3A_550 : i32 to vector<16xi32>
      %eq3A_552 = arith.cmpi eq, %iota3A, %eq3A_551 : vector<16xi32>
      %broadcast_in_dim3A_553 = vector.broadcast %reduce_sum3A_521 : f32 to vector<16xf32>
      %select_n3A_554 = arith.select %eq3A_552, %broadcast_in_dim3A_553, %get3A_549 : vector<16xi1>, vector<16xf32>
      %swap3A_555 = arith.index_cast %mul3A_547 : i32 to index
      %swap3A_556 = tpu.vector_load %arg12[%swap3A_555] {strides = array<i32>} : memref<96xf32, #tpu.memory_space<vmem>>, vector<16xf32>,
      tpu.vector_store %arg12[%swap3A_555], %select_n3A_554 {strides = array<i32>} : memref<96xf32, #tpu.memory_space<vmem>>, vector<16xf32>,
    }
    %scan3A_51 = arith.constant 8 : i32
    %get3A = arith.constant 0 : index
    %get3A_52 = tpu.vector_load %arg12[%get3A] {strides = array<i32>} : memref<96xf32, #tpu.memory_space<vmem>>, vector<16xf32>,
    %mul3A_53 = arith.constant 5.000000e-02 : f32
    %mul3A_54 = vector.broadcast %mul3A_53 : f32 to vector<16xf32>
    %mul3A_55 = arith.mulf %get3A_52, %mul3A_54 : vector<16xf32>
    %exp3A = math.exp %mul3A_55 : vector<16xf32>
    %swap3A = arith.constant 0 : index
    %swap3A_56 = tpu.vector_load %arg12[%swap3A] {strides = array<i32>} : memref<96xf32, #tpu.memory_space<vmem>>, vector<16xf32>,
    tpu.vector_store %arg12[%swap3A], %exp3A {strides = array<i32>} : memref<96xf32, #tpu.memory_space<vmem>>, vector<16xf32>,
    %add3A_57 = arith.constant 0 : i32
    %add3A_58 = vector.broadcast %add3A_57 : i32 to vector<16xi32>
    %add3A_59 = arith.addi %iota3A, %add3A_58 : vector<16xi32>
    %lt3A = arith.constant 8 : i32
    %lt3A_60 = vector.broadcast %lt3A : i32 to vector<16xi32>
    %lt3A_61 = arith.cmpi slt, %add3A_59, %lt3A_60 : vector<16xi32>
    %get3A_62 = arith.constant 4992 : index
    %get3A_63 = tpu.vector_load %arg11[%get3A_62] {strides = array<i32>} : memref<5016xi32, #tpu.memory_space<vmem>>, vector<16xi32>,
    tpu.vector_store_idx %arg13[%get3A_63], %exp3A masked %lt3A_61 {add = true} : memref<10000xf32, #tpu.memory_space<vmem>>[vector<16xi32>], vector<16xf32>, vector<16xi1>
    %add3A_64 = arith.constant 4992 : i32
    %add3A_65 = arith.addi %mul3A_3, %add3A_64 : i32
    "tpu.region"() ({
      %run_scoped3A = tpu.sem_alloc : memref<!tpu.dma_semaphore, #tpu.memory_space<semaphore_mem>>
      %dma_start3A_66 = arith.constant 0 : i32
      %dma_start3A_67 = tpu.memref_slice %arg12[%dma_start3A_66] : memref<96xf32, #tpu.memory_space<vmem>> -> memref<8xf32, #tpu.memory_space<vmem>>
      %dma_start3A_68 = tpu.memref_slice %arg6[%add3A_65] : memref<160000xf32, #tpu.memory_space<hbm>> -> memref<8xf32, #tpu.memory_space<hbm>>
      %dma_start3A_69 = tpu.memref_slice %arg6[%add3A_65] : memref<160000xf32, #tpu.memory_space<hbm>> -> memref<8xf32, #tpu.memory_space<hbm>>
      %dma_start3A_70 = arith.constant 0 : i32
      %dma_start3A_71 = tpu.memref_slice %arg12[%dma_start3A_70] : memref<96xf32, #tpu.memory_space<vmem>> -> memref<8xf32, #tpu.memory_space<vmem>>
      tpu.enqueue_dma source(%dma_start3A_71 : memref<8xf32, #tpu.memory_space<vmem>>) target(%dma_start3A_69 : memref<8xf32, #tpu.memory_space<hbm>>) target_semaphore(%run_scoped3A : memref<!tpu.dma_semaphore, #tpu.memory_space<semaphore_mem>>)
      %dma_wait3A_72 = arith.constant 0 : i32
      %dma_wait3A_73 = tpu.memref_slice %arg12[%dma_wait3A_72] : memref<96xf32, #tpu.memory_space<vmem>> -> memref<8xf32, #tpu.memory_space<vmem>>
      %dma_wait3A_74 = tpu.memref_slice %arg6[%add3A_65] : memref<160000xf32, #tpu.memory_space<hbm>> -> memref<8xf32, #tpu.memory_space<hbm>>
      %dma_wait3A_75 = tpu.memref_slice %arg6[%add3A_65] : memref<160000xf32, #tpu.memory_space<hbm>> -> memref<8xf32, #tpu.memory_space<hbm>>
      %dma_wait3A_76 = arith.constant 0 : i32
      %dma_wait3A_77 = tpu.memref_slice %arg12[%dma_wait3A_76] : memref<96xf32, #tpu.memory_space<vmem>> -> memref<8xf32, #tpu.memory_space<vmem>>
      tpu.wait_dma2 semaphore(%run_scoped3A : memref<!tpu.dma_semaphore, #tpu.memory_space<semaphore_mem>>) src(%dma_wait3A_77 : memref<8xf32, #tpu.memory_space<vmem>>) dst(%dma_wait3A_75 : memref<8xf32, #tpu.memory_space<hbm>>)
      tpu.yield
    }) : () -> ()
    "tpu.region"() ({
      %run_scoped3A = tpu.sem_alloc : memref<!tpu.dma_semaphore, #tpu.memory_space<semaphore_mem>>
      %dma_start3A_66 = arith.constant 0 : i32
      %dma_start3A_67 = tpu.memref_slice %arg7[%add3A, %dma_start3A_66] : memref<32x10000xf32, #tpu.memory_space<hbm>> -> memref<1x10000xf32, #tpu.memory_space<hbm>>
      %dma_start3A_68 = tpu.memref_squeeze %dma_start3A_67 : memref<1x10000xf32, #tpu.memory_space<hbm>> -> memref<10000xf32, #tpu.memory_space<hbm>>
      %dma_start3A_69 = arith.constant 0 : i32
      %dma_start3A_70 = tpu.memref_slice %arg7[%add3A, %dma_start3A_69] : memref<32x10000xf32, #tpu.memory_space<hbm>> -> memref<1x10000xf32, #tpu.memory_space<hbm>>
      %dma_start3A_71 = tpu.memref_squeeze %dma_start3A_70 : memref<1x10000xf32, #tpu.memory_space<hbm>> -> memref<10000xf32, #tpu.memory_space<hbm>>
      tpu.enqueue_dma source(%arg13 : memref<10000xf32, #tpu.memory_space<vmem>>) target(%dma_start3A_71 : memref<10000xf32, #tpu.memory_space<hbm>>) target_semaphore(%run_scoped3A : memref<!tpu.dma_semaphore, #tpu.memory_space<semaphore_mem>>)
      %dma_wait3A_72 = arith.constant 0 : i32
      %dma_wait3A_73 = tpu.memref_slice %arg7[%add3A, %dma_wait3A_72] : memref<32x10000xf32, #tpu.memory_space<hbm>> -> memref<1x10000xf32, #tpu.memory_space<hbm>>
      %dma_wait3A_74 = tpu.memref_squeeze %dma_wait3A_73 : memref<1x10000xf32, #tpu.memory_space<hbm>> -> memref<10000xf32, #tpu.memory_space<hbm>>
      %dma_wait3A_75 = arith.constant 0 : i32
      %dma_wait3A_76 = tpu.memref_slice %arg7[%add3A, %dma_wait3A_75] : memref<32x10000xf32, #tpu.memory_space<hbm>> -> memref<1x10000xf32, #tpu.memory_space<hbm>>
      %dma_wait3A_77 = tpu.memref_squeeze %dma_wait3A_76 : memref<1x10000xf32, #tpu.memory_space<hbm>> -> memref<10000xf32, #tpu.memory_space<hbm>>
      tpu.wait_dma2 semaphore(%run_scoped3A : memref<!tpu.dma_semaphore, #tpu.memory_space<semaphore_mem>>) src(%arg13 : memref<10000xf32, #tpu.memory_space<vmem>>) dst(%dma_wait3A_77 : memref<10000xf32, #tpu.memory_space<hbm>>)
      tpu.yield
    }) : () -> ()
    return
  }
}

module attributes {stable_mosaic.version = 14 : i64} {
  func.func @_proj1_body(%arg0: i32, %arg1: memref<1000x128xf32, #tpu.memory_space<vmem>>, %arg2: memref<128x416xf32, #tpu.memory_space<vmem>>, %arg3: memref<1x416xf32, #tpu.memory_space<vmem>>, %arg4: memref<128x416xf32, #tpu.memory_space<vmem>>, %arg5: memref<1x416xf32, #tpu.memory_space<vmem>>, %arg6: memref<128x80xf32, #tpu.memory_space<vmem>>, %arg7: memref<1x80xf32, #tpu.memory_space<vmem>>, %arg8: memref<128x80xf32, #tpu.memory_space<vmem>>, %arg9: memref<1x80xf32, #tpu.memory_space<vmem>>, %arg10: memref<128x80xf32, #tpu.memory_space<vmem>>, %arg11: memref<1x80xf32, #tpu.memory_space<vmem>>, %arg12: memref<128x80xf32, #tpu.memory_space<vmem>>, %arg13: memref<1x80xf32, #tpu.memory_space<vmem>>, %arg14: memref<128x80xf32, #tpu.memory_space<vmem>>, %arg15: memref<1x80xf32, #tpu.memory_space<vmem>>, %arg16: memref<128x80xf32, #tpu.memory_space<vmem>>, %arg17: memref<1x80xf32, #tpu.memory_space<vmem>>, %arg18: memref<128x80xf32, #tpu.memory_space<vmem>>, %arg19: memref<1x80xf32, #tpu.memory_space<vmem>>, %arg20: memref<128x80xf32, #tpu.memory_space<vmem>>, %arg21: memref<1x80xf32, #tpu.memory_space<vmem>>, %arg22: memref<128x80xf32, #tpu.memory_space<vmem>>, %arg23: memref<1x80xf32, #tpu.memory_space<vmem>>, %arg24: memref<128x80xf32, #tpu.memory_space<vmem>>, %arg25: memref<1x80xf32, #tpu.memory_space<vmem>>, %arg26: memref<1000x416xf32, #tpu.memory_space<vmem>>, %arg27: memref<1000x416xf32, #tpu.memory_space<vmem>>, %arg28: memref<1000x80xf32, #tpu.memory_space<vmem>>, %arg29: memref<1000x80xf32, #tpu.memory_space<vmem>>, %arg30: memref<1000x80xf32, #tpu.memory_space<vmem>>, %arg31: memref<1000x80xf32, #tpu.memory_space<vmem>>, %arg32: memref<1000x80xf32, #tpu.memory_space<vmem>>, %arg33: memref<1000x80xf32, #tpu.memory_space<vmem>>, %arg34: memref<1000x80xf32, #tpu.memory_space<vmem>>, %arg35: memref<1000x80xf32, #tpu.memory_space<vmem>>, %arg36: memref<1000x80xf32, #tpu.memory_space<vmem>>, %arg37: memref<1000x80xf32, #tpu.memory_space<vmem>>) attributes {dimension_semantics = [#tpu.dimension_semantics<arbitrary>], iteration_bounds = array<i64: 10>, scalar_prefetch = 0 : i64, scratch_operands = 0 : i64, tpu.core_type = #tpu.core_type<tc>, window_params = [{transform_indices = @transform_0, window_bounds = array<i64: 1000, 128>}, {pipeline_mode = #tpu.pipeline_mode<synchronous>, transform_indices = @transform_1, window_bounds = array<i64: 128, 416>}, {pipeline_mode = #tpu.pipeline_mode<synchronous>, transform_indices = @transform_2, window_bounds = array<i64: 1, 416>}, {pipeline_mode = #tpu.pipeline_mode<synchronous>, transform_indices = @transform_3, window_bounds = array<i64: 128, 416>}, {pipeline_mode = #tpu.pipeline_mode<synchronous>, transform_indices = @transform_4, window_bounds = array<i64: 1, 416>}, {pipeline_mode = #tpu.pipeline_mode<synchronous>, transform_indices = @transform_5, window_bounds = array<i64: 128, 80>}, {pipeline_mode = #tpu.pipeline_mode<synchronous>, transform_indices = @transform_6, window_bounds = array<i64: 1, 80>}, {pipeline_mode = #tpu.pipeline_mode<synchronous>, transform_indices = @transform_7, window_bounds = array<i64: 128, 80>}, {pipeline_mode = #tpu.pipeline_mode<synchronous>, transform_indices = @transform_8, window_bounds = array<i64: 1, 80>}, {pipeline_mode = #tpu.pipeline_mode<synchronous>, transform_indices = @transform_9, window_bounds = array<i64: 128, 80>}, {pipeline_mode = #tpu.pipeline_mode<synchronous>, transform_indices = @transform_10, window_bounds = array<i64: 1, 80>}, {pipeline_mode = #tpu.pipeline_mode<synchronous>, transform_indices = @transform_11, window_bounds = array<i64: 128, 80>}, {pipeline_mode = #tpu.pipeline_mode<synchronous>, transform_indices = @transform_12, window_bounds = array<i64: 1, 80>}, {pipeline_mode = #tpu.pipeline_mode<synchronous>, transform_indices = @transform_13, window_bounds = array<i64: 128, 80>}, {pipeline_mode = #tpu.pipeline_mode<synchronous>, transform_indices = @transform_14, window_bounds = array<i64: 1, 80>}, {pipeline_mode = #tpu.pipeline_mode<synchronous>, transform_indices = @transform_15, window_bounds = array<i64: 128, 80>}, {pipeline_mode = #tpu.pipeline_mode<synchronous>, transform_indices = @transform_16, window_bounds = array<i64: 1, 80>}, {pipeline_mode = #tpu.pipeline_mode<synchronous>, transform_indices = @transform_17, window_bounds = array<i64: 128, 80>}, {pipeline_mode = #tpu.pipeline_mode<synchronous>, transform_indices = @transform_18, window_bounds = array<i64: 1, 80>}, {pipeline_mode = #tpu.pipeline_mode<synchronous>, transform_indices = @transform_19, window_bounds = array<i64: 128, 80>}, {pipeline_mode = #tpu.pipeline_mode<synchronous>, transform_indices = @transform_20, window_bounds = array<i64: 1, 80>}, {pipeline_mode = #tpu.pipeline_mode<synchronous>, transform_indices = @transform_21, window_bounds = array<i64: 128, 80>}, {pipeline_mode = #tpu.pipeline_mode<synchronous>, transform_indices = @transform_22, window_bounds = array<i64: 1, 80>}, {pipeline_mode = #tpu.pipeline_mode<synchronous>, transform_indices = @transform_23, window_bounds = array<i64: 128, 80>}, {pipeline_mode = #tpu.pipeline_mode<synchronous>, transform_indices = @transform_24, window_bounds = array<i64: 1, 80>}, {transform_indices = @transform_25, window_bounds = array<i64: 1000, 416>}, {transform_indices = @transform_26, window_bounds = array<i64: 1000, 416>}, {transform_indices = @transform_27, window_bounds = array<i64: 1000, 80>}, {transform_indices = @transform_28, window_bounds = array<i64: 1000, 80>}, {transform_indices = @transform_29, window_bounds = array<i64: 1000, 80>}, {transform_indices = @transform_30, window_bounds = array<i64: 1000, 80>}, {transform_indices = @transform_31, window_bounds = array<i64: 1000, 80>}, {transform_indices = @transform_32, window_bounds = array<i64: 1000, 80>}, {transform_indices = @transform_33, window_bounds = array<i64: 1000, 80>}, {transform_indices = @transform_34, window_bounds = array<i64: 1000, 80>}, {transform_indices = @transform_35, window_bounds = array<i64: 1000, 80>}, {transform_indices = @transform_36, window_bounds = array<i64: 1000, 80>}]} {
    %get3A = arith.constant 0 : index
    %get3A_0 = arith.constant 0 : index
    %get3A_1 = vector.load %arg1[%get3A, %get3A_0] : memref<1000x128xf32, #tpu.memory_space<vmem>>, vector<1000x128xf32>
    %get3A_2 = arith.constant 0 : index
    %get3A_3 = arith.constant 0 : index
    %get3A_4 = vector.load %arg2[%get3A_2, %get3A_3] : memref<128x416xf32, #tpu.memory_space<vmem>>, vector<128x416xf32>
    %dot_general3A = arith.constant dense<0.000000e+00> : vector<1000x416xf32>
    %dot_general3A_5 = tpu.matmul %get3A_1, %get3A_4, %dot_general3A {dimension_numbers = #tpu.dot_dimension_numbers<[1], [0], [0], [1], [0, 0, 1, 1], [], []>, transpose_lhs_hint = false} : vector<1000x128xf32>, vector<128x416xf32>, vector<1000x416xf32> -> vector<1000x416xf32>
    %get3A_6 = arith.constant 0 : index
    %get3A_7 = arith.constant 0 : index
    %get3A_8 = vector.load %arg3[%get3A_6, %get3A_7] : memref<1x416xf32, #tpu.memory_space<vmem>>, vector<1x416xf32>
    %add3A = vector.broadcast %get3A_8 : vector<1x416xf32> to vector<1000x416xf32>
    %add3A_9 = arith.addf %dot_general3A_5, %add3A : vector<1000x416xf32>
    %swap3A = arith.constant 0 : index
    %swap3A_10 = arith.constant 0 : index
    %swap3A_11 = vector.load %arg26[%swap3A, %swap3A_10] : memref<1000x416xf32, #tpu.memory_space<vmem>>, vector<1000x416xf32>
    tpu.vector_store %arg26[%swap3A, %swap3A_10], %add3A_9 {strides = array<i32>} : memref<1000x416xf32, #tpu.memory_space<vmem>>, vector<1000x416xf32>,
    %get3A_12 = arith.constant 0 : index
    %get3A_13 = arith.constant 0 : index
    %get3A_14 = vector.load %arg4[%get3A_12, %get3A_13] : memref<128x416xf32, #tpu.memory_space<vmem>>, vector<128x416xf32>
    %dot_general3A_15 = arith.constant dense<0.000000e+00> : vector<1000x416xf32>
    %dot_general3A_16 = tpu.matmul %get3A_1, %get3A_14, %dot_general3A_15 {dimension_numbers = #tpu.dot_dimension_numbers<[1], [0], [0], [1], [0, 0, 1, 1], [], []>, transpose_lhs_hint = false} : vector<1000x128xf32>, vector<128x416xf32>, vector<1000x416xf32> -> vector<1000x416xf32>
    %get3A_17 = arith.constant 0 : index
    %get3A_18 = arith.constant 0 : index
    %get3A_19 = vector.load %arg5[%get3A_17, %get3A_18] : memref<1x416xf32, #tpu.memory_space<vmem>>, vector<1x416xf32>
    %add3A_20 = vector.broadcast %get3A_19 : vector<1x416xf32> to vector<1000x416xf32>
    %add3A_21 = arith.addf %dot_general3A_16, %add3A_20 : vector<1000x416xf32>
    %swap3A_22 = arith.constant 0 : index
    %swap3A_23 = arith.constant 0 : index
    %swap3A_24 = vector.load %arg27[%swap3A_22, %swap3A_23] : memref<1000x416xf32, #tpu.memory_space<vmem>>, vector<1000x416xf32>
    tpu.vector_store %arg27[%swap3A_22, %swap3A_23], %add3A_21 {strides = array<i32>} : memref<1000x416xf32, #tpu.memory_space<vmem>>, vector<1000x416xf32>,
    %get3A_25 = arith.constant 0 : index
    %get3A_26 = arith.constant 0 : index
    %get3A_27 = vector.load %arg6[%get3A_25, %get3A_26] : memref<128x80xf32, #tpu.memory_space<vmem>>, vector<128x80xf32>
    %dot_general3A_28 = arith.constant dense<0.000000e+00> : vector<1000x80xf32>
    %dot_general3A_29 = tpu.matmul %get3A_1, %get3A_27, %dot_general3A_28 {dimension_numbers = #tpu.dot_dimension_numbers<[1], [0], [0], [1], [0, 0, 1, 1], [], []>, transpose_lhs_hint = false} : vector<1000x128xf32>, vector<128x80xf32>, vector<1000x80xf32> -> vector<1000x80xf32>
    %get3A_30 = arith.constant 0 : index
    %get3A_31 = arith.constant 0 : index
    %get3A_32 = vector.load %arg7[%get3A_30, %get3A_31] : memref<1x80xf32, #tpu.memory_space<vmem>>, vector<1x80xf32>
    %add3A_33 = vector.broadcast %get3A_32 : vector<1x80xf32> to vector<1000x80xf32>
    %add3A_34 = arith.addf %dot_general3A_29, %add3A_33 : vector<1000x80xf32>
    %swap3A_35 = arith.constant 0 : index
    %swap3A_36 = arith.constant 0 : index
    %swap3A_37 = vector.load %arg28[%swap3A_35, %swap3A_36] : memref<1000x80xf32, #tpu.memory_space<vmem>>, vector<1000x80xf32>
    tpu.vector_store %arg28[%swap3A_35, %swap3A_36], %add3A_34 {strides = array<i32>} : memref<1000x80xf32, #tpu.memory_space<vmem>>, vector<1000x80xf32>,
    %get3A_38 = arith.constant 0 : index
    %get3A_39 = arith.constant 0 : index
    %get3A_40 = vector.load %arg8[%get3A_38, %get3A_39] : memref<128x80xf32, #tpu.memory_space<vmem>>, vector<128x80xf32>
    %dot_general3A_41 = arith.constant dense<0.000000e+00> : vector<1000x80xf32>
    %dot_general3A_42 = tpu.matmul %get3A_1, %get3A_40, %dot_general3A_41 {dimension_numbers = #tpu.dot_dimension_numbers<[1], [0], [0], [1], [0, 0, 1, 1], [], []>, transpose_lhs_hint = false} : vector<1000x128xf32>, vector<128x80xf32>, vector<1000x80xf32> -> vector<1000x80xf32>
    %get3A_43 = arith.constant 0 : index
    %get3A_44 = arith.constant 0 : index
    %get3A_45 = vector.load %arg9[%get3A_43, %get3A_44] : memref<1x80xf32, #tpu.memory_space<vmem>>, vector<1x80xf32>
    %add3A_46 = vector.broadcast %get3A_45 : vector<1x80xf32> to vector<1000x80xf32>
    %add3A_47 = arith.addf %dot_general3A_42, %add3A_46 : vector<1000x80xf32>
    %swap3A_48 = arith.constant 0 : index
    %swap3A_49 = arith.constant 0 : index
    %swap3A_50 = vector.load %arg29[%swap3A_48, %swap3A_49] : memref<1000x80xf32, #tpu.memory_space<vmem>>, vector<1000x80xf32>
    tpu.vector_store %arg29[%swap3A_48, %swap3A_49], %add3A_47 {strides = array<i32>} : memref<1000x80xf32, #tpu.memory_space<vmem>>, vector<1000x80xf32>,
    %get3A_51 = arith.constant 0 : index
    %get3A_52 = arith.constant 0 : index
    %get3A_53 = vector.load %arg10[%get3A_51, %get3A_52] : memref<128x80xf32, #tpu.memory_space<vmem>>, vector<128x80xf32>
    %dot_general3A_54 = arith.constant dense<0.000000e+00> : vector<1000x80xf32>
    %dot_general3A_55 = tpu.matmul %get3A_1, %get3A_53, %dot_general3A_54 {dimension_numbers = #tpu.dot_dimension_numbers<[1], [0], [0], [1], [0, 0, 1, 1], [], []>, transpose_lhs_hint = false} : vector<1000x128xf32>, vector<128x80xf32>, vector<1000x80xf32> -> vector<1000x80xf32>
    %get3A_56 = arith.constant 0 : index
    %get3A_57 = arith.constant 0 : index
    %get3A_58 = vector.load %arg11[%get3A_56, %get3A_57] : memref<1x80xf32, #tpu.memory_space<vmem>>, vector<1x80xf32>
    %add3A_59 = vector.broadcast %get3A_58 : vector<1x80xf32> to vector<1000x80xf32>
    %add3A_60 = arith.addf %dot_general3A_55, %add3A_59 : vector<1000x80xf32>
    %swap3A_61 = arith.constant 0 : index
    %swap3A_62 = arith.constant 0 : index
    %swap3A_63 = vector.load %arg30[%swap3A_61, %swap3A_62] : memref<1000x80xf32, #tpu.memory_space<vmem>>, vector<1000x80xf32>
    tpu.vector_store %arg30[%swap3A_61, %swap3A_62], %add3A_60 {strides = array<i32>} : memref<1000x80xf32, #tpu.memory_space<vmem>>, vector<1000x80xf32>,
    %get3A_64 = arith.constant 0 : index
    %get3A_65 = arith.constant 0 : index
    %get3A_66 = vector.load %arg12[%get3A_64, %get3A_65] : memref<128x80xf32, #tpu.memory_space<vmem>>, vector<128x80xf32>
    %dot_general3A_67 = arith.constant dense<0.000000e+00> : vector<1000x80xf32>
    %dot_general3A_68 = tpu.matmul %get3A_1, %get3A_66, %dot_general3A_67 {dimension_numbers = #tpu.dot_dimension_numbers<[1], [0], [0], [1], [0, 0, 1, 1], [], []>, transpose_lhs_hint = false} : vector<1000x128xf32>, vector<128x80xf32>, vector<1000x80xf32> -> vector<1000x80xf32>
    %get3A_69 = arith.constant 0 : index
    %get3A_70 = arith.constant 0 : index
    %get3A_71 = vector.load %arg13[%get3A_69, %get3A_70] : memref<1x80xf32, #tpu.memory_space<vmem>>, vector<1x80xf32>
    %add3A_72 = vector.broadcast %get3A_71 : vector<1x80xf32> to vector<1000x80xf32>
    %add3A_73 = arith.addf %dot_general3A_68, %add3A_72 : vector<1000x80xf32>
    %swap3A_74 = arith.constant 0 : index
    %swap3A_75 = arith.constant 0 : index
    %swap3A_76 = vector.load %arg31[%swap3A_74, %swap3A_75] : memref<1000x80xf32, #tpu.memory_space<vmem>>, vector<1000x80xf32>
    tpu.vector_store %arg31[%swap3A_74, %swap3A_75], %add3A_73 {strides = array<i32>} : memref<1000x80xf32, #tpu.memory_space<vmem>>, vector<1000x80xf32>,
    %get3A_77 = arith.constant 0 : index
    %get3A_78 = arith.constant 0 : index
    %get3A_79 = vector.load %arg14[%get3A_77, %get3A_78] : memref<128x80xf32, #tpu.memory_space<vmem>>, vector<128x80xf32>
    %dot_general3A_80 = arith.constant dense<0.000000e+00> : vector<1000x80xf32>
    %dot_general3A_81 = tpu.matmul %get3A_1, %get3A_79, %dot_general3A_80 {dimension_numbers = #tpu.dot_dimension_numbers<[1], [0], [0], [1], [0, 0, 1, 1], [], []>, transpose_lhs_hint = false} : vector<1000x128xf32>, vector<128x80xf32>, vector<1000x80xf32> -> vector<1000x80xf32>
    %get3A_82 = arith.constant 0 : index
    %get3A_83 = arith.constant 0 : index
    %get3A_84 = vector.load %arg15[%get3A_82, %get3A_83] : memref<1x80xf32, #tpu.memory_space<vmem>>, vector<1x80xf32>
    %add3A_85 = vector.broadcast %get3A_84 : vector<1x80xf32> to vector<1000x80xf32>
    %add3A_86 = arith.addf %dot_general3A_81, %add3A_85 : vector<1000x80xf32>
    %swap3A_87 = arith.constant 0 : index
    %swap3A_88 = arith.constant 0 : index
    %swap3A_89 = vector.load %arg32[%swap3A_87, %swap3A_88] : memref<1000x80xf32, #tpu.memory_space<vmem>>, vector<1000x80xf32>
    tpu.vector_store %arg32[%swap3A_87, %swap3A_88], %add3A_86 {strides = array<i32>} : memref<1000x80xf32, #tpu.memory_space<vmem>>, vector<1000x80xf32>,
    %get3A_90 = arith.constant 0 : index
    %get3A_91 = arith.constant 0 : index
    %get3A_92 = vector.load %arg16[%get3A_90, %get3A_91] : memref<128x80xf32, #tpu.memory_space<vmem>>, vector<128x80xf32>
    %dot_general3A_93 = arith.constant dense<0.000000e+00> : vector<1000x80xf32>
    %dot_general3A_94 = tpu.matmul %get3A_1, %get3A_92, %dot_general3A_93 {dimension_numbers = #tpu.dot_dimension_numbers<[1], [0], [0], [1], [0, 0, 1, 1], [], []>, transpose_lhs_hint = false} : vector<1000x128xf32>, vector<128x80xf32>, vector<1000x80xf32> -> vector<1000x80xf32>
    %get3A_95 = arith.constant 0 : index
    %get3A_96 = arith.constant 0 : index
    %get3A_97 = vector.load %arg17[%get3A_95, %get3A_96] : memref<1x80xf32, #tpu.memory_space<vmem>>, vector<1x80xf32>
    %add3A_98 = vector.broadcast %get3A_97 : vector<1x80xf32> to vector<1000x80xf32>
    %add3A_99 = arith.addf %dot_general3A_94, %add3A_98 : vector<1000x80xf32>
    %swap3A_100 = arith.constant 0 : index
    %swap3A_101 = arith.constant 0 : index
    %swap3A_102 = vector.load %arg33[%swap3A_100, %swap3A_101] : memref<1000x80xf32, #tpu.memory_space<vmem>>, vector<1000x80xf32>
    tpu.vector_store %arg33[%swap3A_100, %swap3A_101], %add3A_99 {strides = array<i32>} : memref<1000x80xf32, #tpu.memory_space<vmem>>, vector<1000x80xf32>,
    %get3A_103 = arith.constant 0 : index
    %get3A_104 = arith.constant 0 : index
    %get3A_105 = vector.load %arg18[%get3A_103, %get3A_104] : memref<128x80xf32, #tpu.memory_space<vmem>>, vector<128x80xf32>
    %dot_general3A_106 = arith.constant dense<0.000000e+00> : vector<1000x80xf32>
    %dot_general3A_107 = tpu.matmul %get3A_1, %get3A_105, %dot_general3A_106 {dimension_numbers = #tpu.dot_dimension_numbers<[1], [0], [0], [1], [0, 0, 1, 1], [], []>, transpose_lhs_hint = false} : vector<1000x128xf32>, vector<128x80xf32>, vector<1000x80xf32> -> vector<1000x80xf32>
    %get3A_108 = arith.constant 0 : index
    %get3A_109 = arith.constant 0 : index
    %get3A_110 = vector.load %arg19[%get3A_108, %get3A_109] : memref<1x80xf32, #tpu.memory_space<vmem>>, vector<1x80xf32>
    %add3A_111 = vector.broadcast %get3A_110 : vector<1x80xf32> to vector<1000x80xf32>
    %add3A_112 = arith.addf %dot_general3A_107, %add3A_111 : vector<1000x80xf32>
    %swap3A_113 = arith.constant 0 : index
    %swap3A_114 = arith.constant 0 : index
    %swap3A_115 = vector.load %arg34[%swap3A_113, %swap3A_114] : memref<1000x80xf32, #tpu.memory_space<vmem>>, vector<1000x80xf32>
    tpu.vector_store %arg34[%swap3A_113, %swap3A_114], %add3A_112 {strides = array<i32>} : memref<1000x80xf32, #tpu.memory_space<vmem>>, vector<1000x80xf32>,
    %get3A_116 = arith.constant 0 : index
    %get3A_117 = arith.constant 0 : index
    %get3A_118 = vector.load %arg20[%get3A_116, %get3A_117] : memref<128x80xf32, #tpu.memory_space<vmem>>, vector<128x80xf32>
    %dot_general3A_119 = arith.constant dense<0.000000e+00> : vector<1000x80xf32>
    %dot_general3A_120 = tpu.matmul %get3A_1, %get3A_118, %dot_general3A_119 {dimension_numbers = #tpu.dot_dimension_numbers<[1], [0], [0], [1], [0, 0, 1, 1], [], []>, transpose_lhs_hint = false} : vector<1000x128xf32>, vector<128x80xf32>, vector<1000x80xf32> -> vector<1000x80xf32>
    %get3A_121 = arith.constant 0 : index
    %get3A_122 = arith.constant 0 : index
    %get3A_123 = vector.load %arg21[%get3A_121, %get3A_122] : memref<1x80xf32, #tpu.memory_space<vmem>>, vector<1x80xf32>
    %add3A_124 = vector.broadcast %get3A_123 : vector<1x80xf32> to vector<1000x80xf32>
    %add3A_125 = arith.addf %dot_general3A_120, %add3A_124 : vector<1000x80xf32>
    %swap3A_126 = arith.constant 0 : index
    %swap3A_127 = arith.constant 0 : index
    %swap3A_128 = vector.load %arg35[%swap3A_126, %swap3A_127] : memref<1000x80xf32, #tpu.memory_space<vmem>>, vector<1000x80xf32>
    tpu.vector_store %arg35[%swap3A_126, %swap3A_127], %add3A_125 {strides = array<i32>} : memref<1000x80xf32, #tpu.memory_space<vmem>>, vector<1000x80xf32>,
    %get3A_129 = arith.constant 0 : index
    %get3A_130 = arith.constant 0 : index
    %get3A_131 = vector.load %arg22[%get3A_129, %get3A_130] : memref<128x80xf32, #tpu.memory_space<vmem>>, vector<128x80xf32>
    %dot_general3A_132 = arith.constant dense<0.000000e+00> : vector<1000x80xf32>
    %dot_general3A_133 = tpu.matmul %get3A_1, %get3A_131, %dot_general3A_132 {dimension_numbers = #tpu.dot_dimension_numbers<[1], [0], [0], [1], [0, 0, 1, 1], [], []>, transpose_lhs_hint = false} : vector<1000x128xf32>, vector<128x80xf32>, vector<1000x80xf32> -> vector<1000x80xf32>
    %get3A_134 = arith.constant 0 : index
    %get3A_135 = arith.constant 0 : index
    %get3A_136 = vector.load %arg23[%get3A_134, %get3A_135] : memref<1x80xf32, #tpu.memory_space<vmem>>, vector<1x80xf32>
    %add3A_137 = vector.broadcast %get3A_136 : vector<1x80xf32> to vector<1000x80xf32>
    %add3A_138 = arith.addf %dot_general3A_133, %add3A_137 : vector<1000x80xf32>
    %swap3A_139 = arith.constant 0 : index
    %swap3A_140 = arith.constant 0 : index
    %swap3A_141 = vector.load %arg36[%swap3A_139, %swap3A_140] : memref<1000x80xf32, #tpu.memory_space<vmem>>, vector<1000x80xf32>
    tpu.vector_store %arg36[%swap3A_139, %swap3A_140], %add3A_138 {strides = array<i32>} : memref<1000x80xf32, #tpu.memory_space<vmem>>, vector<1000x80xf32>,
    %get3A_142 = arith.constant 0 : index
    %get3A_143 = arith.constant 0 : index
    %get3A_144 = vector.load %arg24[%get3A_142, %get3A_143] : memref<128x80xf32, #tpu.memory_space<vmem>>, vector<128x80xf32>
    %dot_general3A_145 = arith.constant dense<0.000000e+00> : vector<1000x80xf32>
    %dot_general3A_146 = tpu.matmul %get3A_1, %get3A_144, %dot_general3A_145 {dimension_numbers = #tpu.dot_dimension_numbers<[1], [0], [0], [1], [0, 0, 1, 1], [], []>, transpose_lhs_hint = false} : vector<1000x128xf32>, vector<128x80xf32>, vector<1000x80xf32> -> vector<1000x80xf32>
    %get3A_147 = arith.constant 0 : index
    %get3A_148 = arith.constant 0 : index
    %get3A_149 = vector.load %arg25[%get3A_147, %get3A_148] : memref<1x80xf32, #tpu.memory_space<vmem>>, vector<1x80xf32>
    %add3A_150 = vector.broadcast %get3A_149 : vector<1x80xf32> to vector<1000x80xf32>
    %add3A_151 = arith.addf %dot_general3A_146, %add3A_150 : vector<1000x80xf32>
    %swap3A_152 = arith.constant 0 : index
    %swap3A_153 = arith.constant 0 : index
    %swap3A_154 = vector.load %arg37[%swap3A_152, %swap3A_153] : memref<1000x80xf32, #tpu.memory_space<vmem>>, vector<1000x80xf32>
    tpu.vector_store %arg37[%swap3A_152, %swap3A_153], %add3A_151 {strides = array<i32>} : memref<1000x80xf32, #tpu.memory_space<vmem>>, vector<1000x80xf32>,
    return
  }
  func.func @transform_0(%arg0: i32) -> (i32, i32) {
    %c0_i32 = arith.constant 0 : i32
    %c0_i32_0 = arith.constant 0 : i32
    return %arg0, %c0_i32 : i32, i32
  }
  func.func @transform_1(%arg0: i32) -> (i32, i32) {
    %c0_i32 = arith.constant 0 : i32
    %c0_i32_0 = arith.constant 0 : i32
    %c0_i32_1 = arith.constant 0 : i32
    return %c0_i32, %c0_i32_0 : i32, i32
  }
  func.func @transform_2(%arg0: i32) -> (i32, i32) {
    %c0_i32 = arith.constant 0 : i32
    %c0_i32_0 = arith.constant 0 : i32
    %c0_i32_1 = arith.constant 0 : i32
    return %c0_i32, %c0_i32_0 : i32, i32
  }
  func.func @transform_3(%arg0: i32) -> (i32, i32) {
    %c0_i32 = arith.constant 0 : i32
    %c0_i32_0 = arith.constant 0 : i32
    %c0_i32_1 = arith.constant 0 : i32
    return %c0_i32, %c0_i32_0 : i32, i32
  }
  func.func @transform_4(%arg0: i32) -> (i32, i32) {
    %c0_i32 = arith.constant 0 : i32
    %c0_i32_0 = arith.constant 0 : i32
    %c0_i32_1 = arith.constant 0 : i32
    return %c0_i32, %c0_i32_0 : i32, i32
  }
  func.func @transform_5(%arg0: i32) -> (i32, i32) {
    %c0_i32 = arith.constant 0 : i32
    %c0_i32_0 = arith.constant 0 : i32
    %c0_i32_1 = arith.constant 0 : i32
    return %c0_i32, %c0_i32_0 : i32, i32
  }
  func.func @transform_6(%arg0: i32) -> (i32, i32) {
    %c0_i32 = arith.constant 0 : i32
    %c0_i32_0 = arith.constant 0 : i32
    %c0_i32_1 = arith.constant 0 : i32
    return %c0_i32, %c0_i32_0 : i32, i32
  }
  func.func @transform_7(%arg0: i32) -> (i32, i32) {
    %c0_i32 = arith.constant 0 : i32
    %c0_i32_0 = arith.constant 0 : i32
    %c0_i32_1 = arith.constant 0 : i32
    return %c0_i32, %c0_i32_0 : i32, i32
  }
  func.func @transform_8(%arg0: i32) -> (i32, i32) {
    %c0_i32 = arith.constant 0 : i32
    %c0_i32_0 = arith.constant 0 : i32
    %c0_i32_1 = arith.constant 0 : i32
    return %c0_i32, %c0_i32_0 : i32, i32
  }
  func.func @transform_9(%arg0: i32) -> (i32, i32) {
    %c0_i32 = arith.constant 0 : i32
    %c0_i32_0 = arith.constant 0 : i32
    %c0_i32_1 = arith.constant 0 : i32
    return %c0_i32, %c0_i32_0 : i32, i32
  }
  func.func @transform_10(%arg0: i32) -> (i32, i32) {
    %c0_i32 = arith.constant 0 : i32
    %c0_i32_0 = arith.constant 0 : i32
    %c0_i32_1 = arith.constant 0 : i32
    return %c0_i32, %c0_i32_0 : i32, i32
  }
  func.func @transform_11(%arg0: i32) -> (i32, i32) {
    %c0_i32 = arith.constant 0 : i32
    %c0_i32_0 = arith.constant 0 : i32
    %c0_i32_1 = arith.constant 0 : i32
    return %c0_i32, %c0_i32_0 : i32, i32
  }
  func.func @transform_12(%arg0: i32) -> (i32, i32) {
    %c0_i32 = arith.constant 0 : i32
    %c0_i32_0 = arith.constant 0 : i32
    %c0_i32_1 = arith.constant 0 : i32
    return %c0_i32, %c0_i32_0 : i32, i32
  }
  func.func @transform_13(%arg0: i32) -> (i32, i32) {
    %c0_i32 = arith.constant 0 : i32
    %c0_i32_0 = arith.constant 0 : i32
    %c0_i32_1 = arith.constant 0 : i32
    return %c0_i32, %c0_i32_0 : i32, i32
  }
  func.func @transform_14(%arg0: i32) -> (i32, i32) {
    %c0_i32 = arith.constant 0 : i32
    %c0_i32_0 = arith.constant 0 : i32
    %c0_i32_1 = arith.constant 0 : i32
    return %c0_i32, %c0_i32_0 : i32, i32
  }
  func.func @transform_15(%arg0: i32) -> (i32, i32) {
    %c0_i32 = arith.constant 0 : i32
    %c0_i32_0 = arith.constant 0 : i32
    %c0_i32_1 = arith.constant 0 : i32
    return %c0_i32, %c0_i32_0 : i32, i32
  }
  func.func @transform_16(%arg0: i32) -> (i32, i32) {
    %c0_i32 = arith.constant 0 : i32
    %c0_i32_0 = arith.constant 0 : i32
    %c0_i32_1 = arith.constant 0 : i32
    return %c0_i32, %c0_i32_0 : i32, i32
  }
  func.func @transform_17(%arg0: i32) -> (i32, i32) {
    %c0_i32 = arith.constant 0 : i32
    %c0_i32_0 = arith.constant 0 : i32
    %c0_i32_1 = arith.constant 0 : i32
    return %c0_i32, %c0_i32_0 : i32, i32
  }
  func.func @transform_18(%arg0: i32) -> (i32, i32) {
    %c0_i32 = arith.constant 0 : i32
    %c0_i32_0 = arith.constant 0 : i32
    %c0_i32_1 = arith.constant 0 : i32
    return %c0_i32, %c0_i32_0 : i32, i32
  }
  func.func @transform_19(%arg0: i32) -> (i32, i32) {
    %c0_i32 = arith.constant 0 : i32
    %c0_i32_0 = arith.constant 0 : i32
    %c0_i32_1 = arith.constant 0 : i32
    return %c0_i32, %c0_i32_0 : i32, i32
  }
  func.func @transform_20(%arg0: i32) -> (i32, i32) {
    %c0_i32 = arith.constant 0 : i32
    %c0_i32_0 = arith.constant 0 : i32
    %c0_i32_1 = arith.constant 0 : i32
    return %c0_i32, %c0_i32_0 : i32, i32
  }
  func.func @transform_21(%arg0: i32) -> (i32, i32) {
    %c0_i32 = arith.constant 0 : i32
    %c0_i32_0 = arith.constant 0 : i32
    %c0_i32_1 = arith.constant 0 : i32
    return %c0_i32, %c0_i32_0 : i32, i32
  }
  func.func @transform_22(%arg0: i32) -> (i32, i32) {
    %c0_i32 = arith.constant 0 : i32
    %c0_i32_0 = arith.constant 0 : i32
    %c0_i32_1 = arith.constant 0 : i32
    return %c0_i32, %c0_i32_0 : i32, i32
  }
  func.func @transform_23(%arg0: i32) -> (i32, i32) {
    %c0_i32 = arith.constant 0 : i32
    %c0_i32_0 = arith.constant 0 : i32
    %c0_i32_1 = arith.constant 0 : i32
    return %c0_i32, %c0_i32_0 : i32, i32
  }
  func.func @transform_24(%arg0: i32) -> (i32, i32) {
    %c0_i32 = arith.constant 0 : i32
    %c0_i32_0 = arith.constant 0 : i32
    %c0_i32_1 = arith.constant 0 : i32
    return %c0_i32, %c0_i32_0 : i32, i32
  }
  func.func @transform_25(%arg0: i32) -> (i32, i32) {
    %c0_i32 = arith.constant 0 : i32
    %c0_i32_0 = arith.constant 0 : i32
    return %arg0, %c0_i32 : i32, i32
  }
  func.func @transform_26(%arg0: i32) -> (i32, i32) {
    %c0_i32 = arith.constant 0 : i32
    %c0_i32_0 = arith.constant 0 : i32
    return %arg0, %c0_i32 : i32, i32
  }
  func.func @transform_27(%arg0: i32) -> (i32, i32) {
    %c0_i32 = arith.constant 0 : i32
    %c0_i32_0 = arith.constant 0 : i32
    return %arg0, %c0_i32 : i32, i32
  }
  func.func @transform_28(%arg0: i32) -> (i32, i32) {
    %c0_i32 = arith.constant 0 : i32
    %c0_i32_0 = arith.constant 0 : i32
    return %arg0, %c0_i32 : i32, i32
  }
  func.func @transform_29(%arg0: i32) -> (i32, i32) {
    %c0_i32 = arith.constant 0 : i32
    %c0_i32_0 = arith.constant 0 : i32
    return %arg0, %c0_i32 : i32, i32
  }
  func.func @transform_30(%arg0: i32) -> (i32, i32) {
    %c0_i32 = arith.constant 0 : i32
    %c0_i32_0 = arith.constant 0 : i32
    return %arg0, %c0_i32 : i32, i32
  }
  func.func @transform_31(%arg0: i32) -> (i32, i32) {
    %c0_i32 = arith.constant 0 : i32
    %c0_i32_0 = arith.constant 0 : i32
    return %arg0, %c0_i32 : i32, i32
  }
  func.func @transform_32(%arg0: i32) -> (i32, i32) {
    %c0_i32 = arith.constant 0 : i32
    %c0_i32_0 = arith.constant 0 : i32
    return %arg0, %c0_i32 : i32, i32
  }
  func.func @transform_33(%arg0: i32) -> (i32, i32) {
    %c0_i32 = arith.constant 0 : i32
    %c0_i32_0 = arith.constant 0 : i32
    return %arg0, %c0_i32 : i32, i32
  }
  func.func @transform_34(%arg0: i32) -> (i32, i32) {
    %c0_i32 = arith.constant 0 : i32
    %c0_i32_0 = arith.constant 0 : i32
    return %arg0, %c0_i32 : i32, i32
  }
  func.func @transform_35(%arg0: i32) -> (i32, i32) {
    %c0_i32 = arith.constant 0 : i32
    %c0_i32_0 = arith.constant 0 : i32
    return %arg0, %c0_i32 : i32, i32
  }
  func.func @transform_36(%arg0: i32) -> (i32, i32) {
    %c0_i32 = arith.constant 0 : i32
    %c0_i32_0 = arith.constant 0 : i32
    return %arg0, %c0_i32 : i32, i32
  }
}

module attributes {stable_mosaic.version = 14 : i64} {
  func.func @_mid_body(%arg0: i32, %arg1: memref<1000x80xf32, #tpu.memory_space<vmem>>, %arg2: memref<1000x80xf32, #tpu.memory_space<vmem>>, %arg3: memref<1000x80xf32, #tpu.memory_space<vmem>>, %arg4: memref<1000x80xf32, #tpu.memory_space<vmem>>, %arg5: memref<1000x80xf32, #tpu.memory_space<vmem>>, %arg6: memref<1x32x1000xf32, #tpu.memory_space<vmem>>, %arg7: memref<1000x80xf32, #tpu.memory_space<vmem>>, %arg8: memref<1000x80xf32, #tpu.memory_space<vmem>>, %arg9: memref<1000x80xf32, #tpu.memory_space<vmem>>, %arg10: memref<1000x80xf32, #tpu.memory_space<vmem>>, %arg11: memref<1000x80xf32, #tpu.memory_space<vmem>>, %arg12: memref<80x16xf32, #tpu.memory_space<vmem>>, %arg13: memref<80x16xf32, #tpu.memory_space<vmem>>, %arg14: memref<80x16xf32, #tpu.memory_space<vmem>>, %arg15: memref<80x16xf32, #tpu.memory_space<vmem>>, %arg16: memref<80x16xf32, #tpu.memory_space<vmem>>, %arg17: memref<80x16xf32, #tpu.memory_space<vmem>>, %arg18: memref<80x16xf32, #tpu.memory_space<vmem>>, %arg19: memref<80x16xf32, #tpu.memory_space<vmem>>, %arg20: memref<80x16xf32, #tpu.memory_space<vmem>>, %arg21: memref<80x16xf32, #tpu.memory_space<vmem>>, %arg22: memref<1x16xf32, #tpu.memory_space<vmem>>, %arg23: memref<1x16xf32, #tpu.memory_space<vmem>>, %arg24: memref<1000x16xf32, #tpu.memory_space<vmem>>, %arg25: memref<1000x16xf32, #tpu.memory_space<vmem>>) attributes {dimension_semantics = [#tpu.dimension_semantics<arbitrary>], iteration_bounds = array<i64: 10>, scalar_prefetch = 0 : i64, scratch_operands = 0 : i64, tpu.core_type = #tpu.core_type<tc>, window_params = [{transform_indices = @transform_0, window_bounds = array<i64: 1000, 80>}, {transform_indices = @transform_1, window_bounds = array<i64: 1000, 80>}, {transform_indices = @transform_2, window_bounds = array<i64: 1000, 80>}, {transform_indices = @transform_3, window_bounds = array<i64: 1000, 80>}, {transform_indices = @transform_4, window_bounds = array<i64: 1000, 80>}, {transform_indices = @transform_5, window_bounds = array<i64: 1, 32, 1000>}, {transform_indices = @transform_6, window_bounds = array<i64: 1000, 80>}, {transform_indices = @transform_7, window_bounds = array<i64: 1000, 80>}, {transform_indices = @transform_8, window_bounds = array<i64: 1000, 80>}, {transform_indices = @transform_9, window_bounds = array<i64: 1000, 80>}, {transform_indices = @transform_10, window_bounds = array<i64: 1000, 80>}, {pipeline_mode = #tpu.pipeline_mode<synchronous>, transform_indices = @transform_11, window_bounds = array<i64: 80, 16>}, {pipeline_mode = #tpu.pipeline_mode<synchronous>, transform_indices = @transform_12, window_bounds = array<i64: 80, 16>}, {pipeline_mode = #tpu.pipeline_mode<synchronous>, transform_indices = @transform_13, window_bounds = array<i64: 80, 16>}, {pipeline_mode = #tpu.pipeline_mode<synchronous>, transform_indices = @transform_14, window_bounds = array<i64: 80, 16>}, {pipeline_mode = #tpu.pipeline_mode<synchronous>, transform_indices = @transform_15, window_bounds = array<i64: 80, 16>}, {pipeline_mode = #tpu.pipeline_mode<synchronous>, transform_indices = @transform_16, window_bounds = array<i64: 80, 16>}, {pipeline_mode = #tpu.pipeline_mode<synchronous>, transform_indices = @transform_17, window_bounds = array<i64: 80, 16>}, {pipeline_mode = #tpu.pipeline_mode<synchronous>, transform_indices = @transform_18, window_bounds = array<i64: 80, 16>}, {pipeline_mode = #tpu.pipeline_mode<synchronous>, transform_indices = @transform_19, window_bounds = array<i64: 80, 16>}, {pipeline_mode = #tpu.pipeline_mode<synchronous>, transform_indices = @transform_20, window_bounds = array<i64: 80, 16>}, {pipeline_mode = #tpu.pipeline_mode<synchronous>, transform_indices = @transform_21, window_bounds = array<i64: 1, 16>}, {pipeline_mode = #tpu.pipeline_mode<synchronous>, transform_indices = @transform_22, window_bounds = array<i64: 1, 16>}, {transform_indices = @transform_23, window_bounds = array<i64: 1000, 16>}, {transform_indices = @transform_24, window_bounds = array<i64: 1000, 16>}]} {
    %get3A = arith.constant 0 : index
    %get3A_0 = arith.constant 0 : index
    %get3A_1 = arith.constant 0 : index
    %get3A_2 = vector.load %arg6[%get3A, %get3A_0, %get3A_1] : memref<1x32x1000xf32, #tpu.memory_space<vmem>>, vector<1x32x1000xf32>
    %reduce_sum3A = arith.constant dense<0.000000e+00> : vector<1000xf32>
    %reduce_sum3A_3 = vector.multi_reduction <add>, %get3A_2, %reduce_sum3A [0, 1] : vector<1x32x1000xf32> to vector<1000xf32>
    %broadcast_in_dim3A = vector.shape_cast %reduce_sum3A_3 : vector<1000xf32> to vector<1000x1xf32>
    %add3A = arith.constant 1.000000e-16 : f32
    %add3A_4 = vector.broadcast %add3A : f32 to vector<1000x1xf32>
    %add3A_5 = arith.addf %broadcast_in_dim3A, %add3A_4 : vector<1000x1xf32>
    %get3A_6 = arith.constant 0 : index
    %get3A_7 = arith.constant 0 : index
    %get3A_8 = vector.load %arg22[%get3A_6, %get3A_7] : memref<1x16xf32, #tpu.memory_space<vmem>>, vector<1x16xf32>
    %broadcast_in_dim3A_9 = arith.constant 1.000000e+00 : f32
    %broadcast_in_dim3A_10 = vector.broadcast %broadcast_in_dim3A_9 : f32 to vector<1000x1xf32>
    %mul3A = vector.broadcast %get3A_8 : vector<1x16xf32> to vector<1000x16xf32>
    %mul3A_11 = vector.broadcast %broadcast_in_dim3A_10 : vector<1000x1xf32> to vector<1000x16xf32>
    %mul3A_12 = arith.mulf %mul3A, %mul3A_11 : vector<1000x16xf32>
    %get3A_13 = arith.constant 0 : index
    %get3A_14 = arith.constant 0 : index
    %get3A_15 = vector.load %arg23[%get3A_13, %get3A_14] : memref<1x16xf32, #tpu.memory_space<vmem>>, vector<1x16xf32>
    %broadcast_in_dim3A_16 = arith.constant 1.000000e+00 : f32
    %broadcast_in_dim3A_17 = vector.broadcast %broadcast_in_dim3A_16 : f32 to vector<1000x1xf32>
    %mul3A_18 = vector.broadcast %get3A_15 : vector<1x16xf32> to vector<1000x16xf32>
    %mul3A_19 = vector.broadcast %broadcast_in_dim3A_17 : vector<1000x1xf32> to vector<1000x16xf32>
    %mul3A_20 = arith.mulf %mul3A_18, %mul3A_19 : vector<1000x16xf32>
    %get3A_21 = arith.constant 0 : index
    %get3A_22 = arith.constant 0 : index
    %get3A_23 = vector.load %arg1[%get3A_21, %get3A_22] : memref<1000x80xf32, #tpu.memory_space<vmem>>, vector<1000x80xf32>
    %div3A = vector.broadcast %add3A_5 : vector<1000x1xf32> to vector<1000x80xf32>
    %div3A_24 = arith.divf %get3A_23, %div3A : vector<1000x80xf32>
    %get3A_25 = arith.constant 0 : index
    %get3A_26 = arith.constant 0 : index
    %get3A_27 = vector.load %arg7[%get3A_25, %get3A_26] : memref<1000x80xf32, #tpu.memory_space<vmem>>, vector<1000x80xf32>
    %add3A_28 = arith.addf %div3A_24, %get3A_27 : vector<1000x80xf32>
    %max3A = arith.constant 0.000000e+00 : f32
    %max3A_29 = vector.broadcast %max3A : f32 to vector<1000x80xf32>
    %max3A_30 = arith.maximumf %add3A_28, %max3A_29 : vector<1000x80xf32>
    %get3A_31 = arith.constant 0 : index
    %get3A_32 = arith.constant 0 : index
    %get3A_33 = vector.load %arg12[%get3A_31, %get3A_32] : memref<80x16xf32, #tpu.memory_space<vmem>>, vector<80x16xf32>
    %dot_general3A = arith.constant dense<0.000000e+00> : vector<1000x16xf32>
    %dot_general3A_34 = tpu.matmul %max3A_30, %get3A_33, %dot_general3A {dimension_numbers = #tpu.dot_dimension_numbers<[1], [0], [0], [1], [0, 0, 1, 1], [], []>, transpose_lhs_hint = false} : vector<1000x80xf32>, vector<80x16xf32>, vector<1000x16xf32> -> vector<1000x16xf32>
    %add3A_35 = arith.addf %mul3A_12, %dot_general3A_34 : vector<1000x16xf32>
    %get3A_36 = arith.constant 0 : index
    %get3A_37 = arith.constant 0 : index
    %get3A_38 = vector.load %arg17[%get3A_36, %get3A_37] : memref<80x16xf32, #tpu.memory_space<vmem>>, vector<80x16xf32>
    %dot_general3A_39 = arith.constant dense<0.000000e+00> : vector<1000x16xf32>
    %dot_general3A_40 = tpu.matmul %max3A_30, %get3A_38, %dot_general3A_39 {dimension_numbers = #tpu.dot_dimension_numbers<[1], [0], [0], [1], [0, 0, 1, 1], [], []>, transpose_lhs_hint = false} : vector<1000x80xf32>, vector<80x16xf32>, vector<1000x16xf32> -> vector<1000x16xf32>
    %add3A_41 = arith.addf %mul3A_20, %dot_general3A_40 : vector<1000x16xf32>
    %get3A_42 = arith.constant 0 : index
    %get3A_43 = arith.constant 0 : index
    %get3A_44 = vector.load %arg2[%get3A_42, %get3A_43] : memref<1000x80xf32, #tpu.memory_space<vmem>>, vector<1000x80xf32>
    %div3A_45 = vector.broadcast %add3A_5 : vector<1000x1xf32> to vector<1000x80xf32>
    %div3A_46 = arith.divf %get3A_44, %div3A_45 : vector<1000x80xf32>
    %get3A_47 = arith.constant 0 : index
    %get3A_48 = arith.constant 0 : index
    %get3A_49 = vector.load %arg8[%get3A_47, %get3A_48] : memref<1000x80xf32, #tpu.memory_space<vmem>>, vector<1000x80xf32>
    %add3A_50 = arith.addf %div3A_46, %get3A_49 : vector<1000x80xf32>
    %max3A_51 = arith.constant 0.000000e+00 : f32
    %max3A_52 = vector.broadcast %max3A_51 : f32 to vector<1000x80xf32>
    %max3A_53 = arith.maximumf %add3A_50, %max3A_52 : vector<1000x80xf32>
    %get3A_54 = arith.constant 0 : index
    %get3A_55 = arith.constant 0 : index
    %get3A_56 = vector.load %arg13[%get3A_54, %get3A_55] : memref<80x16xf32, #tpu.memory_space<vmem>>, vector<80x16xf32>
    %dot_general3A_57 = arith.constant dense<0.000000e+00> : vector<1000x16xf32>
    %dot_general3A_58 = tpu.matmul %max3A_53, %get3A_56, %dot_general3A_57 {dimension_numbers = #tpu.dot_dimension_numbers<[1], [0], [0], [1], [0, 0, 1, 1], [], []>, transpose_lhs_hint = false} : vector<1000x80xf32>, vector<80x16xf32>, vector<1000x16xf32> -> vector<1000x16xf32>
    %add3A_59 = arith.addf %add3A_35, %dot_general3A_58 : vector<1000x16xf32>
    %get3A_60 = arith.constant 0 : index
    %get3A_61 = arith.constant 0 : index
    %get3A_62 = vector.load %arg18[%get3A_60, %get3A_61] : memref<80x16xf32, #tpu.memory_space<vmem>>, vector<80x16xf32>
    %dot_general3A_63 = arith.constant dense<0.000000e+00> : vector<1000x16xf32>
    %dot_general3A_64 = tpu.matmul %max3A_53, %get3A_62, %dot_general3A_63 {dimension_numbers = #tpu.dot_dimension_numbers<[1], [0], [0], [1], [0, 0, 1, 1], [], []>, transpose_lhs_hint = false} : vector<1000x80xf32>, vector<80x16xf32>, vector<1000x16xf32> -> vector<1000x16xf32>
    %add3A_65 = arith.addf %add3A_41, %dot_general3A_64 : vector<1000x16xf32>
    %get3A_66 = arith.constant 0 : index
    %get3A_67 = arith.constant 0 : index
    %get3A_68 = vector.load %arg3[%get3A_66, %get3A_67] : memref<1000x80xf32, #tpu.memory_space<vmem>>, vector<1000x80xf32>
    %div3A_69 = vector.broadcast %add3A_5 : vector<1000x1xf32> to vector<1000x80xf32>
    %div3A_70 = arith.divf %get3A_68, %div3A_69 : vector<1000x80xf32>
    %get3A_71 = arith.constant 0 : index
    %get3A_72 = arith.constant 0 : index
    %get3A_73 = vector.load %arg9[%get3A_71, %get3A_72] : memref<1000x80xf32, #tpu.memory_space<vmem>>, vector<1000x80xf32>
    %add3A_74 = arith.addf %div3A_70, %get3A_73 : vector<1000x80xf32>
    %max3A_75 = arith.constant 0.000000e+00 : f32
    %max3A_76 = vector.broadcast %max3A_75 : f32 to vector<1000x80xf32>
    %max3A_77 = arith.maximumf %add3A_74, %max3A_76 : vector<1000x80xf32>
    %get3A_78 = arith.constant 0 : index
    %get3A_79 = arith.constant 0 : index
    %get3A_80 = vector.load %arg14[%get3A_78, %get3A_79] : memref<80x16xf32, #tpu.memory_space<vmem>>, vector<80x16xf32>
    %dot_general3A_81 = arith.constant dense<0.000000e+00> : vector<1000x16xf32>
    %dot_general3A_82 = tpu.matmul %max3A_77, %get3A_80, %dot_general3A_81 {dimension_numbers = #tpu.dot_dimension_numbers<[1], [0], [0], [1], [0, 0, 1, 1], [], []>, transpose_lhs_hint = false} : vector<1000x80xf32>, vector<80x16xf32>, vector<1000x16xf32> -> vector<1000x16xf32>
    %add3A_83 = arith.addf %add3A_59, %dot_general3A_82 : vector<1000x16xf32>
    %get3A_84 = arith.constant 0 : index
    %get3A_85 = arith.constant 0 : index
    %get3A_86 = vector.load %arg19[%get3A_84, %get3A_85] : memref<80x16xf32, #tpu.memory_space<vmem>>, vector<80x16xf32>
    %dot_general3A_87 = arith.constant dense<0.000000e+00> : vector<1000x16xf32>
    %dot_general3A_88 = tpu.matmul %max3A_77, %get3A_86, %dot_general3A_87 {dimension_numbers = #tpu.dot_dimension_numbers<[1], [0], [0], [1], [0, 0, 1, 1], [], []>, transpose_lhs_hint = false} : vector<1000x80xf32>, vector<80x16xf32>, vector<1000x16xf32> -> vector<1000x16xf32>
    %add3A_89 = arith.addf %add3A_65, %dot_general3A_88 : vector<1000x16xf32>
    %get3A_90 = arith.constant 0 : index
    %get3A_91 = arith.constant 0 : index
    %get3A_92 = vector.load %arg4[%get3A_90, %get3A_91] : memref<1000x80xf32, #tpu.memory_space<vmem>>, vector<1000x80xf32>
    %div3A_93 = vector.broadcast %add3A_5 : vector<1000x1xf32> to vector<1000x80xf32>
    %div3A_94 = arith.divf %get3A_92, %div3A_93 : vector<1000x80xf32>
    %get3A_95 = arith.constant 0 : index
    %get3A_96 = arith.constant 0 : index
    %get3A_97 = vector.load %arg10[%get3A_95, %get3A_96] : memref<1000x80xf32, #tpu.memory_space<vmem>>, vector<1000x80xf32>
    %add3A_98 = arith.addf %div3A_94, %get3A_97 : vector<1000x80xf32>
    %max3A_99 = arith.constant 0.000000e+00 : f32
    %max3A_100 = vector.broadcast %max3A_99 : f32 to vector<1000x80xf32>
    %max3A_101 = arith.maximumf %add3A_98, %max3A_100 : vector<1000x80xf32>
    %get3A_102 = arith.constant 0 : index
    %get3A_103 = arith.constant 0 : index
    %get3A_104 = vector.load %arg15[%get3A_102, %get3A_103] : memref<80x16xf32, #tpu.memory_space<vmem>>, vector<80x16xf32>
    %dot_general3A_105 = arith.constant dense<0.000000e+00> : vector<1000x16xf32>
    %dot_general3A_106 = tpu.matmul %max3A_101, %get3A_104, %dot_general3A_105 {dimension_numbers = #tpu.dot_dimension_numbers<[1], [0], [0], [1], [0, 0, 1, 1], [], []>, transpose_lhs_hint = false} : vector<1000x80xf32>, vector<80x16xf32>, vector<1000x16xf32> -> vector<1000x16xf32>
    %add3A_107 = arith.addf %add3A_83, %dot_general3A_106 : vector<1000x16xf32>
    %get3A_108 = arith.constant 0 : index
    %get3A_109 = arith.constant 0 : index
    %get3A_110 = vector.load %arg20[%get3A_108, %get3A_109] : memref<80x16xf32, #tpu.memory_space<vmem>>, vector<80x16xf32>
    %dot_general3A_111 = arith.constant dense<0.000000e+00> : vector<1000x16xf32>
    %dot_general3A_112 = tpu.matmul %max3A_101, %get3A_110, %dot_general3A_111 {dimension_numbers = #tpu.dot_dimension_numbers<[1], [0], [0], [1], [0, 0, 1, 1], [], []>, transpose_lhs_hint = false} : vector<1000x80xf32>, vector<80x16xf32>, vector<1000x16xf32> -> vector<1000x16xf32>
    %add3A_113 = arith.addf %add3A_89, %dot_general3A_112 : vector<1000x16xf32>
    %get3A_114 = arith.constant 0 : index
    %get3A_115 = arith.constant 0 : index
    %get3A_116 = vector.load %arg5[%get3A_114, %get3A_115] : memref<1000x80xf32, #tpu.memory_space<vmem>>, vector<1000x80xf32>
    %div3A_117 = vector.broadcast %add3A_5 : vector<1000x1xf32> to vector<1000x80xf32>
    %div3A_118 = arith.divf %get3A_116, %div3A_117 : vector<1000x80xf32>
    %get3A_119 = arith.constant 0 : index
    %get3A_120 = arith.constant 0 : index
    %get3A_121 = vector.load %arg11[%get3A_119, %get3A_120] : memref<1000x80xf32, #tpu.memory_space<vmem>>, vector<1000x80xf32>
    %add3A_122 = arith.addf %div3A_118, %get3A_121 : vector<1000x80xf32>
    %max3A_123 = arith.constant 0.000000e+00 : f32
    %max3A_124 = vector.broadcast %max3A_123 : f32 to vector<1000x80xf32>
    %max3A_125 = arith.maximumf %add3A_122, %max3A_124 : vector<1000x80xf32>
    %get3A_126 = arith.constant 0 : index
    %get3A_127 = arith.constant 0 : index
    %get3A_128 = vector.load %arg16[%get3A_126, %get3A_127] : memref<80x16xf32, #tpu.memory_space<vmem>>, vector<80x16xf32>
    %dot_general3A_129 = arith.constant dense<0.000000e+00> : vector<1000x16xf32>
    %dot_general3A_130 = tpu.matmul %max3A_125, %get3A_128, %dot_general3A_129 {dimension_numbers = #tpu.dot_dimension_numbers<[1], [0], [0], [1], [0, 0, 1, 1], [], []>, transpose_lhs_hint = false} : vector<1000x80xf32>, vector<80x16xf32>, vector<1000x16xf32> -> vector<1000x16xf32>
    %add3A_131 = arith.addf %add3A_107, %dot_general3A_130 : vector<1000x16xf32>
    %get3A_132 = arith.constant 0 : index
    %get3A_133 = arith.constant 0 : index
    %get3A_134 = vector.load %arg21[%get3A_132, %get3A_133] : memref<80x16xf32, #tpu.memory_space<vmem>>, vector<80x16xf32>
    %dot_general3A_135 = arith.constant dense<0.000000e+00> : vector<1000x16xf32>
    %dot_general3A_136 = tpu.matmul %max3A_125, %get3A_134, %dot_general3A_135 {dimension_numbers = #tpu.dot_dimension_numbers<[1], [0], [0], [1], [0, 0, 1, 1], [], []>, transpose_lhs_hint = false} : vector<1000x80xf32>, vector<80x16xf32>, vector<1000x16xf32> -> vector<1000x16xf32>
    %add3A_137 = arith.addf %add3A_113, %dot_general3A_136 : vector<1000x16xf32>
    %swap3A = arith.constant 0 : index
    %swap3A_138 = arith.constant 0 : index
    %swap3A_139 = vector.load %arg24[%swap3A, %swap3A_138] : memref<1000x16xf32, #tpu.memory_space<vmem>>, vector<1000x16xf32>
    tpu.vector_store %arg24[%swap3A, %swap3A_138], %add3A_131 {strides = array<i32>} : memref<1000x16xf32, #tpu.memory_space<vmem>>, vector<1000x16xf32>,
    %swap3A_140 = arith.constant 0 : index
    %swap3A_141 = arith.constant 0 : index
    %swap3A_142 = vector.load %arg25[%swap3A_140, %swap3A_141] : memref<1000x16xf32, #tpu.memory_space<vmem>>, vector<1000x16xf32>
    tpu.vector_store %arg25[%swap3A_140, %swap3A_141], %add3A_137 {strides = array<i32>} : memref<1000x16xf32, #tpu.memory_space<vmem>>, vector<1000x16xf32>,
    return
  }
  func.func @transform_0(%arg0: i32) -> (i32, i32) {
    %c0_i32 = arith.constant 0 : i32
    %c0_i32_0 = arith.constant 0 : i32
    return %arg0, %c0_i32 : i32, i32
  }
  func.func @transform_1(%arg0: i32) -> (i32, i32) {
    %c0_i32 = arith.constant 0 : i32
    %c0_i32_0 = arith.constant 0 : i32
    return %arg0, %c0_i32 : i32, i32
  }
  func.func @transform_2(%arg0: i32) -> (i32, i32) {
    %c0_i32 = arith.constant 0 : i32
    %c0_i32_0 = arith.constant 0 : i32
    return %arg0, %c0_i32 : i32, i32
  }
  func.func @transform_3(%arg0: i32) -> (i32, i32) {
    %c0_i32 = arith.constant 0 : i32
    %c0_i32_0 = arith.constant 0 : i32
    return %arg0, %c0_i32 : i32, i32
  }
  func.func @transform_4(%arg0: i32) -> (i32, i32) {
    %c0_i32 = arith.constant 0 : i32
    %c0_i32_0 = arith.constant 0 : i32
    return %arg0, %c0_i32 : i32, i32
  }
  func.func @transform_5(%arg0: i32) -> (i32, i32, i32) {
    %c0_i32 = arith.constant 0 : i32
    %c0_i32_0 = arith.constant 0 : i32
    %c0_i32_1 = arith.constant 0 : i32
    return %arg0, %c0_i32, %c0_i32_0 : i32, i32, i32
  }
  func.func @transform_6(%arg0: i32) -> (i32, i32) {
    %c0_i32 = arith.constant 0 : i32
    %c0_i32_0 = arith.constant 0 : i32
    return %arg0, %c0_i32 : i32, i32
  }
  func.func @transform_7(%arg0: i32) -> (i32, i32) {
    %c0_i32 = arith.constant 0 : i32
    %c0_i32_0 = arith.constant 0 : i32
    return %arg0, %c0_i32 : i32, i32
  }
  func.func @transform_8(%arg0: i32) -> (i32, i32) {
    %c0_i32 = arith.constant 0 : i32
    %c0_i32_0 = arith.constant 0 : i32
    return %arg0, %c0_i32 : i32, i32
  }
  func.func @transform_9(%arg0: i32) -> (i32, i32) {
    %c0_i32 = arith.constant 0 : i32
    %c0_i32_0 = arith.constant 0 : i32
    return %arg0, %c0_i32 : i32, i32
  }
  func.func @transform_10(%arg0: i32) -> (i32, i32) {
    %c0_i32 = arith.constant 0 : i32
    %c0_i32_0 = arith.constant 0 : i32
    return %arg0, %c0_i32 : i32, i32
  }
  func.func @transform_11(%arg0: i32) -> (i32, i32) {
    %c0_i32 = arith.constant 0 : i32
    %c0_i32_0 = arith.constant 0 : i32
    %c0_i32_1 = arith.constant 0 : i32
    return %c0_i32, %c0_i32_0 : i32, i32
  }
  func.func @transform_12(%arg0: i32) -> (i32, i32) {
    %c0_i32 = arith.constant 0 : i32
    %c0_i32_0 = arith.constant 0 : i32
    %c0_i32_1 = arith.constant 0 : i32
    return %c0_i32, %c0_i32_0 : i32, i32
  }
  func.func @transform_13(%arg0: i32) -> (i32, i32) {
    %c0_i32 = arith.constant 0 : i32
    %c0_i32_0 = arith.constant 0 : i32
    %c0_i32_1 = arith.constant 0 : i32
    return %c0_i32, %c0_i32_0 : i32, i32
  }
  func.func @transform_14(%arg0: i32) -> (i32, i32) {
    %c0_i32 = arith.constant 0 : i32
    %c0_i32_0 = arith.constant 0 : i32
    %c0_i32_1 = arith.constant 0 : i32
    return %c0_i32, %c0_i32_0 : i32, i32
  }
  func.func @transform_15(%arg0: i32) -> (i32, i32) {
    %c0_i32 = arith.constant 0 : i32
    %c0_i32_0 = arith.constant 0 : i32
    %c0_i32_1 = arith.constant 0 : i32
    return %c0_i32, %c0_i32_0 : i32, i32
  }
  func.func @transform_16(%arg0: i32) -> (i32, i32) {
    %c0_i32 = arith.constant 0 : i32
    %c0_i32_0 = arith.constant 0 : i32
    %c0_i32_1 = arith.constant 0 : i32
    return %c0_i32, %c0_i32_0 : i32, i32
  }
  func.func @transform_17(%arg0: i32) -> (i32, i32) {
    %c0_i32 = arith.constant 0 : i32
    %c0_i32_0 = arith.constant 0 : i32
    %c0_i32_1 = arith.constant 0 : i32
    return %c0_i32, %c0_i32_0 : i32, i32
  }
  func.func @transform_18(%arg0: i32) -> (i32, i32) {
    %c0_i32 = arith.constant 0 : i32
    %c0_i32_0 = arith.constant 0 : i32
    %c0_i32_1 = arith.constant 0 : i32
    return %c0_i32, %c0_i32_0 : i32, i32
  }
  func.func @transform_19(%arg0: i32) -> (i32, i32) {
    %c0_i32 = arith.constant 0 : i32
    %c0_i32_0 = arith.constant 0 : i32
    %c0_i32_1 = arith.constant 0 : i32
    return %c0_i32, %c0_i32_0 : i32, i32
  }
  func.func @transform_20(%arg0: i32) -> (i32, i32) {
    %c0_i32 = arith.constant 0 : i32
    %c0_i32_0 = arith.constant 0 : i32
    %c0_i32_1 = arith.constant 0 : i32
    return %c0_i32, %c0_i32_0 : i32, i32
  }
  func.func @transform_21(%arg0: i32) -> (i32, i32) {
    %c0_i32 = arith.constant 0 : i32
    %c0_i32_0 = arith.constant 0 : i32
    %c0_i32_1 = arith.constant 0 : i32
    return %c0_i32, %c0_i32_0 : i32, i32
  }
  func.func @transform_22(%arg0: i32) -> (i32, i32) {
    %c0_i32 = arith.constant 0 : i32
    %c0_i32_0 = arith.constant 0 : i32
    %c0_i32_1 = arith.constant 0 : i32
    return %c0_i32, %c0_i32_0 : i32, i32
  }
  func.func @transform_23(%arg0: i32) -> (i32, i32) {
    %c0_i32 = arith.constant 0 : i32
    %c0_i32_0 = arith.constant 0 : i32
    return %arg0, %c0_i32 : i32, i32
  }
  func.func @transform_24(%arg0: i32) -> (i32, i32) {
    %c0_i32 = arith.constant 0 : i32
    %c0_i32_0 = arith.constant 0 : i32
    return %arg0, %c0_i32 : i32, i32
  }
}

module attributes {stable_mosaic.version = 14 : i64} {
  func.func @_fin_body(%arg0: i32, %arg1: memref<2x1000x16xf32, #tpu.memory_space<vmem>>, %arg2: memref<1x32x1000xf32, #tpu.memory_space<vmem>>, %arg3: memref<1000x16xf32, #tpu.memory_space<vmem>>, %arg4: memref<16x4xf32, #tpu.memory_space<vmem>>, %arg5: memref<16x4xf32, #tpu.memory_space<vmem>>, %arg6: memref<1000x4xf32, #tpu.memory_space<vmem>>) attributes {dimension_semantics = [#tpu.dimension_semantics<arbitrary>], iteration_bounds = array<i64: 10>, scalar_prefetch = 0 : i64, scratch_operands = 0 : i64, tpu.core_type = #tpu.core_type<tc>, window_params = [{transform_indices = @transform_0, window_bounds = array<i64: 2, 1000, 16>}, {transform_indices = @transform_1, window_bounds = array<i64: 1, 32, 1000>}, {transform_indices = @transform_2, window_bounds = array<i64: 1000, 16>}, {pipeline_mode = #tpu.pipeline_mode<synchronous>, transform_indices = @transform_3, window_bounds = array<i64: 16, 4>}, {pipeline_mode = #tpu.pipeline_mode<synchronous>, transform_indices = @transform_4, window_bounds = array<i64: 16, 4>}, {transform_indices = @transform_5, window_bounds = array<i64: 1000, 4>}]} {
    %get3A = arith.constant 0 : index
    %get3A_0 = arith.constant 0 : index
    %get3A_1 = arith.constant 0 : index
    %get3A_2 = vector.load %arg2[%get3A, %get3A_0, %get3A_1] : memref<1x32x1000xf32, #tpu.memory_space<vmem>>, vector<1x32x1000xf32>
    %reduce_sum3A = arith.constant dense<0.000000e+00> : vector<1000xf32>
    %reduce_sum3A_3 = vector.multi_reduction <add>, %get3A_2, %reduce_sum3A [0, 1] : vector<1x32x1000xf32> to vector<1000xf32>
    %broadcast_in_dim3A = vector.shape_cast %reduce_sum3A_3 : vector<1000xf32> to vector<1000x1xf32>
    %add3A = arith.constant 1.000000e-16 : f32
    %add3A_4 = vector.broadcast %add3A : f32 to vector<1000x1xf32>
    %add3A_5 = arith.addf %broadcast_in_dim3A, %add3A_4 : vector<1000x1xf32>
    %get3A_6 = arith.constant 0 : index
    %get3A_7 = arith.constant 0 : index
    %get3A_8 = arith.constant 0 : index
    %get3A_9 = vector.load %arg1[%get3A_6, %get3A_7, %get3A_8] : memref<2x1000x16xf32, #tpu.memory_space<vmem>>, vector<2x1000x16xf32>
    %reduce_sum3A_10 = arith.constant dense<0.000000e+00> : vector<1000x16xf32>
    %reduce_sum3A_11 = vector.multi_reduction <add>, %get3A_9, %reduce_sum3A_10 [0] : vector<2x1000x16xf32> to vector<1000x16xf32>
    %get3A_12 = arith.constant 0 : index
    %get3A_13 = arith.constant 0 : index
    %get3A_14 = vector.load %arg4[%get3A_12, %get3A_13] : memref<16x4xf32, #tpu.memory_space<vmem>>, vector<16x4xf32>
    %dot_general3A = arith.constant dense<0.000000e+00> : vector<1000x4xf32>
    %dot_general3A_15 = tpu.matmul %reduce_sum3A_11, %get3A_14, %dot_general3A {dimension_numbers = #tpu.dot_dimension_numbers<[1], [0], [0], [1], [0, 0, 1, 1], [], []>, transpose_lhs_hint = false} : vector<1000x16xf32>, vector<16x4xf32>, vector<1000x4xf32> -> vector<1000x4xf32>
    %get3A_16 = arith.constant 0 : index
    %get3A_17 = arith.constant 0 : index
    %get3A_18 = vector.load %arg3[%get3A_16, %get3A_17] : memref<1000x16xf32, #tpu.memory_space<vmem>>, vector<1000x16xf32>
    %get3A_19 = arith.constant 0 : index
    %get3A_20 = arith.constant 0 : index
    %get3A_21 = vector.load %arg5[%get3A_19, %get3A_20] : memref<16x4xf32, #tpu.memory_space<vmem>>, vector<16x4xf32>
    %dot_general3A_22 = arith.constant dense<0.000000e+00> : vector<1000x4xf32>
    %dot_general3A_23 = tpu.matmul %get3A_18, %get3A_21, %dot_general3A_22 {dimension_numbers = #tpu.dot_dimension_numbers<[1], [0], [0], [1], [0, 0, 1, 1], [], []>, transpose_lhs_hint = false} : vector<1000x16xf32>, vector<16x4xf32>, vector<1000x4xf32> -> vector<1000x4xf32>
    %div3A = vector.broadcast %add3A_5 : vector<1000x1xf32> to vector<1000x4xf32>
    %div3A_24 = arith.divf %dot_general3A_15, %div3A : vector<1000x4xf32>
    %add3A_25 = arith.addf %div3A_24, %dot_general3A_23 : vector<1000x4xf32>
    %max3A = arith.constant 0.000000e+00 : f32
    %max3A_26 = vector.broadcast %max3A : f32 to vector<1000x4xf32>
    %max3A_27 = arith.maximumf %add3A_25, %max3A_26 : vector<1000x4xf32>
    %swap3A = arith.constant 0 : index
    %swap3A_28 = arith.constant 0 : index
    %swap3A_29 = vector.load %arg6[%swap3A, %swap3A_28] : memref<1000x4xf32, #tpu.memory_space<vmem>>, vector<1000x4xf32>
    tpu.vector_store %arg6[%swap3A, %swap3A_28], %max3A_27 {strides = array<i32>} : memref<1000x4xf32, #tpu.memory_space<vmem>>, vector<1000x4xf32>,
    return
  }
  func.func @transform_0(%arg0: i32) -> (i32, i32, i32) {
    %c0_i32 = arith.constant 0 : i32
    %c0_i32_0 = arith.constant 0 : i32
    %c0_i32_1 = arith.constant 0 : i32
    return %c0_i32, %arg0, %c0_i32_0 : i32, i32, i32
  }
  func.func @transform_1(%arg0: i32) -> (i32, i32, i32) {
    %c0_i32 = arith.constant 0 : i32
    %c0_i32_0 = arith.constant 0 : i32
    %c0_i32_1 = arith.constant 0 : i32
    return %arg0, %c0_i32, %c0_i32_0 : i32, i32, i32
  }
  func.func @transform_2(%arg0: i32) -> (i32, i32) {
    %c0_i32 = arith.constant 0 : i32
    %c0_i32_0 = arith.constant 0 : i32
    return %arg0, %c0_i32 : i32, i32
  }
  func.func @transform_3(%arg0: i32) -> (i32, i32) {
    %c0_i32 = arith.constant 0 : i32
    %c0_i32_0 = arith.constant 0 : i32
    %c0_i32_1 = arith.constant 0 : i32
    return %c0_i32, %c0_i32_0 : i32, i32
  }
  func.func @transform_4(%arg0: i32) -> (i32, i32) {
    %c0_i32 = arith.constant 0 : i32
    %c0_i32_0 = arith.constant 0 : i32
    %c0_i32_1 = arith.constant 0 : i32
    return %c0_i32, %c0_i32_0 : i32, i32
  }
  func.func @transform_5(%arg0: i32) -> (i32, i32) {
    %c0_i32 = arith.constant 0 : i32
    %c0_i32_0 = arith.constant 0 : i32
    return %arg0, %c0_i32 : i32, i32
  }
}

</mosaic_0001>

<sc_bundles>
// kernel: kernel.11.cloned.1.call-start
scs
__scs_entry_jumppad:
0x0: {  	(pc) =	sbr.rel $0x88, $3  }
0x1: {  	(tag) =	ssettag $0x0;
	lr =	simm.s32 $0x1  }
0x2: {  	[smem:$0x3F8F] =	sst lr;
	_ =	strace $0xD0000000  }
0x3: {  	_ = 	snop  }
0x4: {  	_ = 	snop  }
0x5: {  	_ = 	snop  }
0x6: {  	_ = 	snop  }
0x7: {  	_ = 	snop  }
__scs_overlays_trampoline_lowered:
0x8: {  	[smem:$0x3F9E] =	sst s0  }
0x9: {  	[smem:$0x3F9F] =	sst s1  }
0xa: {  	[smem:$0x3FA0] =	sst s2  }
0xb: {  	[smem:$0x3FA1] =	sst s3  }
0xc: {  	[smem:$0x3FA2] =	sst s4  }
0xd: {  	[smem:$0x3FA3] =	sst s5  }
0xe: {  	[smem:$0x3FA4] =	sst s6  }
0xf: {  	[smem:$0x3FA5] =	sst s7  }
0x10: {  	[smem:$0x3FA6] =	sst s8  }
0x11: {  	[smem:$0x3FA7] =	sst s9;
	s0 =	simm.s32 @!p0 $0x0  }
0x12: {  	s1 =	sld [smem:$0x3F8D];
	s0 =	simm.s32 @p0 $0x1  }
0x13: {  	[smem:$0x3FA8] =	sst s0;
	s0 =	simm.s32 @!p1 $0x0  }
0x14: {  	s2 =	sld [smem:$0x3F8C];
	s0 =	simm.s32 @p1 $0x1  }
0x15: {  	[smem:$0x3FA9] =	sst s0;
	s0 =	simm.s32 @!p2 $0x0  }
0x16: {  	s3 =	sld [smem:$0x3FDB];
	s0 =	simm.s32 @p2 $0x1  }
0x17: {  	s4 =	simm.s32 $0x1BF5;
	[smem:$0x3FAB] =	sst s0  }
0x18: {  	s0 =	sld [smem:$0x3F8E];
	_ =	swait.ge [sflag:s4], $0x0  }
0x19: {  	s7 =	sld [smem:$0x3F8F]  }
0x1a: {  	s8 =	sadd.s32 $0xFFFFE003, lr  }
0x1b: {  	s9 =	sadd.s32 $0xFFFFFEF7, lr;
	s5 =	simm.s32 $0xFFFFFFFF;
	p2 =	slt.u32 s8, $0xFFFFF086  }
0x1c: {  	p1 =	slt.u32 s9, $0xF7A;
	s5 =	simm.s32 @!p2 $0x0  }
0x1d: {  	s5 =	simm.s32 @p1 $0x1;
	p0 =	seq.s32 s7, s2  }
0x1e: {  	s7 =	smul.u32 @!p0 $0xF7A, s2;
	p2 =	seq.s32 @!p0 s5, $0x0  }
0x1f: {  	s9 =	smul.u32 $0xF7A, s1;
	s8 =	simm.s32 @!p0 $0x1BF5;
	p2 =	por !p2, p0  }
0x20: {  	[sflag:s8] =	ssyncset.s32 @!p0 $0xFFFFF086;
	s6 =	sadd.s32 @!p0 s3, s7;
	s7 =	simm.s32 @!p0 $0x108  }
0x21: {  	s3 =	sadd.s32 s3, s9;
	s6 =	sadd.s32 @!p0 $0x88, s6;
	s7 =	simm.s32 @p2 $0x1082  }
0x22: {  	[simem:s7], [sflag:s8] =	dma.local @!p0 [hbm:s6], $0xF7A  }
0x23: {  	s9 =	sor.u32 $0xD0000000, s2;
	s6 =	simm.s32 $0x108;
	_ =	swait.ge @!p0 [sflag:s8], $0x0  }
0x24: {  	s3 =	sadd.s32 $0x88, s3;
	s6 =	simm.s32 @!p1 $0x1082;
	[sflag:s4] =	ssyncset.s32 $0xFFFFF086  }
0x25: {  	[simem:s6], [sflag:s4] =	dma.local [hbm:s3], $0xF7A  }
0x26: {  	[smem:$0x3F8F] =	sst s1;
	(tag) =	ssettag s2;
	_ =	strace s9  }
0x27: {  	s1 =	sld [smem:$0x3F9F]  }
0x28: {  	s2 =	sld [smem:$0x3FA0]  }
0x29: {  	s4 =	sld [smem:$0x3FA2]  }
0x2a: {  	p0 =	seq.s32 s5, $0x0;
	s5 =	sld [smem:$0x3FA3]  }
0x2b: {  	s6 =	sld [smem:$0x3FA4]  }
0x2c: {  	s7 =	sld [smem:$0x3FA5]  }
0x2d: {  	s3 =	simm.s32 $0x108;
	s8 =	sld [smem:$0x3FA6]  }
0x2e: {  	s3 =	simm.s32 @!p0 $0x1082;
	s9 =	sld [smem:$0x3FA7]  }
0x2f: {  	lr =	sadd.s32 s0, s3;
	s0 =	sld [smem:$0x3F9E]  }
0x30: {  	s3 =	sld [smem:$0x3FA1]  }
0x31: {  	[smem:$0x3FAA] =	sst s10  }
0x32: {  	s10 =	sld [smem:$0x3FA8];
	_ =	sdelay $0x3  }
0x33: {  	p0 =	seq.s32 s10, $0x1;
	s10 =	sld [smem:$0x3FAA];
	_ =	sdelay $0x3  }
0x34: {  	[smem:$0x3FAA] =	sst s10  }
0x35: {  	s10 =	sld [smem:$0x3FA9];
	_ =	sdelay $0x3  }
0x36: {  	p1 =	seq.s32 s10, $0x1;
	s10 =	sld [smem:$0x3FAA];
	_ =	sdelay $0x3  }
0x37: {  	[smem:$0x3FAA] =	sst s10  }
0x38: {  	s10 =	sld [smem:$0x3FAB]  }
0x39: {  	_ = 	snop;
	(pc) =	sbr.ind lr, $3  }
0x3a: {  	_ = 	snop  }
0x3b: {  	_ = 	snop  }
0x3c: {  	p2 =	seq.s32 s10, $0x1;
	s10 =	sld [smem:$0x3FAA]  }
0x3d: {  	_ =	shalt  }
0x3e: {  	_ =	shalt  }
0x3f: {  	_ =	shalt  }
0x40: {  	_ =	shalt  }
0x41: {  	_ =	shalt  }
0x42: {  	_ =	shalt  }
0x43: {  	_ =	shalt  }
0x44: {  	_ =	shalt  }
0x45: {  	_ =	shalt  }
0x46: {  	_ =	shalt  }
0x47: {  	_ =	shalt  }
0x48: {  	_ =	shalt  }
0x49: {  	_ =	shalt  }
0x4a: {  	_ =	shalt  }
0x4b: {  	_ =	shalt  }
0x4c: {  	_ =	shalt  }
0x4d: {  	_ =	shalt  }
0x4e: {  	_ =	shalt  }
0x4f: {  	_ =	shalt  }
0x50: {  	_ =	shalt  }
0x51: {  	_ =	shalt  }
0x52: {  	_ =	shalt  }
0x53: {  	_ =	shalt  }
0x54: {  	_ =	shalt  }
0x55: {  	_ =	shalt  }
0x56: {  	_ =	shalt  }
0x57: {  	_ =	shalt  }
0x58: {  	_ =	shalt  }
0x59: {  	_ =	shalt  }
0x5a: {  	_ =	shalt  }
0x5b: {  	_ =	shalt  }
0x5c: {  	_ =	shalt  }
0x5d: {  	_ =	shalt  }
0x5e: {  	_ =	shalt  }
0x5f: {  	_ =	shalt  }
0x60: {  	_ =	shalt  }
0x61: {  	_ =	shalt  }
0x62: {  	_ =	shalt  }
0x63: {  	_ =	shalt  }
0x64: {  	_ =	shalt  }
0x65: {  	_ =	shalt  }
0x66: {  	_ =	shalt  }
0x67: {  	_ =	shalt  }
0x68: {  	_ =	shalt  }
0x69: {  	_ =	shalt  }
0x6a: {  	_ =	shalt  }
0x6b: {  	_ =	shalt  }
0x6c: {  	_ =	shalt  }
0x6d: {  	_ =	shalt  }
0x6e: {  	_ =	shalt  }
0x6f: {  	_ =	shalt  }
0x70: {  	_ =	shalt  }
0x71: {  	_ =	shalt  }
0x72: {  	_ =	shalt  }
0x73: {  	_ =	shalt  }
0x74: {  	_ =	shalt  }
0x75: {  	_ =	shalt  }
0x76: {  	_ =	shalt  }
0x77: {  	_ =	shalt  }
0x78: {  	_ =	shalt  }
0x79: {  	_ =	shalt  }
0x7a: {  	_ =	shalt  }
0x7b: {  	_ =	shalt  }
0x7c: {  	_ =	shalt  }
0x7d: {  	_ =	shalt  }
0x7e: {  	_ =	shalt  }
0x7f: {  	_ =	shalt  }
0x80: {  	_ =	shalt  }
0x81: {  	_ =	shalt  }
0x82: {  	_ =	shalt  }
0x83: {  	_ =	shalt  }
0x84: {  	_ =	shalt  }
0x85: {  	_ =	shalt  }
0x86: {  	_ =	shalt  }
0x87: {  	_ =	shalt  }
.Lfunc_end0:
.L_simem_size_0:
called_computation.1_lowered:
.L_overlay_start_0:
0x88: {  	s2 =	sld [smem:$0x3FD9]  }
0x89: {  	s3 =	sld [smem:$0x3FFE];
	_ =	sdelay $0x1  }
0x8a: {  	s1 =	srdreg.scid  }
0x8b: {  	s0 =	sand.u32 $0x1, s1  }
0x8c: {  	s16 =	sshll.u32 s0, $0xA;
	s2 =	sadd.s32 s3, s2  }
0x8d: {  	s2 =	sadd.s32 s2, s16  }
0x8e: {  	[smem:$0x3FB6] =	sst s2  }
0x8f: {  	_ = 	snop  }
0x90: {  	(tm) =	ssettm $0x1  }
0x91: {  	s17 =	sld [smem:$0x3FFB];
	_ =	sdelay $0x3  }
0x92: {  	_ =	strace s17  }
0x93: {  	s2 =	sld [smem:$0x3FFC];
	_ =	sdelay $0x3  }
0x94: {  	_ =	strace s2  }
0x95: {  	s2 =	sld [smem:$0x3FFD];
	_ =	sdelay $0x3  }
0x96: {  	_ =	strace s2  }
0x97: {  	_ =	strace $0x8FFFFFFF  }
0x98: {  	s18 =	sld [smem:$0x3FDB];
	_ =	sdelay $0x1  }
0x99: {  	s19 =	simm.s32 $_scs_section_size  }
0x9a: {  	s4 =	simm.s32 $_size__tile_overlayer_lowered;
	s5 =	simm.s32 $_tile_overlayer_lowered  }
0x9b: {  	s22 =	simm.s32 $0x1BFF;
	s21 =	sshll.u32 s5, $0x1;
	s2 =	sadd.s32 s19, s18  }
0x9c: {  	s6 =	simm.s32 $0x0;
	s20 =	sshll.u32 s4, $0x1;
	s4 =	sadd.s32 s21, s2  }
0x9d: {  	[timem:s6], [sflag:s22] =	dma.local [hbm:s4], s20  }
0x9e: {  	_ =	swait.ge [sflag:s22], s20  }
0x9f: {  	s3 =	ssub.s32 $0x0, s20;
	[sflag:s22] =	ssyncset.done $0x0  }
0xa0: {  	[sflag:s22] =	ssyncadd.s32 s3;
	_ =	sdelay $0x1  }
0xa1: {  	s23 =	simm.s32 $0x1B8B  }
0xa2: {  	_ =	swait.ge [sflag:s23], $0x1  }
0xa3: {  	[sflag:s23] =	ssyncset.done $0x0  }
0xa4: {  	s25 =	simm.s32 $0x1B8E;
	s24 =	sld [smem:$0x3FFE];
	[sflag:s23] =	ssyncadd.s32 $0xFFFFFFFF  }
0xa5: {  	s26 =	simm.s32 $execute0_lowered;
	[smem:$0x3FD2] =	sst s25  }
0xa6: {  	s4 =	sshll.u32 s26, $0x1;
	_ =	strace $0x80000049;
	[dreg:$0x1] =	wrdreg $0xFFFFFFFF  }
0xa7: {  	s28 =	simm.s32 $_size_execute0_lowered;
	s2 =	sadd.s32 s2, s4;
	[dreg:$0x0] =	wrdreg $0x0  }
0xa8: {  	s4 =	sshll.u32 s28, $0x1;
	[dreg:$0x2] =	wrdreg s2  }
0xa9: {  	[dreg:$0x3] =	wrdreg s4  }
0xaa: {  	[dreg:$0x4] =	wrdreg $0xC0  }
0xab: {  	_ =	task [dreg:s6], $0x5FFFF  }
0xac: {  	[dreg:$0x1] =	wrdreg $0xFFFFFFFF  }
0xad: {  	[dreg:$0x0] =	wrdreg $0x60  }
0xae: {  	[dreg:$0x2] =	wrdreg s24  }
0xaf: {  	[dreg:$0x3] =	wrdreg $0xCE500  }
0xb0: {  	[dreg:$0x4] =	wrdreg $0x9  }
0xb1: {  	_ =	task.clear_ibuf [dreg:s6], $0x5FFFF;
	_ =	strace $0x90000049  }
0xb2: {  	s29 =	simm.s32 $0x9;
	_ =	strace $0x8000004B  }
0xb3: {  	_ =	swait.ge [sflag:s29], $0x1  }
0xb4: {  	[sflag:s29] =	ssyncadd.s32 $0xFFFFFFFF  }
0xb5: {  	_ =	strace $0x9000004B  }
0xb6: {  	_ =	sfence  }
0xb7: {  	s30 =	sld [smem:$0x0];
	_ =	sdelay $0x2  }
0xb8: {  	s31 =	sshll.u32 s1, $0xD;
	s1 =	sshrl.u32 s1, $0x2  }
0xb9: {  	s3 =	sand.u32 $0x4000, s31;
	s1 =	sadd.s32 s1, s30  }
0xba: {  	s0 =	sor.u32 s3, s0;
	s1 =	sshll.u32 s1, $0x11  }
0xbb: {  	s0 =	sor.u32 s1, s0  }
0xbc: {  	s0 =	sadd.s32 $0x8F2B, s0  }
0xbd: {  	[sflag:s0] =	ssyncadd.remote.s32 $0x1  }
0xbe: {  	_ =	sfence.sel $0xFFFF  }
0xbf: {  	[dreg:$0x0] =	wrdreg $0xFFFFFFFF;
	(pc) =	sbr.abs _section_cstart, $3  }
0xc0: {  	[dreg:$0x1] =	wrdreg $0xFFFFFFFF  }
0xc1: {  	_ =	task.clear_ibuf [dreg:s6], $0x2FFFF;
	_ =	strace $0x9FFFFFFF  }
0xc2: {  	(tm) =	ssettm $0x7FFFFFFF  }
0xc3: {  	_ =	shalt  }
tec
execute0_lowered:
.L_overlay_start_1:
0x0: {  	(tag) =	ssettag $0x1  }
0x1: {  	s0 =	rddreg [dreg:$0x0]  }
0x2: {  	s2 =	rddreg [dreg:$0x1];
	s3 =	simm.s32 $0x0  }
0x3: {  	s13 =	stileid.u32;
	s11 =	srdreg.scid;
	s28 =	simm.s32 $0xA740  }
0x4: {  	s29 =	simm.s32 $0x50;
	s30 =	simm.s32 $0x1;
	s31 =	simm.s32 $0x1900  }
0x5: {  	[smem:$0x7FF] =	sst s3;
	s1 =	smul.u32 $0x4E2, s13;
	s4 =	sadd.s32 $0x9AE00, s0  }
0x6: {  	s9 =	smul.u32 $0x2710, s13;
	s5 =	sadd.s32 $0xB3600, s0;
	s6 =	sadd.s32 $0xCBE00, s0  }
0x7: {  	s7 =	sadd.s32 $0xE4600, s0;
	s8 =	sadd.s32 $0xFCE00, s0;
	s10 =	smul.u32 $0xC350, s13  }
0x8: {  	s12 =	sadd.s32 $0x115600, s0;
	s16 =	sadd.s32 $0x12DE00, s0;
	s11 =	sand.u32 $0x1, s11  }
0x9: {  	s13 =	smul.u32 $0x30D40, s13;
	_ =	strace $0x8000004A;
	[dreg:$0x3] =	wrdreg s12  }
0xa: {  	s15 =	sadd.s32 $0xD000, s0;
	[dreg:$0x4] =	wrdreg s16;
	s17 =	ssub.s32 $0x2, s11  }
0xb: {  	[dreg:$0x6] =	wrdreg s15;
	p0 =	sne.s32 s11, $0x0;
	s9 =	sshrl.u32 s9, $0x3  }
0xc: {  	s1 =	sadd.s32 s1, s0;
	s14 =	sshrl.u32 s10, $0x3;
	s9 =	sadd.s32 s9, s0  }
0xd: {  	[dreg:$0x5] =	wrdreg s14;
	s14 =	sadd.s32 s14, s0;
	s0 =	sadd.s32 $0x25800, s0  }
0xe: {  	s20 =	sshrl.u32 s13, $0x2;
	[dreg:$0x7] =	wrdreg s0;
	s21 =	sadd.s32 $0x8000, s9  }
0xf: {  	s22 =	sadd.s32 s20, s2;
	s9 =	sadd.s32 $0x95E00, s9;
	[dreg:$0x8] =	wrdreg s21  }
0x10: {  	s18 =	sshrl.u32 s17, $0x1;
	s23 =	sadd.s32 $0x2710, s22;
	[dreg:$0x9] =	wrdreg s9  }
0x11: {  	s16 =	sadd.s32 s10, s2;
	s24 =	sadd.s32 $0x4E20, s22;
	[dreg:$0xa] =	wrdreg s23  }
.Ltmp0:
0x12: {  	s25 =	sadd.s32 $0x7530, s22;
	[dreg:$0xb] =	wrdreg s24;
	(pc) =	sbr.rel .LBB2_1-.Ltmp0, $4  }
0x13: {  	s19 =	ssub.s32 s17, s18;
	s26 =	sadd.s32 $0x146600, s14;
	[dreg:$0xc] =	wrdreg s25  }
0x14: {  	s0 =	smax.u32 s19, $0x1;
	s9 =	sadd.s32 $0x9C40, s22;
	[dreg:$0xe] =	wrdreg s26  }
0x15: {  	[dreg:$0xf] =	wrdreg s0;
	s23 =	sadd.s32 $0x3000, s1;
	s25 =	simm.s32 $0x3  }
0x16: {  	v0 =	vimm.f32 $0.0e+00;
	s0 =	simm.s32 $0x2;
	s24 =	simm.s32 $0x0;
	[dreg:$0xd] =	wrdreg s9  }
.LBB2_28:
0x17: {  	[bflag:$0x0] =	sbarrier.arrive $0xFFFF  }
.LBB2_29:
0x18: {  	s24 =	sadd.s32 $0x1, s24;
	s1 =	rddreg [dreg:$0xf]  }
0x19: {  	p1 =	sne.s32 s24, s1  }
.Ltmp1:
0x1a: {  	_ = 	snop;
	(pc) =	sbr.rel @!p1 .LBB2_30-.Ltmp1, $2  }
0x1b: {  	_ =	sdelay $0x1  }
0x1c: {  	[bflag:$0x0] =	sbarrier.arrive $0xFFFF;
	_ =	sdelay $0x1  }
.LBB2_1:
0x1d: {  	s1 =	rddreg [dreg:$0x8];
	s9 =	simm.s32 $0x3200  }
0x1e: {  	[tilespmem:s9], [sflag:$0x3] =	stream.linear.gather [hbm4b:s1+s3], $0x2710, $0x38;
	[tilespmem:$0x191A0] =	vst v63  }
0x1f: {  	_ =	swait.ge [sflag:s25], $0x2710  }
0x20: {  	[sflag:s25] =	ssyncset.done $0x0  }
0x21: {  	s21 =	simm.s32 $0x8020;
	s20 =	rddreg [dreg:$0x9];
	[sflag:s25] =	ssyncadd.s32 $0xFFFFD8F0  }
0x22: {  	[tilespmem:s21], [sflag:$0x3] =	stream.linear.gather [hbm4b:s20+s3], $0x2710, $0x38;
	[tilespmem:$0x191A0] =	vst v63  }
0x23: {  	_ =	swait.ge [sflag:s25], $0x2710  }
0x24: {  	[sflag:s25] =	ssyncset.done $0x0  }
0x25: {  	s22 =	simm.s32 $0x5910;
	s26 =	sadd.s32 $0x0, s23;
	[sflag:s25] =	ssyncadd.s32 $0xFFFFD8F0  }
0x26: {  	[tilespmem:s22], [sflag:$0x3] =	stream.linear.gather [hbm4b:s26+s3], $0x50, $0x38;
	[tilespmem:$0x191A0] =	vst v63  }
0x27: {  	_ =	swait.ge [sflag:s25], $0x50  }
0x28: {  	s1 =	simm.s32 $0xA;
	s9 =	simm.s32 $0x5960;
	[sflag:s25] =	ssyncset.done $0x0  }
.LBB2_2:
0x29: {  	s10 =	sadd.s32 s1, s23  }
0x2a: {  	s11 =	simm.s32 $0x0;
	[sflag:s25] =	ssyncadd.s32 $0xFFFFFFB0;
	p1 =	sne.s32 s1, $0x4D8  }
0x2b: {  	[tilespmem:s9], [sflag:$0x3] =	stream.linear.gather [hbm4b:s10+s11], $0x50, $0x38;
	[tilespmem:$0x191A0] =	vst v63  }
.Ltmp2:
0x2c: {  	_ = 	snop;
	(pc) =	sbr.rel @p1 .LBB2_2-.Ltmp2, $4  }
0x2d: {  	_ = 	snop  }
0x2e: {  	s1 =	sadd.s32 $0xA, s1  }
0x2f: {  	_ =	swait.ge [sflag:s25], $0x50  }
0x30: {  	s9 =	sadd.s32 $0x50, s9;
	[sflag:s25] =	ssyncset.done $0x0  }
0x31: {  	[sflag:s25] =	ssyncadd.s32 $0xFFFFFFB0;
	s9 =	simm.s32 $0x140;
	s1 =	simm.s32 $0x0  }
.LBB2_4:
0x32: {  	p1 =	sne.s32 s9, $0x9B00;
	[tilespmem:s1+$0xA780] =	vst v0;
	s10 =	smov.u32 s9;
	s9 =	sadd.s32 $0x140, s9  }
.Ltmp3:
0x33: {  	[tilespmem:s1+$0xA770] =	vst v0;
	(pc) =	sbr.rel @p1 .LBB2_4-.Ltmp3, $4  }
0x34: {  	[tilespmem:s1+$0xA760] =	vst v0  }
0x35: {  	[tilespmem:s1+$0xA740] =	vst v0  }
0x36: {  	[tilespmem:s1+$0xA750] =	vst v0  }
0x37: {  	s1 =	sshra.s32 s10, $0x2  }
0x38: {  	[tilespmem:s1+$0xA780] =	vst v0  }
0x39: {  	[tilespmem:s1+$0xA770] =	vst v0  }
0x3a: {  	[tilespmem:s1+$0xA760] =	vst v0  }
0x3b: {  	[tilespmem:s1+$0xA740] =	vst v0  }
0x3c: {  	[tilespmem:s1+$0xA750] =	vst v0  }
0x3d: {  	[spmem:s16] =	stream.linear.scatter [tilespmem:s28], [sflag:$0x3], $0x2710, $0x38;
	[tilespmem:$0x191A0] =	vst v63  }
0x3e: {  	_ =	swait.ge [sflag:s25], $0x2710  }
0x3f: {  	[sflag:s25] =	ssyncset.done $0x0  }
0x40: {  	s20 =	rddreg [dreg:$0xa];
	[sflag:s25] =	ssyncadd.s32 $0xFFFFD8F0  }
0x41: {  	[spmem:s20] =	stream.linear.scatter [tilespmem:s28], [sflag:$0x3], $0x2710, $0x38;
	[tilespmem:$0x191A0] =	vst v63  }
0x42: {  	_ =	swait.ge [sflag:s25], $0x2710  }
0x43: {  	[sflag:s25] =	ssyncset.done $0x0  }
0x44: {  	s21 =	rddreg [dreg:$0xb];
	[sflag:s25] =	ssyncadd.s32 $0xFFFFD8F0  }
0x45: {  	[spmem:s21] =	stream.linear.scatter [tilespmem:s28], [sflag:$0x3], $0x2710, $0x38;
	[tilespmem:$0x191A0] =	vst v63  }
0x46: {  	_ =	swait.ge [sflag:s25], $0x2710  }
0x47: {  	[sflag:s25] =	ssyncset.done $0x0  }
0x48: {  	s22 =	rddreg [dreg:$0xc];
	[sflag:s25] =	ssyncadd.s32 $0xFFFFD8F0  }
0x49: {  	[spmem:s22] =	stream.linear.scatter [tilespmem:s28], [sflag:$0x3], $0x2710, $0x38;
	[tilespmem:$0x191A0] =	vst v63  }
0x4a: {  	_ =	swait.ge [sflag:s25], $0x2710  }
0x4b: {  	[sflag:s25] =	ssyncset.done $0x0  }
0x4c: {  	s26 =	rddreg [dreg:$0xd];
	[sflag:s25] =	ssyncadd.s32 $0xFFFFD8F0  }
0x4d: {  	[spmem:s26] =	stream.linear.scatter [tilespmem:s28], [sflag:$0x3], $0x2710, $0x38;
	[tilespmem:$0x191A0] =	vst v63  }
.Ltmp4:
0x4e: {  	_ =	swait.ge [sflag:s25], $0x2710;
	(pc) =	sbr.rel @p0 .LBB2_10-.Ltmp4, $4  }
0x4f: {  	[sflag:s25] =	ssyncset.done $0x0  }
0x50: {  	s9 =	simm.s32 $0x8021;
	[sflag:s25] =	ssyncadd.s32 $0xFFFFD8F0  }
0x51: {  	s10 =	simm.s32 $0x0;
	s12 =	simm.s32 $0x0;
	[bflag:$0x0] =	sbarrier.arrive $0xFFFF  }
0x52: {  	s13 =	simm.s32 $0x0;
	s1 =	simm.s32 $0x0;
	s21 =	simm.s32 $0x0  }
.LBB2_6:
0x53: {  	s1 =	smul.u32 $0x50, s12;
	_ =	sdelay $0x1  }
0x54: {  	s11 =	sadd.s32 $0x3200, s1  }
0x55: {  	[tilespmem:s3], [sflag:$0x1] =	stream.indirect.gather [hbm4b:s4+s29], $0x50, s11, s29, $0xb8;
	[tilespmem:$0x191A0] =	vst v63  }
0x56: {  	_ =	swait.ge [sflag:s30], $0x1900  }
0x57: {  	p1 =	seq.s32 s12, $0x0;
	[sflag:s30] =	ssyncset.done $0x0  }
0x58: {  	s11 =	simm.s32 @!p1 $0x2;
	[sflag:s30] =	ssyncadd.s32 $0xFFFFE700  }
0x59: {  	s13 =	sadd.s32 $0x0, s21;
	_ =	swait.ge @!p1 [sflag:s11], $0x1900  }
0x5a: {  	s14 =	sand.u32 $0x6, s10;
	s13 =	sand.u32 $0x7FF8, s13;
	[sflag:s11] =	ssyncset.done @!p1 $0x0  }
0x5b: {  	s20 =	sor.u32 s14, s13;
	[sflag:s11] =	ssyncadd.s32 @!p1 $0xFFFFE700  }
0x5c: {  	s22 =	simm.s32 $0x50;
	v1 =	vld.msk [tilespmem:s20+$0x8020 ss:$0x0], $0xffff  }
0x5d: {  	v2 =	vld [tilespmem:s22+$0xFFFFFFB0];
	_ =	sdelay $0x4  }
0x5e: {  	v2 =	vmul.f32 v1, v2  }
0x5f: {  	s14 =	simm.s32 $0x1950  }
0x60: {  	[tilespmem:s14+$0xFFFFFFB0] =	vst v2  }
0x61: {  	v2 =	vld [tilespmem:s22+$0xFFFFFFC0];
	_ =	sdelay $0x4  }
0x62: {  	v2 =	vmul.f32 v2, v1;
	_ =	sdelay $0x1  }
0x63: {  	[tilespmem:s14+$0xFFFFFFC0] =	vst v2  }
0x64: {  	v2 =	vld [tilespmem:s22+$0xFFFFFFD0];
	_ =	sdelay $0x4  }
0x65: {  	v2 =	vmul.f32 v2, v1;
	_ =	sdelay $0x1  }
0x66: {  	[tilespmem:s14+$0xFFFFFFD0] =	vst v2  }
0x67: {  	v2 =	vld [tilespmem:s22+$0xFFFFFFE0];
	_ =	sdelay $0x4  }
0x68: {  	v2 =	vmul.f32 v2, v1;
	_ =	sdelay $0x1  }
0x69: {  	[tilespmem:s14+$0xFFFFFFE0] =	vst v2  }
0x6a: {  	v2 =	vld [tilespmem:s22+$0xFFFFFFF0];
	_ =	sdelay $0x4  }
0x6b: {  	v1 =	vmul.f32 v2, v1;
	_ =	sdelay $0x1  }
0x6c: {  	[tilespmem:s14+$0xFFFFFFF0] =	vst v1  }
0x6d: {  	v1 =	vld.msk [tilespmem:s9+$0x0 ss:$0x0], $0xffff  }
0x6e: {  	v2 =	vld [tilespmem:s22+$0x0];
	_ =	sdelay $0x4  }
0x6f: {  	v2 =	vmul.f32 v1, v2;
	_ =	sdelay $0x1  }
0x70: {  	[tilespmem:s14+$0x0] =	vst v2  }
0x71: {  	v2 =	vld [tilespmem:s22+$0x10];
	_ =	sdelay $0x4  }
0x72: {  	v2 =	vmul.f32 v2, v1;
	_ =	sdelay $0x1  }
0x73: {  	[tilespmem:s14+$0x10] =	vst v2  }
0x74: {  	v2 =	vld [tilespmem:s22+$0x20];
	_ =	sdelay $0x4  }
0x75: {  	v2 =	vmul.f32 v2, v1;
	_ =	sdelay $0x1  }
0x76: {  	[tilespmem:s14+$0x20] =	vst v2  }
0x77: {  	v2 =	vld [tilespmem:s22+$0x30];
	_ =	sdelay $0x4  }
0x78: {  	v2 =	vmul.f32 v2, v1;
	_ =	sdelay $0x1  }
0x79: {  	[tilespmem:s14+$0x30] =	vst v2  }
0x7a: {  	v2 =	vld [tilespmem:s22+$0x40];
	_ =	sdelay $0x2  }
0x7b: {  	s26 =	simm.s32 $0x2;
	s15 =	sadd.s32 $0x2, s21  }
0x7c: {  	s18 =	simm.s32 $0x4;
	s19 =	sand.u32 $0x7FF8, s15;
	s17 =	sand.u32 $0x6, s26  }
0x7d: {  	s15 =	simm.s32 $0xF0;
	s13 =	simm.s32 $0x19F0;
	s22 =	smov.u32 s9;
	v1 =	vmul.f32 v2, v1  }
.LBB2_7:
0x7e: {  	s19 =	sor.u32 s17, s19;
	s22 =	sadd.s32 $0x2, s22  }
0x7f: {  	[tilespmem:s14+$0x40] =	vst v1;
	s17 =	smov.u32 s18;
	s11 =	sadd.s32 $0x2, s18;
	s14 =	smov.u32 s13  }
0x80: {  	p1 =	slt.u32 s18, $0x4E;
	v1 =	vld.msk [tilespmem:s19+$0x8020 ss:$0x0], $0xffff  }
0x81: {  	v2 =	vld [tilespmem:s15+$0xFFFFFFB0];
	_ =	sdelay $0x4  }
0x82: {  	v2 =	vmul.f32 v1, v2;
	_ =	sdelay $0x1  }
0x83: {  	[tilespmem:s13+$0xFFFFFFB0] =	vst v2  }
0x84: {  	v2 =	vld [tilespmem:s15+$0xFFFFFFC0];
	_ =	sdelay $0x4  }
0x85: {  	v2 =	vmul.f32 v2, v1;
	_ =	sdelay $0x1  }
0x86: {  	[tilespmem:s13+$0xFFFFFFC0] =	vst v2  }
0x87: {  	v2 =	vld [tilespmem:s15+$0xFFFFFFD0];
	_ =	sdelay $0x4  }
0x88: {  	v2 =	vmul.f32 v2, v1;
	_ =	sdelay $0x1  }
0x89: {  	[tilespmem:s13+$0xFFFFFFD0] =	vst v2  }
0x8a: {  	v2 =	vld [tilespmem:s15+$0xFFFFFFE0];
	_ =	sdelay $0x4  }
0x8b: {  	v2 =	vmul.f32 v2, v1;
	_ =	sdelay $0x1  }
0x8c: {  	[tilespmem:s13+$0xFFFFFFE0] =	vst v2  }
0x8d: {  	v2 =	vld [tilespmem:s15+$0xFFFFFFF0];
	_ =	sdelay $0x4  }
0x8e: {  	v1 =	vmul.f32 v2, v1;
	_ =	sdelay $0x1  }
0x8f: {  	[tilespmem:s13+$0xFFFFFFF0] =	vst v1  }
0x90: {  	v1 =	vld.msk [tilespmem:s22+$0x0 ss:$0x0], $0xffff  }
0x91: {  	v2 =	vld [tilespmem:s15+$0x0];
	_ =	sdelay $0x4  }
0x92: {  	v2 =	vmul.f32 v1, v2;
	_ =	sdelay $0x1  }
0x93: {  	[tilespmem:s13+$0x0] =	vst v2  }
0x94: {  	v2 =	vld [tilespmem:s15+$0x10];
	_ =	sdelay $0x4  }
0x95: {  	v2 =	vmul.f32 v2, v1;
	_ =	sdelay $0x1  }
0x96: {  	[tilespmem:s13+$0x10] =	vst v2  }
0x97: {  	v2 =	vld [tilespmem:s15+$0x20];
	_ =	sdelay $0x4  }
0x98: {  	v2 =	vmul.f32 v2, v1;
	_ =	sdelay $0x1  }
0x99: {  	[tilespmem:s13+$0x20] =	vst v2  }
0x9a: {  	v2 =	vld [tilespmem:s15+$0x30];
	_ =	sdelay $0x4  }
0x9b: {  	v2 =	vmul.f32 v2, v1;
	_ =	sdelay $0x1  }
0x9c: {  	[tilespmem:s13+$0x30] =	vst v2  }
0x9d: {  	v2 =	vld [tilespmem:s15+$0x40];
	_ =	sdelay $0x1  }
.Ltmp5:
0x9e: {  	(pc) =	sbr.rel @p1 .LBB2_7-.Ltmp5, $3  }
0x9f: {  	_ =	sdelay $0x1  }
0xa0: {  	s18 =	sadd.s32 s17, s21;
	s17 =	sand.u32 $0x6, s17;
	s13 =	sadd.s32 $0xA0, s13;
	v1 =	vmul.f32 v2, v1  }
0xa1: {  	s19 =	sand.u32 $0x7FF8, s18;
	s18 =	smov.u32 s11;
	s15 =	sadd.s32 $0xA0, s15  }
0xa2: {  	s11 =	sor.u32 s17, s19;
	[tilespmem:s14+$0x40] =	vst v1  }
0xa3: {  	v1 =	vld.msk [tilespmem:s11+$0x8020 ss:$0x0], $0xffff  }
0xa4: {  	v2 =	vld [tilespmem:s15+$0xFFFFFFB0];
	_ =	sdelay $0x4  }
0xa5: {  	v2 =	vmul.f32 v1, v2;
	_ =	sdelay $0x1  }
0xa6: {  	[tilespmem:s13+$0xFFFFFFB0] =	vst v2  }
0xa7: {  	v2 =	vld [tilespmem:s15+$0xFFFFFFC0];
	_ =	sdelay $0x4  }
0xa8: {  	v2 =	vmul.f32 v2, v1;
	_ =	sdelay $0x1  }
0xa9: {  	[tilespmem:s13+$0xFFFFFFC0] =	vst v2  }
0xaa: {  	v2 =	vld [tilespmem:s15+$0xFFFFFFD0];
	_ =	sdelay $0x4  }
0xab: {  	v2 =	vmul.f32 v2, v1;
	_ =	sdelay $0x1  }
0xac: {  	[tilespmem:s13+$0xFFFFFFD0] =	vst v2  }
0xad: {  	v2 =	vld [tilespmem:s15+$0xFFFFFFE0];
	_ =	sdelay $0x4  }
0xae: {  	v2 =	vmul.f32 v2, v1;
	_ =	sdelay $0x1  }
0xaf: {  	[tilespmem:s13+$0xFFFFFFE0] =	vst v2  }
0xb0: {  	v2 =	vld [tilespmem:s15+$0xFFFFFFF0];
	_ =	sdelay $0x4  }
0xb1: {  	v1 =	vmul.f32 v2, v1;
	_ =	sdelay $0x1  }
0xb2: {  	s26 =	sadd.s32 $0x2, s22;
	[tilespmem:s13+$0xFFFFFFF0] =	vst v1  }
0xb3: {  	v1 =	vld.msk [tilespmem:s26+$0x0 ss:$0x0], $0xffff  }
0xb4: {  	v2 =	vld [tilespmem:s15+$0x0];
	_ =	sdelay $0x4  }
0xb5: {  	v2 =	vmul.f32 v1, v2;
	_ =	sdelay $0x1  }
0xb6: {  	[tilespmem:s13+$0x0] =	vst v2  }
0xb7: {  	v2 =	vld [tilespmem:s15+$0x10];
	_ =	sdelay $0x4  }
0xb8: {  	v2 =	vmul.f32 v2, v1;
	_ =	sdelay $0x1  }
0xb9: {  	[tilespmem:s13+$0x10] =	vst v2  }
0xba: {  	v2 =	vld [tilespmem:s15+$0x20];
	_ =	sdelay $0x4  }
0xbb: {  	v2 =	vmul.f32 v2, v1;
	_ =	sdelay $0x1  }
0xbc: {  	[tilespmem:s13+$0x20] =	vst v2  }
0xbd: {  	v2 =	vld [tilespmem:s15+$0x30];
	_ =	sdelay $0x4  }
0xbe: {  	v2 =	vmul.f32 v2, v1;
	_ =	sdelay $0x1  }
0xbf: {  	[tilespmem:s13+$0x30] =	vst v2  }
0xc0: {  	v2 =	vld [tilespmem:s15+$0x40];
	_ =	sdelay $0x1  }
0xc1: {  	s12 =	sadd.s32 $0x1, s12  }
0xc2: {  	p1 =	seq.s32 s12, $0x7D  }
.Ltmp6:
0xc3: {  	_ = 	snop;
	(pc) =	sbr.rel @!p1 .LBB2_6-.Ltmp6, $3  }
0xc4: {  	v1 =	vmul.f32 v2, v1;
	_ =	sdelay $0x1  }
0xc5: {  	s1 =	sadd.s32 $0x5910, s1;
	s9 =	sadd.s32 $0x50, s9;
	s21 =	sadd.s32 $0x50, s21;
	[tilespmem:s13+$0x40] =	vst v1  }
0xc6: {  	[spmem:s2] =	stream.indirect.scatter.add.f32 [tilespmem:s31], [sflag:$0x2], $0x50, s1, s29, $0xb8;
	[tilespmem:$0x191A0] =	vst v63  }
.Ltmp7:
0xc7: {  	(pc) =	sbr.rel .LBB2_14-.Ltmp7, $2  }
0xc8: {  	_ =	sdelay $0x2  }
0xc9: {  	s1 =	rddreg [dreg:$0x3]  }
.LBB2_10:
0xca: {  	s12 =	smul.u32 $0x50, s1;
	_ =	sdelay $0x1  }
0xcb: {  	s11 =	sadd.s32 $0x3200, s12  }
0xcc: {  	[tilespmem:s3], [sflag:$0x1] =	stream.indirect.gather [hbm4b:s7+s29], $0x50, s11, s29, $0xb8;
	[tilespmem:$0x191A0] =	vst v63  }
0xcd: {  	_ =	swait.ge [sflag:s30], $0x1900  }
0xce: {  	p1 =	seq.s32 s1, $0x0;
	[sflag:s30] =	ssyncset.done $0x0  }
0xcf: {  	s11 =	simm.s32 @!p1 $0x2;
	[sflag:s30] =	ssyncadd.s32 $0xFFFFE700  }
0xd0: {  	s14 =	sadd.s32 $0x0, s13;
	_ =	swait.ge @!p1 [sflag:s11], $0x1900  }
0xd1: {  	s15 =	sand.u32 $0x6, s10;
	s14 =	sand.u32 $0x7FF8, s14;
	[sflag:s11] =	ssyncset.done @!p1 $0x0  }
0xd2: {  	s19 =	sor.u32 s15, s14;
	[sflag:s11] =	ssyncadd.s32 @!p1 $0xFFFFE700  }
0xd3: {  	s20 =	simm.s32 $0x50;
	v1 =	vld.msk [tilespmem:s19+$0x8020 ss:$0x0], $0xffff  }
0xd4: {  	v2 =	vld [tilespmem:s20+$0xFFFFFFB0];
	_ =	sdelay $0x4  }
0xd5: {  	v2 =	vmul.f32 v1, v2  }
0xd6: {  	s21 =	simm.s32 $0x1950  }
0xd7: {  	[tilespmem:s21+$0xFFFFFFB0] =	vst v2  }
0xd8: {  	v2 =	vld [tilespmem:s20+$0xFFFFFFC0];
	_ =	sdelay $0x4  }
0xd9: {  	v2 =	vmul.f32 v2, v1;
	_ =	sdelay $0x1  }
0xda: {  	[tilespmem:s21+$0xFFFFFFC0] =	vst v2  }
0xdb: {  	v2 =	vld [tilespmem:s20+$0xFFFFFFD0];
	_ =	sdelay $0x4  }
0xdc: {  	v2 =	vmul.f32 v2, v1;
	_ =	sdelay $0x1  }
0xdd: {  	[tilespmem:s21+$0xFFFFFFD0] =	vst v2  }
0xde: {  	v2 =	vld [tilespmem:s20+$0xFFFFFFE0];
	_ =	sdelay $0x4  }
0xdf: {  	v2 =	vmul.f32 v2, v1;
	_ =	sdelay $0x1  }
0xe0: {  	[tilespmem:s21+$0xFFFFFFE0] =	vst v2  }
0xe1: {  	v2 =	vld [tilespmem:s20+$0xFFFFFFF0];
	_ =	sdelay $0x4  }
0xe2: {  	v1 =	vmul.f32 v2, v1;
	_ =	sdelay $0x1  }
0xe3: {  	[tilespmem:s21+$0xFFFFFFF0] =	vst v1  }
0xe4: {  	v1 =	vld.msk [tilespmem:s9+$0x0 ss:$0x0], $0xffff  }
0xe5: {  	v2 =	vld [tilespmem:s20+$0x0];
	_ =	sdelay $0x4  }
0xe6: {  	v2 =	vmul.f32 v1, v2;
	_ =	sdelay $0x1  }
0xe7: {  	[tilespmem:s21+$0x0] =	vst v2  }
0xe8: {  	v2 =	vld [tilespmem:s20+$0x10];
	_ =	sdelay $0x4  }
0xe9: {  	v2 =	vmul.f32 v2, v1;
	_ =	sdelay $0x1  }
0xea: {  	[tilespmem:s21+$0x10] =	vst v2  }
0xeb: {  	v2 =	vld [tilespmem:s20+$0x20];
	_ =	sdelay $0x4  }
0xec: {  	v2 =	vmul.f32 v2, v1;
	_ =	sdelay $0x1  }
0xed: {  	[tilespmem:s21+$0x20] =	vst v2  }
0xee: {  	v2 =	vld [tilespmem:s20+$0x30];
	_ =	sdelay $0x4  }
0xef: {  	v2 =	vmul.f32 v2, v1;
	_ =	sdelay $0x1  }
0xf0: {  	[tilespmem:s21+$0x30] =	vst v2  }
0xf1: {  	v2 =	vld [tilespmem:s20+$0x40];
	_ =	sdelay $0x2  }
0xf2: {  	s22 =	simm.s32 $0x2;
	s18 =	simm.s32 $0x4  }
0xf3: {  	s26 =	sadd.s32 $0x2, s13;
	s17 =	sand.u32 $0x6, s22;
	s22 =	smov.u32 s9  }
0xf4: {  	s14 =	simm.s32 $0x19F0;
	s15 =	simm.s32 $0xF0;
	s19 =	sand.u32 $0x7FF8, s26;
	v1 =	vmul.f32 v2, v1  }
.LBB2_11:
0xf5: {  	s19 =	sor.u32 s17, s19;
	s22 =	sadd.s32 $0x2, s22  }
0xf6: {  	[tilespmem:s21+$0x40] =	vst v1;
	s17 =	smov.u32 s18;
	s11 =	sadd.s32 $0x2, s18;
	s21 =	smov.u32 s14  }
0xf7: {  	p1 =	slt.u32 s18, $0x4E;
	v1 =	vld.msk [tilespmem:s19+$0x8020 ss:$0x0], $0xffff  }
0xf8: {  	v2 =	vld [tilespmem:s15+$0xFFFFFFB0];
	_ =	sdelay $0x4  }
0xf9: {  	v2 =	vmul.f32 v1, v2;
	_ =	sdelay $0x1  }
0xfa: {  	[tilespmem:s14+$0xFFFFFFB0] =	vst v2  }
0xfb: {  	v2 =	vld [tilespmem:s15+$0xFFFFFFC0];
	_ =	sdelay $0x4  }
0xfc: {  	v2 =	vmul.f32 v2, v1;
	_ =	sdelay $0x1  }
0xfd: {  	[tilespmem:s14+$0xFFFFFFC0] =	vst v2  }
0xfe: {  	v2 =	vld [tilespmem:s15+$0xFFFFFFD0];
	_ =	sdelay $0x4  }
0xff: {  	v2 =	vmul.f32 v2, v1;
	_ =	sdelay $0x1  }
0x100: {  	[tilespmem:s14+$0xFFFFFFD0] =	vst v2  }
0x101: {  	v2 =	vld [tilespmem:s15+$0xFFFFFFE0];
	_ =	sdelay $0x4  }
0x102: {  	v2 =	vmul.f32 v2, v1;
	_ =	sdelay $0x1  }
0x103: {  	[tilespmem:s14+$0xFFFFFFE0] =	vst v2  }
0x104: {  	v2 =	vld [tilespmem:s15+$0xFFFFFFF0];
	_ =	sdelay $0x4  }
0x105: {  	v1 =	vmul.f32 v2, v1;
	_ =	sdelay $0x1  }
0x106: {  	[tilespmem:s14+$0xFFFFFFF0] =	vst v1  }
0x107: {  	v1 =	vld.msk [tilespmem:s22+$0x0 ss:$0x0], $0xffff  }
0x108: {  	v2 =	vld [tilespmem:s15+$0x0];
	_ =	sdelay $0x4  }
0x109: {  	v2 =	vmul.f32 v1, v2;
	_ =	sdelay $0x1  }
0x10a: {  	[tilespmem:s14+$0x0] =	vst v2  }
0x10b: {  	v2 =	vld [tilespmem:s15+$0x10];
	_ =	sdelay $0x4  }
0x10c: {  	v2 =	vmul.f32 v2, v1;
	_ =	sdelay $0x1  }
0x10d: {  	[tilespmem:s14+$0x10] =	vst v2  }
0x10e: {  	v2 =	vld [tilespmem:s15+$0x20];
	_ =	sdelay $0x4  }
0x10f: {  	v2 =	vmul.f32 v2, v1;
	_ =	sdelay $0x1  }
0x110: {  	[tilespmem:s14+$0x20] =	vst v2  }
0x111: {  	v2 =	vld [tilespmem:s15+$0x30];
	_ =	sdelay $0x4  }
0x112: {  	v2 =	vmul.f32 v2, v1;
	_ =	sdelay $0x1  }
0x113: {  	[tilespmem:s14+$0x30] =	vst v2  }
0x114: {  	v2 =	vld [tilespmem:s15+$0x40];
	_ =	sdelay $0x1  }
.Ltmp8:
0x115: {  	(pc) =	sbr.rel @p1 .LBB2_11-.Ltmp8, $3  }
0x116: {  	_ =	sdelay $0x1  }
0x117: {  	s18 =	sadd.s32 s17, s13;
	s17 =	sand.u32 $0x6, s17;
	s14 =	sadd.s32 $0xA0, s14;
	v1 =	vmul.f32 v2, v1  }
0x118: {  	s19 =	sand.u32 $0x7FF8, s18;
	s18 =	smov.u32 s11;
	s15 =	sadd.s32 $0xA0, s15  }
0x119: {  	s11 =	sor.u32 s17, s19;
	[tilespmem:s21+$0x40] =	vst v1  }
0x11a: {  	v1 =	vld.msk [tilespmem:s11+$0x8020 ss:$0x0], $0xffff  }
0x11b: {  	v2 =	vld [tilespmem:s15+$0xFFFFFFB0];
	_ =	sdelay $0x4  }
0x11c: {  	v2 =	vmul.f32 v1, v2;
	_ =	sdelay $0x1  }
0x11d: {  	[tilespmem:s14+$0xFFFFFFB0] =	vst v2  }
0x11e: {  	v2 =	vld [tilespmem:s15+$0xFFFFFFC0];
	_ =	sdelay $0x4  }
0x11f: {  	v2 =	vmul.f32 v2, v1;
	_ =	sdelay $0x1  }
0x120: {  	[tilespmem:s14+$0xFFFFFFC0] =	vst v2  }
0x121: {  	v2 =	vld [tilespmem:s15+$0xFFFFFFD0];
	_ =	sdelay $0x4  }
0x122: {  	v2 =	vmul.f32 v2, v1;
	_ =	sdelay $0x1  }
0x123: {  	[tilespmem:s14+$0xFFFFFFD0] =	vst v2  }
0x124: {  	v2 =	vld [tilespmem:s15+$0xFFFFFFE0];
	_ =	sdelay $0x4  }
0x125: {  	v2 =	vmul.f32 v2, v1;
	_ =	sdelay $0x1  }
0x126: {  	[tilespmem:s14+$0xFFFFFFE0] =	vst v2  }
0x127: {  	v2 =	vld [tilespmem:s15+$0xFFFFFFF0];
	_ =	sdelay $0x4  }
0x128: {  	v1 =	vmul.f32 v2, v1;
	_ =	sdelay $0x1  }
0x129: {  	s22 =	sadd.s32 $0x2, s22;
	[tilespmem:s14+$0xFFFFFFF0] =	vst v1  }
0x12a: {  	v1 =	vld.msk [tilespmem:s22+$0x0 ss:$0x0], $0xffff  }
0x12b: {  	v2 =	vld [tilespmem:s15+$0x0];
	_ =	sdelay $0x4  }
0x12c: {  	v2 =	vmul.f32 v1, v2;
	_ =	sdelay $0x1  }
0x12d: {  	[tilespmem:s14+$0x0] =	vst v2  }
0x12e: {  	v2 =	vld [tilespmem:s15+$0x10];
	_ =	sdelay $0x4  }
0x12f: {  	v2 =	vmul.f32 v2, v1;
	_ =	sdelay $0x1  }
0x130: {  	[tilespmem:s14+$0x10] =	vst v2  }
0x131: {  	v2 =	vld [tilespmem:s15+$0x20];
	_ =	sdelay $0x4  }
0x132: {  	v2 =	vmul.f32 v2, v1;
	_ =	sdelay $0x1  }
0x133: {  	[tilespmem:s14+$0x20] =	vst v2  }
0x134: {  	v2 =	vld [tilespmem:s15+$0x30];
	_ =	sdelay $0x4  }
0x135: {  	v2 =	vmul.f32 v2, v1;
	_ =	sdelay $0x1  }
0x136: {  	[tilespmem:s14+$0x30] =	vst v2  }
0x137: {  	v2 =	vld [tilespmem:s15+$0x40];
	_ =	sdelay $0x1  }
0x138: {  	s1 =	sadd.s32 $0x1, s1  }
0x139: {  	p1 =	sne.s32 s1, $0x7D  }
.Ltmp9:
0x13a: {  	_ = 	snop;
	(pc) =	sbr.rel @p1 .LBB2_10-.Ltmp9, $3  }
0x13b: {  	v1 =	vmul.f32 v2, v1;
	_ =	sdelay $0x1  }
0x13c: {  	s26 =	sadd.s32 $0x5910, s12;
	s9 =	sadd.s32 $0x50, s9;
	s13 =	sadd.s32 $0x50, s13;
	[tilespmem:s14+$0x40] =	vst v1  }
0x13d: {  	[spmem:s2] =	stream.indirect.scatter.add.f32 [tilespmem:s31], [sflag:$0x2], $0x50, s26, s29, $0xb8;
	[tilespmem:$0x191A0] =	vst v63  }
0x13e: {  	s1 =	rddreg [dreg:$0x6]  }
.LBB2_14:
0x13f: {  	_ =	swait.ge [sflag:s0], $0x1900  }
0x140: {  	s18 =	stileid.u32;
	[sflag:s0] =	ssyncset.done $0x0;
	s9 =	rddreg [dreg:$0x5]  }
0x141: {  	s1 =	sadd.s32 s1, s9;
	[sflag:s0] =	ssyncadd.s32 $0xFFFFE700;
	s9 =	sshll.u32 s18, $0x6  }
0x142: {  	[bflag:$0x0] =	sbarrier.arrive $0xFFFF;
	s26 =	sor.u32 $0x1C03, s9;
	s9 =	sshrl.u32 s16, $0x3  }
0x143: {  	[hbm:s1], [sflag:s26] =	dma.local [spmem:s9], $0x186A  }
0x144: {  	_ =	swait.ge [sflag:s25], $0x186A  }
0x145: {  	[sflag:s25] =	ssyncset.done $0x0  }
0x146: {  	[sflag:s25] =	ssyncadd.s32 $0xFFFFE796  }
0x147: {  	[bflag:$0x0] =	sbarrier.arrive $0xFFFF  }
0x148: {  	[spmem:s16] =	stream.linear.scatter [tilespmem:s28], [sflag:$0x3], $0x2710, $0x38;
	[tilespmem:$0x191A0] =	vst v63  }
0x149: {  	_ =	swait.ge [sflag:s25], $0x2710  }
0x14a: {  	[sflag:s25] =	ssyncset.done $0x0  }
0x14b: {  	s19 =	rddreg [dreg:$0xa];
	[sflag:s25] =	ssyncadd.s32 $0xFFFFD8F0  }
0x14c: {  	[spmem:s19] =	stream.linear.scatter [tilespmem:s28], [sflag:$0x3], $0x2710, $0x38;
	[tilespmem:$0x191A0] =	vst v63  }
0x14d: {  	_ =	swait.ge [sflag:s25], $0x2710  }
0x14e: {  	[sflag:s25] =	ssyncset.done $0x0  }
0x14f: {  	s20 =	rddreg [dreg:$0xb];
	[sflag:s25] =	ssyncadd.s32 $0xFFFFD8F0  }
0x150: {  	[spmem:s20] =	stream.linear.scatter [tilespmem:s28], [sflag:$0x3], $0x2710, $0x38;
	[tilespmem:$0x191A0] =	vst v63  }
0x151: {  	_ =	swait.ge [sflag:s25], $0x2710  }
0x152: {  	[sflag:s25] =	ssyncset.done $0x0  }
0x153: {  	s21 =	rddreg [dreg:$0xc];
	[sflag:s25] =	ssyncadd.s32 $0xFFFFD8F0  }
0x154: {  	[spmem:s21] =	stream.linear.scatter [tilespmem:s28], [sflag:$0x3], $0x2710, $0x38;
	[tilespmem:$0x191A0] =	vst v63  }
0x155: {  	_ =	swait.ge [sflag:s25], $0x2710  }
0x156: {  	[sflag:s25] =	ssyncset.done $0x0  }
0x157: {  	s22 =	rddreg [dreg:$0xd];
	[sflag:s25] =	ssyncadd.s32 $0xFFFFD8F0  }
0x158: {  	[spmem:s22] =	stream.linear.scatter [tilespmem:s28], [sflag:$0x3], $0x2710, $0x38;
	[tilespmem:$0x191A0] =	vst v63  }
.Ltmp10:
0x159: {  	_ =	swait.ge [sflag:s25], $0x2710;
	(pc) =	sbr.rel @p0 .LBB2_19-.Ltmp10, $4  }
0x15a: {  	[sflag:s25] =	ssyncset.done $0x0  }
0x15b: {  	s11 =	simm.s32 $0x8021;
	[sflag:s25] =	ssyncadd.s32 $0xFFFFD8F0  }
0x15c: {  	s12 =	simm.s32 $0x0;
	s13 =	simm.s32 $0x0;
	[bflag:$0x0] =	sbarrier.arrive $0xFFFF  }
0x15d: {  	s14 =	simm.s32 $0x0;
	s1 =	simm.s32 $0x0;
	s21 =	simm.s32 $0x0  }
.LBB2_15:
0x15e: {  	s1 =	smul.u32 $0x50, s13;
	_ =	sdelay $0x1  }
0x15f: {  	s10 =	sadd.s32 $0x3200, s1  }
0x160: {  	[tilespmem:s3], [sflag:$0x1] =	stream.indirect.gather [hbm4b:s5+s29], $0x50, s10, s29, $0xb8;
	[tilespmem:$0x191A0] =	vst v63  }
0x161: {  	_ =	swait.ge [sflag:s30], $0x1900  }
0x162: {  	p1 =	seq.s32 s13, $0x0;
	[sflag:s30] =	ssyncset.done $0x0  }
0x163: {  	s10 =	simm.s32 @!p1 $0x2;
	[sflag:s30] =	ssyncadd.s32 $0xFFFFE700  }
0x164: {  	s14 =	sadd.s32 $0x0, s12;
	_ =	swait.ge @!p1 [sflag:s10], $0x1900  }
0x165: {  	s15 =	sand.u32 $0x6, s21;
	s14 =	sand.u32 $0x7FF8, s14;
	[sflag:s10] =	ssyncset.done @!p1 $0x0  }
0x166: {  	s19 =	sor.u32 s15, s14;
	[sflag:s10] =	ssyncadd.s32 @!p1 $0xFFFFE700  }
0x167: {  	s20 =	simm.s32 $0x50;
	v1 =	vld.msk [tilespmem:s19+$0x8020 ss:$0x0], $0xffff  }
0x168: {  	v2 =	vld [tilespmem:s20+$0xFFFFFFB0];
	_ =	sdelay $0x4  }
0x169: {  	v2 =	vmul.f32 v1, v2  }
0x16a: {  	s15 =	simm.s32 $0x1950  }
0x16b: {  	[tilespmem:s15+$0xFFFFFFB0] =	vst v2  }
0x16c: {  	v2 =	vld [tilespmem:s20+$0xFFFFFFC0];
	_ =	sdelay $0x4  }
0x16d: {  	v2 =	vmul.f32 v2, v1;
	_ =	sdelay $0x1  }
0x16e: {  	[tilespmem:s15+$0xFFFFFFC0] =	vst v2  }
0x16f: {  	v2 =	vld [tilespmem:s20+$0xFFFFFFD0];
	_ =	sdelay $0x4  }
0x170: {  	v2 =	vmul.f32 v2, v1;
	_ =	sdelay $0x1  }
0x171: {  	[tilespmem:s15+$0xFFFFFFD0] =	vst v2  }
0x172: {  	v2 =	vld [tilespmem:s20+$0xFFFFFFE0];
	_ =	sdelay $0x4  }
0x173: {  	v2 =	vmul.f32 v2, v1;
	_ =	sdelay $0x1  }
0x174: {  	[tilespmem:s15+$0xFFFFFFE0] =	vst v2  }
0x175: {  	v2 =	vld [tilespmem:s20+$0xFFFFFFF0];
	_ =	sdelay $0x4  }
0x176: {  	v1 =	vmul.f32 v2, v1;
	_ =	sdelay $0x1  }
0x177: {  	[tilespmem:s15+$0xFFFFFFF0] =	vst v1  }
0x178: {  	v1 =	vld.msk [tilespmem:s11+$0x0 ss:$0x0], $0xffff  }
0x179: {  	v2 =	vld [tilespmem:s20+$0x0];
	_ =	sdelay $0x4  }
0x17a: {  	v2 =	vmul.f32 v1, v2;
	_ =	sdelay $0x1  }
0x17b: {  	[tilespmem:s15+$0x0] =	vst v2  }
0x17c: {  	v2 =	vld [tilespmem:s20+$0x10];
	_ =	sdelay $0x4  }
0x17d: {  	v2 =	vmul.f32 v2, v1;
	_ =	sdelay $0x1  }
0x17e: {  	[tilespmem:s15+$0x10] =	vst v2  }
0x17f: {  	v2 =	vld [tilespmem:s20+$0x20];
	_ =	sdelay $0x4  }
0x180: {  	v2 =	vmul.f32 v2, v1;
	_ =	sdelay $0x1  }
0x181: {  	[tilespmem:s15+$0x20] =	vst v2  }
0x182: {  	v2 =	vld [tilespmem:s20+$0x30];
	_ =	sdelay $0x4  }
0x183: {  	v2 =	vmul.f32 v2, v1;
	_ =	sdelay $0x1  }
0x184: {  	[tilespmem:s15+$0x30] =	vst v2  }
0x185: {  	v2 =	vld [tilespmem:s20+$0x40];
	_ =	sdelay $0x2  }
0x186: {  	s22 =	simm.s32 $0x2;
	s17 =	simm.s32 $0x4  }
0x187: {  	s18 =	sadd.s32 $0x2, s12;
	s14 =	simm.s32 $0x19F0;
	s10 =	smov.u32 s11  }
0x188: {  	s20 =	sand.u32 $0x7FF8, s18;
	s18 =	sand.u32 $0x6, s22;
	s22 =	simm.s32 $0xF0;
	v1 =	vmul.f32 v2, v1  }
.LBB2_16:
0x189: {  	s20 =	sor.u32 s18, s20;
	s10 =	sadd.s32 $0x2, s10  }
0x18a: {  	[tilespmem:s15+$0x40] =	vst v1;
	s18 =	smov.u32 s17;
	s19 =	sadd.s32 $0x2, s17;
	s15 =	smov.u32 s14  }
0x18b: {  	p1 =	slt.u32 s17, $0x4E;
	v1 =	vld.msk [tilespmem:s20+$0x8020 ss:$0x0], $0xffff  }
0x18c: {  	v2 =	vld [tilespmem:s22+$0xFFFFFFB0];
	_ =	sdelay $0x4  }
0x18d: {  	v2 =	vmul.f32 v1, v2;
	_ =	sdelay $0x1  }
0x18e: {  	[tilespmem:s14+$0xFFFFFFB0] =	vst v2  }
0x18f: {  	v2 =	vld [tilespmem:s22+$0xFFFFFFC0];
	_ =	sdelay $0x4  }
0x190: {  	v2 =	vmul.f32 v2, v1;
	_ =	sdelay $0x1  }
0x191: {  	[tilespmem:s14+$0xFFFFFFC0] =	vst v2  }
0x192: {  	v2 =	vld [tilespmem:s22+$0xFFFFFFD0];
	_ =	sdelay $0x4  }
0x193: {  	v2 =	vmul.f32 v2, v1;
	_ =	sdelay $0x1  }
0x194: {  	[tilespmem:s14+$0xFFFFFFD0] =	vst v2  }
0x195: {  	v2 =	vld [tilespmem:s22+$0xFFFFFFE0];
	_ =	sdelay $0x4  }
0x196: {  	v2 =	vmul.f32 v2, v1;
	_ =	sdelay $0x1  }
0x197: {  	[tilespmem:s14+$0xFFFFFFE0] =	vst v2  }
0x198: {  	v2 =	vld [tilespmem:s22+$0xFFFFFFF0];
	_ =	sdelay $0x4  }
0x199: {  	v1 =	vmul.f32 v2, v1;
	_ =	sdelay $0x1  }
0x19a: {  	[tilespmem:s14+$0xFFFFFFF0] =	vst v1  }
0x19b: {  	v1 =	vld.msk [tilespmem:s10+$0x0 ss:$0x0], $0xffff  }
0x19c: {  	v2 =	vld [tilespmem:s22+$0x0];
	_ =	sdelay $0x4  }
0x19d: {  	v2 =	vmul.f32 v1, v2;
	_ =	sdelay $0x1  }
0x19e: {  	[tilespmem:s14+$0x0] =	vst v2  }
0x19f: {  	v2 =	vld [tilespmem:s22+$0x10];
	_ =	sdelay $0x4  }
0x1a0: {  	v2 =	vmul.f32 v2, v1;
	_ =	sdelay $0x1  }
0x1a1: {  	[tilespmem:s14+$0x10] =	vst v2  }
0x1a2: {  	v2 =	vld [tilespmem:s22+$0x20];
	_ =	sdelay $0x4  }
0x1a3: {  	v2 =	vmul.f32 v2, v1;
	_ =	sdelay $0x1  }
0x1a4: {  	[tilespmem:s14+$0x20] =	vst v2  }
0x1a5: {  	v2 =	vld [tilespmem:s22+$0x30];
	_ =	sdelay $0x4  }
0x1a6: {  	v2 =	vmul.f32 v2, v1;
	_ =	sdelay $0x1  }
0x1a7: {  	[tilespmem:s14+$0x30] =	vst v2  }
0x1a8: {  	v2 =	vld [tilespmem:s22+$0x40];
	_ =	sdelay $0x1  }
.Ltmp11:
0x1a9: {  	(pc) =	sbr.rel @p1 .LBB2_16-.Ltmp11, $3  }
0x1aa: {  	_ =	sdelay $0x1  }
0x1ab: {  	s17 =	sadd.s32 s18, s12;
	s18 =	sand.u32 $0x6, s18;
	s14 =	sadd.s32 $0xA0, s14;
	v1 =	vmul.f32 v2, v1  }
0x1ac: {  	s20 =	sand.u32 $0x7FF8, s17;
	s17 =	smov.u32 s19;
	s22 =	sadd.s32 $0xA0, s22  }
0x1ad: {  	s17 =	sor.u32 s18, s20;
	[tilespmem:s15+$0x40] =	vst v1  }
0x1ae: {  	v1 =	vld.msk [tilespmem:s17+$0x8020 ss:$0x0], $0xffff  }
0x1af: {  	v2 =	vld [tilespmem:s22+$0xFFFFFFB0];
	_ =	sdelay $0x4  }
0x1b0: {  	v2 =	vmul.f32 v1, v2;
	_ =	sdelay $0x1  }
0x1b1: {  	[tilespmem:s14+$0xFFFFFFB0] =	vst v2  }
0x1b2: {  	v2 =	vld [tilespmem:s22+$0xFFFFFFC0];
	_ =	sdelay $0x4  }
0x1b3: {  	v2 =	vmul.f32 v2, v1;
	_ =	sdelay $0x1  }
0x1b4: {  	[tilespmem:s14+$0xFFFFFFC0] =	vst v2  }
0x1b5: {  	v2 =	vld [tilespmem:s22+$0xFFFFFFD0];
	_ =	sdelay $0x4  }
0x1b6: {  	v2 =	vmul.f32 v2, v1;
	_ =	sdelay $0x1  }
0x1b7: {  	[tilespmem:s14+$0xFFFFFFD0] =	vst v2  }
0x1b8: {  	v2 =	vld [tilespmem:s22+$0xFFFFFFE0];
	_ =	sdelay $0x4  }
0x1b9: {  	v2 =	vmul.f32 v2, v1;
	_ =	sdelay $0x1  }
0x1ba: {  	[tilespmem:s14+$0xFFFFFFE0] =	vst v2  }
0x1bb: {  	v2 =	vld [tilespmem:s22+$0xFFFFFFF0];
	_ =	sdelay $0x4  }
0x1bc: {  	v1 =	vmul.f32 v2, v1;
	_ =	sdelay $0x1  }
0x1bd: {  	s10 =	sadd.s32 $0x2, s10;
	[tilespmem:s14+$0xFFFFFFF0] =	vst v1  }
0x1be: {  	v1 =	vld.msk [tilespmem:s10+$0x0 ss:$0x0], $0xffff  }
0x1bf: {  	v2 =	vld [tilespmem:s22+$0x0];
	_ =	sdelay $0x4  }
0x1c0: {  	v2 =	vmul.f32 v1, v2;
	_ =	sdelay $0x1  }
0x1c1: {  	[tilespmem:s14+$0x0] =	vst v2  }
0x1c2: {  	v2 =	vld [tilespmem:s22+$0x10];
	_ =	sdelay $0x4  }
0x1c3: {  	v2 =	vmul.f32 v2, v1;
	_ =	sdelay $0x1  }
0x1c4: {  	[tilespmem:s14+$0x10] =	vst v2  }
0x1c5: {  	v2 =	vld [tilespmem:s22+$0x20];
	_ =	sdelay $0x4  }
0x1c6: {  	v2 =	vmul.f32 v2, v1;
	_ =	sdelay $0x1  }
0x1c7: {  	[tilespmem:s14+$0x20] =	vst v2  }
0x1c8: {  	v2 =	vld [tilespmem:s22+$0x30];
	_ =	sdelay $0x4  }
0x1c9: {  	v2 =	vmul.f32 v2, v1;
	_ =	sdelay $0x1  }
0x1ca: {  	[tilespmem:s14+$0x30] =	vst v2  }
0x1cb: {  	v2 =	vld [tilespmem:s22+$0x40];
	_ =	sdelay $0x1  }
0x1cc: {  	s13 =	sadd.s32 $0x1, s13  }
0x1cd: {  	p1 =	seq.s32 s13, $0x7D  }
.Ltmp12:
0x1ce: {  	_ = 	snop;
	(pc) =	sbr.rel @!p1 .LBB2_15-.Ltmp12, $3  }
0x1cf: {  	v1 =	vmul.f32 v2, v1;
	_ =	sdelay $0x1  }
0x1d0: {  	s1 =	sadd.s32 $0x5910, s1;
	s11 =	sadd.s32 $0x50, s11;
	s12 =	sadd.s32 $0x50, s12;
	[tilespmem:s14+$0x40] =	vst v1  }
0x1d1: {  	[spmem:s2] =	stream.indirect.scatter.add.f32 [tilespmem:s31], [sflag:$0x2], $0x50, s1, s29, $0xb8;
	[tilespmem:$0x191A0] =	vst v63  }
.Ltmp13:
0x1d2: {  	(pc) =	sbr.rel .LBB2_23-.Ltmp13, $2  }
0x1d3: {  	_ =	sdelay $0x2  }
0x1d4: {  	s1 =	rddreg [dreg:$0x4]  }
.LBB2_19:
0x1d5: {  	s12 =	smul.u32 $0x50, s14;
	_ =	sdelay $0x1  }
0x1d6: {  	s10 =	sadd.s32 $0x3200, s12  }
0x1d7: {  	[tilespmem:s3], [sflag:$0x1] =	stream.indirect.gather [hbm4b:s8+s29], $0x50, s10, s29, $0xb8;
	[tilespmem:$0x191A0] =	vst v63  }
0x1d8: {  	_ =	swait.ge [sflag:s30], $0x1900  }
0x1d9: {  	p1 =	seq.s32 s14, $0x0;
	[sflag:s30] =	ssyncset.done $0x0  }
0x1da: {  	s10 =	simm.s32 @!p1 $0x2;
	[sflag:s30] =	ssyncadd.s32 $0xFFFFE700  }
0x1db: {  	s13 =	sadd.s32 $0x0, s1;
	_ =	swait.ge @!p1 [sflag:s10], $0x1900  }
0x1dc: {  	s15 =	sand.u32 $0x6, s21;
	s13 =	sand.u32 $0x7FF8, s13;
	[sflag:s10] =	ssyncset.done @!p1 $0x0  }
0x1dd: {  	s19 =	sor.u32 s15, s13;
	[sflag:s10] =	ssyncadd.s32 @!p1 $0xFFFFE700  }
0x1de: {  	s20 =	simm.s32 $0x50;
	v1 =	vld.msk [tilespmem:s19+$0x8020 ss:$0x0], $0xffff  }
0x1df: {  	v2 =	vld [tilespmem:s20+$0xFFFFFFB0];
	_ =	sdelay $0x4  }
0x1e0: {  	v2 =	vmul.f32 v1, v2  }
0x1e1: {  	s15 =	simm.s32 $0x1950  }
0x1e2: {  	[tilespmem:s15+$0xFFFFFFB0] =	vst v2  }
0x1e3: {  	v2 =	vld [tilespmem:s20+$0xFFFFFFC0];
	_ =	sdelay $0x4  }
0x1e4: {  	v2 =	vmul.f32 v2, v1;
	_ =	sdelay $0x1  }
0x1e5: {  	[tilespmem:s15+$0xFFFFFFC0] =	vst v2  }
0x1e6: {  	v2 =	vld [tilespmem:s20+$0xFFFFFFD0];
	_ =	sdelay $0x4  }
0x1e7: {  	v2 =	vmul.f32 v2, v1;
	_ =	sdelay $0x1  }
0x1e8: {  	[tilespmem:s15+$0xFFFFFFD0] =	vst v2  }
0x1e9: {  	v2 =	vld [tilespmem:s20+$0xFFFFFFE0];
	_ =	sdelay $0x4  }
0x1ea: {  	v2 =	vmul.f32 v2, v1;
	_ =	sdelay $0x1  }
0x1eb: {  	[tilespmem:s15+$0xFFFFFFE0] =	vst v2  }
0x1ec: {  	v2 =	vld [tilespmem:s20+$0xFFFFFFF0];
	_ =	sdelay $0x4  }
0x1ed: {  	v1 =	vmul.f32 v2, v1;
	_ =	sdelay $0x1  }
0x1ee: {  	[tilespmem:s15+$0xFFFFFFF0] =	vst v1  }
0x1ef: {  	v1 =	vld.msk [tilespmem:s11+$0x0 ss:$0x0], $0xffff  }
0x1f0: {  	v2 =	vld [tilespmem:s20+$0x0];
	_ =	sdelay $0x4  }
0x1f1: {  	v2 =	vmul.f32 v1, v2;
	_ =	sdelay $0x1  }
0x1f2: {  	[tilespmem:s15+$0x0] =	vst v2  }
0x1f3: {  	v2 =	vld [tilespmem:s20+$0x10];
	_ =	sdelay $0x4  }
0x1f4: {  	v2 =	vmul.f32 v2, v1;
	_ =	sdelay $0x1  }
0x1f5: {  	[tilespmem:s15+$0x10] =	vst v2  }
0x1f6: {  	v2 =	vld [tilespmem:s20+$0x20];
	_ =	sdelay $0x4  }
0x1f7: {  	v2 =	vmul.f32 v2, v1;
	_ =	sdelay $0x1  }
0x1f8: {  	[tilespmem:s15+$0x20] =	vst v2  }
0x1f9: {  	v2 =	vld [tilespmem:s20+$0x30];
	_ =	sdelay $0x4  }
0x1fa: {  	v2 =	vmul.f32 v2, v1;
	_ =	sdelay $0x1  }
0x1fb: {  	[tilespmem:s15+$0x30] =	vst v2  }
0x1fc: {  	v2 =	vld [tilespmem:s20+$0x40];
	_ =	sdelay $0x2  }
0x1fd: {  	s22 =	simm.s32 $0x2;
	s17 =	sadd.s32 $0x2, s1  }
0x1fe: {  	s18 =	sand.u32 $0x6, s22;
	s22 =	simm.s32 $0xF0;
	s13 =	simm.s32 $0x19F0  }
0x1ff: {  	s10 =	smov.u32 s11;
	s19 =	simm.s32 $0x4;
	s20 =	sand.u32 $0x7FF8, s17;
	v1 =	vmul.f32 v2, v1  }
.LBB2_20:
0x200: {  	s20 =	sor.u32 s18, s20;
	s10 =	sadd.s32 $0x2, s10  }
0x201: {  	[tilespmem:s15+$0x40] =	vst v1;
	s18 =	smov.u32 s19;
	s17 =	sadd.s32 $0x2, s19;
	s15 =	smov.u32 s13  }
0x202: {  	p1 =	slt.u32 s19, $0x4E;
	v1 =	vld.msk [tilespmem:s20+$0x8020 ss:$0x0], $0xffff  }
0x203: {  	v2 =	vld [tilespmem:s22+$0xFFFFFFB0];
	_ =	sdelay $0x4  }
0x204: {  	v2 =	vmul.f32 v1, v2;
	_ =	sdelay $0x1  }
0x205: {  	[tilespmem:s13+$0xFFFFFFB0] =	vst v2  }
0x206: {  	v2 =	vld [tilespmem:s22+$0xFFFFFFC0];
	_ =	sdelay $0x4  }
0x207: {  	v2 =	vmul.f32 v2, v1;
	_ =	sdelay $0x1  }
0x208: {  	[tilespmem:s13+$0xFFFFFFC0] =	vst v2  }
0x209: {  	v2 =	vld [tilespmem:s22+$0xFFFFFFD0];
	_ =	sdelay $0x4  }
0x20a: {  	v2 =	vmul.f32 v2, v1;
	_ =	sdelay $0x1  }
0x20b: {  	[tilespmem:s13+$0xFFFFFFD0] =	vst v2  }
0x20c: {  	v2 =	vld [tilespmem:s22+$0xFFFFFFE0];
	_ =	sdelay $0x4  }
0x20d: {  	v2 =	vmul.f32 v2, v1;
	_ =	sdelay $0x1  }
0x20e: {  	[tilespmem:s13+$0xFFFFFFE0] =	vst v2  }
0x20f: {  	v2 =	vld [tilespmem:s22+$0xFFFFFFF0];
	_ =	sdelay $0x4  }
0x210: {  	v1 =	vmul.f32 v2, v1;
	_ =	sdelay $0x1  }
0x211: {  	[tilespmem:s13+$0xFFFFFFF0] =	vst v1  }
0x212: {  	v1 =	vld.msk [tilespmem:s10+$0x0 ss:$0x0], $0xffff  }
0x213: {  	v2 =	vld [tilespmem:s22+$0x0];
	_ =	sdelay $0x4  }
0x214: {  	v2 =	vmul.f32 v1, v2;
	_ =	sdelay $0x1  }
0x215: {  	[tilespmem:s13+$0x0] =	vst v2  }
0x216: {  	v2 =	vld [tilespmem:s22+$0x10];
	_ =	sdelay $0x4  }
0x217: {  	v2 =	vmul.f32 v2, v1;
	_ =	sdelay $0x1  }
0x218: {  	[tilespmem:s13+$0x10] =	vst v2  }
0x219: {  	v2 =	vld [tilespmem:s22+$0x20];
	_ =	sdelay $0x4  }
0x21a: {  	v2 =	vmul.f32 v2, v1;
	_ =	sdelay $0x1  }
0x21b: {  	[tilespmem:s13+$0x20] =	vst v2  }
0x21c: {  	v2 =	vld [tilespmem:s22+$0x30];
	_ =	sdelay $0x4  }
0x21d: {  	v2 =	vmul.f32 v2, v1;
	_ =	sdelay $0x1  }
0x21e: {  	[tilespmem:s13+$0x30] =	vst v2  }
0x21f: {  	v2 =	vld [tilespmem:s22+$0x40];
	_ =	sdelay $0x1  }
.Ltmp14:
0x220: {  	(pc) =	sbr.rel @p1 .LBB2_20-.Ltmp14, $3  }
0x221: {  	_ =	sdelay $0x1  }
0x222: {  	s19 =	sadd.s32 s18, s1;
	s18 =	sand.u32 $0x6, s18;
	s13 =	sadd.s32 $0xA0, s13;
	v1 =	vmul.f32 v2, v1  }
0x223: {  	s20 =	sand.u32 $0x7FF8, s19;
	s19 =	smov.u32 s17;
	s22 =	sadd.s32 $0xA0, s22  }
0x224: {  	s17 =	sor.u32 s18, s20;
	[tilespmem:s15+$0x40] =	vst v1  }
0x225: {  	v1 =	vld.msk [tilespmem:s17+$0x8020 ss:$0x0], $0xffff  }
0x226: {  	v2 =	vld [tilespmem:s22+$0xFFFFFFB0];
	_ =	sdelay $0x4  }
0x227: {  	v2 =	vmul.f32 v1, v2;
	_ =	sdelay $0x1  }
0x228: {  	[tilespmem:s13+$0xFFFFFFB0] =	vst v2  }
0x229: {  	v2 =	vld [tilespmem:s22+$0xFFFFFFC0];
	_ =	sdelay $0x4  }
0x22a: {  	v2 =	vmul.f32 v2, v1;
	_ =	sdelay $0x1  }
0x22b: {  	[tilespmem:s13+$0xFFFFFFC0] =	vst v2  }
0x22c: {  	v2 =	vld [tilespmem:s22+$0xFFFFFFD0];
	_ =	sdelay $0x4  }
0x22d: {  	v2 =	vmul.f32 v2, v1;
	_ =	sdelay $0x1  }
0x22e: {  	[tilespmem:s13+$0xFFFFFFD0] =	vst v2  }
0x22f: {  	v2 =	vld [tilespmem:s22+$0xFFFFFFE0];
	_ =	sdelay $0x4  }
0x230: {  	v2 =	vmul.f32 v2, v1;
	_ =	sdelay $0x1  }
0x231: {  	[tilespmem:s13+$0xFFFFFFE0] =	vst v2  }
0x232: {  	v2 =	vld [tilespmem:s22+$0xFFFFFFF0];
	_ =	sdelay $0x4  }
0x233: {  	v1 =	vmul.f32 v2, v1;
	_ =	sdelay $0x1  }
0x234: {  	s10 =	sadd.s32 $0x2, s10;
	[tilespmem:s13+$0xFFFFFFF0] =	vst v1  }
0x235: {  	v1 =	vld.msk [tilespmem:s10+$0x0 ss:$0x0], $0xffff  }
0x236: {  	v2 =	vld [tilespmem:s22+$0x0];
	_ =	sdelay $0x4  }
0x237: {  	v2 =	vmul.f32 v1, v2;
	_ =	sdelay $0x1  }
0x238: {  	[tilespmem:s13+$0x0] =	vst v2  }
0x239: {  	v2 =	vld [tilespmem:s22+$0x10];
	_ =	sdelay $0x4  }
0x23a: {  	v2 =	vmul.f32 v2, v1;
	_ =	sdelay $0x1  }
0x23b: {  	[tilespmem:s13+$0x10] =	vst v2  }
0x23c: {  	v2 =	vld [tilespmem:s22+$0x20];
	_ =	sdelay $0x4  }
0x23d: {  	v2 =	vmul.f32 v2, v1;
	_ =	sdelay $0x1  }
0x23e: {  	[tilespmem:s13+$0x20] =	vst v2  }
0x23f: {  	v2 =	vld [tilespmem:s22+$0x30];
	_ =	sdelay $0x4  }
0x240: {  	v2 =	vmul.f32 v2, v1;
	_ =	sdelay $0x1  }
0x241: {  	[tilespmem:s13+$0x30] =	vst v2  }
0x242: {  	v2 =	vld [tilespmem:s22+$0x40];
	_ =	sdelay $0x1  }
0x243: {  	s14 =	sadd.s32 $0x1, s14  }
0x244: {  	p1 =	sne.s32 s14, $0x7D  }
.Ltmp15:
0x245: {  	_ = 	snop;
	(pc) =	sbr.rel @p1 .LBB2_19-.Ltmp15, $3  }
0x246: {  	v1 =	vmul.f32 v2, v1;
	_ =	sdelay $0x1  }
0x247: {  	s11 =	sadd.s32 $0x50, s11;
	s1 =	sadd.s32 $0x50, s1;
	s22 =	sadd.s32 $0x5910, s12;
	[tilespmem:s13+$0x40] =	vst v1  }
0x248: {  	[spmem:s2] =	stream.indirect.scatter.add.f32 [tilespmem:s31], [sflag:$0x2], $0x50, s22, s29, $0xb8;
	[tilespmem:$0x191A0] =	vst v63  }
0x249: {  	s1 =	rddreg [dreg:$0x7]  }
.LBB2_23:
0x24a: {  	_ =	swait.ge [sflag:s0], $0x1900  }
0x24b: {  	[sflag:s0] =	ssyncset.done $0x0  }
0x24c: {  	s10 =	rddreg [dreg:$0x5];
	[sflag:s0] =	ssyncadd.s32 $0xFFFFE700  }
0x24d: {  	s1 =	sadd.s32 s1, s10;
	[bflag:$0x0] =	sbarrier.arrive $0xFFFF  }
0x24e: {  	[hbm:s1], [sflag:s26] =	dma.local [spmem:s9], $0x186A  }
0x24f: {  	_ =	swait.ge [sflag:s25], $0x186A  }
0x250: {  	[sflag:s25] =	ssyncset.done $0x0  }
0x251: {  	[sflag:s25] =	ssyncadd.s32 $0xFFFFE796  }
0x252: {  	[bflag:$0x0] =	sbarrier.arrive $0xFFFF  }
0x253: {  	[spmem:s16] =	stream.linear.scatter [tilespmem:s28], [sflag:$0x3], $0x2710, $0x38;
	[tilespmem:$0x191A0] =	vst v63  }
0x254: {  	_ =	swait.ge [sflag:s25], $0x2710  }
0x255: {  	[sflag:s25] =	ssyncset.done $0x0  }
0x256: {  	s19 =	rddreg [dreg:$0xa];
	[sflag:s25] =	ssyncadd.s32 $0xFFFFD8F0  }
0x257: {  	[spmem:s19] =	stream.linear.scatter [tilespmem:s28], [sflag:$0x3], $0x2710, $0x38;
	[tilespmem:$0x191A0] =	vst v63  }
0x258: {  	_ =	swait.ge [sflag:s25], $0x2710  }
0x259: {  	[sflag:s25] =	ssyncset.done $0x0  }
0x25a: {  	s20 =	rddreg [dreg:$0xb];
	[sflag:s25] =	ssyncadd.s32 $0xFFFFD8F0  }
0x25b: {  	[spmem:s20] =	stream.linear.scatter [tilespmem:s28], [sflag:$0x3], $0x2710, $0x38;
	[tilespmem:$0x191A0] =	vst v63  }
0x25c: {  	_ =	swait.ge [sflag:s25], $0x2710  }
0x25d: {  	[sflag:s25] =	ssyncset.done $0x0  }
0x25e: {  	s21 =	rddreg [dreg:$0xc];
	[sflag:s25] =	ssyncadd.s32 $0xFFFFD8F0  }
0x25f: {  	[spmem:s21] =	stream.linear.scatter [tilespmem:s28], [sflag:$0x3], $0x2710, $0x38;
	[tilespmem:$0x191A0] =	vst v63  }
0x260: {  	_ =	swait.ge [sflag:s25], $0x2710  }
0x261: {  	[sflag:s25] =	ssyncset.done $0x0  }
0x262: {  	s22 =	rddreg [dreg:$0xd];
	[sflag:s25] =	ssyncadd.s32 $0xFFFFD8F0  }
0x263: {  	[spmem:s22] =	stream.linear.scatter [tilespmem:s28], [sflag:$0x3], $0x2710, $0x38;
	[tilespmem:$0x191A0] =	vst v63  }
.Ltmp16:
0x264: {  	_ =	swait.ge [sflag:s25], $0x2710;
	(pc) =	sbr.rel @p0 .LBB2_28-.Ltmp16, $4  }
0x265: {  	[sflag:s25] =	ssyncset.done $0x0  }
0x266: {  	[sflag:s25] =	ssyncadd.s32 $0xFFFFD8F0  }
0x267: {  	s12 =	simm.s32 $0x0;
	[bflag:$0x0] =	sbarrier.arrive $0xFFFF  }
0x268: {  	s10 =	simm.s32 $0x8021;
	s1 =	simm.s32 $0x0;
	s21 =	simm.s32 $0x0  }
.LBB2_24:
0x269: {  	s13 =	smul.u32 $0x50, s1;
	_ =	sdelay $0x1  }
0x26a: {  	s11 =	sadd.s32 $0x3200, s13  }
0x26b: {  	[tilespmem:s3], [sflag:$0x1] =	stream.indirect.gather [hbm4b:s6+s29], $0x50, s11, s29, $0xb8;
	[tilespmem:$0x191A0] =	vst v63  }
0x26c: {  	_ =	swait.ge [sflag:s30], $0x1900  }
0x26d: {  	p1 =	seq.s32 s1, $0x0;
	[sflag:s30] =	ssyncset.done $0x0  }
0x26e: {  	s11 =	simm.s32 @!p1 $0x2;
	[sflag:s30] =	ssyncadd.s32 $0xFFFFE700  }
0x26f: {  	s14 =	sadd.s32 $0x0, s12;
	_ =	swait.ge @!p1 [sflag:s11], $0x1900  }
0x270: {  	s15 =	sand.u32 $0x6, s21;
	s14 =	sand.u32 $0x7FF8, s14;
	[sflag:s11] =	ssyncset.done @!p1 $0x0  }
0x271: {  	s19 =	sor.u32 s15, s14;
	[sflag:s11] =	ssyncadd.s32 @!p1 $0xFFFFE700  }
0x272: {  	s20 =	simm.s32 $0x50;
	v1 =	vld.msk [tilespmem:s19+$0x8020 ss:$0x0], $0xffff  }
0x273: {  	v2 =	vld [tilespmem:s20+$0xFFFFFFB0];
	_ =	sdelay $0x4  }
0x274: {  	v2 =	vmul.f32 v1, v2  }
0x275: {  	s15 =	simm.s32 $0x1950  }
0x276: {  	[tilespmem:s15+$0xFFFFFFB0] =	vst v2  }
0x277: {  	v2 =	vld [tilespmem:s20+$0xFFFFFFC0];
	_ =	sdelay $0x4  }
0x278: {  	v2 =	vmul.f32 v2, v1;
	_ =	sdelay $0x1  }
0x279: {  	[tilespmem:s15+$0xFFFFFFC0] =	vst v2  }
0x27a: {  	v2 =	vld [tilespmem:s20+$0xFFFFFFD0];
	_ =	sdelay $0x4  }
0x27b: {  	v2 =	vmul.f32 v2, v1;
	_ =	sdelay $0x1  }
0x27c: {  	[tilespmem:s15+$0xFFFFFFD0] =	vst v2  }
0x27d: {  	v2 =	vld [tilespmem:s20+$0xFFFFFFE0];
	_ =	sdelay $0x4  }
0x27e: {  	v2 =	vmul.f32 v2, v1;
	_ =	sdelay $0x1  }
0x27f: {  	[tilespmem:s15+$0xFFFFFFE0] =	vst v2  }
0x280: {  	v2 =	vld [tilespmem:s20+$0xFFFFFFF0];
	_ =	sdelay $0x4  }
0x281: {  	v1 =	vmul.f32 v2, v1;
	_ =	sdelay $0x1  }
0x282: {  	[tilespmem:s15+$0xFFFFFFF0] =	vst v1  }
0x283: {  	v1 =	vld.msk [tilespmem:s10+$0x0 ss:$0x0], $0xffff  }
0x284: {  	v2 =	vld [tilespmem:s20+$0x0];
	_ =	sdelay $0x4  }
0x285: {  	v2 =	vmul.f32 v1, v2;
	_ =	sdelay $0x1  }
0x286: {  	[tilespmem:s15+$0x0] =	vst v2  }
0x287: {  	v2 =	vld [tilespmem:s20+$0x10];
	_ =	sdelay $0x4  }
0x288: {  	v2 =	vmul.f32 v2, v1;
	_ =	sdelay $0x1  }
0x289: {  	[tilespmem:s15+$0x10] =	vst v2  }
0x28a: {  	v2 =	vld [tilespmem:s20+$0x20];
	_ =	sdelay $0x4  }
0x28b: {  	v2 =	vmul.f32 v2, v1;
	_ =	sdelay $0x1  }
0x28c: {  	[tilespmem:s15+$0x20] =	vst v2  }
0x28d: {  	v2 =	vld [tilespmem:s20+$0x30];
	_ =	sdelay $0x4  }
0x28e: {  	v2 =	vmul.f32 v2, v1;
	_ =	sdelay $0x1  }
0x28f: {  	[tilespmem:s15+$0x30] =	vst v2  }
0x290: {  	v2 =	vld [tilespmem:s20+$0x40];
	_ =	sdelay $0x2  }
0x291: {  	s22 =	simm.s32 $0x2;
	s17 =	sadd.s32 $0x2, s12  }
0x292: {  	s18 =	sand.u32 $0x6, s22;
	s22 =	simm.s32 $0xF0;
	s14 =	simm.s32 $0x19F0  }
0x293: {  	s11 =	smov.u32 s10;
	s19 =	simm.s32 $0x4;
	s20 =	sand.u32 $0x7FF8, s17;
	v1 =	vmul.f32 v2, v1  }
.LBB2_25:
0x294: {  	s20 =	sor.u32 s18, s20;
	s11 =	sadd.s32 $0x2, s11  }
0x295: {  	[tilespmem:s15+$0x40] =	vst v1;
	s18 =	smov.u32 s19;
	s17 =	sadd.s32 $0x2, s19;
	s15 =	smov.u32 s14  }
0x296: {  	p1 =	slt.u32 s19, $0x4E;
	v1 =	vld.msk [tilespmem:s20+$0x8020 ss:$0x0], $0xffff  }
0x297: {  	v2 =	vld [tilespmem:s22+$0xFFFFFFB0];
	_ =	sdelay $0x4  }
0x298: {  	v2 =	vmul.f32 v1, v2;
	_ =	sdelay $0x1  }
0x299: {  	[tilespmem:s14+$0xFFFFFFB0] =	vst v2  }
0x29a: {  	v2 =	vld [tilespmem:s22+$0xFFFFFFC0];
	_ =	sdelay $0x4  }
0x29b: {  	v2 =	vmul.f32 v2, v1;
	_ =	sdelay $0x1  }
0x29c: {  	[tilespmem:s14+$0xFFFFFFC0] =	vst v2  }
0x29d: {  	v2 =	vld [tilespmem:s22+$0xFFFFFFD0];
	_ =	sdelay $0x4  }
0x29e: {  	v2 =	vmul.f32 v2, v1;
	_ =	sdelay $0x1  }
0x29f: {  	[tilespmem:s14+$0xFFFFFFD0] =	vst v2  }
0x2a0: {  	v2 =	vld [tilespmem:s22+$0xFFFFFFE0];
	_ =	sdelay $0x4  }
0x2a1: {  	v2 =	vmul.f32 v2, v1;
	_ =	sdelay $0x1  }
0x2a2: {  	[tilespmem:s14+$0xFFFFFFE0] =	vst v2  }
0x2a3: {  	v2 =	vld [tilespmem:s22+$0xFFFFFFF0];
	_ =	sdelay $0x4  }
0x2a4: {  	v1 =	vmul.f32 v2, v1;
	_ =	sdelay $0x1  }
0x2a5: {  	[tilespmem:s14+$0xFFFFFFF0] =	vst v1  }
0x2a6: {  	v1 =	vld.msk [tilespmem:s11+$0x0 ss:$0x0], $0xffff  }
0x2a7: {  	v2 =	vld [tilespmem:s22+$0x0];
	_ =	sdelay $0x4  }
0x2a8: {  	v2 =	vmul.f32 v1, v2;
	_ =	sdelay $0x1  }
0x2a9: {  	[tilespmem:s14+$0x0] =	vst v2  }
0x2aa: {  	v2 =	vld [tilespmem:s22+$0x10];
	_ =	sdelay $0x4  }
0x2ab: {  	v2 =	vmul.f32 v2, v1;
	_ =	sdelay $0x1  }
0x2ac: {  	[tilespmem:s14+$0x10] =	vst v2  }
0x2ad: {  	v2 =	vld [tilespmem:s22+$0x20];
	_ =	sdelay $0x4  }
0x2ae: {  	v2 =	vmul.f32 v2, v1;
	_ =	sdelay $0x1  }
0x2af: {  	[tilespmem:s14+$0x20] =	vst v2  }
0x2b0: {  	v2 =	vld [tilespmem:s22+$0x30];
	_ =	sdelay $0x4  }
0x2b1: {  	v2 =	vmul.f32 v2, v1;
	_ =	sdelay $0x1  }
0x2b2: {  	[tilespmem:s14+$0x30] =	vst v2  }
0x2b3: {  	v2 =	vld [tilespmem:s22+$0x40];
	_ =	sdelay $0x1  }
.Ltmp17:
0x2b4: {  	(pc) =	sbr.rel @p1 .LBB2_25-.Ltmp17, $3  }
0x2b5: {  	_ =	sdelay $0x1  }
0x2b6: {  	s19 =	sadd.s32 s18, s12;
	s18 =	sand.u32 $0x6, s18;
	s14 =	sadd.s32 $0xA0, s14;
	v1 =	vmul.f32 v2, v1  }
0x2b7: {  	s20 =	sand.u32 $0x7FF8, s19;
	s19 =	smov.u32 s17;
	s22 =	sadd.s32 $0xA0, s22  }
0x2b8: {  	s17 =	sor.u32 s18, s20;
	[tilespmem:s15+$0x40] =	vst v1  }
0x2b9: {  	v1 =	vld.msk [tilespmem:s17+$0x8020 ss:$0x0], $0xffff  }
0x2ba: {  	v2 =	vld [tilespmem:s22+$0xFFFFFFB0];
	_ =	sdelay $0x4  }
0x2bb: {  	v2 =	vmul.f32 v1, v2;
	_ =	sdelay $0x1  }
0x2bc: {  	[tilespmem:s14+$0xFFFFFFB0] =	vst v2  }
0x2bd: {  	v2 =	vld [tilespmem:s22+$0xFFFFFFC0];
	_ =	sdelay $0x4  }
0x2be: {  	v2 =	vmul.f32 v2, v1;
	_ =	sdelay $0x1  }
0x2bf: {  	[tilespmem:s14+$0xFFFFFFC0] =	vst v2  }
0x2c0: {  	v2 =	vld [tilespmem:s22+$0xFFFFFFD0];
	_ =	sdelay $0x4  }
0x2c1: {  	v2 =	vmul.f32 v2, v1;
	_ =	sdelay $0x1  }
0x2c2: {  	[tilespmem:s14+$0xFFFFFFD0] =	vst v2  }
0x2c3: {  	v2 =	vld [tilespmem:s22+$0xFFFFFFE0];
	_ =	sdelay $0x4  }
0x2c4: {  	v2 =	vmul.f32 v2, v1;
	_ =	sdelay $0x1  }
0x2c5: {  	[tilespmem:s14+$0xFFFFFFE0] =	vst v2  }
0x2c6: {  	v2 =	vld [tilespmem:s22+$0xFFFFFFF0];
	_ =	sdelay $0x4  }
0x2c7: {  	v1 =	vmul.f32 v2, v1;
	_ =	sdelay $0x1  }
0x2c8: {  	s11 =	sadd.s32 $0x2, s11;
	[tilespmem:s14+$0xFFFFFFF0] =	vst v1  }
0x2c9: {  	v1 =	vld.msk [tilespmem:s11+$0x0 ss:$0x0], $0xffff  }
0x2ca: {  	v2 =	vld [tilespmem:s22+$0x0];
	_ =	sdelay $0x4  }
0x2cb: {  	v2 =	vmul.f32 v1, v2;
	_ =	sdelay $0x1  }
0x2cc: {  	[tilespmem:s14+$0x0] =	vst v2  }
0x2cd: {  	v2 =	vld [tilespmem:s22+$0x10];
	_ =	sdelay $0x4  }
0x2ce: {  	v2 =	vmul.f32 v2, v1;
	_ =	sdelay $0x1  }
0x2cf: {  	[tilespmem:s14+$0x10] =	vst v2  }
0x2d0: {  	v2 =	vld [tilespmem:s22+$0x20];
	_ =	sdelay $0x4  }
0x2d1: {  	v2 =	vmul.f32 v2, v1;
	_ =	sdelay $0x1  }
0x2d2: {  	[tilespmem:s14+$0x20] =	vst v2  }
0x2d3: {  	v2 =	vld [tilespmem:s22+$0x30];
	_ =	sdelay $0x4  }
0x2d4: {  	v2 =	vmul.f32 v2, v1;
	_ =	sdelay $0x1  }
0x2d5: {  	[tilespmem:s14+$0x30] =	vst v2  }
0x2d6: {  	v2 =	vld [tilespmem:s22+$0x40];
	_ =	sdelay $0x1  }
0x2d7: {  	s1 =	sadd.s32 $0x1, s1  }
0x2d8: {  	p1 =	sne.s32 s1, $0x7D  }
.Ltmp18:
0x2d9: {  	_ = 	snop;
	(pc) =	sbr.rel @p1 .LBB2_24-.Ltmp18, $3  }
0x2da: {  	v1 =	vmul.f32 v2, v1;
	_ =	sdelay $0x1  }
0x2db: {  	s10 =	sadd.s32 $0x50, s10;
	s12 =	sadd.s32 $0x50, s12;
	s22 =	sadd.s32 $0x5910, s13;
	[tilespmem:s14+$0x40] =	vst v1  }
0x2dc: {  	[spmem:s2] =	stream.indirect.scatter.add.f32 [tilespmem:s31], [sflag:$0x2], $0x50, s22, s29, $0xb8;
	[tilespmem:$0x191A0] =	vst v63  }
0x2dd: {  	_ =	swait.ge [sflag:s0], $0x1900  }
0x2de: {  	[sflag:s0] =	ssyncset.done $0x0  }
0x2df: {  	[sflag:s0] =	ssyncadd.s32 $0xFFFFE700  }
0x2e0: {  	[bflag:$0x0] =	sbarrier.arrive $0xFFFF  }
.Ltmp19:
0x2e1: {  	s1 =	rddreg [dreg:$0xe];
	(pc) =	sbr.rel .LBB2_29-.Ltmp19, $4  }
0x2e2: {  	[hbm:s1], [sflag:s26] =	dma.local [spmem:s9], $0x186A  }
0x2e3: {  	_ =	swait.ge [sflag:s25], $0x186A  }
0x2e4: {  	[sflag:s25] =	ssyncset.done $0x0  }
0x2e5: {  	[sflag:s25] =	ssyncadd.s32 $0xFFFFE796  }
.LBB2_30:
0x2e6: {  	_ =	sfence.sel $0x180000  }
0x2e7: {  	[bflag:$0x0] =	sbarrier.arrive $0xFFFF  }
0x2e8: {  	_ =	strace $0x9000004A  }
0x2e9: {  	s0 =	stileid.u32;
	[bflag:$0x2] =	sbarrier.arrive $0xFFFF  }
0x2ea: {  	p0 =	sne.s32 s0, $0x0;
	s0 =	rddreg [dreg:$0x2]  }
0x2eb: {  	s0 =	sadd.s32 @!p0 $0x100000, s0  }
0x2ec: {  	[sflag:s0] =	ssyncadd.tile.s32 @!p0 $0x1;
	_ =	shalt  }
.Lfunc_end2:
_tile_overlayer_lowered:
.L_overlay_start_2:
0x2ed: {  	(tag) =	ssettag $0x2  }
0x2ee: {  	s0 =	rddreg [dreg:$0x0];
	s2 =	stileid.u32  }
0x2ef: {  	s1 =	rddreg [dreg:$0x1];
	p0 =	sne.s32 s2, $0x0  }
0x2f0: {  	s3 =	rddreg [dreg:$0x2];
	[bflag:$0x3] =	sbarrier.arrive $0xFFFF;
	s2 =	simm.s32 @!p0 $0x1C03  }
0x2f1: {  	[timem:s3], [sflag:s2] =	dma.local @!p0 [hbm:s0], s1  }
0x2f2: {  	s0 =	simm.s32 @!p0 $0x3  }
0x2f3: {  	_ =	swait.ge @!p0 [sflag:s0], s1  }
0x2f4: {  	s1 =	ssub.s32 @!p0 $0x0, s1;
	[sflag:s0] =	ssyncset.done @!p0 $0x0  }
0x2f5: {  	[sflag:s0] =	ssyncadd.s32 @!p0 s1  }
0x2f6: {  	[bflag:$0x3] =	sbarrier.arrive $0xFFFF  }
0x2f7: {  	_ =	shalt  }

// kernel: kernel.14.cloned.1.call-start
scs
__scs_entry_jumppad:
0x0: {  	(pc) =	sbr.rel $0x88, $3  }
0x1: {  	(tag) =	ssettag $0x0;
	lr =	simm.s32 $0x1  }
0x2: {  	[smem:$0x3F8F] =	sst lr;
	_ =	strace $0xD0000000  }
0x3: {  	_ = 	snop  }
0x4: {  	_ = 	snop  }
0x5: {  	_ = 	snop  }
0x6: {  	_ = 	snop  }
0x7: {  	_ = 	snop  }
__scs_overlays_trampoline_lowered:
0x8: {  	[smem:$0x3F9E] =	sst s0  }
0x9: {  	[smem:$0x3F9F] =	sst s1  }
0xa: {  	[smem:$0x3FA0] =	sst s2  }
0xb: {  	[smem:$0x3FA1] =	sst s3  }
0xc: {  	[smem:$0x3FA2] =	sst s4  }
0xd: {  	[smem:$0x3FA3] =	sst s5  }
0xe: {  	[smem:$0x3FA4] =	sst s6  }
0xf: {  	[smem:$0x3FA5] =	sst s7  }
0x10: {  	[smem:$0x3FA6] =	sst s8  }
0x11: {  	[smem:$0x3FA7] =	sst s9;
	s0 =	simm.s32 @!p0 $0x0  }
0x12: {  	s1 =	sld [smem:$0x3F8D];
	s0 =	simm.s32 @p0 $0x1  }
0x13: {  	[smem:$0x3FA8] =	sst s0;
	s0 =	simm.s32 @!p1 $0x0  }
0x14: {  	s2 =	sld [smem:$0x3F8C];
	s0 =	simm.s32 @p1 $0x1  }
0x15: {  	[smem:$0x3FA9] =	sst s0;
	s0 =	simm.s32 @!p2 $0x0  }
0x16: {  	s3 =	sld [smem:$0x3FDB];
	s0 =	simm.s32 @p2 $0x1  }
0x17: {  	s4 =	simm.s32 $0x1BF5;
	[smem:$0x3FAB] =	sst s0  }
0x18: {  	s0 =	sld [smem:$0x3F8E];
	_ =	swait.ge [sflag:s4], $0x0  }
0x19: {  	s7 =	sld [smem:$0x3F8F]  }
0x1a: {  	s8 =	sadd.s32 $0xFFFFE003, lr  }
0x1b: {  	s9 =	sadd.s32 $0xFFFFFEF7, lr;
	s5 =	simm.s32 $0xFFFFFFFF;
	p2 =	slt.u32 s8, $0xFFFFF086  }
0x1c: {  	p1 =	slt.u32 s9, $0xF7A;
	s5 =	simm.s32 @!p2 $0x0  }
0x1d: {  	s5 =	simm.s32 @p1 $0x1;
	p0 =	seq.s32 s7, s2  }
0x1e: {  	s7 =	smul.u32 @!p0 $0xF7A, s2;
	p2 =	seq.s32 @!p0 s5, $0x0  }
0x1f: {  	s9 =	smul.u32 $0xF7A, s1;
	s8 =	simm.s32 @!p0 $0x1BF5;
	p2 =	por !p2, p0  }
0x20: {  	[sflag:s8] =	ssyncset.s32 @!p0 $0xFFFFF086;
	s6 =	sadd.s32 @!p0 s3, s7;
	s7 =	simm.s32 @!p0 $0x108  }
0x21: {  	s3 =	sadd.s32 s3, s9;
	s6 =	sadd.s32 @!p0 $0x88, s6;
	s7 =	simm.s32 @p2 $0x1082  }
0x22: {  	[simem:s7], [sflag:s8] =	dma.local @!p0 [hbm:s6], $0xF7A  }
0x23: {  	s9 =	sor.u32 $0xD0000000, s2;
	s6 =	simm.s32 $0x108;
	_ =	swait.ge @!p0 [sflag:s8], $0x0  }
0x24: {  	s3 =	sadd.s32 $0x88, s3;
	s6 =	simm.s32 @!p1 $0x1082;
	[sflag:s4] =	ssyncset.s32 $0xFFFFF086  }
0x25: {  	[simem:s6], [sflag:s4] =	dma.local [hbm:s3], $0xF7A  }
0x26: {  	[smem:$0x3F8F] =	sst s1;
	(tag) =	ssettag s2;
	_ =	strace s9  }
0x27: {  	s1 =	sld [smem:$0x3F9F]  }
0x28: {  	s2 =	sld [smem:$0x3FA0]  }
0x29: {  	s4 =	sld [smem:$0x3FA2]  }
0x2a: {  	p0 =	seq.s32 s5, $0x0;
	s5 =	sld [smem:$0x3FA3]  }
0x2b: {  	s6 =	sld [smem:$0x3FA4]  }
0x2c: {  	s7 =	sld [smem:$0x3FA5]  }
0x2d: {  	s3 =	simm.s32 $0x108;
	s8 =	sld [smem:$0x3FA6]  }
0x2e: {  	s3 =	simm.s32 @!p0 $0x1082;
	s9 =	sld [smem:$0x3FA7]  }
0x2f: {  	lr =	sadd.s32 s0, s3;
	s0 =	sld [smem:$0x3F9E]  }
0x30: {  	s3 =	sld [smem:$0x3FA1]  }
0x31: {  	[smem:$0x3FAA] =	sst s10  }
0x32: {  	s10 =	sld [smem:$0x3FA8];
	_ =	sdelay $0x3  }
0x33: {  	p0 =	seq.s32 s10, $0x1;
	s10 =	sld [smem:$0x3FAA];
	_ =	sdelay $0x3  }
0x34: {  	[smem:$0x3FAA] =	sst s10  }
0x35: {  	s10 =	sld [smem:$0x3FA9];
	_ =	sdelay $0x3  }
0x36: {  	p1 =	seq.s32 s10, $0x1;
	s10 =	sld [smem:$0x3FAA];
	_ =	sdelay $0x3  }
0x37: {  	[smem:$0x3FAA] =	sst s10  }
0x38: {  	s10 =	sld [smem:$0x3FAB]  }
0x39: {  	_ = 	snop;
	(pc) =	sbr.ind lr, $3  }
0x3a: {  	_ = 	snop  }
0x3b: {  	_ = 	snop  }
0x3c: {  	p2 =	seq.s32 s10, $0x1;
	s10 =	sld [smem:$0x3FAA]  }
0x3d: {  	_ =	shalt  }
0x3e: {  	_ =	shalt  }
0x3f: {  	_ =	shalt  }
0x40: {  	_ =	shalt  }
0x41: {  	_ =	shalt  }
0x42: {  	_ =	shalt  }
0x43: {  	_ =	shalt  }
0x44: {  	_ =	shalt  }
0x45: {  	_ =	shalt  }
0x46: {  	_ =	shalt  }
0x47: {  	_ =	shalt  }
0x48: {  	_ =	shalt  }
0x49: {  	_ =	shalt  }
0x4a: {  	_ =	shalt  }
0x4b: {  	_ =	shalt  }
0x4c: {  	_ =	shalt  }
0x4d: {  	_ =	shalt  }
0x4e: {  	_ =	shalt  }
0x4f: {  	_ =	shalt  }
0x50: {  	_ =	shalt  }
0x51: {  	_ =	shalt  }
0x52: {  	_ =	shalt  }
0x53: {  	_ =	shalt  }
0x54: {  	_ =	shalt  }
0x55: {  	_ =	shalt  }
0x56: {  	_ =	shalt  }
0x57: {  	_ =	shalt  }
0x58: {  	_ =	shalt  }
0x59: {  	_ =	shalt  }
0x5a: {  	_ =	shalt  }
0x5b: {  	_ =	shalt  }
0x5c: {  	_ =	shalt  }
0x5d: {  	_ =	shalt  }
0x5e: {  	_ =	shalt  }
0x5f: {  	_ =	shalt  }
0x60: {  	_ =	shalt  }
0x61: {  	_ =	shalt  }
0x62: {  	_ =	shalt  }
0x63: {  	_ =	shalt  }
0x64: {  	_ =	shalt  }
0x65: {  	_ =	shalt  }
0x66: {  	_ =	shalt  }
0x67: {  	_ =	shalt  }
0x68: {  	_ =	shalt  }
0x69: {  	_ =	shalt  }
0x6a: {  	_ =	shalt  }
0x6b: {  	_ =	shalt  }
0x6c: {  	_ =	shalt  }
0x6d: {  	_ =	shalt  }
0x6e: {  	_ =	shalt  }
0x6f: {  	_ =	shalt  }
0x70: {  	_ =	shalt  }
0x71: {  	_ =	shalt  }
0x72: {  	_ =	shalt  }
0x73: {  	_ =	shalt  }
0x74: {  	_ =	shalt  }
0x75: {  	_ =	shalt  }
0x76: {  	_ =	shalt  }
0x77: {  	_ =	shalt  }
0x78: {  	_ =	shalt  }
0x79: {  	_ =	shalt  }
0x7a: {  	_ =	shalt  }
0x7b: {  	_ =	shalt  }
0x7c: {  	_ =	shalt  }
0x7d: {  	_ =	shalt  }
0x7e: {  	_ =	shalt  }
0x7f: {  	_ =	shalt  }
0x80: {  	_ =	shalt  }
0x81: {  	_ =	shalt  }
0x82: {  	_ =	shalt  }
0x83: {  	_ =	shalt  }
0x84: {  	_ =	shalt  }
0x85: {  	_ =	shalt  }
0x86: {  	_ =	shalt  }
0x87: {  	_ =	shalt  }
.Lfunc_end0:
.L_simem_size_0:
called_computation.2_lowered:
.L_overlay_start_0:
0x88: {  	s2 =	sld [smem:$0x3FD9]  }
0x89: {  	s3 =	sld [smem:$0x3FFE];
	_ =	sdelay $0x1  }
0x8a: {  	s1 =	srdreg.scid  }
0x8b: {  	s0 =	sand.u32 $0x1, s1  }
0x8c: {  	s16 =	sshll.u32 s0, $0xA;
	s2 =	sadd.s32 s3, s2  }
0x8d: {  	s2 =	sadd.s32 s2, s16  }
0x8e: {  	[smem:$0x3FB6] =	sst s2  }
0x8f: {  	_ = 	snop  }
0x90: {  	(tm) =	ssettm $0x1  }
0x91: {  	s17 =	sld [smem:$0x3FFB];
	_ =	sdelay $0x3  }
0x92: {  	_ =	strace s17  }
0x93: {  	s2 =	sld [smem:$0x3FFC];
	_ =	sdelay $0x3  }
0x94: {  	_ =	strace s2  }
0x95: {  	s2 =	sld [smem:$0x3FFD];
	_ =	sdelay $0x3  }
0x96: {  	_ =	strace s2  }
0x97: {  	_ =	strace $0x8FFFFFFF  }
0x98: {  	s18 =	sld [smem:$0x3FDB];
	_ =	sdelay $0x1  }
0x99: {  	s19 =	simm.s32 $_scs_section_size  }
0x9a: {  	s4 =	simm.s32 $_size__tile_overlayer_lowered;
	s5 =	simm.s32 $_tile_overlayer_lowered  }
0x9b: {  	s22 =	simm.s32 $0x1BFF;
	s21 =	sshll.u32 s5, $0x1;
	s2 =	sadd.s32 s19, s18  }
0x9c: {  	s6 =	simm.s32 $0x0;
	s20 =	sshll.u32 s4, $0x1;
	s4 =	sadd.s32 s21, s2  }
0x9d: {  	[timem:s6], [sflag:s22] =	dma.local [hbm:s4], s20  }
0x9e: {  	_ =	swait.ge [sflag:s22], s20  }
0x9f: {  	s3 =	ssub.s32 $0x0, s20;
	[sflag:s22] =	ssyncset.done $0x0  }
0xa0: {  	[sflag:s22] =	ssyncadd.s32 s3;
	_ =	sdelay $0x1  }
0xa1: {  	s23 =	simm.s32 $0x1B8B  }
0xa2: {  	_ =	swait.ge [sflag:s23], $0x1  }
0xa3: {  	[sflag:s23] =	ssyncset.done $0x0  }
0xa4: {  	s25 =	simm.s32 $0x1B8E;
	s24 =	sld [smem:$0x3FFE];
	[sflag:s23] =	ssyncadd.s32 $0xFFFFFFFF  }
0xa5: {  	s26 =	simm.s32 $execute0_lowered;
	[smem:$0x3FD2] =	sst s25  }
0xa6: {  	s4 =	sshll.u32 s26, $0x1;
	_ =	strace $0x8000004C;
	[dreg:$0x1] =	wrdreg $0xFFFFFFFF  }
0xa7: {  	s28 =	simm.s32 $_size_execute0_lowered;
	s2 =	sadd.s32 s2, s4;
	[dreg:$0x0] =	wrdreg $0x0  }
0xa8: {  	s4 =	sshll.u32 s28, $0x1;
	[dreg:$0x2] =	wrdreg s2  }
0xa9: {  	[dreg:$0x3] =	wrdreg s4  }
0xaa: {  	[dreg:$0x4] =	wrdreg $0xC0  }
0xab: {  	_ =	task [dreg:s6], $0x5FFFF  }
0xac: {  	[dreg:$0x1] =	wrdreg $0xFFFFFFFF  }
0xad: {  	[dreg:$0x0] =	wrdreg $0x60  }
0xae: {  	[dreg:$0x2] =	wrdreg s24  }
0xaf: {  	[dreg:$0x3] =	wrdreg $0x90800  }
0xb0: {  	[dreg:$0x4] =	wrdreg $0x9  }
0xb1: {  	_ =	task.clear_ibuf [dreg:s6], $0x5FFFF;
	_ =	strace $0x9000004C  }
0xb2: {  	s29 =	simm.s32 $0x9;
	_ =	strace $0x8000004E  }
0xb3: {  	_ =	swait.ge [sflag:s29], $0x1  }
0xb4: {  	[sflag:s29] =	ssyncadd.s32 $0xFFFFFFFF  }
0xb5: {  	_ =	strace $0x9000004E  }
0xb6: {  	_ =	sfence  }
0xb7: {  	s30 =	sld [smem:$0x0];
	_ =	sdelay $0x2  }
0xb8: {  	s31 =	sshll.u32 s1, $0xD;
	s1 =	sshrl.u32 s1, $0x2  }
0xb9: {  	s3 =	sand.u32 $0x4000, s31;
	s1 =	sadd.s32 s1, s30  }
0xba: {  	s0 =	sor.u32 s3, s0;
	s1 =	sshll.u32 s1, $0x11  }
0xbb: {  	s0 =	sor.u32 s1, s0  }
0xbc: {  	s0 =	sadd.s32 $0x8F2B, s0  }
0xbd: {  	[sflag:s0] =	ssyncadd.remote.s32 $0x1  }
0xbe: {  	_ =	sfence.sel $0xFFFF  }
0xbf: {  	[dreg:$0x0] =	wrdreg $0xFFFFFFFF;
	(pc) =	sbr.abs _section_cstart, $3  }
0xc0: {  	[dreg:$0x1] =	wrdreg $0xFFFFFFFF  }
0xc1: {  	_ =	task.clear_ibuf [dreg:s6], $0x2FFFF;
	_ =	strace $0x9FFFFFFF  }
0xc2: {  	(tm) =	ssettm $0x7FFFFFFF  }
0xc3: {  	_ =	shalt  }
tec
execute0_lowered:
.L_overlay_start_1:
0x0: {  	(tag) =	ssettag $0x1  }
0x1: {  	s1 =	rddreg [dreg:$0x0];
	s3 =	srdreg.scid  }
0x2: {  	s0 =	stileid.u32;
	s2 =	rddreg [dreg:$0x1];
	s16 =	simm.s32 $0x6970  }
0x3: {  	s17 =	simm.s32 $0x28;
	s18 =	simm.s32 $0x280;
	s19 =	simm.s32 $0x1  }
0x4: {  	s20 =	simm.s32 $0x2;
	s21 =	simm.s32 $0x4260;
	s22 =	simm.s32 $0x500  }
0x5: {  	s23 =	simm.s32 $0x3;
	s24 =	simm.s32 $0x0;
	s6 =	sand.u32 $0x1, s3  }
0x6: {  	s4 =	sshll.u32 s0, $0x1;
	s3 =	simm.s32 $0x0;
	s8 =	smul.u32 $0x2710, s0  }
0x7: {  	s12 =	sadd.s32 $0x3000, s1;
	s7 =	sor.u32 s6, s4;
	s10 =	smul.u32 $0x27100, s6  }
0x8: {  	[smem:$0x7FF] =	sst s3;
	s4 =	sadd.s32 $0xD000, s1;
	s15 =	smul.u32 $0x1388, s6  }
0x9: {  	s13 =	ssub.s32 $0x2, s6;
	s5 =	smul.u32 $0x1388, s7;
	_ =	strace $0x8000004D  }
0xa: {  	s7 =	smul.u32 $0x4E2, s7;
	s14 =	sshrl.u32 s13, $0x1;
	s10 =	sadd.s32 s8, s10  }
0xb: {  	s13 =	ssub.s32 s13, s14;
	s30 =	sadd.s32 s15, s8;
	s8 =	sadd.s32 s8, s2  }
0xc: {  	s14 =	simm.s32 $0x4;
	s15 =	simm.s32 $0x1B08;
	s9 =	sshrl.u32 s5, $0x3  }
0xd: {  	s5 =	sadd.s32 $0x12000, s1;
	s10 =	sshrl.u32 s10, $0x3;
	s31 =	sshrl.u32 s30, $0x3  }
0xe: {  	s11 =	sadd.s32 s9, s1;
	s10 =	sadd.s32 s10, s1;
	s1 =	sadd.s32 s7, s1  }
0xf: {  	s7 =	sadd.s32 s12, s9;
	s12 =	sadd.s32 s31, s12;
	s6 =	sadd.s32 $0x8000, s11  }
0x10: {  	v0 =	vimm.f32 $0.0e+00;
	v1 =	vlaneseq.u32;
	s9 =	sadd.s32 $0x17000, s10;
	s10 =	sadd.s32 $0x20E00, s1;
	s11 =	smax.u32 s13, $0x1  }
.LBB2_1:
0x11: {  	s0 =	simm.s32 $0x780  }
0x12: {  	[tilespmem:s0], [sflag:$0x4] =	stream.linear.gather [hbm4b:s6+s3], $0x1388, $0x38;
	[tilespmem:$0xB790] =	vst v63  }
0x13: {  	_ =	swait.ge [sflag:s14], $0x1388  }
0x14: {  	[sflag:s14] =	ssyncset.done $0x0  }
0x15: {  	[sflag:s14] =	ssyncadd.s32 $0xFFFFEC78  }
0x16: {  	[tilespmem:s15], [sflag:$0x4] =	stream.linear.gather [hbm4b:s7+s3], $0x1388, $0x38;
	[tilespmem:$0xB790] =	vst v63  }
0x17: {  	_ =	swait.ge [sflag:s14], $0x1388  }
0x18: {  	[sflag:s14] =	ssyncset.done $0x0  }
0x19: {  	s1 =	simm.s32 $0x2EA0;
	s25 =	sadd.s32 $0x0, s12;
	[sflag:s14] =	ssyncadd.s32 $0xFFFFEC78  }
0x1a: {  	[tilespmem:s1], [sflag:$0x4] =	stream.linear.gather [hbm4b:s25+s3], $0x28, $0x38;
	[tilespmem:$0xB790] =	vst v63  }
0x1b: {  	_ =	swait.ge [sflag:s14], $0x28  }
0x1c: {  	s1 =	simm.s32 $0x5;
	s25 =	simm.s32 $0x2EC8;
	[sflag:s14] =	ssyncset.done $0x0  }
.LBB2_2:
0x1d: {  	s26 =	sadd.s32 s1, s12  }
0x1e: {  	s28 =	simm.s32 $0x0;
	[sflag:s14] =	ssyncadd.s32 $0xFFFFFFD8;
	p0 =	sne.s32 s1, $0x26C  }
0x1f: {  	[tilespmem:s25], [sflag:$0x4] =	stream.linear.gather [hbm4b:s26+s28], $0x28, $0x38;
	[tilespmem:$0xB790] =	vst v63  }
.Ltmp0:
0x20: {  	_ = 	snop;
	(pc) =	sbr.rel @p0 .LBB2_2-.Ltmp0, $4  }
0x21: {  	_ = 	snop  }
0x22: {  	s1 =	sadd.s32 $0x5, s1  }
0x23: {  	_ =	swait.ge [sflag:s14], $0x28  }
0x24: {  	s25 =	sadd.s32 $0x28, s25;
	[sflag:s14] =	ssyncset.done $0x0  }
0x25: {  	[sflag:s14] =	ssyncadd.s32 $0xFFFFFFD8;
	s1 =	simm.s32 $0x40;
	s25 =	simm.s32 $0x0  }
.LBB2_4:
0x26: {  	p0 =	sne.s32 s1, $0x9C00;
	[tilespmem:s25+$0x4260] =	vst v0;
	s25 =	smov.u32 s1;
	s1 =	sadd.s32 $0x40, s1  }
.Ltmp1:
0x27: {  	(pc) =	sbr.rel @p0 .LBB2_4-.Ltmp1, $2  }
0x28: {  	_ =	sdelay $0x2  }
0x29: {  	s25 =	sshra.s32 s25, $0x2  }
0x2a: {  	[tilespmem:s25+$0x4260] =	vst v0;
	s1 =	simm.s32 $0x40;
	s25 =	simm.s32 $0x0  }
.LBB2_6:
0x2b: {  	p0 =	sne.s32 s1, $0x9C00;
	[tilespmem:s25+$0x6970] =	vst v0;
	s25 =	smov.u32 s1;
	s1 =	sadd.s32 $0x40, s1  }
.Ltmp2:
0x2c: {  	(pc) =	sbr.rel @p0 .LBB2_6-.Ltmp2, $2  }
0x2d: {  	_ =	sdelay $0x2  }
0x2e: {  	s25 =	sshra.s32 s25, $0x2  }
0x2f: {  	[tilespmem:s25+$0x6970] =	vst v0  }
0x30: {  	[spmem:s8] =	stream.linear.scatter [tilespmem:s16], [sflag:$0x4], $0x2710, $0x38;
	[tilespmem:$0xB790] =	vst v63  }
0x31: {  	_ =	swait.ge [sflag:s14], $0x2710  }
0x32: {  	[sflag:s14] =	ssyncset.done $0x0  }
0x33: {  	[sflag:s14] =	ssyncadd.s32 $0xFFFFD8F0  }
0x34: {  	s25 =	simm.s32 $0x0;
	s26 =	simm.s32 $0x0;
	[bflag:$0x0] =	sbarrier.arrive $0xFFFF  }
.LBB2_8:
0x35: {  	s28 =	smul.u32 $0x28, s26;
	_ =	sdelay $0x1  }
0x36: {  	s1 =	sadd.s32 $0x1B08, s28  }
0x37: {  	[tilespmem:s3], [sflag:$0x1] =	stream.indirect.gather [hbm4b:s4+s17], $0x10, s1, s17, $0xb8;
	[tilespmem:$0xB790] =	vst v63  }
0x38: {  	s13 =	sadd.s32 $0x780, s28  }
0x39: {  	[tilespmem:s18], [sflag:$0x2] =	stream.indirect.gather [hbm4b:s5+s17], $0x10, s13, s17, $0xb8;
	[tilespmem:$0xB790] =	vst v63  }
0x3a: {  	_ =	swait.ge [sflag:s19], $0x280  }
0x3b: {  	[sflag:s19] =	ssyncset.done $0x0  }
0x3c: {  	[sflag:s19] =	ssyncadd.s32 $0xFFFFFD80  }
0x3d: {  	_ =	swait.ge [sflag:s20], $0x280  }
0x3e: {  	p0 =	seq.s32 s26, $0x0;
	[sflag:s20] =	ssyncset.done $0x0  }
0x3f: {  	s1 =	simm.s32 @!p0 $0x3;
	[sflag:s20] =	ssyncadd.s32 $0xFFFFFD80  }
0x40: {  	_ =	swait.ge @!p0 [sflag:s1], $0x280  }
0x41: {  	[sflag:s1] =	ssyncset.done @!p0 $0x0  }
0x42: {  	s29 =	simm.s32 $0x280;
	[sflag:s1] =	ssyncadd.s32 @!p0 $0xFFFFFD80  }
0x43: {  	v2 =	vld [tilespmem:s29+$0x0]  }
0x44: {  	s31 =	simm.s32 $0x1;
	s30 =	simm.s32 $0x0;
	s1 =	simm.s32 $0x0;
	v3 =	vld [tilespmem:s25+$0x0]  }
.LBB2_9:
0x45: {  	p0 =	sne.s32 s31, $0x27;
	_ =	sdelay $0x3  }
0x46: {  	v2 =	vmul.f32 v2, v3;
	_ =	sdelay $0x1  }
0x47: {  	(xrf2) =	vadd.scan.msk.f32 $0xffff, v2;
	_ =	sdelay $0x6  }
0x48: {  	s0 =	sand.u32 $0x30, s30  }
0x49: {  	v2 =	vld [tilespmem:s0+$0x4228];
	_ =	sdelay $0x1  }
0x4a: {  	s13 =	sand.u32 $0xF, s30;
	s30 =	smov.u32 s31;
	v3, _, _ =	vpop (xrf2)  }
0x4b: {  	v4 =	vmov s13;
	v3 =	vbroadcast v3, $0xF  }
.Ltmp3:
0x4c: {  	vm0 =	veq.s32 v4, v1;
	(pc) =	sbr.rel @p0 .LBB2_9-.Ltmp3, $4  }
0x4d: {  	v2 =	vsel vm0, v3, v2  }
0x4e: {  	s29 =	sadd.s32 $0x10, s29;
	[tilespmem:s0+$0x4228] =	vst v2  }
0x4f: {  	s1 =	sadd.s32 $0x10, s1;
	v2 =	vld [tilespmem:s29+$0x0]  }
0x50: {  	s31 =	sadd.s32 $0x1, s31;
	v3 =	vld [tilespmem:s1+$0x0]  }
0x51: {  	_ =	sdelay $0x3  }
0x52: {  	v2 =	vmul.f32 v2, v3;
	_ =	sdelay $0x1  }
0x53: {  	(xrf2) =	vadd.scan.msk.f32 $0xffff, v2;
	_ =	sdelay $0x6  }
0x54: {  	s0 =	sand.u32 $0x30, s30  }
0x55: {  	v2 =	vld [tilespmem:s0+$0x4228];
	_ =	sdelay $0x1  }
0x56: {  	s1 =	sand.u32 $0xF, s30;
	v3, _, _ =	vpop (xrf2)  }
0x57: {  	v4 =	vmov s1;
	v3 =	vbroadcast v3, $0xF  }
0x58: {  	vm0 =	veq.s32 v4, v1  }
0x59: {  	v2 =	vsel vm0, v3, v2  }
0x5a: {  	[tilespmem:s0+$0x4228] =	vst v2  }
0x5b: {  	v2 =	vld [tilespmem:$0x4228];
	_ =	sdelay $0x4  }
0x5c: {  	v2 =	vmul.f32 $5.000000000e-01, v2;
	_ =	sdelay $0x1  }
0x5d: {  	v2 =	vmul.f32 $1.442695020e+00, v2;
	_ =	sdelay $0x1  }
0x5e: {  	(erf) = vpow2.f32 v2;
	_ =	sdelay $0x8  }
0x5f: {  	v2 =	vpop (erf)  }
0x60: {  	[tilespmem:$0x4228] =	vst v2  }
0x61: {  	v3 =	vld [tilespmem:s28+$0x1B08];
	_ =	sdelay $0x7  }
0x62: {  	[tilespmem:v3+s21+$0x0] =	vst.idx.add.f32.msk $0xffff, v2  }
0x63: {  	v2 =	vld [tilespmem:$0x4238];
	_ =	sdelay $0x4  }
0x64: {  	v2 =	vmul.f32 $5.000000000e-01, v2;
	_ =	sdelay $0x1  }
0x65: {  	v2 =	vmul.f32 $1.442695020e+00, v2;
	_ =	sdelay $0x1  }
0x66: {  	(erf) = vpow2.f32 v2;
	_ =	sdelay $0x8  }
0x67: {  	v2 =	vpop (erf)  }
0x68: {  	[tilespmem:$0x4238] =	vst v2  }
0x69: {  	v3 =	vld [tilespmem:s28+$0x1B18];
	_ =	sdelay $0x7  }
0x6a: {  	[tilespmem:v3+s21+$0x0] =	vst.idx.add.f32.msk $0xffff, v2  }
0x6b: {  	v2 =	vld [tilespmem:$0x4248];
	_ =	sdelay $0x4  }
0x6c: {  	v2 =	vmul.f32 $5.000000000e-01, v2;
	_ =	sdelay $0x1  }
0x6d: {  	v2 =	vmul.f32 $1.442695020e+00, v2;
	_ =	sdelay $0x1  }
0x6e: {  	(erf) = vpow2.f32 v2;
	_ =	sdelay $0x8  }
0x6f: {  	v2 =	vpop (erf)  }
0x70: {  	[tilespmem:$0x4248] =	vst v2  }
0x71: {  	v3 =	vld [tilespmem:s28+$0x1B28];
	_ =	sdelay $0x7  }
0x72: {  	s13 =	simm.s32 $0x4229;
	[tilespmem:v3+s21+$0x0] =	vst.idx.add.f32.msk $0xff, v2  }
0x73: {  	s1 =	simm.s32 $0x290;
	v2 =	vld.msk [tilespmem:s13+$0xFFFFFFFF ss:$0x0], $0xffff  }
0x74: {  	v3 =	vld [tilespmem:s1+$0xFFFFFFF0];
	_ =	sdelay $0x4  }
0x75: {  	v2 =	vmul.f32 v2, v3  }
0x76: {  	s29 =	simm.s32 $0x510  }
0x77: {  	[tilespmem:s29+$0xFFFFFFF0] =	vst v2  }
0x78: {  	v2 =	vld.msk [tilespmem:s13+$0x0 ss:$0x0], $0xffff  }
0x79: {  	v3 =	vld [tilespmem:s1+$0x0];
	_ =	sdelay $0x4  }
0x7a: {  	v2 =	vmul.f32 v2, v3  }
0x7b: {  	s30 =	simm.s32 $0x0;
	s31 =	simm.s32 $0x422B  }
.LBB2_11:
0x7c: {  	s30 =	sadd.s32 $0x2, s30;
	[tilespmem:s29+$0x0] =	vst v2;
	s29 =	sadd.s32 $0x20, s29;
	s1 =	sadd.s32 $0x20, s1  }
0x7d: {  	v2 =	vld.msk [tilespmem:s31+$0xFFFFFFFF ss:$0x0], $0xffff;
	p0 =	slt.u32 s30, $0x26  }
0x7e: {  	v3 =	vld [tilespmem:s1+$0xFFFFFFF0];
	_ =	sdelay $0x4  }
0x7f: {  	v2 =	vmul.f32 v2, v3;
	_ =	sdelay $0x1  }
0x80: {  	[tilespmem:s29+$0xFFFFFFF0] =	vst v2  }
0x81: {  	v2 =	vld.msk [tilespmem:s31+$0x0 ss:$0x0], $0xffff  }
0x82: {  	v3 =	vld [tilespmem:s1+$0x0];
	_ =	sdelay $0x1  }
.Ltmp4:
0x83: {  	(pc) =	sbr.rel @p0 .LBB2_11-.Ltmp4, $3  }
0x84: {  	_ =	sdelay $0x1  }
0x85: {  	v2 =	vmul.f32 v2, v3  }
0x86: {  	s31 =	sadd.s32 $0x2, s31  }
0x87: {  	s26 =	sadd.s32 $0x1, s26  }
0x88: {  	p0 =	sne.s32 s26, $0x7D  }
.Ltmp5:
0x89: {  	_ = 	snop;
	(pc) =	sbr.rel @p0 .LBB2_8-.Ltmp5, $3  }
0x8a: {  	_ =	sdelay $0x1  }
0x8b: {  	[tilespmem:s29+$0x0] =	vst v2;
	s0 =	sadd.s32 $0x2EA0, s28  }
0x8c: {  	[spmem:s2] =	stream.indirect.scatter.add.f32 [tilespmem:s22], [sflag:$0x3], $0x10, s0, s17, $0xb8;
	[tilespmem:$0xB790] =	vst v63  }
0x8d: {  	_ =	swait.ge [sflag:s23], $0x280  }
0x8e: {  	s0 =	stileid.u32;
	[sflag:s23] =	ssyncset.done $0x0  }
0x8f: {  	s0 =	sshll.u32 s0, $0x6;
	[sflag:s23] =	ssyncadd.s32 $0xFFFFFD80  }
0x90: {  	s1 =	sshrl.u32 s8, $0x3;
	s0 =	sor.u32 $0x1C04, s0;
	[bflag:$0x0] =	sbarrier.arrive $0xFFFF  }
0x91: {  	[hbm:s9], [sflag:s0] =	dma.local [spmem:s1], $0x4E2  }
0x92: {  	s24 =	sadd.s32 $0x1, s24;
	_ =	swait.ge [sflag:s14], $0x4E2  }
0x93: {  	p0 =	sne.s32 s24, s11;
	[sflag:s14] =	ssyncset.done $0x0  }
.Ltmp6:
0x94: {  	[sflag:s14] =	ssyncadd.s32 $0xFFFFFB1E;
	(pc) =	sbr.rel @p0 .LBB2_1-.Ltmp6, $4  }
0x95: {  	[hbm4b:s10+s3] =	stream.linear.scatter [tilespmem:s21], [sflag:$0x4], $0x2710, $0x38;
	[tilespmem:$0xB790] =	vst v63  }
0x96: {  	_ =	swait.ge [sflag:s14], $0x2710  }
0x97: {  	[sflag:s14] =	ssyncset.done $0x0  }
0x98: {  	[sflag:s14] =	ssyncadd.s32 $0xFFFFD8F0  }
0x99: {  	_ =	sfence.sel $0x180000  }
0x9a: {  	[bflag:$0x0] =	sbarrier.arrive $0xFFFF  }
0x9b: {  	_ =	strace $0x9000004D  }
0x9c: {  	s0 =	stileid.u32;
	[bflag:$0x2] =	sbarrier.arrive $0xFFFF  }
0x9d: {  	p0 =	sne.s32 s0, $0x0;
	s0 =	rddreg [dreg:$0x2]  }
0x9e: {  	s0 =	sadd.s32 @!p0 $0x100000, s0  }
0x9f: {  	[sflag:s0] =	ssyncadd.tile.s32 @!p0 $0x1;
	_ =	shalt  }
.Lfunc_end2:
_tile_overlayer_lowered:
.L_overlay_start_2:
0xa0: {  	(tag) =	ssettag $0x2  }
0xa1: {  	s0 =	rddreg [dreg:$0x0];
	s2 =	stileid.u32  }
0xa2: {  	s1 =	rddreg [dreg:$0x1];
	p0 =	sne.s32 s2, $0x0  }
0xa3: {  	s3 =	rddreg [dreg:$0x2];
	[bflag:$0x3] =	sbarrier.arrive $0xFFFF;
	s2 =	simm.s32 @!p0 $0x1C04  }
0xa4: {  	[timem:s3], [sflag:s2] =	dma.local @!p0 [hbm:s0], s1  }
0xa5: {  	s0 =	simm.s32 @!p0 $0x4  }
0xa6: {  	_ =	swait.ge @!p0 [sflag:s0], s1  }
0xa7: {  	s1 =	ssub.s32 @!p0 $0x0, s1;
	[sflag:s0] =	ssyncset.done @!p0 $0x0  }
0xa8: {  	[sflag:s0] =	ssyncadd.s32 @!p0 s1  }
0xa9: {  	[bflag:$0x3] =	sbarrier.arrive $0xFFFF  }
0xaa: {  	_ =	shalt  }

// kernel: kernel.8.cloned.1.call-start
scs
__scs_entry_jumppad:
0x0: {  	(pc) =	sbr.rel $0x88, $3  }
0x1: {  	(tag) =	ssettag $0x0;
	lr =	simm.s32 $0x1  }
0x2: {  	[smem:$0x3F8F] =	sst lr;
	_ =	strace $0xD0000000  }
0x3: {  	_ = 	snop  }
0x4: {  	_ = 	snop  }
0x5: {  	_ = 	snop  }
0x6: {  	_ = 	snop  }
0x7: {  	_ = 	snop  }
__scs_overlays_trampoline_lowered:
0x8: {  	[smem:$0x3F9E] =	sst s0  }
0x9: {  	[smem:$0x3F9F] =	sst s1  }
0xa: {  	[smem:$0x3FA0] =	sst s2  }
0xb: {  	[smem:$0x3FA1] =	sst s3  }
0xc: {  	[smem:$0x3FA2] =	sst s4  }
0xd: {  	[smem:$0x3FA3] =	sst s5  }
0xe: {  	[smem:$0x3FA4] =	sst s6  }
0xf: {  	[smem:$0x3FA5] =	sst s7  }
0x10: {  	[smem:$0x3FA6] =	sst s8  }
0x11: {  	[smem:$0x3FA7] =	sst s9;
	s0 =	simm.s32 @!p0 $0x0  }
0x12: {  	s1 =	sld [smem:$0x3F8D];
	s0 =	simm.s32 @p0 $0x1  }
0x13: {  	[smem:$0x3FA8] =	sst s0;
	s0 =	simm.s32 @!p1 $0x0  }
0x14: {  	s2 =	sld [smem:$0x3F8C];
	s0 =	simm.s32 @p1 $0x1  }
0x15: {  	[smem:$0x3FA9] =	sst s0;
	s0 =	simm.s32 @!p2 $0x0  }
0x16: {  	s3 =	sld [smem:$0x3FDB];
	s0 =	simm.s32 @p2 $0x1  }
0x17: {  	s4 =	simm.s32 $0x1BF5;
	[smem:$0x3FAB] =	sst s0  }
0x18: {  	s0 =	sld [smem:$0x3F8E];
	_ =	swait.ge [sflag:s4], $0x0  }
0x19: {  	s7 =	sld [smem:$0x3F8F]  }
0x1a: {  	s8 =	sadd.s32 $0xFFFFE003, lr  }
0x1b: {  	s9 =	sadd.s32 $0xFFFFFEF7, lr;
	s5 =	simm.s32 $0xFFFFFFFF;
	p2 =	slt.u32 s8, $0xFFFFF086  }
0x1c: {  	p1 =	slt.u32 s9, $0xF7A;
	s5 =	simm.s32 @!p2 $0x0  }
0x1d: {  	s5 =	simm.s32 @p1 $0x1;
	p0 =	seq.s32 s7, s2  }
0x1e: {  	s7 =	smul.u32 @!p0 $0xF7A, s2;
	p2 =	seq.s32 @!p0 s5, $0x0  }
0x1f: {  	s9 =	smul.u32 $0xF7A, s1;
	s8 =	simm.s32 @!p0 $0x1BF5;
	p2 =	por !p2, p0  }
0x20: {  	[sflag:s8] =	ssyncset.s32 @!p0 $0xFFFFF086;
	s6 =	sadd.s32 @!p0 s3, s7;
	s7 =	simm.s32 @!p0 $0x108  }
0x21: {  	s3 =	sadd.s32 s3, s9;
	s6 =	sadd.s32 @!p0 $0x88, s6;
	s7 =	simm.s32 @p2 $0x1082  }
0x22: {  	[simem:s7], [sflag:s8] =	dma.local @!p0 [hbm:s6], $0xF7A  }
0x23: {  	s9 =	sor.u32 $0xD0000000, s2;
	s6 =	simm.s32 $0x108;
	_ =	swait.ge @!p0 [sflag:s8], $0x0  }
0x24: {  	s3 =	sadd.s32 $0x88, s3;
	s6 =	simm.s32 @!p1 $0x1082;
	[sflag:s4] =	ssyncset.s32 $0xFFFFF086  }
0x25: {  	[simem:s6], [sflag:s4] =	dma.local [hbm:s3], $0xF7A  }
0x26: {  	[smem:$0x3F8F] =	sst s1;
	(tag) =	ssettag s2;
	_ =	strace s9  }
0x27: {  	s1 =	sld [smem:$0x3F9F]  }
0x28: {  	s2 =	sld [smem:$0x3FA0]  }
0x29: {  	s4 =	sld [smem:$0x3FA2]  }
0x2a: {  	p0 =	seq.s32 s5, $0x0;
	s5 =	sld [smem:$0x3FA3]  }
0x2b: {  	s6 =	sld [smem:$0x3FA4]  }
0x2c: {  	s7 =	sld [smem:$0x3FA5]  }
0x2d: {  	s3 =	simm.s32 $0x108;
	s8 =	sld [smem:$0x3FA6]  }
0x2e: {  	s3 =	simm.s32 @!p0 $0x1082;
	s9 =	sld [smem:$0x3FA7]  }
0x2f: {  	lr =	sadd.s32 s0, s3;
	s0 =	sld [smem:$0x3F9E]  }
0x30: {  	s3 =	sld [smem:$0x3FA1]  }
0x31: {  	[smem:$0x3FAA] =	sst s10  }
0x32: {  	s10 =	sld [smem:$0x3FA8];
	_ =	sdelay $0x3  }
0x33: {  	p0 =	seq.s32 s10, $0x1;
	s10 =	sld [smem:$0x3FAA];
	_ =	sdelay $0x3  }
0x34: {  	[smem:$0x3FAA] =	sst s10  }
0x35: {  	s10 =	sld [smem:$0x3FA9];
	_ =	sdelay $0x3  }
0x36: {  	p1 =	seq.s32 s10, $0x1;
	s10 =	sld [smem:$0x3FAA];
	_ =	sdelay $0x3  }
0x37: {  	[smem:$0x3FAA] =	sst s10  }
0x38: {  	s10 =	sld [smem:$0x3FAB]  }
0x39: {  	_ = 	snop;
	(pc) =	sbr.ind lr, $3  }
0x3a: {  	_ = 	snop  }
0x3b: {  	_ = 	snop  }
0x3c: {  	p2 =	seq.s32 s10, $0x1;
	s10 =	sld [smem:$0x3FAA]  }
0x3d: {  	_ =	shalt  }
0x3e: {  	_ =	shalt  }
0x3f: {  	_ =	shalt  }
0x40: {  	_ =	shalt  }
0x41: {  	_ =	shalt  }
0x42: {  	_ =	shalt  }
0x43: {  	_ =	shalt  }
0x44: {  	_ =	shalt  }
0x45: {  	_ =	shalt  }
0x46: {  	_ =	shalt  }
0x47: {  	_ =	shalt  }
0x48: {  	_ =	shalt  }
0x49: {  	_ =	shalt  }
0x4a: {  	_ =	shalt  }
0x4b: {  	_ =	shalt  }
0x4c: {  	_ =	shalt  }
0x4d: {  	_ =	shalt  }
0x4e: {  	_ =	shalt  }
0x4f: {  	_ =	shalt  }
0x50: {  	_ =	shalt  }
0x51: {  	_ =	shalt  }
0x52: {  	_ =	shalt  }
0x53: {  	_ =	shalt  }
0x54: {  	_ =	shalt  }
0x55: {  	_ =	shalt  }
0x56: {  	_ =	shalt  }
0x57: {  	_ =	shalt  }
0x58: {  	_ =	shalt  }
0x59: {  	_ =	shalt  }
0x5a: {  	_ =	shalt  }
0x5b: {  	_ =	shalt  }
0x5c: {  	_ =	shalt  }
0x5d: {  	_ =	shalt  }
0x5e: {  	_ =	shalt  }
0x5f: {  	_ =	shalt  }
0x60: {  	_ =	shalt  }
0x61: {  	_ =	shalt  }
0x62: {  	_ =	shalt  }
0x63: {  	_ =	shalt  }
0x64: {  	_ =	shalt  }
0x65: {  	_ =	shalt  }
0x66: {  	_ =	shalt  }
0x67: {  	_ =	shalt  }
0x68: {  	_ =	shalt  }
0x69: {  	_ =	shalt  }
0x6a: {  	_ =	shalt  }
0x6b: {  	_ =	shalt  }
0x6c: {  	_ =	shalt  }
0x6d: {  	_ =	shalt  }
0x6e: {  	_ =	shalt  }
0x6f: {  	_ =	shalt  }
0x70: {  	_ =	shalt  }
0x71: {  	_ =	shalt  }
0x72: {  	_ =	shalt  }
0x73: {  	_ =	shalt  }
0x74: {  	_ =	shalt  }
0x75: {  	_ =	shalt  }
0x76: {  	_ =	shalt  }
0x77: {  	_ =	shalt  }
0x78: {  	_ =	shalt  }
0x79: {  	_ =	shalt  }
0x7a: {  	_ =	shalt  }
0x7b: {  	_ =	shalt  }
0x7c: {  	_ =	shalt  }
0x7d: {  	_ =	shalt  }
0x7e: {  	_ =	shalt  }
0x7f: {  	_ =	shalt  }
0x80: {  	_ =	shalt  }
0x81: {  	_ =	shalt  }
0x82: {  	_ =	shalt  }
0x83: {  	_ =	shalt  }
0x84: {  	_ =	shalt  }
0x85: {  	_ =	shalt  }
0x86: {  	_ =	shalt  }
0x87: {  	_ =	shalt  }
.Lfunc_end0:
.L_simem_size_0:
called_computation_lowered:
.L_overlay_start_0:
0x88: {  	s2 =	sld [smem:$0x3FD9]  }
0x89: {  	s3 =	sld [smem:$0x3FFE];
	_ =	sdelay $0x1  }
0x8a: {  	s1 =	srdreg.scid  }
0x8b: {  	s0 =	sand.u32 $0x1, s1  }
0x8c: {  	s16 =	sshll.u32 s0, $0xA;
	s2 =	sadd.s32 s3, s2  }
0x8d: {  	s2 =	sadd.s32 s2, s16  }
0x8e: {  	[smem:$0x3FB6] =	sst s2  }
0x8f: {  	_ = 	snop  }
0x90: {  	(tm) =	ssettm $0x1  }
0x91: {  	s17 =	sld [smem:$0x3FFB];
	_ =	sdelay $0x3  }
0x92: {  	_ =	strace s17  }
0x93: {  	s2 =	sld [smem:$0x3FFC];
	_ =	sdelay $0x3  }
0x94: {  	_ =	strace s2  }
0x95: {  	s2 =	sld [smem:$0x3FFD];
	_ =	sdelay $0x3  }
0x96: {  	_ =	strace s2  }
0x97: {  	_ =	strace $0x8FFFFFFF  }
0x98: {  	s18 =	sld [smem:$0x3FDB];
	_ =	sdelay $0x1  }
0x99: {  	s19 =	simm.s32 $_scs_section_size  }
0x9a: {  	s4 =	simm.s32 $_size__tile_overlayer_lowered;
	s5 =	simm.s32 $_tile_overlayer_lowered  }
0x9b: {  	s22 =	simm.s32 $0x1BFF;
	s21 =	sshll.u32 s5, $0x1;
	s2 =	sadd.s32 s19, s18  }
0x9c: {  	s6 =	simm.s32 $0x0;
	s20 =	sshll.u32 s4, $0x1;
	s4 =	sadd.s32 s21, s2  }
0x9d: {  	[timem:s6], [sflag:s22] =	dma.local [hbm:s4], s20  }
0x9e: {  	_ =	swait.ge [sflag:s22], s20  }
0x9f: {  	s3 =	ssub.s32 $0x0, s20;
	[sflag:s22] =	ssyncset.done $0x0  }
0xa0: {  	[sflag:s22] =	ssyncadd.s32 s3;
	_ =	sdelay $0x1  }
0xa1: {  	s23 =	simm.s32 $0x1B8B  }
0xa2: {  	_ =	swait.ge [sflag:s23], $0x1  }
0xa3: {  	[sflag:s23] =	ssyncset.done $0x0  }
0xa4: {  	s25 =	simm.s32 $0x1B8E;
	s24 =	sld [smem:$0x3FFE];
	[sflag:s23] =	ssyncadd.s32 $0xFFFFFFFF  }
0xa5: {  	s26 =	simm.s32 $execute0_lowered;
	[smem:$0x3FD2] =	sst s25  }
0xa6: {  	s4 =	sshll.u32 s26, $0x1;
	_ =	strace $0x80000046;
	[dreg:$0x1] =	wrdreg $0xFFFFFFFF  }
0xa7: {  	s28 =	simm.s32 $_size_execute0_lowered;
	s2 =	sadd.s32 s2, s4;
	[dreg:$0x0] =	wrdreg $0x0  }
0xa8: {  	s4 =	sshll.u32 s28, $0x1;
	[dreg:$0x2] =	wrdreg s2  }
0xa9: {  	[dreg:$0x3] =	wrdreg s4  }
0xaa: {  	[dreg:$0x4] =	wrdreg $0xC0  }
0xab: {  	_ =	task [dreg:s6], $0x5FFFF  }
0xac: {  	[dreg:$0x1] =	wrdreg $0xFFFFFFFF  }
0xad: {  	[dreg:$0x0] =	wrdreg $0x60  }
0xae: {  	[dreg:$0x2] =	wrdreg s24  }
0xaf: {  	[dreg:$0x3] =	wrdreg $0x9  }
0xb0: {  	_ =	task.clear_ibuf [dreg:s6], $0x4FFFF;
	_ =	strace $0x90000046  }
0xb1: {  	s29 =	simm.s32 $0x9;
	_ =	strace $0x80000048  }
0xb2: {  	_ =	swait.ge [sflag:s29], $0x1  }
0xb3: {  	[sflag:s29] =	ssyncadd.s32 $0xFFFFFFFF  }
0xb4: {  	_ =	strace $0x90000048  }
0xb5: {  	_ =	sfence  }
0xb6: {  	s30 =	sld [smem:$0x0];
	_ =	sdelay $0x2  }
0xb7: {  	s31 =	sshll.u32 s1, $0xD;
	s1 =	sshrl.u32 s1, $0x2  }
0xb8: {  	s3 =	sand.u32 $0x4000, s31;
	s1 =	sadd.s32 s1, s30  }
0xb9: {  	s0 =	sor.u32 s3, s0;
	s1 =	sshll.u32 s1, $0x11  }
0xba: {  	s0 =	sor.u32 s1, s0  }
0xbb: {  	s0 =	sadd.s32 $0x8F2B, s0  }
0xbc: {  	[sflag:s0] =	ssyncadd.remote.s32 $0x1  }
0xbd: {  	_ =	sfence.sel $0xFFFF  }
0xbe: {  	[dreg:$0x0] =	wrdreg $0xFFFFFFFF;
	(pc) =	sbr.abs _section_cstart, $3  }
0xbf: {  	[dreg:$0x1] =	wrdreg $0xFFFFFFFF  }
0xc0: {  	_ =	task.clear_ibuf [dreg:s6], $0x2FFFF;
	_ =	strace $0x9FFFFFFF  }
0xc1: {  	(tm) =	ssettm $0x7FFFFFFF  }
tec
execute0_lowered:
.L_overlay_start_1:
0x0: {  	(tag) =	ssettag $0x1  }
0x1: {  	s0 =	rddreg [dreg:$0x0];
	s1 =	srdreg.scid  }
0x2: {  	s3 =	stileid.u32;
	s2 =	simm.s32 $0x0;
	s13 =	simm.s32 $0x3  }
0x3: {  	s14 =	simm.s32 $0x14B88;
	s15 =	simm.s32 $0x60;
	s16 =	simm.s32 $0x9C00  }
0x4: {  	s17 =	simm.s32 $0x1;
	s18 =	simm.s32 $0x2;
	s19 =	simm.s32 $0x15F80  }
0x5: {  	s20 =	simm.s32 $0x15F20;
	s21 =	simm.s32 $0x8;
	s22 =	simm.s32 $0x15F08  }
0x6: {  	s23 =	simm.s32 $0x14B80;
	s1 =	sand.u32 $0x1, s1;
	s3 =	sshll.u32 s3, $0x1  }
0x7: {  	s24 =	simm.s32 $0x0;
	[smem:$0x7FF] =	sst s2;
	s6 =	sor.u32 s1, s3  }
0x8: {  	s4 =	sadd.s32 $0x230400, s0;
	s1 =	ssub.s32 $0x2, s1;
	s3 =	smul.u32 $0x1388, s6  }
0x9: {  	s5 =	sadd.s32 $0xD000, s0;
	_ =	strace $0x80000047;
	s10 =	sshrl.u32 s1, $0x1  }
0xa: {  	s8 =	smul.u32 $0x4E2, s6;
	s1 =	ssub.s32 s1, s10;
	s7 =	sshrl.u32 s3, $0x3  }
0xb: {  	s6 =	sadd.s32 $0x95E00, s0;
	s11 =	smax.u32 s1, $0x1;
	s9 =	sadd.s32 s7, s0  }
0xc: {  	s0 =	sadd.s32 s8, s0;
	s31 =	sadd.s32 s6, s7;
	s7 =	sadd.s32 $0x8000, s9  }
0xd: {  	v0 =	vimm.f32 $0.0e+00;
	v1 =	vlaneseq.u32;
	s8 =	sadd.s32 $0x3000, s9;
	s9 =	sadd.s32 $0x270, s31;
	s10 =	sadd.s32 $0x8C000, s0  }
.LBB2_1:
0xe: {  	s0 =	simm.s32 $0x13800  }
0xf: {  	[tilespmem:s0], [sflag:$0x3] =	stream.linear.gather [hbm4b:s7+s2], $0x1388, $0x38;
	[tilespmem:$0x18690] =	vst v63  }
0x10: {  	_ =	swait.ge [sflag:s13], $0x1388  }
0x11: {  	[sflag:s13] =	ssyncset.done $0x0  }
0x12: {  	[sflag:s13] =	ssyncadd.s32 $0xFFFFEC78  }
0x13: {  	[tilespmem:s14], [sflag:$0x3] =	stream.linear.gather [hbm4b:s8+s2], $0x1388, $0x38;
	[tilespmem:$0x18690] =	vst v63  }
0x14: {  	_ =	swait.ge [sflag:s13], $0x1388  }
0x15: {  	[sflag:s13] =	ssyncset.done $0x0  }
0x16: {  	s1 =	simm.s32 $0x0;
	s0 =	simm.s32 $0x40;
	[sflag:s13] =	ssyncadd.s32 $0xFFFFEC78  }
.LBB2_2:
0x17: {  	p0 =	sne.s32 s0, $0x9C00;
	[tilespmem:s1+$0x15F80] =	vst v0;
	s1 =	smov.u32 s0;
	s0 =	sadd.s32 $0x40, s0  }
.Ltmp0:
0x18: {  	(pc) =	sbr.rel @p0 .LBB2_2-.Ltmp0, $2  }
0x19: {  	_ =	sdelay $0x2  }
0x1a: {  	s1 =	sshra.s32 s1, $0x2  }
0x1b: {  	[tilespmem:s1+$0x15F80] =	vst v0;
	s25 =	simm.s32 $0x0;
	s26 =	simm.s32 $0x0  }
.LBB2_4:
0x1c: {  	s28 =	smul.u32 $0x60, s26;
	_ =	sdelay $0x1  }
0x1d: {  	s0 =	sadd.s32 $0x14B88, s28  }
0x1e: {  	[tilespmem:s25], [sflag:$0x1] =	stream.indirect.gather [hbm4b:s4+s15], $0x1A0, s0, s15, $0xb8;
	[tilespmem:$0x18690] =	vst v63  }
0x1f: {  	s1 =	sadd.s32 $0x13800, s28  }
0x20: {  	[tilespmem:s16], [sflag:$0x2] =	stream.indirect.gather [hbm4b:s5+s15], $0x1A0, s1, s15, $0xb8;
	[tilespmem:$0x18690] =	vst v63  }
0x21: {  	_ =	swait.ge [sflag:s17], $0x9C00  }
0x22: {  	[sflag:s17] =	ssyncset.done $0x0  }
0x23: {  	[sflag:s17] =	ssyncadd.s32 $0xFFFF6400  }
0x24: {  	_ =	swait.ge [sflag:s18], $0x9C00  }
0x25: {  	[sflag:s18] =	ssyncset.done $0x0  }
0x26: {  	s29 =	simm.s32 $0x1A0;
	[sflag:s18] =	ssyncadd.s32 $0xFFFF6400  }
0x27: {  	s30 =	simm.s32 $0x9DA0;
	v2 =	vld [tilespmem:s29+$0xFFFFFE60]  }
0x28: {  	v3 =	vld [tilespmem:s30+$0xFFFFFE60]  }
0x29: {  	v4 =	vld [tilespmem:s30+$0xFFFFFE70]  }
0x2a: {  	v5 =	vld [tilespmem:s29+$0xFFFFFE70]  }
0x2b: {  	v6 =	vld [tilespmem:s30+$0xFFFFFE80]  }
0x2c: {  	v7 =	vld [tilespmem:s29+$0xFFFFFE80]  }
0x2d: {  	v8 =	vld [tilespmem:s29+$0xFFFFFE90];
	v2 =	vmul.f32 v3, v2  }
0x2e: {  	v3 =	vld [tilespmem:s30+$0xFFFFFE90]  }
0x2f: {  	v9 =	vld [tilespmem:s29+$0xFFFFFEA0];
	v4 =	vmul.f32 v4, v5;
	v2 =	vadd.f32 $0.0e+00, v2  }
0x30: {  	v5 =	vld [tilespmem:s30+$0xFFFFFEA0]  }
0x31: {  	v52 =	vld [tilespmem:s30+$0xFFFFFEB0];
	v2 =	vadd.f32 v4, v2;
	v4 =	vmul.f32 v6, v7  }
0x32: {  	v53 =	vld [tilespmem:s29+$0xFFFFFEB0]  }
0x33: {  	v54 =	vld [tilespmem:s29+$0xFFFFFEC0];
	v3 =	vmul.f32 v3, v8;
	v2 =	vadd.f32 v4, v2  }
0x34: {  	v4 =	vld [tilespmem:s30+$0xFFFFFEC0]  }
0x35: {  	v55 =	vld [tilespmem:s29+$0xFFFFFED0];
	v2 =	vadd.f32 v3, v2;
	v3 =	vmul.f32 v5, v9  }
0x36: {  	v5 =	vld [tilespmem:s30+$0xFFFFFED0]  }
0x37: {  	v56 =	vld [tilespmem:s30+$0xFFFFFEE0];
	v2 =	vadd.f32 v3, v2;
	v3 =	vmul.f32 v52, v53  }
0x38: {  	v57 =	vld [tilespmem:s29+$0xFFFFFEE0]  }
0x39: {  	v58 =	vld [tilespmem:s29+$0xFFFFFEF0];
	v2 =	vadd.f32 v3, v2;
	v3 =	vmul.f32 v4, v54  }
0x3a: {  	v4 =	vld [tilespmem:s30+$0xFFFFFEF0]  }
0x3b: {  	v59 =	vld [tilespmem:s29+$0xFFFFFF00];
	v2 =	vadd.f32 v3, v2;
	v3 =	vmul.f32 v5, v55  }
0x3c: {  	v5 =	vld [tilespmem:s30+$0xFFFFFF00]  }
0x3d: {  	v60 =	vld [tilespmem:s30+$0xFFFFFF10];
	v2 =	vadd.f32 v3, v2;
	v3 =	vmul.f32 v56, v57  }
0x3e: {  	v61 =	vld [tilespmem:s29+$0xFFFFFF10]  }
0x3f: {  	v62 =	vld [tilespmem:s29+$0xFFFFFF20];
	v2 =	vadd.f32 v3, v2;
	v3 =	vmul.f32 v4, v58  }
0x40: {  	v4 =	vld [tilespmem:s30+$0xFFFFFF20]  }
0x41: {  	v63 =	vld [tilespmem:s29+$0xFFFFFF30];
	v2 =	vadd.f32 v3, v2;
	v3 =	vmul.f32 v5, v59  }
0x42: {  	v5 =	vld [tilespmem:s30+$0xFFFFFF30]  }
0x43: {  	v12 =	vld [tilespmem:s30+$0xFFFFFF40];
	v2 =	vadd.f32 v3, v2;
	v3 =	vmul.f32 v60, v61  }
0x44: {  	v13 =	vld [tilespmem:s29+$0xFFFFFF40]  }
0x45: {  	v14 =	vld [tilespmem:s29+$0xFFFFFF50];
	v2 =	vadd.f32 v3, v2;
	v3 =	vmul.f32 v4, v62  }
0x46: {  	v4 =	vld [tilespmem:s30+$0xFFFFFF50]  }
0x47: {  	v15 =	vld [tilespmem:s29+$0xFFFFFF60];
	v2 =	vadd.f32 v3, v2;
	v3 =	vmul.f32 v5, v63  }
0x48: {  	v5 =	vld [tilespmem:s30+$0xFFFFFF60]  }
0x49: {  	v16 =	vld [tilespmem:s30+$0xFFFFFF70];
	v2 =	vadd.f32 v3, v2;
	v3 =	vmul.f32 v12, v13  }
0x4a: {  	v17 =	vld [tilespmem:s29+$0xFFFFFF70]  }
0x4b: {  	v18 =	vld [tilespmem:s29+$0xFFFFFF80];
	v2 =	vadd.f32 v3, v2;
	v3 =	vmul.f32 v4, v14  }
0x4c: {  	v4 =	vld [tilespmem:s30+$0xFFFFFF80]  }
0x4d: {  	v19 =	vld [tilespmem:s29+$0xFFFFFF90];
	v2 =	vadd.f32 v3, v2;
	v3 =	vmul.f32 v5, v15  }
0x4e: {  	v5 =	vld [tilespmem:s30+$0xFFFFFF90]  }
0x4f: {  	v20 =	vld [tilespmem:s30+$0xFFFFFFA0];
	v2 =	vadd.f32 v3, v2;
	v3 =	vmul.f32 v16, v17  }
0x50: {  	v21 =	vld [tilespmem:s29+$0xFFFFFFA0]  }
0x51: {  	v22 =	vld [tilespmem:s29+$0xFFFFFFB0];
	v2 =	vadd.f32 v3, v2;
	v3 =	vmul.f32 v4, v18  }
0x52: {  	v4 =	vld [tilespmem:s30+$0xFFFFFFB0]  }
0x53: {  	v23 =	vld [tilespmem:s29+$0xFFFFFFC0];
	v2 =	vadd.f32 v3, v2;
	v3 =	vmul.f32 v5, v19  }
0x54: {  	v5 =	vld [tilespmem:s30+$0xFFFFFFC0]  }
0x55: {  	v24 =	vld [tilespmem:s30+$0xFFFFFFD0];
	v2 =	vadd.f32 v3, v2;
	v3 =	vmul.f32 v20, v21  }
0x56: {  	v25 =	vld [tilespmem:s29+$0xFFFFFFD0]  }
0x57: {  	v26 =	vld [tilespmem:s29+$0xFFFFFFE0];
	v2 =	vadd.f32 v3, v2;
	v3 =	vmul.f32 v4, v22  }
0x58: {  	v4 =	vld [tilespmem:s30+$0xFFFFFFE0]  }
0x59: {  	v27 =	vld [tilespmem:s29+$0xFFFFFFF0];
	v2 =	vadd.f32 v3, v2;
	v3 =	vmul.f32 v5, v23  }
0x5a: {  	v5 =	vld [tilespmem:s30+$0xFFFFFFF0]  }
0x5b: {  	v2 =	vadd.f32 v3, v2;
	v3 =	vmul.f32 v24, v25;
	_ =	sdelay $0x1  }
0x5c: {  	v2 =	vadd.f32 v3, v2;
	v3 =	vmul.f32 v4, v26;
	_ =	sdelay $0x1  }
0x5d: {  	v2 =	vadd.f32 v3, v2;
	v3 =	vmul.f32 v5, v27;
	_ =	sdelay $0x1  }
0x5e: {  	v2 =	vadd.f32 v3, v2;
	_ =	sdelay $0x1  }
0x5f: {  	(xrf2) =	vadd.scan.msk.f32 $0xffff, v2;
	_ =	sdelay $0x6  }
0x60: {  	s1 =	sand.u32 $0x70, s25  }
0x61: {  	v2 =	vld [tilespmem:s1+$0x15F20];
	_ =	sdelay $0x1  }
0x62: {  	s12 =	sand.u32 $0xE, s25;
	v3, _, _ =	vpop (xrf2)  }
0x63: {  	v4 =	vmov s12;
	v3 =	vbroadcast v3, $0xF  }
0x64: {  	vm0 =	veq.s32 v4, v1  }
0x65: {  	v2 =	vsel vm0, v3, v2  }
0x66: {  	[tilespmem:s1+$0x15F20] =	vst v2  }
0x67: {  	v3 =	vld [tilespmem:s29+$0x0]  }
0x68: {  	v4 =	vld [tilespmem:s30+$0x0]  }
0x69: {  	v5 =	vld [tilespmem:s30+$0x10]  }
0x6a: {  	v28 =	vld [tilespmem:s29+$0x10]  }
0x6b: {  	v29 =	vld [tilespmem:s30+$0x20]  }
0x6c: {  	v30 =	vld [tilespmem:s29+$0x20]  }
0x6d: {  	v31 =	vld [tilespmem:s30+$0x30];
	v3 =	vmul.f32 v4, v3  }
0x6e: {  	v4 =	vld [tilespmem:s29+$0x30]  }
0x6f: {  	v32 =	vld [tilespmem:s30+$0x40];
	v5 =	vmul.f32 v5, v28;
	v3 =	vadd.f32 $0.0e+00, v3  }
0x70: {  	v10 =	vld [tilespmem:s29+$0x40]  }
0x71: {  	v33 =	vld [tilespmem:s30+$0x50];
	v7 =	vmul.f32 v29, v30;
	v3 =	vadd.f32 v5, v3  }
0x72: {  	v5 =	vld [tilespmem:s29+$0x50]  }
0x73: {  	v34 =	vld [tilespmem:s30+$0x60];
	v4 =	vmul.f32 v31, v4;
	v3 =	vadd.f32 v7, v3  }
0x74: {  	v35 =	vld [tilespmem:s29+$0x60]  }
0x75: {  	v36 =	vld [tilespmem:s30+$0x70];
	v6 =	vmul.f32 v32, v10;
	v3 =	vadd.f32 v4, v3  }
0x76: {  	v4 =	vld [tilespmem:s29+$0x70]  }
0x77: {  	v37 =	vld [tilespmem:s30+$0x80];
	v5 =	vmul.f32 v33, v5;
	v3 =	vadd.f32 v6, v3  }
0x78: {  	v38 =	vld [tilespmem:s29+$0x80]  }
0x79: {  	v39 =	vld [tilespmem:s30+$0x90];
	v7 =	vmul.f32 v34, v35;
	v3 =	vadd.f32 v5, v3  }
0x7a: {  	v5 =	vld [tilespmem:s29+$0x90]  }
0x7b: {  	v40 =	vld [tilespmem:s30+$0xA0];
	v4 =	vmul.f32 v36, v4;
	v3 =	vadd.f32 v7, v3  }
0x7c: {  	v41 =	vld [tilespmem:s29+$0xA0]  }
0x7d: {  	v42 =	vld [tilespmem:s30+$0xB0];
	v6 =	vmul.f32 v37, v38;
	v3 =	vadd.f32 v4, v3  }
0x7e: {  	v4 =	vld [tilespmem:s29+$0xB0]  }
0x7f: {  	v43 =	vld [tilespmem:s30+$0xC0];
	v5 =	vmul.f32 v39, v5;
	v3 =	vadd.f32 v6, v3  }
0x80: {  	v44 =	vld [tilespmem:s29+$0xC0]  }
0x81: {  	v45 =	vld [tilespmem:s30+$0xD0];
	v7 =	vmul.f32 v40, v41;
	v3 =	vadd.f32 v5, v3  }
0x82: {  	v5 =	vld [tilespmem:s29+$0xD0]  }
0x83: {  	v46 =	vld [tilespmem:s30+$0xE0];
	v4 =	vmul.f32 v42, v4;
	v3 =	vadd.f32 v7, v3  }
0x84: {  	v47 =	vld [tilespmem:s29+$0xE0]  }
0x85: {  	v48 =	vld [tilespmem:s30+$0xF0];
	v6 =	vmul.f32 v43, v44;
	v3 =	vadd.f32 v4, v3  }
0x86: {  	v4 =	vld [tilespmem:s29+$0xF0]  }
0x87: {  	v49 =	vld [tilespmem:s30+$0x100];
	v5 =	vmul.f32 v45, v5;
	v3 =	vadd.f32 v6, v3  }
0x88: {  	v50 =	vld [tilespmem:s29+$0x100]  }
0x89: {  	v51 =	vld [tilespmem:s30+$0x110];
	v7 =	vmul.f32 v46, v47;
	v3 =	vadd.f32 v5, v3  }
0x8a: {  	v5 =	vld [tilespmem:s29+$0x110]  }
0x8b: {  	v52 =	vld [tilespmem:s30+$0x120];
	v4 =	vmul.f32 v48, v4;
	v3 =	vadd.f32 v7, v3  }
0x8c: {  	v53 =	vld [tilespmem:s29+$0x120]  }
0x8d: {  	v54 =	vld [tilespmem:s30+$0x130];
	v6 =	vmul.f32 v49, v50;
	v3 =	vadd.f32 v4, v3  }
0x8e: {  	v4 =	vld [tilespmem:s29+$0x130]  }
0x8f: {  	v55 =	vld [tilespmem:s30+$0x140];
	v5 =	vmul.f32 v51, v5;
	v3 =	vadd.f32 v6, v3  }
0x90: {  	v56 =	vld [tilespmem:s29+$0x140]  }
0x91: {  	v57 =	vld [tilespmem:s30+$0x150];
	v7 =	vmul.f32 v52, v53;
	v3 =	vadd.f32 v5, v3  }
0x92: {  	v5 =	vld [tilespmem:s29+$0x150]  }
0x93: {  	v58 =	vld [tilespmem:s30+$0x160];
	v4 =	vmul.f32 v54, v4;
	v3 =	vadd.f32 v7, v3  }
0x94: {  	v59 =	vld [tilespmem:s29+$0x160]  }
0x95: {  	v60 =	vld [tilespmem:s30+$0x170];
	v6 =	vmul.f32 v55, v56;
	v3 =	vadd.f32 v4, v3  }
0x96: {  	v4 =	vld [tilespmem:s29+$0x170]  }
0x97: {  	v61 =	vld [tilespmem:s30+$0x180];
	v5 =	vmul.f32 v57, v5;
	v3 =	vadd.f32 v6, v3  }
0x98: {  	v62 =	vld [tilespmem:s29+$0x180]  }
0x99: {  	v63 =	vld [tilespmem:s30+$0x190];
	v7 =	vmul.f32 v58, v59;
	v3 =	vadd.f32 v5, v3  }
0x9a: {  	v5 =	vld [tilespmem:s29+$0x190]  }
0x9b: {  	v4 =	vmul.f32 v60, v4;
	v3 =	vadd.f32 v7, v3;
	_ =	sdelay $0x1  }
0x9c: {  	v6 =	vmul.f32 v61, v62;
	v3 =	vadd.f32 v4, v3;
	_ =	sdelay $0x1  }
0x9d: {  	v4 =	vmul.f32 v63, v5;
	v3 =	vadd.f32 v6, v3;
	_ =	sdelay $0x1  }
0x9e: {  	v3 =	vadd.f32 v4, v3;
	_ =	sdelay $0x1  }
0x9f: {  	(xrf2) =	vadd.scan.msk.f32 $0xffff, v3;
	_ =	sdelay $0x7  }
0xa0: {  	s12 =	sand.u32 $0xF, s25  }
0xa1: {  	s0 =	sadd.s32 $0x1, s12  }
0xa2: {  	v3 =	vmov s0;
	v4, _, _ =	vpop (xrf2)  }
0xa3: {  	s31 =	simm.s32 $0x2;
	vm0 =	veq.s32 v3, v1;
	v3 =	vbroadcast v4, $0xF  }
.LBB2_5:
0xa4: {  	s30 =	sadd.s32 $0x340, s30  }
0xa5: {  	s29 =	sadd.s32 $0x340, s29;
	s0 =	smov.u32 s31;
	s12 =	sadd.s32 $0x2, s31  }
0xa6: {  	p0 =	slt.u32 s31, $0x5E;
	v2 =	vsel vm0, v3, v2  }
0xa7: {  	[tilespmem:s1+$0x15F20] =	vst v2  }
0xa8: {  	v2 =	vld [tilespmem:s29+$0xFFFFFE60]  }
0xa9: {  	v3 =	vld [tilespmem:s30+$0xFFFFFE60]  }
0xaa: {  	v4 =	vld [tilespmem:s30+$0xFFFFFE70]  }
0xab: {  	v5 =	vld [tilespmem:s29+$0xFFFFFE70]  }
0xac: {  	v6 =	vld [tilespmem:s30+$0xFFFFFE80]  }
0xad: {  	v7 =	vld [tilespmem:s29+$0xFFFFFE80]  }
0xae: {  	v2 =	vmul.f32 v3, v2;
	v3 =	vld [tilespmem:s30+$0xFFFFFE90]  }
0xaf: {  	v8 =	vld [tilespmem:s29+$0xFFFFFE90]  }
0xb0: {  	v2 =	vadd.f32 $0.0e+00, v2;
	v4 =	vmul.f32 v4, v5;
	v5 =	vld [tilespmem:s30+$0xFFFFFEA0]  }
0xb1: {  	v9 =	vld [tilespmem:s29+$0xFFFFFEA0]  }
0xb2: {  	v2 =	vadd.f32 v4, v2;
	v4 =	vmul.f32 v6, v7;
	v6 =	vld [tilespmem:s30+$0xFFFFFEB0]  }
0xb3: {  	v7 =	vld [tilespmem:s29+$0xFFFFFEB0]  }
0xb4: {  	v2 =	vadd.f32 v4, v2;
	v3 =	vmul.f32 v3, v8;
	v4 =	vld [tilespmem:s30+$0xFFFFFEC0]  }
0xb5: {  	v8 =	vld [tilespmem:s29+$0xFFFFFEC0]  }
0xb6: {  	v2 =	vadd.f32 v3, v2;
	v3 =	vmul.f32 v5, v9;
	v5 =	vld [tilespmem:s30+$0xFFFFFED0]  }
0xb7: {  	v9 =	vld [tilespmem:s29+$0xFFFFFED0]  }
0xb8: {  	v2 =	vadd.f32 v3, v2;
	v3 =	vmul.f32 v6, v7;
	v6 =	vld [tilespmem:s30+$0xFFFFFEE0]  }
0xb9: {  	v7 =	vld [tilespmem:s29+$0xFFFFFEE0]  }
0xba: {  	v2 =	vadd.f32 v3, v2;
	v3 =	vmul.f32 v4, v8;
	v4 =	vld [tilespmem:s30+$0xFFFFFEF0]  }
0xbb: {  	v8 =	vld [tilespmem:s29+$0xFFFFFEF0]  }
0xbc: {  	v2 =	vadd.f32 v3, v2;
	v3 =	vmul.f32 v5, v9;
	v5 =	vld [tilespmem:s30+$0xFFFFFF00]  }
0xbd: {  	v9 =	vld [tilespmem:s29+$0xFFFFFF00]  }
0xbe: {  	v2 =	vadd.f32 v3, v2;
	v3 =	vmul.f32 v6, v7;
	v6 =	vld [tilespmem:s30+$0xFFFFFF10]  }
0xbf: {  	v7 =	vld [tilespmem:s29+$0xFFFFFF10]  }
0xc0: {  	v2 =	vadd.f32 v3, v2;
	v3 =	vmul.f32 v4, v8;
	v4 =	vld [tilespmem:s30+$0xFFFFFF20]  }
0xc1: {  	v8 =	vld [tilespmem:s29+$0xFFFFFF20]  }
0xc2: {  	v2 =	vadd.f32 v3, v2;
	v3 =	vmul.f32 v5, v9;
	v5 =	vld [tilespmem:s30+$0xFFFFFF30]  }
0xc3: {  	v9 =	vld [tilespmem:s29+$0xFFFFFF30]  }
0xc4: {  	v2 =	vadd.f32 v3, v2;
	v3 =	vmul.f32 v6, v7;
	v6 =	vld [tilespmem:s30+$0xFFFFFF40]  }
0xc5: {  	v7 =	vld [tilespmem:s29+$0xFFFFFF40]  }
0xc6: {  	v2 =	vadd.f32 v3, v2;
	v3 =	vmul.f32 v4, v8;
	v4 =	vld [tilespmem:s30+$0xFFFFFF50]  }
0xc7: {  	v8 =	vld [tilespmem:s29+$0xFFFFFF50]  }
0xc8: {  	v2 =	vadd.f32 v3, v2;
	v3 =	vmul.f32 v5, v9;
	v5 =	vld [tilespmem:s30+$0xFFFFFF60]  }
0xc9: {  	v9 =	vld [tilespmem:s29+$0xFFFFFF60]  }
0xca: {  	v2 =	vadd.f32 v3, v2;
	v3 =	vmul.f32 v6, v7;
	v6 =	vld [tilespmem:s30+$0xFFFFFF70]  }
0xcb: {  	v7 =	vld [tilespmem:s29+$0xFFFFFF70]  }
0xcc: {  	v2 =	vadd.f32 v3, v2;
	v3 =	vmul.f32 v4, v8;
	v4 =	vld [tilespmem:s30+$0xFFFFFF80]  }
0xcd: {  	v8 =	vld [tilespmem:s29+$0xFFFFFF80]  }
0xce: {  	v2 =	vadd.f32 v3, v2;
	v3 =	vmul.f32 v5, v9;
	v5 =	vld [tilespmem:s30+$0xFFFFFF90]  }
0xcf: {  	v9 =	vld [tilespmem:s29+$0xFFFFFF90]  }
0xd0: {  	v2 =	vadd.f32 v3, v2;
	v3 =	vmul.f32 v6, v7;
	v6 =	vld [tilespmem:s30+$0xFFFFFFA0]  }
0xd1: {  	v7 =	vld [tilespmem:s29+$0xFFFFFFA0]  }
0xd2: {  	v2 =	vadd.f32 v3, v2;
	v3 =	vmul.f32 v4, v8;
	v4 =	vld [tilespmem:s30+$0xFFFFFFB0]  }
0xd3: {  	v8 =	vld [tilespmem:s29+$0xFFFFFFB0]  }
0xd4: {  	v2 =	vadd.f32 v3, v2;
	v3 =	vmul.f32 v5, v9;
	v5 =	vld [tilespmem:s30+$0xFFFFFFC0]  }
0xd5: {  	v9 =	vld [tilespmem:s29+$0xFFFFFFC0]  }
0xd6: {  	v2 =	vadd.f32 v3, v2;
	v3 =	vmul.f32 v6, v7;
	v6 =	vld [tilespmem:s30+$0xFFFFFFD0]  }
0xd7: {  	v7 =	vld [tilespmem:s29+$0xFFFFFFD0]  }
0xd8: {  	v2 =	vadd.f32 v3, v2;
	v3 =	vmul.f32 v4, v8;
	v4 =	vld [tilespmem:s30+$0xFFFFFFE0]  }
0xd9: {  	v8 =	vld [tilespmem:s29+$0xFFFFFFE0]  }
0xda: {  	v2 =	vadd.f32 v3, v2;
	v3 =	vmul.f32 v5, v9;
	v5 =	vld [tilespmem:s30+$0xFFFFFFF0]  }
0xdb: {  	v9 =	vld [tilespmem:s29+$0xFFFFFFF0]  }
0xdc: {  	v2 =	vadd.f32 v3, v2;
	v3 =	vmul.f32 v6, v7;
	_ =	sdelay $0x1  }
0xdd: {  	v2 =	vadd.f32 v3, v2;
	v3 =	vmul.f32 v4, v8;
	_ =	sdelay $0x1  }
0xde: {  	v2 =	vadd.f32 v3, v2;
	v3 =	vmul.f32 v5, v9;
	_ =	sdelay $0x1  }
0xdf: {  	v2 =	vadd.f32 v3, v2;
	_ =	sdelay $0x1  }
0xe0: {  	(xrf2) =	vadd.scan.msk.f32 $0xffff, v2;
	_ =	sdelay $0x6  }
0xe1: {  	s1 =	sand.u32 $0x70, s0  }
0xe2: {  	v2 =	vld [tilespmem:s1+$0x15F20];
	_ =	sdelay $0x1  }
0xe3: {  	s31 =	sand.u32 $0xE, s0;
	v3, _, _ =	vpop (xrf2)  }
0xe4: {  	v4 =	vmov s31;
	v3 =	vbroadcast v3, $0xF  }
0xe5: {  	vm0 =	veq.s32 v4, v1  }
0xe6: {  	v2 =	vsel vm0, v3, v2  }
0xe7: {  	[tilespmem:s1+$0x15F20] =	vst v2  }
0xe8: {  	v3 =	vld [tilespmem:s30+$0x10]  }
0xe9: {  	v4 =	vld [tilespmem:s29+$0x0]  }
0xea: {  	v5 =	vld [tilespmem:s30+$0x0]  }
0xeb: {  	v6 =	vld [tilespmem:s29+$0x10]  }
0xec: {  	v7 =	vld [tilespmem:s30+$0x20]  }
0xed: {  	v8 =	vld [tilespmem:s29+$0x20]  }
0xee: {  	v9 =	vld [tilespmem:s30+$0x30]  }
0xef: {  	v4 =	vmul.f32 v5, v4;
	v5 =	vld [tilespmem:s29+$0x30]  }
0xf0: {  	v3 =	vmul.f32 v3, v6;
	v6 =	vld [tilespmem:s30+$0x40]  }
0xf1: {  	v4 =	vadd.f32 $0.0e+00, v4;
	v10 =	vld [tilespmem:s29+$0x40]  }
0xf2: {  	v7 =	vmul.f32 v7, v8;
	v8 =	vld [tilespmem:s30+$0x50]  }
0xf3: {  	v3 =	vadd.f32 v3, v4;
	v4 =	vld [tilespmem:s29+$0x50]  }
0xf4: {  	v5 =	vmul.f32 v9, v5;
	v9 =	vld [tilespmem:s30+$0x60]  }
0xf5: {  	v3 =	vadd.f32 v7, v3;
	v7 =	vld [tilespmem:s29+$0x60]  }
0xf6: {  	v6 =	vmul.f32 v6, v10;
	v10 =	vld [tilespmem:s30+$0x70]  }
0xf7: {  	v3 =	vadd.f32 v5, v3;
	v5 =	vld [tilespmem:s29+$0x70]  }
0xf8: {  	v4 =	vmul.f32 v8, v4;
	v8 =	vld [tilespmem:s30+$0x80]  }
0xf9: {  	v3 =	vadd.f32 v6, v3;
	v6 =	vld [tilespmem:s29+$0x80]  }
0xfa: {  	v7 =	vmul.f32 v9, v7;
	v9 =	vld [tilespmem:s30+$0x90]  }
0xfb: {  	v3 =	vadd.f32 v4, v3;
	v4 =	vld [tilespmem:s29+$0x90]  }
0xfc: {  	v5 =	vmul.f32 v10, v5;
	v10 =	vld [tilespmem:s30+$0xA0]  }
0xfd: {  	v3 =	vadd.f32 v7, v3;
	v7 =	vld [tilespmem:s29+$0xA0]  }
0xfe: {  	v6 =	vmul.f32 v8, v6;
	v8 =	vld [tilespmem:s30+$0xB0]  }
0xff: {  	v3 =	vadd.f32 v5, v3;
	v5 =	vld [tilespmem:s29+$0xB0]  }
0x100: {  	v4 =	vmul.f32 v9, v4;
	v9 =	vld [tilespmem:s30+$0xC0]  }
0x101: {  	v3 =	vadd.f32 v6, v3;
	v6 =	vld [tilespmem:s29+$0xC0]  }
0x102: {  	v7 =	vmul.f32 v10, v7;
	v10 =	vld [tilespmem:s30+$0xD0]  }
0x103: {  	v3 =	vadd.f32 v4, v3;
	v4 =	vld [tilespmem:s29+$0xD0]  }
0x104: {  	v5 =	vmul.f32 v8, v5;
	v8 =	vld [tilespmem:s30+$0xE0]  }
0x105: {  	v3 =	vadd.f32 v7, v3;
	v7 =	vld [tilespmem:s29+$0xE0]  }
0x106: {  	v6 =	vmul.f32 v9, v6;
	v9 =	vld [tilespmem:s30+$0xF0]  }
0x107: {  	v3 =	vadd.f32 v5, v3;
	v5 =	vld [tilespmem:s29+$0xF0]  }
0x108: {  	v4 =	vmul.f32 v10, v4;
	v10 =	vld [tilespmem:s30+$0x100]  }
0x109: {  	v3 =	vadd.f32 v6, v3;
	v6 =	vld [tilespmem:s29+$0x100]  }
0x10a: {  	v7 =	vmul.f32 v8, v7;
	v8 =	vld [tilespmem:s30+$0x110]  }
0x10b: {  	v3 =	vadd.f32 v4, v3;
	v4 =	vld [tilespmem:s29+$0x110]  }
0x10c: {  	v5 =	vmul.f32 v9, v5;
	v9 =	vld [tilespmem:s30+$0x120]  }
0x10d: {  	v3 =	vadd.f32 v7, v3;
	v7 =	vld [tilespmem:s29+$0x120]  }
0x10e: {  	v6 =	vmul.f32 v10, v6;
	v10 =	vld [tilespmem:s30+$0x130]  }
0x10f: {  	v3 =	vadd.f32 v5, v3;
	v5 =	vld [tilespmem:s29+$0x130]  }
0x110: {  	v4 =	vmul.f32 v8, v4;
	v8 =	vld [tilespmem:s30+$0x140]  }
0x111: {  	v3 =	vadd.f32 v6, v3;
	v6 =	vld [tilespmem:s29+$0x140]  }
0x112: {  	v7 =	vmul.f32 v9, v7;
	v9 =	vld [tilespmem:s30+$0x150]  }
0x113: {  	v3 =	vadd.f32 v4, v3;
	v4 =	vld [tilespmem:s29+$0x150]  }
0x114: {  	v5 =	vmul.f32 v10, v5;
	v10 =	vld [tilespmem:s30+$0x160]  }
0x115: {  	v3 =	vadd.f32 v7, v3;
	v7 =	vld [tilespmem:s29+$0x160]  }
0x116: {  	v6 =	vmul.f32 v8, v6;
	v8 =	vld [tilespmem:s30+$0x170]  }
0x117: {  	v3 =	vadd.f32 v5, v3;
	v5 =	vld [tilespmem:s29+$0x170]  }
0x118: {  	v4 =	vmul.f32 v9, v4;
	v9 =	vld [tilespmem:s30+$0x180]  }
0x119: {  	v3 =	vadd.f32 v6, v3;
	v6 =	vld [tilespmem:s29+$0x180]  }
0x11a: {  	v7 =	vmul.f32 v10, v7;
	v10 =	vld [tilespmem:s30+$0x190]  }
0x11b: {  	v3 =	vadd.f32 v4, v3;
	v4 =	vld [tilespmem:s29+$0x190]  }
0x11c: {  	v5 =	vmul.f32 v8, v5  }
0x11d: {  	v3 =	vadd.f32 v7, v3  }
0x11e: {  	v6 =	vmul.f32 v9, v6  }
0x11f: {  	v3 =	vadd.f32 v5, v3  }
0x120: {  	v4 =	vmul.f32 v10, v4  }
0x121: {  	v3 =	vadd.f32 v6, v3;
	_ =	sdelay $0x1  }
0x122: {  	v3 =	vadd.f32 v4, v3;
	_ =	sdelay $0x1  }
0x123: {  	(xrf2) =	vadd.scan.msk.f32 $0xffff, v3;
	_ =	sdelay $0x6  }
.Ltmp1:
0x124: {  	(pc) =	sbr.rel @p0 .LBB2_5-.Ltmp1, $4  }
0x125: {  	s0 =	sand.u32 $0xF, s0  }
0x126: {  	s0 =	sadd.s32 $0x1, s0  }
0x127: {  	v3 =	vmov s0;
	v4, _, _ =	vpop (xrf2)  }
0x128: {  	s31 =	smov.u32 s12;
	vm0 =	veq.s32 v3, v1;
	v3 =	vbroadcast v4, $0xF  }
0x129: {  	_ = 	snop  }
0x12a: {  	v2 =	vsel vm0, v3, v2  }
0x12b: {  	[tilespmem:s1+$0x15F20] =	vst v2  }
0x12c: {  	v2 =	vld [tilespmem:$0x15F20];
	_ =	sdelay $0x4  }
0x12d: {  	v2 =	vmul.f32 $5.000000070e-02, v2;
	_ =	sdelay $0x1  }
0x12e: {  	v2 =	vmul.f32 $1.442695020e+00, v2;
	_ =	sdelay $0x1  }
0x12f: {  	(erf) = vpow2.f32 v2;
	_ =	sdelay $0x8  }
0x130: {  	v2 =	vpop (erf)  }
0x131: {  	[tilespmem:$0x15F20] =	vst v2  }
0x132: {  	v3 =	vld [tilespmem:s28+$0x14B88];
	_ =	sdelay $0x7  }
0x133: {  	[tilespmem:v3+s19+$0x0] =	vst.idx.add.f32.msk $0xffff, v2  }
0x134: {  	v2 =	vld [tilespmem:$0x15F30];
	_ =	sdelay $0x4  }
0x135: {  	v2 =	vmul.f32 $5.000000070e-02, v2;
	_ =	sdelay $0x1  }
0x136: {  	v2 =	vmul.f32 $1.442695020e+00, v2;
	_ =	sdelay $0x1  }
0x137: {  	(erf) = vpow2.f32 v2;
	_ =	sdelay $0x8  }
0x138: {  	v2 =	vpop (erf)  }
0x139: {  	[tilespmem:$0x15F30] =	vst v2  }
0x13a: {  	v3 =	vld [tilespmem:s28+$0x14B98];
	_ =	sdelay $0x7  }
0x13b: {  	[tilespmem:v3+s19+$0x0] =	vst.idx.add.f32.msk $0xffff, v2  }
0x13c: {  	v2 =	vld [tilespmem:$0x15F40];
	_ =	sdelay $0x4  }
0x13d: {  	v2 =	vmul.f32 $5.000000070e-02, v2;
	_ =	sdelay $0x1  }
0x13e: {  	v2 =	vmul.f32 $1.442695020e+00, v2;
	_ =	sdelay $0x1  }
0x13f: {  	(erf) = vpow2.f32 v2;
	_ =	sdelay $0x8  }
0x140: {  	v2 =	vpop (erf)  }
0x141: {  	[tilespmem:$0x15F40] =	vst v2  }
0x142: {  	v3 =	vld [tilespmem:s28+$0x14BA8];
	_ =	sdelay $0x7  }
0x143: {  	[tilespmem:v3+s19+$0x0] =	vst.idx.add.f32.msk $0xffff, v2  }
0x144: {  	v2 =	vld [tilespmem:$0x15F50];
	_ =	sdelay $0x4  }
0x145: {  	v2 =	vmul.f32 $5.000000070e-02, v2;
	_ =	sdelay $0x1  }
0x146: {  	v2 =	vmul.f32 $1.442695020e+00, v2;
	_ =	sdelay $0x1  }
0x147: {  	(erf) = vpow2.f32 v2;
	_ =	sdelay $0x8  }
0x148: {  	v2 =	vpop (erf)  }
0x149: {  	[tilespmem:$0x15F50] =	vst v2  }
0x14a: {  	v3 =	vld [tilespmem:s28+$0x14BB8];
	_ =	sdelay $0x7  }
0x14b: {  	[tilespmem:v3+s19+$0x0] =	vst.idx.add.f32.msk $0xffff, v2  }
0x14c: {  	v2 =	vld [tilespmem:$0x15F60];
	_ =	sdelay $0x4  }
0x14d: {  	v2 =	vmul.f32 $5.000000070e-02, v2;
	_ =	sdelay $0x1  }
0x14e: {  	v2 =	vmul.f32 $1.442695020e+00, v2;
	_ =	sdelay $0x1  }
0x14f: {  	(erf) = vpow2.f32 v2;
	_ =	sdelay $0x8  }
0x150: {  	v2 =	vpop (erf)  }
0x151: {  	[tilespmem:$0x15F60] =	vst v2  }
0x152: {  	v3 =	vld [tilespmem:s28+$0x14BC8];
	_ =	sdelay $0x7  }
0x153: {  	[tilespmem:v3+s19+$0x0] =	vst.idx.add.f32.msk $0xffff, v2  }
0x154: {  	v2 =	vld [tilespmem:$0x15F70];
	_ =	sdelay $0x4  }
0x155: {  	v2 =	vmul.f32 $5.000000070e-02, v2;
	_ =	sdelay $0x1  }
0x156: {  	v2 =	vmul.f32 $1.442695020e+00, v2;
	_ =	sdelay $0x1  }
0x157: {  	(erf) = vpow2.f32 v2;
	_ =	sdelay $0x8  }
0x158: {  	v2 =	vpop (erf)  }
0x159: {  	[tilespmem:$0x15F70] =	vst v2  }
0x15a: {  	v3 =	vld [tilespmem:s28+$0x14BD8];
	_ =	sdelay $0x5  }
0x15b: {  	s0 =	sadd.s32 s3, s28;
	s26 =	sadd.s32 $0x1, s26  }
0x15c: {  	s0 =	sshrl.u32 s0, $0x3;
	p0 =	sne.s32 s26, $0x34  }
.Ltmp2:
0x15d: {  	s0 =	sadd.s32 s6, s0;
	[tilespmem:v3+s19+$0x0] =	vst.idx.add.f32.msk $0xffff, v2;
	(pc) =	sbr.rel @p0 .LBB2_4-.Ltmp2, $4  }
0x15e: {  	[hbm4b:s0+s2] =	stream.linear.scatter [tilespmem:s20], [sflag:$0x3], $0x60, $0x38;
	[tilespmem:$0x18690] =	vst v63  }
0x15f: {  	_ =	swait.ge [sflag:s13], $0x60  }
0x160: {  	[sflag:s13] =	ssyncset.done $0x0  }
0x161: {  	[sflag:s13] =	ssyncadd.s32 $0xFFFFFFA0  }
0x162: {  	s0 =	simm.s32 $0x0  }
0x163: {  	[tilespmem:s0], [sflag:$0x1] =	stream.indirect.gather [hbm4b:s4+s21], $0x1A0, s22, s21, $0xb8;
	[tilespmem:$0x18690] =	vst v63  }
0x164: {  	_ = 	snop  }
0x165: {  	[tilespmem:s16], [sflag:$0x2] =	stream.indirect.gather [hbm4b:s5+s21], $0x1A0, s23, s21, $0xb8;
	[tilespmem:$0x18690] =	vst v63  }
0x166: {  	_ =	swait.ge [sflag:s17], $0xD00  }
0x167: {  	[sflag:s17] =	ssyncset.done $0x0  }
0x168: {  	[sflag:s17] =	ssyncadd.s32 $0xFFFFF300  }
0x169: {  	_ =	swait.ge [sflag:s18], $0xD00  }
0x16a: {  	[sflag:s18] =	ssyncset.done $0x0  }
0x16b: {  	s25 =	simm.s32 $0x1A0;
	[sflag:s18] =	ssyncadd.s32 $0xFFFFF300  }
0x16c: {  	s26 =	simm.s32 $0x9DA0;
	v2 =	vld [tilespmem:s25+$0xFFFFFE60]  }
0x16d: {  	v3 =	vld [tilespmem:s26+$0xFFFFFE60]  }
0x16e: {  	v4 =	vld [tilespmem:s26+$0xFFFFFE70]  }
0x16f: {  	v5 =	vld [tilespmem:s25+$0xFFFFFE70]  }
0x170: {  	v6 =	vld [tilespmem:s26+$0xFFFFFE80]  }
0x171: {  	v7 =	vld [tilespmem:s25+$0xFFFFFE80]  }
0x172: {  	v8 =	vld [tilespmem:s25+$0xFFFFFE90];
	v2 =	vmul.f32 v3, v2  }
0x173: {  	v3 =	vld [tilespmem:s26+$0xFFFFFE90]  }
0x174: {  	v9 =	vld [tilespmem:s25+$0xFFFFFEA0];
	v4 =	vmul.f32 v4, v5;
	v2 =	vadd.f32 $0.0e+00, v2  }
0x175: {  	v5 =	vld [tilespmem:s26+$0xFFFFFEA0]  }
0x176: {  	v52 =	vld [tilespmem:s26+$0xFFFFFEB0];
	v2 =	vadd.f32 v4, v2;
	v4 =	vmul.f32 v6, v7  }
0x177: {  	v53 =	vld [tilespmem:s25+$0xFFFFFEB0]  }
0x178: {  	v54 =	vld [tilespmem:s25+$0xFFFFFEC0];
	v3 =	vmul.f32 v3, v8;
	v2 =	vadd.f32 v4, v2  }
0x179: {  	v4 =	vld [tilespmem:s26+$0xFFFFFEC0]  }
0x17a: {  	v55 =	vld [tilespmem:s25+$0xFFFFFED0];
	v2 =	vadd.f32 v3, v2;
	v3 =	vmul.f32 v5, v9  }
0x17b: {  	v5 =	vld [tilespmem:s26+$0xFFFFFED0]  }
0x17c: {  	v56 =	vld [tilespmem:s26+$0xFFFFFEE0];
	v2 =	vadd.f32 v3, v2;
	v3 =	vmul.f32 v52, v53  }
0x17d: {  	v57 =	vld [tilespmem:s25+$0xFFFFFEE0]  }
0x17e: {  	v58 =	vld [tilespmem:s25+$0xFFFFFEF0];
	v2 =	vadd.f32 v3, v2;
	v3 =	vmul.f32 v4, v54  }
0x17f: {  	v4 =	vld [tilespmem:s26+$0xFFFFFEF0]  }
0x180: {  	v59 =	vld [tilespmem:s25+$0xFFFFFF00];
	v2 =	vadd.f32 v3, v2;
	v3 =	vmul.f32 v5, v55  }
0x181: {  	v5 =	vld [tilespmem:s26+$0xFFFFFF00]  }
0x182: {  	v60 =	vld [tilespmem:s26+$0xFFFFFF10];
	v2 =	vadd.f32 v3, v2;
	v3 =	vmul.f32 v56, v57  }
0x183: {  	v61 =	vld [tilespmem:s25+$0xFFFFFF10]  }
0x184: {  	v62 =	vld [tilespmem:s25+$0xFFFFFF20];
	v2 =	vadd.f32 v3, v2;
	v3 =	vmul.f32 v4, v58  }
0x185: {  	v4 =	vld [tilespmem:s26+$0xFFFFFF20]  }
0x186: {  	v63 =	vld [tilespmem:s25+$0xFFFFFF30];
	v2 =	vadd.f32 v3, v2;
	v3 =	vmul.f32 v5, v59  }
0x187: {  	v5 =	vld [tilespmem:s26+$0xFFFFFF30]  }
0x188: {  	v12 =	vld [tilespmem:s26+$0xFFFFFF40];
	v2 =	vadd.f32 v3, v2;
	v3 =	vmul.f32 v60, v61  }
0x189: {  	v13 =	vld [tilespmem:s25+$0xFFFFFF40]  }
0x18a: {  	v14 =	vld [tilespmem:s25+$0xFFFFFF50];
	v2 =	vadd.f32 v3, v2;
	v3 =	vmul.f32 v4, v62  }
0x18b: {  	v4 =	vld [tilespmem:s26+$0xFFFFFF50]  }
0x18c: {  	v15 =	vld [tilespmem:s25+$0xFFFFFF60];
	v2 =	vadd.f32 v3, v2;
	v3 =	vmul.f32 v5, v63  }
0x18d: {  	v5 =	vld [tilespmem:s26+$0xFFFFFF60]  }
0x18e: {  	v16 =	vld [tilespmem:s26+$0xFFFFFF70];
	v2 =	vadd.f32 v3, v2;
	v3 =	vmul.f32 v12, v13  }
0x18f: {  	v17 =	vld [tilespmem:s25+$0xFFFFFF70]  }
0x190: {  	v18 =	vld [tilespmem:s25+$0xFFFFFF80];
	v2 =	vadd.f32 v3, v2;
	v3 =	vmul.f32 v4, v14  }
0x191: {  	v4 =	vld [tilespmem:s26+$0xFFFFFF80]  }
0x192: {  	v19 =	vld [tilespmem:s25+$0xFFFFFF90];
	v2 =	vadd.f32 v3, v2;
	v3 =	vmul.f32 v5, v15  }
0x193: {  	v5 =	vld [tilespmem:s26+$0xFFFFFF90]  }
0x194: {  	v20 =	vld [tilespmem:s26+$0xFFFFFFA0];
	v2 =	vadd.f32 v3, v2;
	v3 =	vmul.f32 v16, v17  }
0x195: {  	v21 =	vld [tilespmem:s25+$0xFFFFFFA0]  }
0x196: {  	v22 =	vld [tilespmem:s25+$0xFFFFFFB0];
	v2 =	vadd.f32 v3, v2;
	v3 =	vmul.f32 v4, v18  }
0x197: {  	v4 =	vld [tilespmem:s26+$0xFFFFFFB0]  }
0x198: {  	v23 =	vld [tilespmem:s25+$0xFFFFFFC0];
	v2 =	vadd.f32 v3, v2;
	v3 =	vmul.f32 v5, v19  }
0x199: {  	v5 =	vld [tilespmem:s26+$0xFFFFFFC0]  }
0x19a: {  	v24 =	vld [tilespmem:s26+$0xFFFFFFD0];
	v2 =	vadd.f32 v3, v2;
	v3 =	vmul.f32 v20, v21  }
0x19b: {  	v25 =	vld [tilespmem:s25+$0xFFFFFFD0]  }
0x19c: {  	v26 =	vld [tilespmem:s25+$0xFFFFFFE0];
	v2 =	vadd.f32 v3, v2;
	v3 =	vmul.f32 v4, v22  }
0x19d: {  	v4 =	vld [tilespmem:s26+$0xFFFFFFE0]  }
0x19e: {  	v27 =	vld [tilespmem:s25+$0xFFFFFFF0];
	v2 =	vadd.f32 v3, v2;
	v3 =	vmul.f32 v5, v23  }
0x19f: {  	v5 =	vld [tilespmem:s26+$0xFFFFFFF0]  }
0x1a0: {  	v2 =	vadd.f32 v3, v2;
	v3 =	vmul.f32 v24, v25;
	_ =	sdelay $0x1  }
0x1a1: {  	v2 =	vadd.f32 v3, v2;
	v3 =	vmul.f32 v4, v26;
	_ =	sdelay $0x1  }
0x1a2: {  	v2 =	vadd.f32 v3, v2;
	v3 =	vmul.f32 v5, v27;
	_ =	sdelay $0x1  }
0x1a3: {  	v2 =	vadd.f32 v3, v2;
	_ =	sdelay $0x1  }
0x1a4: {  	(xrf2) =	vadd.scan.msk.f32 $0xffff, v2;
	_ =	sdelay $0x7  }
0x1a5: {  	v2 =	vld [tilespmem:$0x15F20];
	_ =	sdelay $0x1  }
0x1a6: {  	v3, _, _ =	vpop (xrf2)  }
0x1a7: {  	v4 =	vmov s0;
	v3 =	vbroadcast v3, $0xF  }
0x1a8: {  	vm0 =	veq.s32 v4, v1  }
0x1a9: {  	v2 =	vsel vm0, v3, v2  }
0x1aa: {  	[tilespmem:$0x15F20] =	vst v2  }
0x1ab: {  	v3 =	vld [tilespmem:s25+$0x0]  }
0x1ac: {  	v4 =	vld [tilespmem:s26+$0x0]  }
0x1ad: {  	v5 =	vld [tilespmem:s26+$0x10]  }
0x1ae: {  	v28 =	vld [tilespmem:s25+$0x10]  }
0x1af: {  	v29 =	vld [tilespmem:s26+$0x20]  }
0x1b0: {  	v30 =	vld [tilespmem:s25+$0x20]  }
0x1b1: {  	v31 =	vld [tilespmem:s26+$0x30];
	v3 =	vmul.f32 v4, v3  }
0x1b2: {  	v4 =	vld [tilespmem:s25+$0x30]  }
0x1b3: {  	v32 =	vld [tilespmem:s26+$0x40];
	v5 =	vmul.f32 v5, v28;
	v3 =	vadd.f32 $0.0e+00, v3  }
0x1b4: {  	v10 =	vld [tilespmem:s25+$0x40]  }
0x1b5: {  	v33 =	vld [tilespmem:s26+$0x50];
	v7 =	vmul.f32 v29, v30;
	v3 =	vadd.f32 v5, v3  }
0x1b6: {  	v5 =	vld [tilespmem:s25+$0x50]  }
0x1b7: {  	v34 =	vld [tilespmem:s26+$0x60];
	v4 =	vmul.f32 v31, v4;
	v3 =	vadd.f32 v7, v3  }
0x1b8: {  	v35 =	vld [tilespmem:s25+$0x60]  }
0x1b9: {  	v36 =	vld [tilespmem:s26+$0x70];
	v6 =	vmul.f32 v32, v10;
	v3 =	vadd.f32 v4, v3  }
0x1ba: {  	v4 =	vld [tilespmem:s25+$0x70]  }
0x1bb: {  	v37 =	vld [tilespmem:s26+$0x80];
	v5 =	vmul.f32 v33, v5;
	v3 =	vadd.f32 v6, v3  }
0x1bc: {  	v38 =	vld [tilespmem:s25+$0x80]  }
0x1bd: {  	v39 =	vld [tilespmem:s26+$0x90];
	v7 =	vmul.f32 v34, v35;
	v3 =	vadd.f32 v5, v3  }
0x1be: {  	v5 =	vld [tilespmem:s25+$0x90]  }
0x1bf: {  	v40 =	vld [tilespmem:s26+$0xA0];
	v4 =	vmul.f32 v36, v4;
	v3 =	vadd.f32 v7, v3  }
0x1c0: {  	v41 =	vld [tilespmem:s25+$0xA0]  }
0x1c1: {  	v42 =	vld [tilespmem:s26+$0xB0];
	v6 =	vmul.f32 v37, v38;
	v3 =	vadd.f32 v4, v3  }
0x1c2: {  	v4 =	vld [tilespmem:s25+$0xB0]  }
0x1c3: {  	v43 =	vld [tilespmem:s26+$0xC0];
	v5 =	vmul.f32 v39, v5;
	v3 =	vadd.f32 v6, v3  }
0x1c4: {  	v44 =	vld [tilespmem:s25+$0xC0]  }
0x1c5: {  	v45 =	vld [tilespmem:s26+$0xD0];
	v7 =	vmul.f32 v40, v41;
	v3 =	vadd.f32 v5, v3  }
0x1c6: {  	v5 =	vld [tilespmem:s25+$0xD0]  }
0x1c7: {  	v46 =	vld [tilespmem:s26+$0xE0];
	v4 =	vmul.f32 v42, v4;
	v3 =	vadd.f32 v7, v3  }
0x1c8: {  	v47 =	vld [tilespmem:s25+$0xE0]  }
0x1c9: {  	v48 =	vld [tilespmem:s26+$0xF0];
	v6 =	vmul.f32 v43, v44;
	v3 =	vadd.f32 v4, v3  }
0x1ca: {  	v4 =	vld [tilespmem:s25+$0xF0]  }
0x1cb: {  	v49 =	vld [tilespmem:s26+$0x100];
	v5 =	vmul.f32 v45, v5;
	v3 =	vadd.f32 v6, v3  }
0x1cc: {  	v50 =	vld [tilespmem:s25+$0x100]  }
0x1cd: {  	v51 =	vld [tilespmem:s26+$0x110];
	v7 =	vmul.f32 v46, v47;
	v3 =	vadd.f32 v5, v3  }
0x1ce: {  	v5 =	vld [tilespmem:s25+$0x110]  }
0x1cf: {  	v52 =	vld [tilespmem:s26+$0x120];
	v4 =	vmul.f32 v48, v4;
	v3 =	vadd.f32 v7, v3  }
0x1d0: {  	v53 =	vld [tilespmem:s25+$0x120]  }
0x1d1: {  	v54 =	vld [tilespmem:s26+$0x130];
	v6 =	vmul.f32 v49, v50;
	v3 =	vadd.f32 v4, v3  }
0x1d2: {  	v4 =	vld [tilespmem:s25+$0x130]  }
0x1d3: {  	v55 =	vld [tilespmem:s26+$0x140];
	v5 =	vmul.f32 v51, v5;
	v3 =	vadd.f32 v6, v3  }
0x1d4: {  	v56 =	vld [tilespmem:s25+$0x140]  }
0x1d5: {  	v57 =	vld [tilespmem:s26+$0x150];
	v7 =	vmul.f32 v52, v53;
	v3 =	vadd.f32 v5, v3  }
0x1d6: {  	v5 =	vld [tilespmem:s25+$0x150]  }
0x1d7: {  	v58 =	vld [tilespmem:s26+$0x160];
	v4 =	vmul.f32 v54, v4;
	v3 =	vadd.f32 v7, v3  }
0x1d8: {  	v59 =	vld [tilespmem:s25+$0x160]  }
0x1d9: {  	v60 =	vld [tilespmem:s26+$0x170];
	v6 =	vmul.f32 v55, v56;
	v3 =	vadd.f32 v4, v3  }
0x1da: {  	v4 =	vld [tilespmem:s25+$0x170]  }
0x1db: {  	v61 =	vld [tilespmem:s26+$0x180];
	v5 =	vmul.f32 v57, v5;
	v3 =	vadd.f32 v6, v3  }
0x1dc: {  	v62 =	vld [tilespmem:s25+$0x180]  }
0x1dd: {  	v63 =	vld [tilespmem:s26+$0x190];
	v7 =	vmul.f32 v58, v59;
	v3 =	vadd.f32 v5, v3  }
0x1de: {  	v5 =	vld [tilespmem:s25+$0x190]  }
0x1df: {  	v4 =	vmul.f32 v60, v4;
	v3 =	vadd.f32 v7, v3;
	_ =	sdelay $0x1  }
0x1e0: {  	v6 =	vmul.f32 v61, v62;
	v3 =	vadd.f32 v4, v3;
	_ =	sdelay $0x1  }
0x1e1: {  	v4 =	vmul.f32 v63, v5;
	v3 =	vadd.f32 v6, v3;
	_ =	sdelay $0x1  }
0x1e2: {  	v3 =	vadd.f32 v4, v3;
	_ =	sdelay $0x1  }
0x1e3: {  	(xrf2) =	vadd.scan.msk.f32 $0xffff, v3;
	_ =	sdelay $0x8  }
0x1e4: {  	s31 =	simm.s32 $0x1  }
0x1e5: {  	v3 =	vmov s31;
	v4, _, _ =	vpop (xrf2)  }
0x1e6: {  	s28 =	simm.s32 $0x2;
	vm0 =	veq.s32 v3, v1;
	v3 =	vbroadcast v4, $0xF  }
.LBB2_8:
0x1e7: {  	p0 =	slt.u32 s28, $0x6;
	s25 =	sadd.s32 $0x340, s25;
	s26 =	sadd.s32 $0x340, s26  }
0x1e8: {  	s0 =	smov.u32 s28;
	s28 =	sadd.s32 $0x2, s28;
	v2 =	vsel vm0, v3, v2  }
0x1e9: {  	[tilespmem:$0x15F20] =	vst v2  }
0x1ea: {  	v3 =	vld [tilespmem:s25+$0xFFFFFE60]  }
0x1eb: {  	v4 =	vld [tilespmem:s26+$0xFFFFFE60]  }
0x1ec: {  	v5 =	vld [tilespmem:s26+$0xFFFFFE70]  }
0x1ed: {  	v6 =	vld [tilespmem:s25+$0xFFFFFE70]  }
0x1ee: {  	v7 =	vld [tilespmem:s26+$0xFFFFFE80]  }
0x1ef: {  	v8 =	vld [tilespmem:s25+$0xFFFFFE80]  }
0x1f0: {  	v3 =	vmul.f32 v4, v3;
	v4 =	vld [tilespmem:s26+$0xFFFFFE90]  }
0x1f1: {  	v9 =	vld [tilespmem:s25+$0xFFFFFE90]  }
0x1f2: {  	v3 =	vadd.f32 $0.0e+00, v3;
	v5 =	vmul.f32 v5, v6;
	v6 =	vld [tilespmem:s26+$0xFFFFFEA0]  }
0x1f3: {  	v10 =	vld [tilespmem:s25+$0xFFFFFEA0]  }
0x1f4: {  	v3 =	vadd.f32 v5, v3;
	v5 =	vmul.f32 v7, v8;
	v7 =	vld [tilespmem:s26+$0xFFFFFEB0]  }
0x1f5: {  	v8 =	vld [tilespmem:s25+$0xFFFFFEB0]  }
0x1f6: {  	v3 =	vadd.f32 v5, v3;
	v4 =	vmul.f32 v4, v9;
	v5 =	vld [tilespmem:s26+$0xFFFFFEC0]  }
0x1f7: {  	v9 =	vld [tilespmem:s25+$0xFFFFFEC0]  }
0x1f8: {  	v3 =	vadd.f32 v4, v3;
	v4 =	vmul.f32 v6, v10;
	v6 =	vld [tilespmem:s26+$0xFFFFFED0]  }
0x1f9: {  	v10 =	vld [tilespmem:s25+$0xFFFFFED0]  }
0x1fa: {  	v3 =	vadd.f32 v4, v3;
	v4 =	vmul.f32 v7, v8;
	v7 =	vld [tilespmem:s26+$0xFFFFFEE0]  }
0x1fb: {  	v8 =	vld [tilespmem:s25+$0xFFFFFEE0]  }
0x1fc: {  	v3 =	vadd.f32 v4, v3;
	v4 =	vmul.f32 v5, v9;
	v5 =	vld [tilespmem:s26+$0xFFFFFEF0]  }
0x1fd: {  	v9 =	vld [tilespmem:s25+$0xFFFFFEF0]  }
0x1fe: {  	v3 =	vadd.f32 v4, v3;
	v4 =	vmul.f32 v6, v10;
	v6 =	vld [tilespmem:s26+$0xFFFFFF00]  }
0x1ff: {  	v10 =	vld [tilespmem:s25+$0xFFFFFF00]  }
0x200: {  	v3 =	vadd.f32 v4, v3;
	v4 =	vmul.f32 v7, v8;
	v7 =	vld [tilespmem:s26+$0xFFFFFF10]  }
0x201: {  	v8 =	vld [tilespmem:s25+$0xFFFFFF10]  }
0x202: {  	v3 =	vadd.f32 v4, v3;
	v4 =	vmul.f32 v5, v9;
	v5 =	vld [tilespmem:s26+$0xFFFFFF20]  }
0x203: {  	v9 =	vld [tilespmem:s25+$0xFFFFFF20]  }
0x204: {  	v3 =	vadd.f32 v4, v3;
	v4 =	vmul.f32 v6, v10;
	v6 =	vld [tilespmem:s26+$0xFFFFFF30]  }
0x205: {  	v10 =	vld [tilespmem:s25+$0xFFFFFF30]  }
0x206: {  	v3 =	vadd.f32 v4, v3;
	v4 =	vmul.f32 v7, v8;
	v7 =	vld [tilespmem:s26+$0xFFFFFF40]  }
0x207: {  	v8 =	vld [tilespmem:s25+$0xFFFFFF40]  }
0x208: {  	v3 =	vadd.f32 v4, v3;
	v4 =	vmul.f32 v5, v9;
	v5 =	vld [tilespmem:s26+$0xFFFFFF50]  }
0x209: {  	v9 =	vld [tilespmem:s25+$0xFFFFFF50]  }
0x20a: {  	v3 =	vadd.f32 v4, v3;
	v4 =	vmul.f32 v6, v10;
	v6 =	vld [tilespmem:s26+$0xFFFFFF60]  }
0x20b: {  	v10 =	vld [tilespmem:s25+$0xFFFFFF60]  }
0x20c: {  	v3 =	vadd.f32 v4, v3;
	v4 =	vmul.f32 v7, v8;
	v7 =	vld [tilespmem:s26+$0xFFFFFF70]  }
0x20d: {  	v8 =	vld [tilespmem:s25+$0xFFFFFF70]  }
0x20e: {  	v3 =	vadd.f32 v4, v3;
	v4 =	vmul.f32 v5, v9;
	v5 =	vld [tilespmem:s26+$0xFFFFFF80]  }
0x20f: {  	v9 =	vld [tilespmem:s25+$0xFFFFFF80]  }
0x210: {  	v3 =	vadd.f32 v4, v3;
	v4 =	vmul.f32 v6, v10;
	v6 =	vld [tilespmem:s26+$0xFFFFFF90]  }
0x211: {  	v10 =	vld [tilespmem:s25+$0xFFFFFF90]  }
0x212: {  	v3 =	vadd.f32 v4, v3;
	v4 =	vmul.f32 v7, v8;
	v7 =	vld [tilespmem:s26+$0xFFFFFFA0]  }
0x213: {  	v8 =	vld [tilespmem:s25+$0xFFFFFFA0]  }
0x214: {  	v3 =	vadd.f32 v4, v3;
	v4 =	vmul.f32 v5, v9;
	v5 =	vld [tilespmem:s26+$0xFFFFFFB0]  }
0x215: {  	v9 =	vld [tilespmem:s25+$0xFFFFFFB0]  }
0x216: {  	v3 =	vadd.f32 v4, v3;
	v4 =	vmul.f32 v6, v10;
	v6 =	vld [tilespmem:s26+$0xFFFFFFC0]  }
0x217: {  	v10 =	vld [tilespmem:s25+$0xFFFFFFC0]  }
0x218: {  	v3 =	vadd.f32 v4, v3;
	v4 =	vmul.f32 v7, v8;
	v7 =	vld [tilespmem:s26+$0xFFFFFFD0]  }
0x219: {  	v8 =	vld [tilespmem:s25+$0xFFFFFFD0]  }
0x21a: {  	v3 =	vadd.f32 v4, v3;
	v4 =	vmul.f32 v5, v9;
	v5 =	vld [tilespmem:s26+$0xFFFFFFE0]  }
0x21b: {  	v9 =	vld [tilespmem:s25+$0xFFFFFFE0]  }
0x21c: {  	v3 =	vadd.f32 v4, v3;
	v4 =	vmul.f32 v6, v10;
	v6 =	vld [tilespmem:s26+$0xFFFFFFF0]  }
0x21d: {  	v10 =	vld [tilespmem:s25+$0xFFFFFFF0]  }
0x21e: {  	v3 =	vadd.f32 v4, v3;
	v4 =	vmul.f32 v7, v8;
	_ =	sdelay $0x1  }
0x21f: {  	v3 =	vadd.f32 v4, v3;
	v4 =	vmul.f32 v5, v9;
	_ =	sdelay $0x1  }
0x220: {  	v3 =	vadd.f32 v4, v3;
	v4 =	vmul.f32 v6, v10;
	_ =	sdelay $0x1  }
0x221: {  	v3 =	vadd.f32 v4, v3;
	_ =	sdelay $0x1  }
0x222: {  	(xrf2) =	vadd.scan.msk.f32 $0xffff, v3;
	_ =	sdelay $0x9  }
0x223: {  	v3, _, _ =	vpop (xrf2)  }
0x224: {  	v4 =	vmov s0;
	v3 =	vbroadcast v3, $0xF  }
0x225: {  	vm0 =	veq.s32 v4, v1  }
0x226: {  	v2 =	vsel vm0, v3, v2  }
0x227: {  	[tilespmem:$0x15F20] =	vst v2  }
0x228: {  	v3 =	vld [tilespmem:s26+$0x10]  }
0x229: {  	v4 =	vld [tilespmem:s25+$0x0]  }
0x22a: {  	v5 =	vld [tilespmem:s26+$0x0]  }
0x22b: {  	v6 =	vld [tilespmem:s25+$0x10]  }
0x22c: {  	v7 =	vld [tilespmem:s26+$0x20]  }
0x22d: {  	v8 =	vld [tilespmem:s25+$0x20]  }
0x22e: {  	v9 =	vld [tilespmem:s26+$0x30]  }
0x22f: {  	v4 =	vmul.f32 v5, v4;
	v5 =	vld [tilespmem:s25+$0x30]  }
0x230: {  	v3 =	vmul.f32 v3, v6;
	v6 =	vld [tilespmem:s26+$0x40]  }
0x231: {  	v4 =	vadd.f32 $0.0e+00, v4;
	v10 =	vld [tilespmem:s25+$0x40]  }
0x232: {  	v7 =	vmul.f32 v7, v8;
	v8 =	vld [tilespmem:s26+$0x50]  }
0x233: {  	v3 =	vadd.f32 v3, v4;
	v4 =	vld [tilespmem:s25+$0x50]  }
0x234: {  	v5 =	vmul.f32 v9, v5;
	v9 =	vld [tilespmem:s26+$0x60]  }
0x235: {  	v3 =	vadd.f32 v7, v3;
	v7 =	vld [tilespmem:s25+$0x60]  }
0x236: {  	v6 =	vmul.f32 v6, v10;
	v10 =	vld [tilespmem:s26+$0x70]  }
0x237: {  	v3 =	vadd.f32 v5, v3;
	v5 =	vld [tilespmem:s25+$0x70]  }
0x238: {  	v4 =	vmul.f32 v8, v4;
	v8 =	vld [tilespmem:s26+$0x80]  }
0x239: {  	v3 =	vadd.f32 v6, v3;
	v6 =	vld [tilespmem:s25+$0x80]  }
0x23a: {  	v7 =	vmul.f32 v9, v7;
	v9 =	vld [tilespmem:s26+$0x90]  }
0x23b: {  	v3 =	vadd.f32 v4, v3;
	v4 =	vld [tilespmem:s25+$0x90]  }
0x23c: {  	v5 =	vmul.f32 v10, v5;
	v10 =	vld [tilespmem:s26+$0xA0]  }
0x23d: {  	v3 =	vadd.f32 v7, v3;
	v7 =	vld [tilespmem:s25+$0xA0]  }
0x23e: {  	v6 =	vmul.f32 v8, v6;
	v8 =	vld [tilespmem:s26+$0xB0]  }
0x23f: {  	v3 =	vadd.f32 v5, v3;
	v5 =	vld [tilespmem:s25+$0xB0]  }
0x240: {  	v4 =	vmul.f32 v9, v4;
	v9 =	vld [tilespmem:s26+$0xC0]  }
0x241: {  	v3 =	vadd.f32 v6, v3;
	v6 =	vld [tilespmem:s25+$0xC0]  }
0x242: {  	v7 =	vmul.f32 v10, v7;
	v10 =	vld [tilespmem:s26+$0xD0]  }
0x243: {  	v3 =	vadd.f32 v4, v3;
	v4 =	vld [tilespmem:s25+$0xD0]  }
0x244: {  	v5 =	vmul.f32 v8, v5;
	v8 =	vld [tilespmem:s26+$0xE0]  }
0x245: {  	v3 =	vadd.f32 v7, v3;
	v7 =	vld [tilespmem:s25+$0xE0]  }
0x246: {  	v6 =	vmul.f32 v9, v6;
	v9 =	vld [tilespmem:s26+$0xF0]  }
0x247: {  	v3 =	vadd.f32 v5, v3;
	v5 =	vld [tilespmem:s25+$0xF0]  }
0x248: {  	v4 =	vmul.f32 v10, v4;
	v10 =	vld [tilespmem:s26+$0x100]  }
0x249: {  	v3 =	vadd.f32 v6, v3;
	v6 =	vld [tilespmem:s25+$0x100]  }
0x24a: {  	v7 =	vmul.f32 v8, v7;
	v8 =	vld [tilespmem:s26+$0x110]  }
0x24b: {  	v3 =	vadd.f32 v4, v3;
	v4 =	vld [tilespmem:s25+$0x110]  }
0x24c: {  	v5 =	vmul.f32 v9, v5;
	v9 =	vld [tilespmem:s26+$0x120]  }
0x24d: {  	v3 =	vadd.f32 v7, v3;
	v7 =	vld [tilespmem:s25+$0x120]  }
0x24e: {  	v6 =	vmul.f32 v10, v6;
	v10 =	vld [tilespmem:s26+$0x130]  }
0x24f: {  	v3 =	vadd.f32 v5, v3;
	v5 =	vld [tilespmem:s25+$0x130]  }
0x250: {  	v4 =	vmul.f32 v8, v4;
	v8 =	vld [tilespmem:s26+$0x140]  }
0x251: {  	v3 =	vadd.f32 v6, v3;
	v6 =	vld [tilespmem:s25+$0x140]  }
0x252: {  	v7 =	vmul.f32 v9, v7;
	v9 =	vld [tilespmem:s26+$0x150]  }
0x253: {  	v3 =	vadd.f32 v4, v3;
	v4 =	vld [tilespmem:s25+$0x150]  }
0x254: {  	v5 =	vmul.f32 v10, v5;
	v10 =	vld [tilespmem:s26+$0x160]  }
0x255: {  	v3 =	vadd.f32 v7, v3;
	v7 =	vld [tilespmem:s25+$0x160]  }
0x256: {  	v6 =	vmul.f32 v8, v6;
	v8 =	vld [tilespmem:s26+$0x170]  }
0x257: {  	v3 =	vadd.f32 v5, v3;
	v5 =	vld [tilespmem:s25+$0x170]  }
0x258: {  	v4 =	vmul.f32 v9, v4;
	v9 =	vld [tilespmem:s26+$0x180]  }
0x259: {  	v3 =	vadd.f32 v6, v3;
	v6 =	vld [tilespmem:s25+$0x180]  }
0x25a: {  	v7 =	vmul.f32 v10, v7;
	v10 =	vld [tilespmem:s26+$0x190]  }
0x25b: {  	v3 =	vadd.f32 v4, v3;
	v4 =	vld [tilespmem:s25+$0x190]  }
0x25c: {  	v5 =	vmul.f32 v8, v5  }
0x25d: {  	v3 =	vadd.f32 v7, v3  }
0x25e: {  	v6 =	vmul.f32 v9, v6  }
0x25f: {  	v3 =	vadd.f32 v5, v3  }
0x260: {  	v4 =	vmul.f32 v10, v4  }
0x261: {  	v3 =	vadd.f32 v6, v3;
	_ =	sdelay $0x1  }
0x262: {  	v3 =	vadd.f32 v4, v3;
	_ =	sdelay $0x1  }
0x263: {  	(xrf2) =	vadd.scan.msk.f32 $0xffff, v3;
	_ =	sdelay $0x6  }
.Ltmp3:
0x264: {  	(pc) =	sbr.rel @p0 .LBB2_8-.Ltmp3, $4  }
0x265: {  	_ = 	snop  }
0x266: {  	s0 =	sadd.s32 $0x1, s0  }
0x267: {  	v3 =	vmov s0;
	v4, _, _ =	vpop (xrf2)  }
0x268: {  	vm0 =	veq.s32 v3, v1;
	v3 =	vbroadcast v4, $0xF  }
0x269: {  	_ = 	snop  }
0x26a: {  	v2 =	vsel vm0, v3, v2  }
0x26b: {  	v3 =	vmul.f32 $5.000000070e-02, v2;
	_ =	sdelay $0x1  }
0x26c: {  	v3 =	vmul.f32 $1.442695020e+00, v3;
	_ =	sdelay $0x1  }
0x26d: {  	(erf) = vpow2.f32 v3;
	_ =	sdelay $0x2  }
0x26e: {  	v3 =	vld [tilespmem:$0x15F08];
	_ =	sdelay $0x5  }
0x26f: {  	[tilespmem:$0x15F20] =	vst v2;
	v2 =	vpop (erf)  }
0x270: {  	[tilespmem:$0x15F20] =	vst v2  }
0x271: {  	[tilespmem:v3+s19+$0x0] =	vst.idx.add.f32.msk $0xff, v2  }
0x272: {  	[hbm4b:s9+s2] =	stream.linear.scatter [tilespmem:s20], [sflag:$0x3], $0x8, $0x38;
	[tilespmem:$0x18690] =	vst v63  }
0x273: {  	s24 =	sadd.s32 $0x1, s24;
	_ =	swait.ge [sflag:s13], $0x8  }
0x274: {  	p0 =	sne.s32 s24, s11;
	[sflag:s13] =	ssyncset.done $0x0  }
.Ltmp4:
0x275: {  	[sflag:s13] =	ssyncadd.s32 $0xFFFFFFF8;
	(pc) =	sbr.rel @p0 .LBB2_1-.Ltmp4, $4  }
0x276: {  	[hbm4b:s10+s2] =	stream.linear.scatter [tilespmem:s19], [sflag:$0x3], $0x2710, $0x38;
	[tilespmem:$0x18690] =	vst v63  }
0x277: {  	_ =	swait.ge [sflag:s13], $0x2710  }
0x278: {  	[sflag:s13] =	ssyncset.done $0x0  }
0x279: {  	[sflag:s13] =	ssyncadd.s32 $0xFFFFD8F0  }
0x27a: {  	_ =	sfence.sel $0x180000  }
0x27b: {  	[bflag:$0x0] =	sbarrier.arrive $0xFFFF  }
0x27c: {  	_ =	strace $0x90000047  }
0x27d: {  	s0 =	stileid.u32;
	[bflag:$0x2] =	sbarrier.arrive $0xFFFF  }
0x27e: {  	p0 =	sne.s32 s0, $0x0;
	s0 =	rddreg [dreg:$0x1]  }
0x27f: {  	s0 =	sadd.s32 @!p0 $0x100000, s0  }
0x280: {  	[sflag:s0] =	ssyncadd.tile.s32 @!p0 $0x1;
	_ =	shalt  }
.Lfunc_end2:
_tile_overlayer_lowered:
.L_overlay_start_2:
0x281: {  	(tag) =	ssettag $0x2  }
0x282: {  	s0 =	rddreg [dreg:$0x0];
	s2 =	stileid.u32  }
0x283: {  	s1 =	rddreg [dreg:$0x1];
	p0 =	sne.s32 s2, $0x0  }
0x284: {  	s3 =	rddreg [dreg:$0x2];
	[bflag:$0x3] =	sbarrier.arrive $0xFFFF;
	s2 =	simm.s32 @!p0 $0x1C03  }
0x285: {  	[timem:s3], [sflag:s2] =	dma.local @!p0 [hbm:s0], s1  }
0x286: {  	s0 =	simm.s32 @!p0 $0x3  }
0x287: {  	_ =	swait.ge @!p0 [sflag:s0], s1  }
0x288: {  	s1 =	ssub.s32 @!p0 $0x0, s1;
	[sflag:s0] =	ssyncset.done @!p0 $0x0  }
0x289: {  	[sflag:s0] =	ssyncadd.s32 @!p0 s1  }
0x28a: {  	[bflag:$0x3] =	sbarrier.arrive $0xFFFF  }
0x28b: {  	_ =	shalt  }

</sc_bundles>
